<compile_context>
chip_gen: v7x
topology: tpu7x:2x2x1
jax: 0.10.2.dev20260603
libtpu: 0.0.44.dev20260713+nightly
codegen_flags: <defaults>
</compile_context>

<pallas_src>
import functools

import jax
import jax.numpy as jnp
from jax import lax
from jax.experimental import pallas as pl
from jax.experimental.pallas import tpu as pltpu
from jax.experimental.pallas import tpu_sc as plsc

B = 32
N = 262144
L = 16
RG = 8
SPAN = N // RG
CW = 2048
TPC = CW // 128
NCHB = SPAN // CW


def _lane_perm(v, k):
    idx = jax.lax.iota(jnp.int32, L) ^ k
    dnums = lax.GatherDimensionNumbers(
        offset_dims=(), collapsed_slice_dims=(0,), start_index_map=(0,))
    return lax.gather(v, idx[:, None], dnums, slice_sizes=(1,),
                      mode=lax.GatherScatterMode.PROMISE_IN_BOUNDS)


def _lane_sum(v):
    for k in (1, 2, 4, 8):
        v = v + _lane_perm(v, k)
    return v


def _consume_chunk(xb, mb, accs):

    @plsc.parallel_loop(0, TPC, carry=accs)
    def tile_body(t, carry):
        sacc = list(carry[0:RG])
        tacc = list(carry[RG:2 * RG])
        macc = list(carry[2 * RG:3 * RG])
        col0 = t * 128
        for r in range(RG):
            for q in range(128 // L):
                xv = xb[r, pl.ds(col0 + q * L, L)]
                wv = mb[r, pl.ds(col0 + q * L, L)]
                e = jnp.exp(xv)
                sacc[r] = sacc[r] + e
                tacc[r] = tacc[r] + e * wv
                macc[r] = macc[r] + wv
        return tuple(sacc) + tuple(tacc) + tuple(macc)

    return tile_body


def _make_kernel():
    mesh = plsc.VectorSubcoreMesh(core_axis_name="c", subcore_axis_name="s")

    @functools.partial(
        pl.kernel,
        out_type=jax.ShapeDtypeStruct((B, L), jnp.float32),
        mesh=mesh,
        compiler_params=pltpu.CompilerParams(use_tc_tiling_on_sc=True),
        scratch_types=[
            pltpu.VMEM((RG, CW), jnp.float32),
            pltpu.VMEM((RG, CW), jnp.float32),
            pltpu.VMEM((RG, CW), jnp.float32),
            pltpu.VMEM((RG, CW), jnp.float32),
            pltpu.VMEM((RG * 3 * L,), jnp.float32),
            pltpu.VMEM((RG * RG * 3 * L,), jnp.float32),
            pltpu.VMEM((L,), jnp.float32),
            pltpu.VMEM_SHARED((16 * RG * 3 * L,), jnp.float32),
            pltpu.SemaphoreType.DMA,
            pltpu.SemaphoreType.DMA,
            pltpu.SemaphoreType.DMA,
            pltpu.SemaphoreType.DMA,
        ],
    )
    def dice_kernel(x_hbm, m_hbm, out_hbm, xb0, xb1, mb0, mb1,
                    stage, rowbuf, outv, shared, sx0, sx1, sm0, sm1):
        cid = lax.axis_index("c")
        sid = lax.axis_index("s")
        gl = sid // RG
        grp = cid * 2 + gl
        span = sid % RG
        row0 = grp * RG
        col0 = span * SPAN

        xbufs, mbufs = (xb0, xb1), (mb0, mb1)
        xsems, msems = (sx0, sx1), (sm0, sm1)

        def start(c, p):
            pltpu.async_copy(
                x_hbm.at[pl.ds(row0, RG), pl.ds(col0 + c * CW, CW)],
                xbufs[p], xsems[p])
            pltpu.async_copy(
                m_hbm.at[pl.ds(row0, RG), pl.ds(col0 + c * CW, CW)],
                mbufs[p], msems[p])

        start(0, 0)
        start(1, 1)

        zeros = jnp.zeros((L,), jnp.float32)
        accs0 = (zeros,) * (3 * RG)

        def pair_body(i, accs):
            for p in range(2):
                cc = 2 * i + p
                pltpu.make_async_copy(
                    x_hbm.at[pl.ds(0, RG), pl.ds(0, CW)],
                    xbufs[p], xsems[p]).wait()
                pltpu.make_async_copy(
                    m_hbm.at[pl.ds(0, RG), pl.ds(0, CW)],
                    mbufs[p], msems[p]).wait()
                accs = _consume_chunk(xbufs[p], mbufs[p], accs)

                @pl.when(cc + 2 < NCHB)
                def _():
                    start(cc + 2, p)
            return accs

        accs = lax.fori_loop(0, NCHB // 2, pair_body, accs0)

        for r in range(RG):
            stage[pl.ds((r * 3 + 0) * L, L)] = _lane_sum(accs[r])
            stage[pl.ds((r * 3 + 1) * L, L)] = _lane_sum(accs[RG + r])
            stage[pl.ds((r * 3 + 2) * L, L)] = _lane_sum(accs[2 * RG + r])
        slot = RG * 3 * L
        pltpu.sync_copy(stage, shared.at[pl.ds(sid * slot, slot)])
        plsc.subcore_barrier()

        my_r = sid % RG
        for j in range(RG):
            pltpu.sync_copy(
                shared.at[pl.ds((gl * RG + j) * slot, slot)],
                rowbuf.at[pl.ds(j * slot, slot)])

        s_tot = t_tot = m_tot = zeros
        for j in range(RG):
            base = j * slot + my_r * 3 * L
            s_tot = s_tot + rowbuf[pl.ds(base + 0, L)]
            t_tot = t_tot + rowbuf[pl.ds(base + L, L)]
            m_tot = m_tot + rowbuf[pl.ds(base + 2 * L, L)]

        one = jnp.ones((L,), jnp.float32)
        loss = one - (2.0 * (t_tot / s_tot) + one) / (m_tot + 2.0)
        outv[...] = loss
        pltpu.sync_copy(outv, out_hbm.at[row0 + my_r])

    return dice_kernel


_dice = _make_kernel()


def kernel(sorted_predicted_logits, sorted_true_mask):
    per_row = _dice(sorted_predicted_logits, sorted_true_mask)
    return jnp.mean(per_row[:, 0])

# --- scband reference (transcript-rebuilt; emitter-appended) ---
"""Pipeline reference for scband-mask-diceloss-85237920956880 (READ-ONLY COPY).

The authoritative reference and input builder live on the scoring server;
editing this copy changes nothing except your own understanding.
"""

import jax, jax.numpy as jnp
import numpy as np

B = 32
N = 262144

def setup_inputs(seed: int = 0) -> dict:
    key = jax.random.key(seed)
    k1, k2 = jax.random.split(key)
    sorted_predicted_logits = jax.random.normal(k1, (B, N), dtype=jnp.float32)
    sorted_true_mask = jax.random.uniform(k2, (B, N), dtype=jnp.float32)
    return {"sorted_predicted_logits": sorted_predicted_logits, "sorted_true_mask": sorted_true_mask}

def reference(sorted_predicted_logits, sorted_true_mask):
    # torch.sparse.softmax over the last dim on a fully-materialized sparse tensor
    # is equivalent to a dense softmax over the last dim.
    predicted_segmentation = jax.nn.softmax(sorted_predicted_logits, axis=-1)
    num = 2.0 * predicted_segmentation * sorted_true_mask
    den = predicted_segmentation + sorted_true_mask
    # per-sample sum of all (nonzero) values, matching coalesce().values().sum()
    num_sum = jnp.sum(num.reshape(num.shape[0], -1), axis=1)
    den_sum = jnp.sum(den.reshape(den.shape[0], -1), axis=1)
    losses = 1.0 - (num_sum + 1.0) / (den_sum + 1.0)
    loss = jnp.mean(losses)
    return loss

if __name__ == "__main__":
    import jax
    _d = setup_inputs()
    print(jax.jit(kernel)(*tuple(_d.values())))

</pallas_src>

<mosaic_0001>
#map = affine_map<(d0, d1) -> (0, 0)>
module attributes {stable_mosaic.version = 14 : i64} {
  func.func @dice_kernel(%arg0: i32, %arg1: i32, %arg2: memref<32x262144xf32, #tpu.memory_space<hbm>>, %arg3: memref<32x262144xf32, #tpu.memory_space<hbm>>, %arg4: memref<32x16xf32, #tpu.memory_space<hbm>>, %arg5: memref<8x2048xf32, #tpu.memory_space<vmem>>, %arg6: memref<8x2048xf32, #tpu.memory_space<vmem>>, %arg7: memref<8x2048xf32, #tpu.memory_space<vmem>>, %arg8: memref<8x2048xf32, #tpu.memory_space<vmem>>, %arg9: memref<384xf32, #tpu.memory_space<vmem>>, %arg10: memref<3072xf32, #tpu.memory_space<vmem>>, %arg11: memref<16xf32, #tpu.memory_space<vmem>>, %arg12: memref<6144xf32, #tpu.memory_space<vmem_shared>>, %arg13: memref<!tpu.dma_semaphore, #tpu.memory_space<semaphore_mem>>, %arg14: memref<!tpu.dma_semaphore, #tpu.memory_space<semaphore_mem>>, %arg15: memref<!tpu.dma_semaphore, #tpu.memory_space<semaphore_mem>>, %arg16: memref<!tpu.dma_semaphore, #tpu.memory_space<semaphore_mem>>) attributes {dimension_semantics = [#tpu.dimension_semantics<core_parallel>, #tpu.dimension_semantics<subcore_parallel>], iteration_bounds = array<i64: 2, 16>, scalar_prefetch = 0 : i64, scratch_operands = 12 : i64, tpu.core_type = #tpu.core_type<sc_vector_subcore>, window_params = [{transform_indices = #map}, {transform_indices = #map}, {transform_indices = #map}]} {
    %jit3A = arith.constant 8 : i32
    %div3A = arith.divsi %arg1, %jit3A : i32
    %sign3A = arith.constant 0 : i32
    %sign3A_0 = arith.cmpi sgt, %arg1, %sign3A : i32
    %sign3A_1 = arith.extui %sign3A_0 : i1 to i32
    %sign3A_2 = arith.constant 0 : i32
    %sign3A_3 = arith.cmpi slt, %arg1, %sign3A_2 : i32
    %sign3A_4 = arith.extui %sign3A_3 : i1 to i32
    %sign3A_5 = arith.subi %sign3A_1, %sign3A_4 : i32
    %sign3A_6 = arith.constant 0 : i32
    %sign3A_7 = arith.cmpi sgt, %jit3A, %sign3A_6 : i32
    %sign3A_8 = arith.extui %sign3A_7 : i1 to i32
    %sign3A_9 = arith.constant 0 : i32
    %sign3A_10 = arith.cmpi slt, %jit3A, %sign3A_9 : i32
    %sign3A_11 = arith.extui %sign3A_10 : i1 to i32
    %sign3A_12 = arith.subi %sign3A_8, %sign3A_11 : i32
    %ne3A = arith.cmpi ne, %sign3A_5, %sign3A_12 : i32
    %rem3A = arith.remsi %arg1, %jit3A : i32
    %ne3A_13 = arith.constant 0 : i32
    %ne3A_14 = arith.cmpi ne, %rem3A, %ne3A_13 : i32
    %and3A = arith.andi %ne3A, %ne3A_14 : i1
    %sub3A = arith.constant 1 : i32
    %sub3A_15 = arith.subi %div3A, %sub3A : i32
    %select_n3A = arith.select %and3A, %sub3A_15, %div3A : i32
    %mul3A = arith.constant 2 : i32
    %mul3A_16 = arith.muli %arg0, %mul3A : i32
    %add3A = arith.addi %mul3A_16, %select_n3A : i32
    %jit3A_17 = arith.constant 8 : i32
    %eq3A = arith.constant 0 : i32
    %eq3A_18 = arith.cmpi eq, %jit3A_17, %eq3A : i32
    %jit3A_19 = arith.constant 1 : i32
    %select_n3A_20 = arith.select %eq3A_18, %jit3A_19, %jit3A_17 : i32
    %rem3A_21 = arith.remsi %arg1, %select_n3A_20 : i32
    %ne3A_22 = arith.constant 0 : i32
    %ne3A_23 = arith.cmpi ne, %rem3A_21, %ne3A_22 : i32
    %lt3A = arith.constant 0 : i32
    %lt3A_24 = arith.cmpi slt, %rem3A_21, %lt3A : i32
    %lt3A_25 = arith.constant 0 : i32
    %lt3A_26 = arith.cmpi slt, %select_n3A_20, %lt3A_25 : i32
    %ne3A_27 = arith.xori %lt3A_24, %lt3A_26 : i1
    %and3A_28 = arith.andi %ne3A_27, %ne3A_23 : i1
    %add3A_29 = arith.addi %rem3A_21, %select_n3A_20 : i32
    %select_n3A_30 = arith.select %and3A_28, %add3A_29, %rem3A_21 : i32
    %mul3A_31 = arith.constant 8 : i32
    %mul3A_32 = arith.muli %add3A, %mul3A_31 : i32
    %mul3A_33 = arith.constant 32768 : i32
    %mul3A_34 = arith.muli %select_n3A_30, %mul3A_33 : i32
    %add3A_35 = arith.constant 0 : i32
    %add3A_36 = arith.addi %mul3A_34, %add3A_35 : i32
    %dma_start3A = tpu.memref_slice %arg2[%mul3A_32, %add3A_36] : memref<32x262144xf32, #tpu.memory_space<hbm>> -> memref<8x2048xf32, #tpu.memory_space<hbm>>
    %dma_start3A_37 = tpu.memref_slice %arg2[%mul3A_32, %add3A_36] : memref<32x262144xf32, #tpu.memory_space<hbm>> -> memref<8x2048xf32, #tpu.memory_space<hbm>>
    tpu.enqueue_dma source(%dma_start3A_37 : memref<8x2048xf32, #tpu.memory_space<hbm>>) target(%arg5 : memref<8x2048xf32, #tpu.memory_space<vmem>>) target_semaphore(%arg13 : memref<!tpu.dma_semaphore, #tpu.memory_space<semaphore_mem>>)
    %add3A_38 = arith.constant 0 : i32
    %add3A_39 = arith.addi %mul3A_34, %add3A_38 : i32
    %dma_start3A_40 = tpu.memref_slice %arg3[%mul3A_32, %add3A_39] : memref<32x262144xf32, #tpu.memory_space<hbm>> -> memref<8x2048xf32, #tpu.memory_space<hbm>>
    %dma_start3A_41 = tpu.memref_slice %arg3[%mul3A_32, %add3A_39] : memref<32x262144xf32, #tpu.memory_space<hbm>> -> memref<8x2048xf32, #tpu.memory_space<hbm>>
    tpu.enqueue_dma source(%dma_start3A_41 : memref<8x2048xf32, #tpu.memory_space<hbm>>) target(%arg7 : memref<8x2048xf32, #tpu.memory_space<vmem>>) target_semaphore(%arg15 : memref<!tpu.dma_semaphore, #tpu.memory_space<semaphore_mem>>)
    %add3A_42 = arith.constant 2048 : i32
    %add3A_43 = arith.addi %mul3A_34, %add3A_42 : i32
    %dma_start3A_44 = tpu.memref_slice %arg2[%mul3A_32, %add3A_43] : memref<32x262144xf32, #tpu.memory_space<hbm>> -> memref<8x2048xf32, #tpu.memory_space<hbm>>
    %dma_start3A_45 = tpu.memref_slice %arg2[%mul3A_32, %add3A_43] : memref<32x262144xf32, #tpu.memory_space<hbm>> -> memref<8x2048xf32, #tpu.memory_space<hbm>>
    tpu.enqueue_dma source(%dma_start3A_45 : memref<8x2048xf32, #tpu.memory_space<hbm>>) target(%arg6 : memref<8x2048xf32, #tpu.memory_space<vmem>>) target_semaphore(%arg14 : memref<!tpu.dma_semaphore, #tpu.memory_space<semaphore_mem>>)
    %add3A_46 = arith.constant 2048 : i32
    %add3A_47 = arith.addi %mul3A_34, %add3A_46 : i32
    %dma_start3A_48 = tpu.memref_slice %arg3[%mul3A_32, %add3A_47] : memref<32x262144xf32, #tpu.memory_space<hbm>> -> memref<8x2048xf32, #tpu.memory_space<hbm>>
    %dma_start3A_49 = tpu.memref_slice %arg3[%mul3A_32, %add3A_47] : memref<32x262144xf32, #tpu.memory_space<hbm>> -> memref<8x2048xf32, #tpu.memory_space<hbm>>
    tpu.enqueue_dma source(%dma_start3A_49 : memref<8x2048xf32, #tpu.memory_space<hbm>>) target(%arg8 : memref<8x2048xf32, #tpu.memory_space<vmem>>) target_semaphore(%arg16 : memref<!tpu.dma_semaphore, #tpu.memory_space<semaphore_mem>>)
    %broadcast_in_dim3A = arith.constant 0.000000e+00 : f32
    %broadcast_in_dim3A_50 = vector.broadcast %broadcast_in_dim3A : f32 to vector<16xf32>
    %scan3A = arith.constant 0 : i32
    %scan3A_51 = arith.constant 8 : i32
    %scan3A_52 = arith.addi %scan3A, %scan3A_51 : i32
    %scan3A_53 = arith.constant 1 : i32
    %scan3A_54:24 = scf.for %scan3A_1190 = %scan3A to %scan3A_52 step %scan3A_53 iter_args(%scan3A_1191 = %broadcast_in_dim3A_50, %scan3A_1192 = %broadcast_in_dim3A_50, %scan3A_1193 = %broadcast_in_dim3A_50, %scan3A_1194 = %broadcast_in_dim3A_50, %scan3A_1195 = %broadcast_in_dim3A_50, %scan3A_1196 = %broadcast_in_dim3A_50, %scan3A_1197 = %broadcast_in_dim3A_50, %scan3A_1198 = %broadcast_in_dim3A_50, %scan3A_1199 = %broadcast_in_dim3A_50, %scan3A_1200 = %broadcast_in_dim3A_50, %scan3A_1201 = %broadcast_in_dim3A_50, %scan3A_1202 = %broadcast_in_dim3A_50, %scan3A_1203 = %broadcast_in_dim3A_50, %scan3A_1204 = %broadcast_in_dim3A_50, %scan3A_1205 = %broadcast_in_dim3A_50, %scan3A_1206 = %broadcast_in_dim3A_50, %scan3A_1207 = %broadcast_in_dim3A_50, %scan3A_1208 = %broadcast_in_dim3A_50, %scan3A_1209 = %broadcast_in_dim3A_50, %scan3A_1210 = %broadcast_in_dim3A_50, %scan3A_1211 = %broadcast_in_dim3A_50, %scan3A_1212 = %broadcast_in_dim3A_50, %scan3A_1213 = %broadcast_in_dim3A_50, %scan3A_1214 = %broadcast_in_dim3A_50) -> (vector<16xf32>, vector<16xf32>, vector<16xf32>, vector<16xf32>, vector<16xf32>, vector<16xf32>, vector<16xf32>, vector<16xf32>, vector<16xf32>, vector<16xf32>, vector<16xf32>, vector<16xf32>, vector<16xf32>, vector<16xf32>, vector<16xf32>, vector<16xf32>, vector<16xf32>, vector<16xf32>, vector<16xf32>, vector<16xf32>, vector<16xf32>, vector<16xf32>, vector<16xf32>, vector<16xf32>)  : i32 {
      %mul3A_1215 = arith.constant 2 : i32
      %mul3A_1216 = arith.muli %mul3A_1215, %scan3A_1190 : i32
      %add3A_1217 = arith.constant 0 : i32
      %add3A_1218 = arith.addi %mul3A_1216, %add3A_1217 : i32
      %dma_wait3A = arith.constant 0 : i32
      %dma_wait3A_1219 = arith.constant 0 : i32
      %dma_wait3A_1220 = tpu.memref_slice %arg2[%dma_wait3A, %dma_wait3A_1219] : memref<32x262144xf32, #tpu.memory_space<hbm>> -> memref<8x2048xf32, #tpu.memory_space<hbm>>
      %dma_wait3A_1221 = arith.constant 0 : i32
      %dma_wait3A_1222 = arith.constant 0 : i32
      %dma_wait3A_1223 = tpu.memref_slice %arg2[%dma_wait3A_1221, %dma_wait3A_1222] : memref<32x262144xf32, #tpu.memory_space<hbm>> -> memref<8x2048xf32, #tpu.memory_space<hbm>>
      tpu.wait_dma2 semaphore(%arg13 : memref<!tpu.dma_semaphore, #tpu.memory_space<semaphore_mem>>) src(%dma_wait3A_1223 : memref<8x2048xf32, #tpu.memory_space<hbm>>) dst(%arg5 : memref<8x2048xf32, #tpu.memory_space<vmem>>)
      %dma_wait3A_1224 = arith.constant 0 : i32
      %dma_wait3A_1225 = arith.constant 0 : i32
      %dma_wait3A_1226 = tpu.memref_slice %arg3[%dma_wait3A_1224, %dma_wait3A_1225] : memref<32x262144xf32, #tpu.memory_space<hbm>> -> memref<8x2048xf32, #tpu.memory_space<hbm>>
      %dma_wait3A_1227 = arith.constant 0 : i32
      %dma_wait3A_1228 = arith.constant 0 : i32
      %dma_wait3A_1229 = tpu.memref_slice %arg3[%dma_wait3A_1227, %dma_wait3A_1228] : memref<32x262144xf32, #tpu.memory_space<hbm>> -> memref<8x2048xf32, #tpu.memory_space<hbm>>
      tpu.wait_dma2 semaphore(%arg15 : memref<!tpu.dma_semaphore, #tpu.memory_space<semaphore_mem>>) src(%dma_wait3A_1229 : memref<8x2048xf32, #tpu.memory_space<hbm>>) dst(%arg7 : memref<8x2048xf32, #tpu.memory_space<vmem>>)
      %parallel_loop3A = arith.constant 0 : i32
      %parallel_loop3A_1230 = arith.constant 16 : i32
      %parallel_loop3A_1231 = arith.constant 1 : i32
      %parallel_loop3A_1232:24 = scf.for %parallel_loop3A_1265 = %parallel_loop3A to %parallel_loop3A_1230 step %parallel_loop3A_1231 iter_args(%parallel_loop3A_1266 = %scan3A_1191, %parallel_loop3A_1267 = %scan3A_1192, %parallel_loop3A_1268 = %scan3A_1193, %parallel_loop3A_1269 = %scan3A_1194, %parallel_loop3A_1270 = %scan3A_1195, %parallel_loop3A_1271 = %scan3A_1196, %parallel_loop3A_1272 = %scan3A_1197, %parallel_loop3A_1273 = %scan3A_1198, %parallel_loop3A_1274 = %scan3A_1199, %parallel_loop3A_1275 = %scan3A_1200, %parallel_loop3A_1276 = %scan3A_1201, %parallel_loop3A_1277 = %scan3A_1202, %parallel_loop3A_1278 = %scan3A_1203, %parallel_loop3A_1279 = %scan3A_1204, %parallel_loop3A_1280 = %scan3A_1205, %parallel_loop3A_1281 = %scan3A_1206, %parallel_loop3A_1282 = %scan3A_1207, %parallel_loop3A_1283 = %scan3A_1208, %parallel_loop3A_1284 = %scan3A_1209, %parallel_loop3A_1285 = %scan3A_1210, %parallel_loop3A_1286 = %scan3A_1211, %parallel_loop3A_1287 = %scan3A_1212, %parallel_loop3A_1288 = %scan3A_1213, %parallel_loop3A_1289 = %scan3A_1214) -> (vector<16xf32>, vector<16xf32>, vector<16xf32>, vector<16xf32>, vector<16xf32>, vector<16xf32>, vector<16xf32>, vector<16xf32>, vector<16xf32>, vector<16xf32>, vector<16xf32>, vector<16xf32>, vector<16xf32>, vector<16xf32>, vector<16xf32>, vector<16xf32>, vector<16xf32>, vector<16xf32>, vector<16xf32>, vector<16xf32>, vector<16xf32>, vector<16xf32>, vector<16xf32>, vector<16xf32>)  : i32 {
        %parallel_loop3A_1290 = arith.constant 128 : i32
        %parallel_loop3A_1291 = arith.muli %parallel_loop3A_1265, %parallel_loop3A_1290 : i32
        %parallel_loop3A_1292 = arith.constant 0 : i32
        %parallel_loop3A_1293 = arith.addi %parallel_loop3A_1291, %parallel_loop3A_1292 : i32
        %parallel_loop3A_1294 = arith.constant 0 : i32
        %parallel_loop3A_1295 = arith.index_cast %parallel_loop3A_1294 : i32 to index
        %parallel_loop3A_1296 = arith.index_cast %parallel_loop3A_1293 : i32 to index
        %parallel_loop3A_1297 = tpu.vector_load %arg5[%parallel_loop3A_1295, %parallel_loop3A_1296] {strides = array<i32>} : memref<8x2048xf32, #tpu.memory_space<vmem>>, vector<1x16xf32>,
        %parallel_loop3A_1298 = vector.shape_cast %parallel_loop3A_1297 : vector<1x16xf32> to vector<16xf32>
        %parallel_loop3A_1299 = arith.constant 0 : i32
        %parallel_loop3A_1300 = arith.addi %parallel_loop3A_1291, %parallel_loop3A_1299 : i32
        %parallel_loop3A_1301 = arith.constant 0 : i32
        %parallel_loop3A_1302 = arith.index_cast %parallel_loop3A_1301 : i32 to index
        %parallel_loop3A_1303 = arith.index_cast %parallel_loop3A_1300 : i32 to index
        %parallel_loop3A_1304 = tpu.vector_load %arg7[%parallel_loop3A_1302, %parallel_loop3A_1303] {strides = array<i32>} : memref<8x2048xf32, #tpu.memory_space<vmem>>, vector<1x16xf32>,
        %parallel_loop3A_1305 = vector.shape_cast %parallel_loop3A_1304 : vector<1x16xf32> to vector<16xf32>
        %parallel_loop3A_1306 = math.exp %parallel_loop3A_1298 : vector<16xf32>
        %parallel_loop3A_1307 = arith.addf %parallel_loop3A_1266, %parallel_loop3A_1306 : vector<16xf32>
        %parallel_loop3A_1308 = arith.mulf %parallel_loop3A_1306, %parallel_loop3A_1305 : vector<16xf32>
        %parallel_loop3A_1309 = arith.addf %parallel_loop3A_1274, %parallel_loop3A_1308 : vector<16xf32>
        %parallel_loop3A_1310 = arith.addf %parallel_loop3A_1282, %parallel_loop3A_1305 : vector<16xf32>
        %parallel_loop3A_1311 = arith.constant 16 : i32
        %parallel_loop3A_1312 = arith.addi %parallel_loop3A_1291, %parallel_loop3A_1311 : i32
        %parallel_loop3A_1313 = arith.constant 0 : i32
        %parallel_loop3A_1314 = arith.index_cast %parallel_loop3A_1313 : i32 to index
        %parallel_loop3A_1315 = arith.index_cast %parallel_loop3A_1312 : i32 to index
        %parallel_loop3A_1316 = tpu.vector_load %arg5[%parallel_loop3A_1314, %parallel_loop3A_1315] {strides = array<i32>} : memref<8x2048xf32, #tpu.memory_space<vmem>>, vector<1x16xf32>,
        %parallel_loop3A_1317 = vector.shape_cast %parallel_loop3A_1316 : vector<1x16xf32> to vector<16xf32>
        %parallel_loop3A_1318 = arith.constant 16 : i32
        %parallel_loop3A_1319 = arith.addi %parallel_loop3A_1291, %parallel_loop3A_1318 : i32
        %parallel_loop3A_1320 = arith.constant 0 : i32
        %parallel_loop3A_1321 = arith.index_cast %parallel_loop3A_1320 : i32 to index
        %parallel_loop3A_1322 = arith.index_cast %parallel_loop3A_1319 : i32 to index
        %parallel_loop3A_1323 = tpu.vector_load %arg7[%parallel_loop3A_1321, %parallel_loop3A_1322] {strides = array<i32>} : memref<8x2048xf32, #tpu.memory_space<vmem>>, vector<1x16xf32>,
        %parallel_loop3A_1324 = vector.shape_cast %parallel_loop3A_1323 : vector<1x16xf32> to vector<16xf32>
        %parallel_loop3A_1325 = math.exp %parallel_loop3A_1317 : vector<16xf32>
        %parallel_loop3A_1326 = arith.addf %parallel_loop3A_1307, %parallel_loop3A_1325 : vector<16xf32>
        %parallel_loop3A_1327 = arith.mulf %parallel_loop3A_1325, %parallel_loop3A_1324 : vector<16xf32>
        %parallel_loop3A_1328 = arith.addf %parallel_loop3A_1309, %parallel_loop3A_1327 : vector<16xf32>
        %parallel_loop3A_1329 = arith.addf %parallel_loop3A_1310, %parallel_loop3A_1324 : vector<16xf32>
        %parallel_loop3A_1330 = arith.constant 32 : i32
        %parallel_loop3A_1331 = arith.addi %parallel_loop3A_1291, %parallel_loop3A_1330 : i32
        %parallel_loop3A_1332 = arith.constant 0 : i32
        %parallel_loop3A_1333 = arith.index_cast %parallel_loop3A_1332 : i32 to index
        %parallel_loop3A_1334 = arith.index_cast %parallel_loop3A_1331 : i32 to index
        %parallel_loop3A_1335 = tpu.vector_load %arg5[%parallel_loop3A_1333, %parallel_loop3A_1334] {strides = array<i32>} : memref<8x2048xf32, #tpu.memory_space<vmem>>, vector<1x16xf32>,
        %parallel_loop3A_1336 = vector.shape_cast %parallel_loop3A_1335 : vector<1x16xf32> to vector<16xf32>
        %parallel_loop3A_1337 = arith.constant 32 : i32
        %parallel_loop3A_1338 = arith.addi %parallel_loop3A_1291, %parallel_loop3A_1337 : i32
        %parallel_loop3A_1339 = arith.constant 0 : i32
        %parallel_loop3A_1340 = arith.index_cast %parallel_loop3A_1339 : i32 to index
        %parallel_loop3A_1341 = arith.index_cast %parallel_loop3A_1338 : i32 to index
        %parallel_loop3A_1342 = tpu.vector_load %arg7[%parallel_loop3A_1340, %parallel_loop3A_1341] {strides = array<i32>} : memref<8x2048xf32, #tpu.memory_space<vmem>>, vector<1x16xf32>,
        %parallel_loop3A_1343 = vector.shape_cast %parallel_loop3A_1342 : vector<1x16xf32> to vector<16xf32>
        %parallel_loop3A_1344 = math.exp %parallel_loop3A_1336 : vector<16xf32>
        %parallel_loop3A_1345 = arith.addf %parallel_loop3A_1326, %parallel_loop3A_1344 : vector<16xf32>
        %parallel_loop3A_1346 = arith.mulf %parallel_loop3A_1344, %parallel_loop3A_1343 : vector<16xf32>
        %parallel_loop3A_1347 = arith.addf %parallel_loop3A_1328, %parallel_loop3A_1346 : vector<16xf32>
        %parallel_loop3A_1348 = arith.addf %parallel_loop3A_1329, %parallel_loop3A_1343 : vector<16xf32>
        %parallel_loop3A_1349 = arith.constant 48 : i32
        %parallel_loop3A_1350 = arith.addi %parallel_loop3A_1291, %parallel_loop3A_1349 : i32
        %parallel_loop3A_1351 = arith.constant 0 : i32
        %parallel_loop3A_1352 = arith.index_cast %parallel_loop3A_1351 : i32 to index
        %parallel_loop3A_1353 = arith.index_cast %parallel_loop3A_1350 : i32 to index
        %parallel_loop3A_1354 = tpu.vector_load %arg5[%parallel_loop3A_1352, %parallel_loop3A_1353] {strides = array<i32>} : memref<8x2048xf32, #tpu.memory_space<vmem>>, vector<1x16xf32>,
        %parallel_loop3A_1355 = vector.shape_cast %parallel_loop3A_1354 : vector<1x16xf32> to vector<16xf32>
        %parallel_loop3A_1356 = arith.constant 48 : i32
        %parallel_loop3A_1357 = arith.addi %parallel_loop3A_1291, %parallel_loop3A_1356 : i32
        %parallel_loop3A_1358 = arith.constant 0 : i32
        %parallel_loop3A_1359 = arith.index_cast %parallel_loop3A_1358 : i32 to index
        %parallel_loop3A_1360 = arith.index_cast %parallel_loop3A_1357 : i32 to index
        %parallel_loop3A_1361 = tpu.vector_load %arg7[%parallel_loop3A_1359, %parallel_loop3A_1360] {strides = array<i32>} : memref<8x2048xf32, #tpu.memory_space<vmem>>, vector<1x16xf32>,
        %parallel_loop3A_1362 = vector.shape_cast %parallel_loop3A_1361 : vector<1x16xf32> to vector<16xf32>
        %parallel_loop3A_1363 = math.exp %parallel_loop3A_1355 : vector<16xf32>
        %parallel_loop3A_1364 = arith.addf %parallel_loop3A_1345, %parallel_loop3A_1363 : vector<16xf32>
        %parallel_loop3A_1365 = arith.mulf %parallel_loop3A_1363, %parallel_loop3A_1362 : vector<16xf32>
        %parallel_loop3A_1366 = arith.addf %parallel_loop3A_1347, %parallel_loop3A_1365 : vector<16xf32>
        %parallel_loop3A_1367 = arith.addf %parallel_loop3A_1348, %parallel_loop3A_1362 : vector<16xf32>
        %parallel_loop3A_1368 = arith.constant 64 : i32
        %parallel_loop3A_1369 = arith.addi %parallel_loop3A_1291, %parallel_loop3A_1368 : i32
        %parallel_loop3A_1370 = arith.constant 0 : i32
        %parallel_loop3A_1371 = arith.index_cast %parallel_loop3A_1370 : i32 to index
        %parallel_loop3A_1372 = arith.index_cast %parallel_loop3A_1369 : i32 to index
        %parallel_loop3A_1373 = tpu.vector_load %arg5[%parallel_loop3A_1371, %parallel_loop3A_1372] {strides = array<i32>} : memref<8x2048xf32, #tpu.memory_space<vmem>>, vector<1x16xf32>,
        %parallel_loop3A_1374 = vector.shape_cast %parallel_loop3A_1373 : vector<1x16xf32> to vector<16xf32>
        %parallel_loop3A_1375 = arith.constant 64 : i32
        %parallel_loop3A_1376 = arith.addi %parallel_loop3A_1291, %parallel_loop3A_1375 : i32
        %parallel_loop3A_1377 = arith.constant 0 : i32
        %parallel_loop3A_1378 = arith.index_cast %parallel_loop3A_1377 : i32 to index
        %parallel_loop3A_1379 = arith.index_cast %parallel_loop3A_1376 : i32 to index
        %parallel_loop3A_1380 = tpu.vector_load %arg7[%parallel_loop3A_1378, %parallel_loop3A_1379] {strides = array<i32>} : memref<8x2048xf32, #tpu.memory_space<vmem>>, vector<1x16xf32>,
        %parallel_loop3A_1381 = vector.shape_cast %parallel_loop3A_1380 : vector<1x16xf32> to vector<16xf32>
        %parallel_loop3A_1382 = math.exp %parallel_loop3A_1374 : vector<16xf32>
        %parallel_loop3A_1383 = arith.addf %parallel_loop3A_1364, %parallel_loop3A_1382 : vector<16xf32>
        %parallel_loop3A_1384 = arith.mulf %parallel_loop3A_1382, %parallel_loop3A_1381 : vector<16xf32>
        %parallel_loop3A_1385 = arith.addf %parallel_loop3A_1366, %parallel_loop3A_1384 : vector<16xf32>
        %parallel_loop3A_1386 = arith.addf %parallel_loop3A_1367, %parallel_loop3A_1381 : vector<16xf32>
        %parallel_loop3A_1387 = arith.constant 80 : i32
        %parallel_loop3A_1388 = arith.addi %parallel_loop3A_1291, %parallel_loop3A_1387 : i32
        %parallel_loop3A_1389 = arith.constant 0 : i32
        %parallel_loop3A_1390 = arith.index_cast %parallel_loop3A_1389 : i32 to index
        %parallel_loop3A_1391 = arith.index_cast %parallel_loop3A_1388 : i32 to index
        %parallel_loop3A_1392 = tpu.vector_load %arg5[%parallel_loop3A_1390, %parallel_loop3A_1391] {strides = array<i32>} : memref<8x2048xf32, #tpu.memory_space<vmem>>, vector<1x16xf32>,
        %parallel_loop3A_1393 = vector.shape_cast %parallel_loop3A_1392 : vector<1x16xf32> to vector<16xf32>
        %parallel_loop3A_1394 = arith.constant 80 : i32
        %parallel_loop3A_1395 = arith.addi %parallel_loop3A_1291, %parallel_loop3A_1394 : i32
        %parallel_loop3A_1396 = arith.constant 0 : i32
        %parallel_loop3A_1397 = arith.index_cast %parallel_loop3A_1396 : i32 to index
        %parallel_loop3A_1398 = arith.index_cast %parallel_loop3A_1395 : i32 to index
        %parallel_loop3A_1399 = tpu.vector_load %arg7[%parallel_loop3A_1397, %parallel_loop3A_1398] {strides = array<i32>} : memref<8x2048xf32, #tpu.memory_space<vmem>>, vector<1x16xf32>,
        %parallel_loop3A_1400 = vector.shape_cast %parallel_loop3A_1399 : vector<1x16xf32> to vector<16xf32>
        %parallel_loop3A_1401 = math.exp %parallel_loop3A_1393 : vector<16xf32>
        %parallel_loop3A_1402 = arith.addf %parallel_loop3A_1383, %parallel_loop3A_1401 : vector<16xf32>
        %parallel_loop3A_1403 = arith.mulf %parallel_loop3A_1401, %parallel_loop3A_1400 : vector<16xf32>
        %parallel_loop3A_1404 = arith.addf %parallel_loop3A_1385, %parallel_loop3A_1403 : vector<16xf32>
        %parallel_loop3A_1405 = arith.addf %parallel_loop3A_1386, %parallel_loop3A_1400 : vector<16xf32>
        %parallel_loop3A_1406 = arith.constant 96 : i32
        %parallel_loop3A_1407 = arith.addi %parallel_loop3A_1291, %parallel_loop3A_1406 : i32
        %parallel_loop3A_1408 = arith.constant 0 : i32
        %parallel_loop3A_1409 = arith.index_cast %parallel_loop3A_1408 : i32 to index
        %parallel_loop3A_1410 = arith.index_cast %parallel_loop3A_1407 : i32 to index
        %parallel_loop3A_1411 = tpu.vector_load %arg5[%parallel_loop3A_1409, %parallel_loop3A_1410] {strides = array<i32>} : memref<8x2048xf32, #tpu.memory_space<vmem>>, vector<1x16xf32>,
        %parallel_loop3A_1412 = vector.shape_cast %parallel_loop3A_1411 : vector<1x16xf32> to vector<16xf32>
        %parallel_loop3A_1413 = arith.constant 96 : i32
        %parallel_loop3A_1414 = arith.addi %parallel_loop3A_1291, %parallel_loop3A_1413 : i32
        %parallel_loop3A_1415 = arith.constant 0 : i32
        %parallel_loop3A_1416 = arith.index_cast %parallel_loop3A_1415 : i32 to index
        %parallel_loop3A_1417 = arith.index_cast %parallel_loop3A_1414 : i32 to index
        %parallel_loop3A_1418 = tpu.vector_load %arg7[%parallel_loop3A_1416, %parallel_loop3A_1417] {strides = array<i32>} : memref<8x2048xf32, #tpu.memory_space<vmem>>, vector<1x16xf32>,
        %parallel_loop3A_1419 = vector.shape_cast %parallel_loop3A_1418 : vector<1x16xf32> to vector<16xf32>
        %parallel_loop3A_1420 = math.exp %parallel_loop3A_1412 : vector<16xf32>
        %parallel_loop3A_1421 = arith.addf %parallel_loop3A_1402, %parallel_loop3A_1420 : vector<16xf32>
        %parallel_loop3A_1422 = arith.mulf %parallel_loop3A_1420, %parallel_loop3A_1419 : vector<16xf32>
        %parallel_loop3A_1423 = arith.addf %parallel_loop3A_1404, %parallel_loop3A_1422 : vector<16xf32>
        %parallel_loop3A_1424 = arith.addf %parallel_loop3A_1405, %parallel_loop3A_1419 : vector<16xf32>
        %parallel_loop3A_1425 = arith.constant 112 : i32
        %parallel_loop3A_1426 = arith.addi %parallel_loop3A_1291, %parallel_loop3A_1425 : i32
        %parallel_loop3A_1427 = arith.constant 0 : i32
        %parallel_loop3A_1428 = arith.index_cast %parallel_loop3A_1427 : i32 to index
        %parallel_loop3A_1429 = arith.index_cast %parallel_loop3A_1426 : i32 to index
        %parallel_loop3A_1430 = tpu.vector_load %arg5[%parallel_loop3A_1428, %parallel_loop3A_1429] {strides = array<i32>} : memref<8x2048xf32, #tpu.memory_space<vmem>>, vector<1x16xf32>,
        %parallel_loop3A_1431 = vector.shape_cast %parallel_loop3A_1430 : vector<1x16xf32> to vector<16xf32>
        %parallel_loop3A_1432 = arith.constant 112 : i32
        %parallel_loop3A_1433 = arith.addi %parallel_loop3A_1291, %parallel_loop3A_1432 : i32
        %parallel_loop3A_1434 = arith.constant 0 : i32
        %parallel_loop3A_1435 = arith.index_cast %parallel_loop3A_1434 : i32 to index
        %parallel_loop3A_1436 = arith.index_cast %parallel_loop3A_1433 : i32 to index
        %parallel_loop3A_1437 = tpu.vector_load %arg7[%parallel_loop3A_1435, %parallel_loop3A_1436] {strides = array<i32>} : memref<8x2048xf32, #tpu.memory_space<vmem>>, vector<1x16xf32>,
        %parallel_loop3A_1438 = vector.shape_cast %parallel_loop3A_1437 : vector<1x16xf32> to vector<16xf32>
        %parallel_loop3A_1439 = math.exp %parallel_loop3A_1431 : vector<16xf32>
        %parallel_loop3A_1440 = arith.addf %parallel_loop3A_1421, %parallel_loop3A_1439 : vector<16xf32>
        %parallel_loop3A_1441 = arith.mulf %parallel_loop3A_1439, %parallel_loop3A_1438 : vector<16xf32>
        %parallel_loop3A_1442 = arith.addf %parallel_loop3A_1423, %parallel_loop3A_1441 : vector<16xf32>
        %parallel_loop3A_1443 = arith.addf %parallel_loop3A_1424, %parallel_loop3A_1438 : vector<16xf32>
        %parallel_loop3A_1444 = arith.constant 0 : i32
        %parallel_loop3A_1445 = arith.addi %parallel_loop3A_1291, %parallel_loop3A_1444 : i32
        %parallel_loop3A_1446 = arith.constant 1 : i32
        %parallel_loop3A_1447 = arith.index_cast %parallel_loop3A_1446 : i32 to index
        %parallel_loop3A_1448 = arith.index_cast %parallel_loop3A_1445 : i32 to index
        %parallel_loop3A_1449 = tpu.vector_load %arg5[%parallel_loop3A_1447, %parallel_loop3A_1448] {strides = array<i32>} : memref<8x2048xf32, #tpu.memory_space<vmem>>, vector<1x16xf32>,
        %parallel_loop3A_1450 = vector.shape_cast %parallel_loop3A_1449 : vector<1x16xf32> to vector<16xf32>
        %parallel_loop3A_1451 = arith.constant 0 : i32
        %parallel_loop3A_1452 = arith.addi %parallel_loop3A_1291, %parallel_loop3A_1451 : i32
        %parallel_loop3A_1453 = arith.constant 1 : i32
        %parallel_loop3A_1454 = arith.index_cast %parallel_loop3A_1453 : i32 to index
        %parallel_loop3A_1455 = arith.index_cast %parallel_loop3A_1452 : i32 to index
        %parallel_loop3A_1456 = tpu.vector_load %arg7[%parallel_loop3A_1454, %parallel_loop3A_1455] {strides = array<i32>} : memref<8x2048xf32, #tpu.memory_space<vmem>>, vector<1x16xf32>,
        %parallel_loop3A_1457 = vector.shape_cast %parallel_loop3A_1456 : vector<1x16xf32> to vector<16xf32>
        %parallel_loop3A_1458 = math.exp %parallel_loop3A_1450 : vector<16xf32>
        %parallel_loop3A_1459 = arith.addf %parallel_loop3A_1267, %parallel_loop3A_1458 : vector<16xf32>
        %parallel_loop3A_1460 = arith.mulf %parallel_loop3A_1458, %parallel_loop3A_1457 : vector<16xf32>
        %parallel_loop3A_1461 = arith.addf %parallel_loop3A_1275, %parallel_loop3A_1460 : vector<16xf32>
        %parallel_loop3A_1462 = arith.addf %parallel_loop3A_1283, %parallel_loop3A_1457 : vector<16xf32>
        %parallel_loop3A_1463 = arith.constant 16 : i32
        %parallel_loop3A_1464 = arith.addi %parallel_loop3A_1291, %parallel_loop3A_1463 : i32
        %parallel_loop3A_1465 = arith.constant 1 : i32
        %parallel_loop3A_1466 = arith.index_cast %parallel_loop3A_1465 : i32 to index
        %parallel_loop3A_1467 = arith.index_cast %parallel_loop3A_1464 : i32 to index
        %parallel_loop3A_1468 = tpu.vector_load %arg5[%parallel_loop3A_1466, %parallel_loop3A_1467] {strides = array<i32>} : memref<8x2048xf32, #tpu.memory_space<vmem>>, vector<1x16xf32>,
        %parallel_loop3A_1469 = vector.shape_cast %parallel_loop3A_1468 : vector<1x16xf32> to vector<16xf32>
        %parallel_loop3A_1470 = arith.constant 16 : i32
        %parallel_loop3A_1471 = arith.addi %parallel_loop3A_1291, %parallel_loop3A_1470 : i32
        %parallel_loop3A_1472 = arith.constant 1 : i32
        %parallel_loop3A_1473 = arith.index_cast %parallel_loop3A_1472 : i32 to index
        %parallel_loop3A_1474 = arith.index_cast %parallel_loop3A_1471 : i32 to index
        %parallel_loop3A_1475 = tpu.vector_load %arg7[%parallel_loop3A_1473, %parallel_loop3A_1474] {strides = array<i32>} : memref<8x2048xf32, #tpu.memory_space<vmem>>, vector<1x16xf32>,
        %parallel_loop3A_1476 = vector.shape_cast %parallel_loop3A_1475 : vector<1x16xf32> to vector<16xf32>
        %parallel_loop3A_1477 = math.exp %parallel_loop3A_1469 : vector<16xf32>
        %parallel_loop3A_1478 = arith.addf %parallel_loop3A_1459, %parallel_loop3A_1477 : vector<16xf32>
        %parallel_loop3A_1479 = arith.mulf %parallel_loop3A_1477, %parallel_loop3A_1476 : vector<16xf32>
        %parallel_loop3A_1480 = arith.addf %parallel_loop3A_1461, %parallel_loop3A_1479 : vector<16xf32>
        %parallel_loop3A_1481 = arith.addf %parallel_loop3A_1462, %parallel_loop3A_1476 : vector<16xf32>
        %parallel_loop3A_1482 = arith.constant 32 : i32
        %parallel_loop3A_1483 = arith.addi %parallel_loop3A_1291, %parallel_loop3A_1482 : i32
        %parallel_loop3A_1484 = arith.constant 1 : i32
        %parallel_loop3A_1485 = arith.index_cast %parallel_loop3A_1484 : i32 to index
        %parallel_loop3A_1486 = arith.index_cast %parallel_loop3A_1483 : i32 to index
        %parallel_loop3A_1487 = tpu.vector_load %arg5[%parallel_loop3A_1485, %parallel_loop3A_1486] {strides = array<i32>} : memref<8x2048xf32, #tpu.memory_space<vmem>>, vector<1x16xf32>,
        %parallel_loop3A_1488 = vector.shape_cast %parallel_loop3A_1487 : vector<1x16xf32> to vector<16xf32>
        %parallel_loop3A_1489 = arith.constant 32 : i32
        %parallel_loop3A_1490 = arith.addi %parallel_loop3A_1291, %parallel_loop3A_1489 : i32
        %parallel_loop3A_1491 = arith.constant 1 : i32
        %parallel_loop3A_1492 = arith.index_cast %parallel_loop3A_1491 : i32 to index
        %parallel_loop3A_1493 = arith.index_cast %parallel_loop3A_1490 : i32 to index
        %parallel_loop3A_1494 = tpu.vector_load %arg7[%parallel_loop3A_1492, %parallel_loop3A_1493] {strides = array<i32>} : memref<8x2048xf32, #tpu.memory_space<vmem>>, vector<1x16xf32>,
        %parallel_loop3A_1495 = vector.shape_cast %parallel_loop3A_1494 : vector<1x16xf32> to vector<16xf32>
        %parallel_loop3A_1496 = math.exp %parallel_loop3A_1488 : vector<16xf32>
        %parallel_loop3A_1497 = arith.addf %parallel_loop3A_1478, %parallel_loop3A_1496 : vector<16xf32>
        %parallel_loop3A_1498 = arith.mulf %parallel_loop3A_1496, %parallel_loop3A_1495 : vector<16xf32>
        %parallel_loop3A_1499 = arith.addf %parallel_loop3A_1480, %parallel_loop3A_1498 : vector<16xf32>
        %parallel_loop3A_1500 = arith.addf %parallel_loop3A_1481, %parallel_loop3A_1495 : vector<16xf32>
        %parallel_loop3A_1501 = arith.constant 48 : i32
        %parallel_loop3A_1502 = arith.addi %parallel_loop3A_1291, %parallel_loop3A_1501 : i32
        %parallel_loop3A_1503 = arith.constant 1 : i32
        %parallel_loop3A_1504 = arith.index_cast %parallel_loop3A_1503 : i32 to index
        %parallel_loop3A_1505 = arith.index_cast %parallel_loop3A_1502 : i32 to index
        %parallel_loop3A_1506 = tpu.vector_load %arg5[%parallel_loop3A_1504, %parallel_loop3A_1505] {strides = array<i32>} : memref<8x2048xf32, #tpu.memory_space<vmem>>, vector<1x16xf32>,
        %parallel_loop3A_1507 = vector.shape_cast %parallel_loop3A_1506 : vector<1x16xf32> to vector<16xf32>
        %parallel_loop3A_1508 = arith.constant 48 : i32
        %parallel_loop3A_1509 = arith.addi %parallel_loop3A_1291, %parallel_loop3A_1508 : i32
        %parallel_loop3A_1510 = arith.constant 1 : i32
        %parallel_loop3A_1511 = arith.index_cast %parallel_loop3A_1510 : i32 to index
        %parallel_loop3A_1512 = arith.index_cast %parallel_loop3A_1509 : i32 to index
        %parallel_loop3A_1513 = tpu.vector_load %arg7[%parallel_loop3A_1511, %parallel_loop3A_1512] {strides = array<i32>} : memref<8x2048xf32, #tpu.memory_space<vmem>>, vector<1x16xf32>,
        %parallel_loop3A_1514 = vector.shape_cast %parallel_loop3A_1513 : vector<1x16xf32> to vector<16xf32>
        %parallel_loop3A_1515 = math.exp %parallel_loop3A_1507 : vector<16xf32>
        %parallel_loop3A_1516 = arith.addf %parallel_loop3A_1497, %parallel_loop3A_1515 : vector<16xf32>
        %parallel_loop3A_1517 = arith.mulf %parallel_loop3A_1515, %parallel_loop3A_1514 : vector<16xf32>
        %parallel_loop3A_1518 = arith.addf %parallel_loop3A_1499, %parallel_loop3A_1517 : vector<16xf32>
        %parallel_loop3A_1519 = arith.addf %parallel_loop3A_1500, %parallel_loop3A_1514 : vector<16xf32>
        %parallel_loop3A_1520 = arith.constant 64 : i32
        %parallel_loop3A_1521 = arith.addi %parallel_loop3A_1291, %parallel_loop3A_1520 : i32
        %parallel_loop3A_1522 = arith.constant 1 : i32
        %parallel_loop3A_1523 = arith.index_cast %parallel_loop3A_1522 : i32 to index
        %parallel_loop3A_1524 = arith.index_cast %parallel_loop3A_1521 : i32 to index
        %parallel_loop3A_1525 = tpu.vector_load %arg5[%parallel_loop3A_1523, %parallel_loop3A_1524] {strides = array<i32>} : memref<8x2048xf32, #tpu.memory_space<vmem>>, vector<1x16xf32>,
        %parallel_loop3A_1526 = vector.shape_cast %parallel_loop3A_1525 : vector<1x16xf32> to vector<16xf32>
        %parallel_loop3A_1527 = arith.constant 64 : i32
        %parallel_loop3A_1528 = arith.addi %parallel_loop3A_1291, %parallel_loop3A_1527 : i32
        %parallel_loop3A_1529 = arith.constant 1 : i32
        %parallel_loop3A_1530 = arith.index_cast %parallel_loop3A_1529 : i32 to index
        %parallel_loop3A_1531 = arith.index_cast %parallel_loop3A_1528 : i32 to index
        %parallel_loop3A_1532 = tpu.vector_load %arg7[%parallel_loop3A_1530, %parallel_loop3A_1531] {strides = array<i32>} : memref<8x2048xf32, #tpu.memory_space<vmem>>, vector<1x16xf32>,
        %parallel_loop3A_1533 = vector.shape_cast %parallel_loop3A_1532 : vector<1x16xf32> to vector<16xf32>
        %parallel_loop3A_1534 = math.exp %parallel_loop3A_1526 : vector<16xf32>
        %parallel_loop3A_1535 = arith.addf %parallel_loop3A_1516, %parallel_loop3A_1534 : vector<16xf32>
        %parallel_loop3A_1536 = arith.mulf %parallel_loop3A_1534, %parallel_loop3A_1533 : vector<16xf32>
        %parallel_loop3A_1537 = arith.addf %parallel_loop3A_1518, %parallel_loop3A_1536 : vector<16xf32>
        %parallel_loop3A_1538 = arith.addf %parallel_loop3A_1519, %parallel_loop3A_1533 : vector<16xf32>
        %parallel_loop3A_1539 = arith.constant 80 : i32
        %parallel_loop3A_1540 = arith.addi %parallel_loop3A_1291, %parallel_loop3A_1539 : i32
        %parallel_loop3A_1541 = arith.constant 1 : i32
        %parallel_loop3A_1542 = arith.index_cast %parallel_loop3A_1541 : i32 to index
        %parallel_loop3A_1543 = arith.index_cast %parallel_loop3A_1540 : i32 to index
        %parallel_loop3A_1544 = tpu.vector_load %arg5[%parallel_loop3A_1542, %parallel_loop3A_1543] {strides = array<i32>} : memref<8x2048xf32, #tpu.memory_space<vmem>>, vector<1x16xf32>,
        %parallel_loop3A_1545 = vector.shape_cast %parallel_loop3A_1544 : vector<1x16xf32> to vector<16xf32>
        %parallel_loop3A_1546 = arith.constant 80 : i32
        %parallel_loop3A_1547 = arith.addi %parallel_loop3A_1291, %parallel_loop3A_1546 : i32
        %parallel_loop3A_1548 = arith.constant 1 : i32
        %parallel_loop3A_1549 = arith.index_cast %parallel_loop3A_1548 : i32 to index
        %parallel_loop3A_1550 = arith.index_cast %parallel_loop3A_1547 : i32 to index
        %parallel_loop3A_1551 = tpu.vector_load %arg7[%parallel_loop3A_1549, %parallel_loop3A_1550] {strides = array<i32>} : memref<8x2048xf32, #tpu.memory_space<vmem>>, vector<1x16xf32>,
        %parallel_loop3A_1552 = vector.shape_cast %parallel_loop3A_1551 : vector<1x16xf32> to vector<16xf32>
        %parallel_loop3A_1553 = math.exp %parallel_loop3A_1545 : vector<16xf32>
        %parallel_loop3A_1554 = arith.addf %parallel_loop3A_1535, %parallel_loop3A_1553 : vector<16xf32>
        %parallel_loop3A_1555 = arith.mulf %parallel_loop3A_1553, %parallel_loop3A_1552 : vector<16xf32>
        %parallel_loop3A_1556 = arith.addf %parallel_loop3A_1537, %parallel_loop3A_1555 : vector<16xf32>
        %parallel_loop3A_1557 = arith.addf %parallel_loop3A_1538, %parallel_loop3A_1552 : vector<16xf32>
        %parallel_loop3A_1558 = arith.constant 96 : i32
        %parallel_loop3A_1559 = arith.addi %parallel_loop3A_1291, %parallel_loop3A_1558 : i32
        %parallel_loop3A_1560 = arith.constant 1 : i32
        %parallel_loop3A_1561 = arith.index_cast %parallel_loop3A_1560 : i32 to index
        %parallel_loop3A_1562 = arith.index_cast %parallel_loop3A_1559 : i32 to index
        %parallel_loop3A_1563 = tpu.vector_load %arg5[%parallel_loop3A_1561, %parallel_loop3A_1562] {strides = array<i32>} : memref<8x2048xf32, #tpu.memory_space<vmem>>, vector<1x16xf32>,
        %parallel_loop3A_1564 = vector.shape_cast %parallel_loop3A_1563 : vector<1x16xf32> to vector<16xf32>
        %parallel_loop3A_1565 = arith.constant 96 : i32
        %parallel_loop3A_1566 = arith.addi %parallel_loop3A_1291, %parallel_loop3A_1565 : i32
        %parallel_loop3A_1567 = arith.constant 1 : i32
        %parallel_loop3A_1568 = arith.index_cast %parallel_loop3A_1567 : i32 to index
        %parallel_loop3A_1569 = arith.index_cast %parallel_loop3A_1566 : i32 to index
        %parallel_loop3A_1570 = tpu.vector_load %arg7[%parallel_loop3A_1568, %parallel_loop3A_1569] {strides = array<i32>} : memref<8x2048xf32, #tpu.memory_space<vmem>>, vector<1x16xf32>,
        %parallel_loop3A_1571 = vector.shape_cast %parallel_loop3A_1570 : vector<1x16xf32> to vector<16xf32>
        %parallel_loop3A_1572 = math.exp %parallel_loop3A_1564 : vector<16xf32>
        %parallel_loop3A_1573 = arith.addf %parallel_loop3A_1554, %parallel_loop3A_1572 : vector<16xf32>
        %parallel_loop3A_1574 = arith.mulf %parallel_loop3A_1572, %parallel_loop3A_1571 : vector<16xf32>
        %parallel_loop3A_1575 = arith.addf %parallel_loop3A_1556, %parallel_loop3A_1574 : vector<16xf32>
        %parallel_loop3A_1576 = arith.addf %parallel_loop3A_1557, %parallel_loop3A_1571 : vector<16xf32>
        %parallel_loop3A_1577 = arith.constant 112 : i32
        %parallel_loop3A_1578 = arith.addi %parallel_loop3A_1291, %parallel_loop3A_1577 : i32
        %parallel_loop3A_1579 = arith.constant 1 : i32
        %parallel_loop3A_1580 = arith.index_cast %parallel_loop3A_1579 : i32 to index
        %parallel_loop3A_1581 = arith.index_cast %parallel_loop3A_1578 : i32 to index
        %parallel_loop3A_1582 = tpu.vector_load %arg5[%parallel_loop3A_1580, %parallel_loop3A_1581] {strides = array<i32>} : memref<8x2048xf32, #tpu.memory_space<vmem>>, vector<1x16xf32>,
        %parallel_loop3A_1583 = vector.shape_cast %parallel_loop3A_1582 : vector<1x16xf32> to vector<16xf32>
        %parallel_loop3A_1584 = arith.constant 112 : i32
        %parallel_loop3A_1585 = arith.addi %parallel_loop3A_1291, %parallel_loop3A_1584 : i32
        %parallel_loop3A_1586 = arith.constant 1 : i32
        %parallel_loop3A_1587 = arith.index_cast %parallel_loop3A_1586 : i32 to index
        %parallel_loop3A_1588 = arith.index_cast %parallel_loop3A_1585 : i32 to index
        %parallel_loop3A_1589 = tpu.vector_load %arg7[%parallel_loop3A_1587, %parallel_loop3A_1588] {strides = array<i32>} : memref<8x2048xf32, #tpu.memory_space<vmem>>, vector<1x16xf32>,
        %parallel_loop3A_1590 = vector.shape_cast %parallel_loop3A_1589 : vector<1x16xf32> to vector<16xf32>
        %parallel_loop3A_1591 = math.exp %parallel_loop3A_1583 : vector<16xf32>
        %parallel_loop3A_1592 = arith.addf %parallel_loop3A_1573, %parallel_loop3A_1591 : vector<16xf32>
        %parallel_loop3A_1593 = arith.mulf %parallel_loop3A_1591, %parallel_loop3A_1590 : vector<16xf32>
        %parallel_loop3A_1594 = arith.addf %parallel_loop3A_1575, %parallel_loop3A_1593 : vector<16xf32>
        %parallel_loop3A_1595 = arith.addf %parallel_loop3A_1576, %parallel_loop3A_1590 : vector<16xf32>
        %parallel_loop3A_1596 = arith.constant 0 : i32
        %parallel_loop3A_1597 = arith.addi %parallel_loop3A_1291, %parallel_loop3A_1596 : i32
        %parallel_loop3A_1598 = arith.constant 2 : i32
        %parallel_loop3A_1599 = arith.index_cast %parallel_loop3A_1598 : i32 to index
        %parallel_loop3A_1600 = arith.index_cast %parallel_loop3A_1597 : i32 to index
        %parallel_loop3A_1601 = tpu.vector_load %arg5[%parallel_loop3A_1599, %parallel_loop3A_1600] {strides = array<i32>} : memref<8x2048xf32, #tpu.memory_space<vmem>>, vector<1x16xf32>,
        %parallel_loop3A_1602 = vector.shape_cast %parallel_loop3A_1601 : vector<1x16xf32> to vector<16xf32>
        %parallel_loop3A_1603 = arith.constant 0 : i32
        %parallel_loop3A_1604 = arith.addi %parallel_loop3A_1291, %parallel_loop3A_1603 : i32
        %parallel_loop3A_1605 = arith.constant 2 : i32
        %parallel_loop3A_1606 = arith.index_cast %parallel_loop3A_1605 : i32 to index
        %parallel_loop3A_1607 = arith.index_cast %parallel_loop3A_1604 : i32 to index
        %parallel_loop3A_1608 = tpu.vector_load %arg7[%parallel_loop3A_1606, %parallel_loop3A_1607] {strides = array<i32>} : memref<8x2048xf32, #tpu.memory_space<vmem>>, vector<1x16xf32>,
        %parallel_loop3A_1609 = vector.shape_cast %parallel_loop3A_1608 : vector<1x16xf32> to vector<16xf32>
        %parallel_loop3A_1610 = math.exp %parallel_loop3A_1602 : vector<16xf32>
        %parallel_loop3A_1611 = arith.addf %parallel_loop3A_1268, %parallel_loop3A_1610 : vector<16xf32>
        %parallel_loop3A_1612 = arith.mulf %parallel_loop3A_1610, %parallel_loop3A_1609 : vector<16xf32>
        %parallel_loop3A_1613 = arith.addf %parallel_loop3A_1276, %parallel_loop3A_1612 : vector<16xf32>
        %parallel_loop3A_1614 = arith.addf %parallel_loop3A_1284, %parallel_loop3A_1609 : vector<16xf32>
        %parallel_loop3A_1615 = arith.constant 16 : i32
        %parallel_loop3A_1616 = arith.addi %parallel_loop3A_1291, %parallel_loop3A_1615 : i32
        %parallel_loop3A_1617 = arith.constant 2 : i32
        %parallel_loop3A_1618 = arith.index_cast %parallel_loop3A_1617 : i32 to index
        %parallel_loop3A_1619 = arith.index_cast %parallel_loop3A_1616 : i32 to index
        %parallel_loop3A_1620 = tpu.vector_load %arg5[%parallel_loop3A_1618, %parallel_loop3A_1619] {strides = array<i32>} : memref<8x2048xf32, #tpu.memory_space<vmem>>, vector<1x16xf32>,
        %parallel_loop3A_1621 = vector.shape_cast %parallel_loop3A_1620 : vector<1x16xf32> to vector<16xf32>
        %parallel_loop3A_1622 = arith.constant 16 : i32
        %parallel_loop3A_1623 = arith.addi %parallel_loop3A_1291, %parallel_loop3A_1622 : i32
        %parallel_loop3A_1624 = arith.constant 2 : i32
        %parallel_loop3A_1625 = arith.index_cast %parallel_loop3A_1624 : i32 to index
        %parallel_loop3A_1626 = arith.index_cast %parallel_loop3A_1623 : i32 to index
        %parallel_loop3A_1627 = tpu.vector_load %arg7[%parallel_loop3A_1625, %parallel_loop3A_1626] {strides = array<i32>} : memref<8x2048xf32, #tpu.memory_space<vmem>>, vector<1x16xf32>,
        %parallel_loop3A_1628 = vector.shape_cast %parallel_loop3A_1627 : vector<1x16xf32> to vector<16xf32>
        %parallel_loop3A_1629 = math.exp %parallel_loop3A_1621 : vector<16xf32>
        %parallel_loop3A_1630 = arith.addf %parallel_loop3A_1611, %parallel_loop3A_1629 : vector<16xf32>
        %parallel_loop3A_1631 = arith.mulf %parallel_loop3A_1629, %parallel_loop3A_1628 : vector<16xf32>
        %parallel_loop3A_1632 = arith.addf %parallel_loop3A_1613, %parallel_loop3A_1631 : vector<16xf32>
        %parallel_loop3A_1633 = arith.addf %parallel_loop3A_1614, %parallel_loop3A_1628 : vector<16xf32>
        %parallel_loop3A_1634 = arith.constant 32 : i32
        %parallel_loop3A_1635 = arith.addi %parallel_loop3A_1291, %parallel_loop3A_1634 : i32
        %parallel_loop3A_1636 = arith.constant 2 : i32
        %parallel_loop3A_1637 = arith.index_cast %parallel_loop3A_1636 : i32 to index
        %parallel_loop3A_1638 = arith.index_cast %parallel_loop3A_1635 : i32 to index
        %parallel_loop3A_1639 = tpu.vector_load %arg5[%parallel_loop3A_1637, %parallel_loop3A_1638] {strides = array<i32>} : memref<8x2048xf32, #tpu.memory_space<vmem>>, vector<1x16xf32>,
        %parallel_loop3A_1640 = vector.shape_cast %parallel_loop3A_1639 : vector<1x16xf32> to vector<16xf32>
        %parallel_loop3A_1641 = arith.constant 32 : i32
        %parallel_loop3A_1642 = arith.addi %parallel_loop3A_1291, %parallel_loop3A_1641 : i32
        %parallel_loop3A_1643 = arith.constant 2 : i32
        %parallel_loop3A_1644 = arith.index_cast %parallel_loop3A_1643 : i32 to index
        %parallel_loop3A_1645 = arith.index_cast %parallel_loop3A_1642 : i32 to index
        %parallel_loop3A_1646 = tpu.vector_load %arg7[%parallel_loop3A_1644, %parallel_loop3A_1645] {strides = array<i32>} : memref<8x2048xf32, #tpu.memory_space<vmem>>, vector<1x16xf32>,
        %parallel_loop3A_1647 = vector.shape_cast %parallel_loop3A_1646 : vector<1x16xf32> to vector<16xf32>
        %parallel_loop3A_1648 = math.exp %parallel_loop3A_1640 : vector<16xf32>
        %parallel_loop3A_1649 = arith.addf %parallel_loop3A_1630, %parallel_loop3A_1648 : vector<16xf32>
        %parallel_loop3A_1650 = arith.mulf %parallel_loop3A_1648, %parallel_loop3A_1647 : vector<16xf32>
        %parallel_loop3A_1651 = arith.addf %parallel_loop3A_1632, %parallel_loop3A_1650 : vector<16xf32>
        %parallel_loop3A_1652 = arith.addf %parallel_loop3A_1633, %parallel_loop3A_1647 : vector<16xf32>
        %parallel_loop3A_1653 = arith.constant 48 : i32
        %parallel_loop3A_1654 = arith.addi %parallel_loop3A_1291, %parallel_loop3A_1653 : i32
        %parallel_loop3A_1655 = arith.constant 2 : i32
        %parallel_loop3A_1656 = arith.index_cast %parallel_loop3A_1655 : i32 to index
        %parallel_loop3A_1657 = arith.index_cast %parallel_loop3A_1654 : i32 to index
        %parallel_loop3A_1658 = tpu.vector_load %arg5[%parallel_loop3A_1656, %parallel_loop3A_1657] {strides = array<i32>} : memref<8x2048xf32, #tpu.memory_space<vmem>>, vector<1x16xf32>,
        %parallel_loop3A_1659 = vector.shape_cast %parallel_loop3A_1658 : vector<1x16xf32> to vector<16xf32>
        %parallel_loop3A_1660 = arith.constant 48 : i32
        %parallel_loop3A_1661 = arith.addi %parallel_loop3A_1291, %parallel_loop3A_1660 : i32
        %parallel_loop3A_1662 = arith.constant 2 : i32
        %parallel_loop3A_1663 = arith.index_cast %parallel_loop3A_1662 : i32 to index
        %parallel_loop3A_1664 = arith.index_cast %parallel_loop3A_1661 : i32 to index
        %parallel_loop3A_1665 = tpu.vector_load %arg7[%parallel_loop3A_1663, %parallel_loop3A_1664] {strides = array<i32>} : memref<8x2048xf32, #tpu.memory_space<vmem>>, vector<1x16xf32>,
        %parallel_loop3A_1666 = vector.shape_cast %parallel_loop3A_1665 : vector<1x16xf32> to vector<16xf32>
        %parallel_loop3A_1667 = math.exp %parallel_loop3A_1659 : vector<16xf32>
        %parallel_loop3A_1668 = arith.addf %parallel_loop3A_1649, %parallel_loop3A_1667 : vector<16xf32>
        %parallel_loop3A_1669 = arith.mulf %parallel_loop3A_1667, %parallel_loop3A_1666 : vector<16xf32>
        %parallel_loop3A_1670 = arith.addf %parallel_loop3A_1651, %parallel_loop3A_1669 : vector<16xf32>
        %parallel_loop3A_1671 = arith.addf %parallel_loop3A_1652, %parallel_loop3A_1666 : vector<16xf32>
        %parallel_loop3A_1672 = arith.constant 64 : i32
        %parallel_loop3A_1673 = arith.addi %parallel_loop3A_1291, %parallel_loop3A_1672 : i32
        %parallel_loop3A_1674 = arith.constant 2 : i32
        %parallel_loop3A_1675 = arith.index_cast %parallel_loop3A_1674 : i32 to index
        %parallel_loop3A_1676 = arith.index_cast %parallel_loop3A_1673 : i32 to index
        %parallel_loop3A_1677 = tpu.vector_load %arg5[%parallel_loop3A_1675, %parallel_loop3A_1676] {strides = array<i32>} : memref<8x2048xf32, #tpu.memory_space<vmem>>, vector<1x16xf32>,
        %parallel_loop3A_1678 = vector.shape_cast %parallel_loop3A_1677 : vector<1x16xf32> to vector<16xf32>
        %parallel_loop3A_1679 = arith.constant 64 : i32
        %parallel_loop3A_1680 = arith.addi %parallel_loop3A_1291, %parallel_loop3A_1679 : i32
        %parallel_loop3A_1681 = arith.constant 2 : i32
        %parallel_loop3A_1682 = arith.index_cast %parallel_loop3A_1681 : i32 to index
        %parallel_loop3A_1683 = arith.index_cast %parallel_loop3A_1680 : i32 to index
        %parallel_loop3A_1684 = tpu.vector_load %arg7[%parallel_loop3A_1682, %parallel_loop3A_1683] {strides = array<i32>} : memref<8x2048xf32, #tpu.memory_space<vmem>>, vector<1x16xf32>,
        %parallel_loop3A_1685 = vector.shape_cast %parallel_loop3A_1684 : vector<1x16xf32> to vector<16xf32>
        %parallel_loop3A_1686 = math.exp %parallel_loop3A_1678 : vector<16xf32>
        %parallel_loop3A_1687 = arith.addf %parallel_loop3A_1668, %parallel_loop3A_1686 : vector<16xf32>
        %parallel_loop3A_1688 = arith.mulf %parallel_loop3A_1686, %parallel_loop3A_1685 : vector<16xf32>
        %parallel_loop3A_1689 = arith.addf %parallel_loop3A_1670, %parallel_loop3A_1688 : vector<16xf32>
        %parallel_loop3A_1690 = arith.addf %parallel_loop3A_1671, %parallel_loop3A_1685 : vector<16xf32>
        %parallel_loop3A_1691 = arith.constant 80 : i32
        %parallel_loop3A_1692 = arith.addi %parallel_loop3A_1291, %parallel_loop3A_1691 : i32
        %parallel_loop3A_1693 = arith.constant 2 : i32
        %parallel_loop3A_1694 = arith.index_cast %parallel_loop3A_1693 : i32 to index
        %parallel_loop3A_1695 = arith.index_cast %parallel_loop3A_1692 : i32 to index
        %parallel_loop3A_1696 = tpu.vector_load %arg5[%parallel_loop3A_1694, %parallel_loop3A_1695] {strides = array<i32>} : memref<8x2048xf32, #tpu.memory_space<vmem>>, vector<1x16xf32>,
        %parallel_loop3A_1697 = vector.shape_cast %parallel_loop3A_1696 : vector<1x16xf32> to vector<16xf32>
        %parallel_loop3A_1698 = arith.constant 80 : i32
        %parallel_loop3A_1699 = arith.addi %parallel_loop3A_1291, %parallel_loop3A_1698 : i32
        %parallel_loop3A_1700 = arith.constant 2 : i32
        %parallel_loop3A_1701 = arith.index_cast %parallel_loop3A_1700 : i32 to index
        %parallel_loop3A_1702 = arith.index_cast %parallel_loop3A_1699 : i32 to index
        %parallel_loop3A_1703 = tpu.vector_load %arg7[%parallel_loop3A_1701, %parallel_loop3A_1702] {strides = array<i32>} : memref<8x2048xf32, #tpu.memory_space<vmem>>, vector<1x16xf32>,
        %parallel_loop3A_1704 = vector.shape_cast %parallel_loop3A_1703 : vector<1x16xf32> to vector<16xf32>
        %parallel_loop3A_1705 = math.exp %parallel_loop3A_1697 : vector<16xf32>
        %parallel_loop3A_1706 = arith.addf %parallel_loop3A_1687, %parallel_loop3A_1705 : vector<16xf32>
        %parallel_loop3A_1707 = arith.mulf %parallel_loop3A_1705, %parallel_loop3A_1704 : vector<16xf32>
        %parallel_loop3A_1708 = arith.addf %parallel_loop3A_1689, %parallel_loop3A_1707 : vector<16xf32>
        %parallel_loop3A_1709 = arith.addf %parallel_loop3A_1690, %parallel_loop3A_1704 : vector<16xf32>
        %parallel_loop3A_1710 = arith.constant 96 : i32
        %parallel_loop3A_1711 = arith.addi %parallel_loop3A_1291, %parallel_loop3A_1710 : i32
        %parallel_loop3A_1712 = arith.constant 2 : i32
        %parallel_loop3A_1713 = arith.index_cast %parallel_loop3A_1712 : i32 to index
        %parallel_loop3A_1714 = arith.index_cast %parallel_loop3A_1711 : i32 to index
        %parallel_loop3A_1715 = tpu.vector_load %arg5[%parallel_loop3A_1713, %parallel_loop3A_1714] {strides = array<i32>} : memref<8x2048xf32, #tpu.memory_space<vmem>>, vector<1x16xf32>,
        %parallel_loop3A_1716 = vector.shape_cast %parallel_loop3A_1715 : vector<1x16xf32> to vector<16xf32>
        %parallel_loop3A_1717 = arith.constant 96 : i32
        %parallel_loop3A_1718 = arith.addi %parallel_loop3A_1291, %parallel_loop3A_1717 : i32
        %parallel_loop3A_1719 = arith.constant 2 : i32
        %parallel_loop3A_1720 = arith.index_cast %parallel_loop3A_1719 : i32 to index
        %parallel_loop3A_1721 = arith.index_cast %parallel_loop3A_1718 : i32 to index
        %parallel_loop3A_1722 = tpu.vector_load %arg7[%parallel_loop3A_1720, %parallel_loop3A_1721] {strides = array<i32>} : memref<8x2048xf32, #tpu.memory_space<vmem>>, vector<1x16xf32>,
        %parallel_loop3A_1723 = vector.shape_cast %parallel_loop3A_1722 : vector<1x16xf32> to vector<16xf32>
        %parallel_loop3A_1724 = math.exp %parallel_loop3A_1716 : vector<16xf32>
        %parallel_loop3A_1725 = arith.addf %parallel_loop3A_1706, %parallel_loop3A_1724 : vector<16xf32>
        %parallel_loop3A_1726 = arith.mulf %parallel_loop3A_1724, %parallel_loop3A_1723 : vector<16xf32>
        %parallel_loop3A_1727 = arith.addf %parallel_loop3A_1708, %parallel_loop3A_1726 : vector<16xf32>
        %parallel_loop3A_1728 = arith.addf %parallel_loop3A_1709, %parallel_loop3A_1723 : vector<16xf32>
        %parallel_loop3A_1729 = arith.constant 112 : i32
        %parallel_loop3A_1730 = arith.addi %parallel_loop3A_1291, %parallel_loop3A_1729 : i32
        %parallel_loop3A_1731 = arith.constant 2 : i32
        %parallel_loop3A_1732 = arith.index_cast %parallel_loop3A_1731 : i32 to index
        %parallel_loop3A_1733 = arith.index_cast %parallel_loop3A_1730 : i32 to index
        %parallel_loop3A_1734 = tpu.vector_load %arg5[%parallel_loop3A_1732, %parallel_loop3A_1733] {strides = array<i32>} : memref<8x2048xf32, #tpu.memory_space<vmem>>, vector<1x16xf32>,
        %parallel_loop3A_1735 = vector.shape_cast %parallel_loop3A_1734 : vector<1x16xf32> to vector<16xf32>
        %parallel_loop3A_1736 = arith.constant 112 : i32
        %parallel_loop3A_1737 = arith.addi %parallel_loop3A_1291, %parallel_loop3A_1736 : i32
        %parallel_loop3A_1738 = arith.constant 2 : i32
        %parallel_loop3A_1739 = arith.index_cast %parallel_loop3A_1738 : i32 to index
        %parallel_loop3A_1740 = arith.index_cast %parallel_loop3A_1737 : i32 to index
        %parallel_loop3A_1741 = tpu.vector_load %arg7[%parallel_loop3A_1739, %parallel_loop3A_1740] {strides = array<i32>} : memref<8x2048xf32, #tpu.memory_space<vmem>>, vector<1x16xf32>,
        %parallel_loop3A_1742 = vector.shape_cast %parallel_loop3A_1741 : vector<1x16xf32> to vector<16xf32>
        %parallel_loop3A_1743 = math.exp %parallel_loop3A_1735 : vector<16xf32>
        %parallel_loop3A_1744 = arith.addf %parallel_loop3A_1725, %parallel_loop3A_1743 : vector<16xf32>
        %parallel_loop3A_1745 = arith.mulf %parallel_loop3A_1743, %parallel_loop3A_1742 : vector<16xf32>
        %parallel_loop3A_1746 = arith.addf %parallel_loop3A_1727, %parallel_loop3A_1745 : vector<16xf32>
        %parallel_loop3A_1747 = arith.addf %parallel_loop3A_1728, %parallel_loop3A_1742 : vector<16xf32>
        %parallel_loop3A_1748 = arith.constant 0 : i32
        %parallel_loop3A_1749 = arith.addi %parallel_loop3A_1291, %parallel_loop3A_1748 : i32
        %parallel_loop3A_1750 = arith.constant 3 : i32
        %parallel_loop3A_1751 = arith.index_cast %parallel_loop3A_1750 : i32 to index
        %parallel_loop3A_1752 = arith.index_cast %parallel_loop3A_1749 : i32 to index
        %parallel_loop3A_1753 = tpu.vector_load %arg5[%parallel_loop3A_1751, %parallel_loop3A_1752] {strides = array<i32>} : memref<8x2048xf32, #tpu.memory_space<vmem>>, vector<1x16xf32>,
        %parallel_loop3A_1754 = vector.shape_cast %parallel_loop3A_1753 : vector<1x16xf32> to vector<16xf32>
        %parallel_loop3A_1755 = arith.constant 0 : i32
        %parallel_loop3A_1756 = arith.addi %parallel_loop3A_1291, %parallel_loop3A_1755 : i32
        %parallel_loop3A_1757 = arith.constant 3 : i32
        %parallel_loop3A_1758 = arith.index_cast %parallel_loop3A_1757 : i32 to index
        %parallel_loop3A_1759 = arith.index_cast %parallel_loop3A_1756 : i32 to index
        %parallel_loop3A_1760 = tpu.vector_load %arg7[%parallel_loop3A_1758, %parallel_loop3A_1759] {strides = array<i32>} : memref<8x2048xf32, #tpu.memory_space<vmem>>, vector<1x16xf32>,
        %parallel_loop3A_1761 = vector.shape_cast %parallel_loop3A_1760 : vector<1x16xf32> to vector<16xf32>
        %parallel_loop3A_1762 = math.exp %parallel_loop3A_1754 : vector<16xf32>
        %parallel_loop3A_1763 = arith.addf %parallel_loop3A_1269, %parallel_loop3A_1762 : vector<16xf32>
        %parallel_loop3A_1764 = arith.mulf %parallel_loop3A_1762, %parallel_loop3A_1761 : vector<16xf32>
        %parallel_loop3A_1765 = arith.addf %parallel_loop3A_1277, %parallel_loop3A_1764 : vector<16xf32>
        %parallel_loop3A_1766 = arith.addf %parallel_loop3A_1285, %parallel_loop3A_1761 : vector<16xf32>
        %parallel_loop3A_1767 = arith.constant 16 : i32
        %parallel_loop3A_1768 = arith.addi %parallel_loop3A_1291, %parallel_loop3A_1767 : i32
        %parallel_loop3A_1769 = arith.constant 3 : i32
        %parallel_loop3A_1770 = arith.index_cast %parallel_loop3A_1769 : i32 to index
        %parallel_loop3A_1771 = arith.index_cast %parallel_loop3A_1768 : i32 to index
        %parallel_loop3A_1772 = tpu.vector_load %arg5[%parallel_loop3A_1770, %parallel_loop3A_1771] {strides = array<i32>} : memref<8x2048xf32, #tpu.memory_space<vmem>>, vector<1x16xf32>,
        %parallel_loop3A_1773 = vector.shape_cast %parallel_loop3A_1772 : vector<1x16xf32> to vector<16xf32>
        %parallel_loop3A_1774 = arith.constant 16 : i32
        %parallel_loop3A_1775 = arith.addi %parallel_loop3A_1291, %parallel_loop3A_1774 : i32
        %parallel_loop3A_1776 = arith.constant 3 : i32
        %parallel_loop3A_1777 = arith.index_cast %parallel_loop3A_1776 : i32 to index
        %parallel_loop3A_1778 = arith.index_cast %parallel_loop3A_1775 : i32 to index
        %parallel_loop3A_1779 = tpu.vector_load %arg7[%parallel_loop3A_1777, %parallel_loop3A_1778] {strides = array<i32>} : memref<8x2048xf32, #tpu.memory_space<vmem>>, vector<1x16xf32>,
        %parallel_loop3A_1780 = vector.shape_cast %parallel_loop3A_1779 : vector<1x16xf32> to vector<16xf32>
        %parallel_loop3A_1781 = math.exp %parallel_loop3A_1773 : vector<16xf32>
        %parallel_loop3A_1782 = arith.addf %parallel_loop3A_1763, %parallel_loop3A_1781 : vector<16xf32>
        %parallel_loop3A_1783 = arith.mulf %parallel_loop3A_1781, %parallel_loop3A_1780 : vector<16xf32>
        %parallel_loop3A_1784 = arith.addf %parallel_loop3A_1765, %parallel_loop3A_1783 : vector<16xf32>
        %parallel_loop3A_1785 = arith.addf %parallel_loop3A_1766, %parallel_loop3A_1780 : vector<16xf32>
        %parallel_loop3A_1786 = arith.constant 32 : i32
        %parallel_loop3A_1787 = arith.addi %parallel_loop3A_1291, %parallel_loop3A_1786 : i32
        %parallel_loop3A_1788 = arith.constant 3 : i32
        %parallel_loop3A_1789 = arith.index_cast %parallel_loop3A_1788 : i32 to index
        %parallel_loop3A_1790 = arith.index_cast %parallel_loop3A_1787 : i32 to index
        %parallel_loop3A_1791 = tpu.vector_load %arg5[%parallel_loop3A_1789, %parallel_loop3A_1790] {strides = array<i32>} : memref<8x2048xf32, #tpu.memory_space<vmem>>, vector<1x16xf32>,
        %parallel_loop3A_1792 = vector.shape_cast %parallel_loop3A_1791 : vector<1x16xf32> to vector<16xf32>
        %parallel_loop3A_1793 = arith.constant 32 : i32
        %parallel_loop3A_1794 = arith.addi %parallel_loop3A_1291, %parallel_loop3A_1793 : i32
        %parallel_loop3A_1795 = arith.constant 3 : i32
        %parallel_loop3A_1796 = arith.index_cast %parallel_loop3A_1795 : i32 to index
        %parallel_loop3A_1797 = arith.index_cast %parallel_loop3A_1794 : i32 to index
        %parallel_loop3A_1798 = tpu.vector_load %arg7[%parallel_loop3A_1796, %parallel_loop3A_1797] {strides = array<i32>} : memref<8x2048xf32, #tpu.memory_space<vmem>>, vector<1x16xf32>,
        %parallel_loop3A_1799 = vector.shape_cast %parallel_loop3A_1798 : vector<1x16xf32> to vector<16xf32>
        %parallel_loop3A_1800 = math.exp %parallel_loop3A_1792 : vector<16xf32>
        %parallel_loop3A_1801 = arith.addf %parallel_loop3A_1782, %parallel_loop3A_1800 : vector<16xf32>
        %parallel_loop3A_1802 = arith.mulf %parallel_loop3A_1800, %parallel_loop3A_1799 : vector<16xf32>
        %parallel_loop3A_1803 = arith.addf %parallel_loop3A_1784, %parallel_loop3A_1802 : vector<16xf32>
        %parallel_loop3A_1804 = arith.addf %parallel_loop3A_1785, %parallel_loop3A_1799 : vector<16xf32>
        %parallel_loop3A_1805 = arith.constant 48 : i32
        %parallel_loop3A_1806 = arith.addi %parallel_loop3A_1291, %parallel_loop3A_1805 : i32
        %parallel_loop3A_1807 = arith.constant 3 : i32
        %parallel_loop3A_1808 = arith.index_cast %parallel_loop3A_1807 : i32 to index
        %parallel_loop3A_1809 = arith.index_cast %parallel_loop3A_1806 : i32 to index
        %parallel_loop3A_1810 = tpu.vector_load %arg5[%parallel_loop3A_1808, %parallel_loop3A_1809] {strides = array<i32>} : memref<8x2048xf32, #tpu.memory_space<vmem>>, vector<1x16xf32>,
        %parallel_loop3A_1811 = vector.shape_cast %parallel_loop3A_1810 : vector<1x16xf32> to vector<16xf32>
        %parallel_loop3A_1812 = arith.constant 48 : i32
        %parallel_loop3A_1813 = arith.addi %parallel_loop3A_1291, %parallel_loop3A_1812 : i32
        %parallel_loop3A_1814 = arith.constant 3 : i32
        %parallel_loop3A_1815 = arith.index_cast %parallel_loop3A_1814 : i32 to index
        %parallel_loop3A_1816 = arith.index_cast %parallel_loop3A_1813 : i32 to index
        %parallel_loop3A_1817 = tpu.vector_load %arg7[%parallel_loop3A_1815, %parallel_loop3A_1816] {strides = array<i32>} : memref<8x2048xf32, #tpu.memory_space<vmem>>, vector<1x16xf32>,
        %parallel_loop3A_1818 = vector.shape_cast %parallel_loop3A_1817 : vector<1x16xf32> to vector<16xf32>
        %parallel_loop3A_1819 = math.exp %parallel_loop3A_1811 : vector<16xf32>
        %parallel_loop3A_1820 = arith.addf %parallel_loop3A_1801, %parallel_loop3A_1819 : vector<16xf32>
        %parallel_loop3A_1821 = arith.mulf %parallel_loop3A_1819, %parallel_loop3A_1818 : vector<16xf32>
        %parallel_loop3A_1822 = arith.addf %parallel_loop3A_1803, %parallel_loop3A_1821 : vector<16xf32>
        %parallel_loop3A_1823 = arith.addf %parallel_loop3A_1804, %parallel_loop3A_1818 : vector<16xf32>
        %parallel_loop3A_1824 = arith.constant 64 : i32
        %parallel_loop3A_1825 = arith.addi %parallel_loop3A_1291, %parallel_loop3A_1824 : i32
        %parallel_loop3A_1826 = arith.constant 3 : i32
        %parallel_loop3A_1827 = arith.index_cast %parallel_loop3A_1826 : i32 to index
        %parallel_loop3A_1828 = arith.index_cast %parallel_loop3A_1825 : i32 to index
        %parallel_loop3A_1829 = tpu.vector_load %arg5[%parallel_loop3A_1827, %parallel_loop3A_1828] {strides = array<i32>} : memref<8x2048xf32, #tpu.memory_space<vmem>>, vector<1x16xf32>,
        %parallel_loop3A_1830 = vector.shape_cast %parallel_loop3A_1829 : vector<1x16xf32> to vector<16xf32>
        %parallel_loop3A_1831 = arith.constant 64 : i32
        %parallel_loop3A_1832 = arith.addi %parallel_loop3A_1291, %parallel_loop3A_1831 : i32
        %parallel_loop3A_1833 = arith.constant 3 : i32
        %parallel_loop3A_1834 = arith.index_cast %parallel_loop3A_1833 : i32 to index
        %parallel_loop3A_1835 = arith.index_cast %parallel_loop3A_1832 : i32 to index
        %parallel_loop3A_1836 = tpu.vector_load %arg7[%parallel_loop3A_1834, %parallel_loop3A_1835] {strides = array<i32>} : memref<8x2048xf32, #tpu.memory_space<vmem>>, vector<1x16xf32>,
        %parallel_loop3A_1837 = vector.shape_cast %parallel_loop3A_1836 : vector<1x16xf32> to vector<16xf32>
        %parallel_loop3A_1838 = math.exp %parallel_loop3A_1830 : vector<16xf32>
        %parallel_loop3A_1839 = arith.addf %parallel_loop3A_1820, %parallel_loop3A_1838 : vector<16xf32>
        %parallel_loop3A_1840 = arith.mulf %parallel_loop3A_1838, %parallel_loop3A_1837 : vector<16xf32>
        %parallel_loop3A_1841 = arith.addf %parallel_loop3A_1822, %parallel_loop3A_1840 : vector<16xf32>
        %parallel_loop3A_1842 = arith.addf %parallel_loop3A_1823, %parallel_loop3A_1837 : vector<16xf32>
        %parallel_loop3A_1843 = arith.constant 80 : i32
        %parallel_loop3A_1844 = arith.addi %parallel_loop3A_1291, %parallel_loop3A_1843 : i32
        %parallel_loop3A_1845 = arith.constant 3 : i32
        %parallel_loop3A_1846 = arith.index_cast %parallel_loop3A_1845 : i32 to index
        %parallel_loop3A_1847 = arith.index_cast %parallel_loop3A_1844 : i32 to index
        %parallel_loop3A_1848 = tpu.vector_load %arg5[%parallel_loop3A_1846, %parallel_loop3A_1847] {strides = array<i32>} : memref<8x2048xf32, #tpu.memory_space<vmem>>, vector<1x16xf32>,
        %parallel_loop3A_1849 = vector.shape_cast %parallel_loop3A_1848 : vector<1x16xf32> to vector<16xf32>
        %parallel_loop3A_1850 = arith.constant 80 : i32
        %parallel_loop3A_1851 = arith.addi %parallel_loop3A_1291, %parallel_loop3A_1850 : i32
        %parallel_loop3A_1852 = arith.constant 3 : i32
        %parallel_loop3A_1853 = arith.index_cast %parallel_loop3A_1852 : i32 to index
        %parallel_loop3A_1854 = arith.index_cast %parallel_loop3A_1851 : i32 to index
        %parallel_loop3A_1855 = tpu.vector_load %arg7[%parallel_loop3A_1853, %parallel_loop3A_1854] {strides = array<i32>} : memref<8x2048xf32, #tpu.memory_space<vmem>>, vector<1x16xf32>,
        %parallel_loop3A_1856 = vector.shape_cast %parallel_loop3A_1855 : vector<1x16xf32> to vector<16xf32>
        %parallel_loop3A_1857 = math.exp %parallel_loop3A_1849 : vector<16xf32>
        %parallel_loop3A_1858 = arith.addf %parallel_loop3A_1839, %parallel_loop3A_1857 : vector<16xf32>
        %parallel_loop3A_1859 = arith.mulf %parallel_loop3A_1857, %parallel_loop3A_1856 : vector<16xf32>
        %parallel_loop3A_1860 = arith.addf %parallel_loop3A_1841, %parallel_loop3A_1859 : vector<16xf32>
        %parallel_loop3A_1861 = arith.addf %parallel_loop3A_1842, %parallel_loop3A_1856 : vector<16xf32>
        %parallel_loop3A_1862 = arith.constant 96 : i32
        %parallel_loop3A_1863 = arith.addi %parallel_loop3A_1291, %parallel_loop3A_1862 : i32
        %parallel_loop3A_1864 = arith.constant 3 : i32
        %parallel_loop3A_1865 = arith.index_cast %parallel_loop3A_1864 : i32 to index
        %parallel_loop3A_1866 = arith.index_cast %parallel_loop3A_1863 : i32 to index
        %parallel_loop3A_1867 = tpu.vector_load %arg5[%parallel_loop3A_1865, %parallel_loop3A_1866] {strides = array<i32>} : memref<8x2048xf32, #tpu.memory_space<vmem>>, vector<1x16xf32>,
        %parallel_loop3A_1868 = vector.shape_cast %parallel_loop3A_1867 : vector<1x16xf32> to vector<16xf32>
        %parallel_loop3A_1869 = arith.constant 96 : i32
        %parallel_loop3A_1870 = arith.addi %parallel_loop3A_1291, %parallel_loop3A_1869 : i32
        %parallel_loop3A_1871 = arith.constant 3 : i32
        %parallel_loop3A_1872 = arith.index_cast %parallel_loop3A_1871 : i32 to index
        %parallel_loop3A_1873 = arith.index_cast %parallel_loop3A_1870 : i32 to index
        %parallel_loop3A_1874 = tpu.vector_load %arg7[%parallel_loop3A_1872, %parallel_loop3A_1873] {strides = array<i32>} : memref<8x2048xf32, #tpu.memory_space<vmem>>, vector<1x16xf32>,
        %parallel_loop3A_1875 = vector.shape_cast %parallel_loop3A_1874 : vector<1x16xf32> to vector<16xf32>
        %parallel_loop3A_1876 = math.exp %parallel_loop3A_1868 : vector<16xf32>
        %parallel_loop3A_1877 = arith.addf %parallel_loop3A_1858, %parallel_loop3A_1876 : vector<16xf32>
        %parallel_loop3A_1878 = arith.mulf %parallel_loop3A_1876, %parallel_loop3A_1875 : vector<16xf32>
        %parallel_loop3A_1879 = arith.addf %parallel_loop3A_1860, %parallel_loop3A_1878 : vector<16xf32>
        %parallel_loop3A_1880 = arith.addf %parallel_loop3A_1861, %parallel_loop3A_1875 : vector<16xf32>
        %parallel_loop3A_1881 = arith.constant 112 : i32
        %parallel_loop3A_1882 = arith.addi %parallel_loop3A_1291, %parallel_loop3A_1881 : i32
        %parallel_loop3A_1883 = arith.constant 3 : i32
        %parallel_loop3A_1884 = arith.index_cast %parallel_loop3A_1883 : i32 to index
        %parallel_loop3A_1885 = arith.index_cast %parallel_loop3A_1882 : i32 to index
        %parallel_loop3A_1886 = tpu.vector_load %arg5[%parallel_loop3A_1884, %parallel_loop3A_1885] {strides = array<i32>} : memref<8x2048xf32, #tpu.memory_space<vmem>>, vector<1x16xf32>,
        %parallel_loop3A_1887 = vector.shape_cast %parallel_loop3A_1886 : vector<1x16xf32> to vector<16xf32>
        %parallel_loop3A_1888 = arith.constant 112 : i32
        %parallel_loop3A_1889 = arith.addi %parallel_loop3A_1291, %parallel_loop3A_1888 : i32
        %parallel_loop3A_1890 = arith.constant 3 : i32
        %parallel_loop3A_1891 = arith.index_cast %parallel_loop3A_1890 : i32 to index
        %parallel_loop3A_1892 = arith.index_cast %parallel_loop3A_1889 : i32 to index
        %parallel_loop3A_1893 = tpu.vector_load %arg7[%parallel_loop3A_1891, %parallel_loop3A_1892] {strides = array<i32>} : memref<8x2048xf32, #tpu.memory_space<vmem>>, vector<1x16xf32>,
        %parallel_loop3A_1894 = vector.shape_cast %parallel_loop3A_1893 : vector<1x16xf32> to vector<16xf32>
        %parallel_loop3A_1895 = math.exp %parallel_loop3A_1887 : vector<16xf32>
        %parallel_loop3A_1896 = arith.addf %parallel_loop3A_1877, %parallel_loop3A_1895 : vector<16xf32>
        %parallel_loop3A_1897 = arith.mulf %parallel_loop3A_1895, %parallel_loop3A_1894 : vector<16xf32>
        %parallel_loop3A_1898 = arith.addf %parallel_loop3A_1879, %parallel_loop3A_1897 : vector<16xf32>
        %parallel_loop3A_1899 = arith.addf %parallel_loop3A_1880, %parallel_loop3A_1894 : vector<16xf32>
        %parallel_loop3A_1900 = arith.constant 0 : i32
        %parallel_loop3A_1901 = arith.addi %parallel_loop3A_1291, %parallel_loop3A_1900 : i32
        %parallel_loop3A_1902 = arith.constant 4 : i32
        %parallel_loop3A_1903 = arith.index_cast %parallel_loop3A_1902 : i32 to index
        %parallel_loop3A_1904 = arith.index_cast %parallel_loop3A_1901 : i32 to index
        %parallel_loop3A_1905 = tpu.vector_load %arg5[%parallel_loop3A_1903, %parallel_loop3A_1904] {strides = array<i32>} : memref<8x2048xf32, #tpu.memory_space<vmem>>, vector<1x16xf32>,
        %parallel_loop3A_1906 = vector.shape_cast %parallel_loop3A_1905 : vector<1x16xf32> to vector<16xf32>
        %parallel_loop3A_1907 = arith.constant 0 : i32
        %parallel_loop3A_1908 = arith.addi %parallel_loop3A_1291, %parallel_loop3A_1907 : i32
        %parallel_loop3A_1909 = arith.constant 4 : i32
        %parallel_loop3A_1910 = arith.index_cast %parallel_loop3A_1909 : i32 to index
        %parallel_loop3A_1911 = arith.index_cast %parallel_loop3A_1908 : i32 to index
        %parallel_loop3A_1912 = tpu.vector_load %arg7[%parallel_loop3A_1910, %parallel_loop3A_1911] {strides = array<i32>} : memref<8x2048xf32, #tpu.memory_space<vmem>>, vector<1x16xf32>,
        %parallel_loop3A_1913 = vector.shape_cast %parallel_loop3A_1912 : vector<1x16xf32> to vector<16xf32>
        %parallel_loop3A_1914 = math.exp %parallel_loop3A_1906 : vector<16xf32>
        %parallel_loop3A_1915 = arith.addf %parallel_loop3A_1270, %parallel_loop3A_1914 : vector<16xf32>
        %parallel_loop3A_1916 = arith.mulf %parallel_loop3A_1914, %parallel_loop3A_1913 : vector<16xf32>
        %parallel_loop3A_1917 = arith.addf %parallel_loop3A_1278, %parallel_loop3A_1916 : vector<16xf32>
        %parallel_loop3A_1918 = arith.addf %parallel_loop3A_1286, %parallel_loop3A_1913 : vector<16xf32>
        %parallel_loop3A_1919 = arith.constant 16 : i32
        %parallel_loop3A_1920 = arith.addi %parallel_loop3A_1291, %parallel_loop3A_1919 : i32
        %parallel_loop3A_1921 = arith.constant 4 : i32
        %parallel_loop3A_1922 = arith.index_cast %parallel_loop3A_1921 : i32 to index
        %parallel_loop3A_1923 = arith.index_cast %parallel_loop3A_1920 : i32 to index
        %parallel_loop3A_1924 = tpu.vector_load %arg5[%parallel_loop3A_1922, %parallel_loop3A_1923] {strides = array<i32>} : memref<8x2048xf32, #tpu.memory_space<vmem>>, vector<1x16xf32>,
        %parallel_loop3A_1925 = vector.shape_cast %parallel_loop3A_1924 : vector<1x16xf32> to vector<16xf32>
        %parallel_loop3A_1926 = arith.constant 16 : i32
        %parallel_loop3A_1927 = arith.addi %parallel_loop3A_1291, %parallel_loop3A_1926 : i32
        %parallel_loop3A_1928 = arith.constant 4 : i32
        %parallel_loop3A_1929 = arith.index_cast %parallel_loop3A_1928 : i32 to index
        %parallel_loop3A_1930 = arith.index_cast %parallel_loop3A_1927 : i32 to index
        %parallel_loop3A_1931 = tpu.vector_load %arg7[%parallel_loop3A_1929, %parallel_loop3A_1930] {strides = array<i32>} : memref<8x2048xf32, #tpu.memory_space<vmem>>, vector<1x16xf32>,
        %parallel_loop3A_1932 = vector.shape_cast %parallel_loop3A_1931 : vector<1x16xf32> to vector<16xf32>
        %parallel_loop3A_1933 = math.exp %parallel_loop3A_1925 : vector<16xf32>
        %parallel_loop3A_1934 = arith.addf %parallel_loop3A_1915, %parallel_loop3A_1933 : vector<16xf32>
        %parallel_loop3A_1935 = arith.mulf %parallel_loop3A_1933, %parallel_loop3A_1932 : vector<16xf32>
        %parallel_loop3A_1936 = arith.addf %parallel_loop3A_1917, %parallel_loop3A_1935 : vector<16xf32>
        %parallel_loop3A_1937 = arith.addf %parallel_loop3A_1918, %parallel_loop3A_1932 : vector<16xf32>
        %parallel_loop3A_1938 = arith.constant 32 : i32
        %parallel_loop3A_1939 = arith.addi %parallel_loop3A_1291, %parallel_loop3A_1938 : i32
        %parallel_loop3A_1940 = arith.constant 4 : i32
        %parallel_loop3A_1941 = arith.index_cast %parallel_loop3A_1940 : i32 to index
        %parallel_loop3A_1942 = arith.index_cast %parallel_loop3A_1939 : i32 to index
        %parallel_loop3A_1943 = tpu.vector_load %arg5[%parallel_loop3A_1941, %parallel_loop3A_1942] {strides = array<i32>} : memref<8x2048xf32, #tpu.memory_space<vmem>>, vector<1x16xf32>,
        %parallel_loop3A_1944 = vector.shape_cast %parallel_loop3A_1943 : vector<1x16xf32> to vector<16xf32>
        %parallel_loop3A_1945 = arith.constant 32 : i32
        %parallel_loop3A_1946 = arith.addi %parallel_loop3A_1291, %parallel_loop3A_1945 : i32
        %parallel_loop3A_1947 = arith.constant 4 : i32
        %parallel_loop3A_1948 = arith.index_cast %parallel_loop3A_1947 : i32 to index
        %parallel_loop3A_1949 = arith.index_cast %parallel_loop3A_1946 : i32 to index
        %parallel_loop3A_1950 = tpu.vector_load %arg7[%parallel_loop3A_1948, %parallel_loop3A_1949] {strides = array<i32>} : memref<8x2048xf32, #tpu.memory_space<vmem>>, vector<1x16xf32>,
        %parallel_loop3A_1951 = vector.shape_cast %parallel_loop3A_1950 : vector<1x16xf32> to vector<16xf32>
        %parallel_loop3A_1952 = math.exp %parallel_loop3A_1944 : vector<16xf32>
        %parallel_loop3A_1953 = arith.addf %parallel_loop3A_1934, %parallel_loop3A_1952 : vector<16xf32>
        %parallel_loop3A_1954 = arith.mulf %parallel_loop3A_1952, %parallel_loop3A_1951 : vector<16xf32>
        %parallel_loop3A_1955 = arith.addf %parallel_loop3A_1936, %parallel_loop3A_1954 : vector<16xf32>
        %parallel_loop3A_1956 = arith.addf %parallel_loop3A_1937, %parallel_loop3A_1951 : vector<16xf32>
        %parallel_loop3A_1957 = arith.constant 48 : i32
        %parallel_loop3A_1958 = arith.addi %parallel_loop3A_1291, %parallel_loop3A_1957 : i32
        %parallel_loop3A_1959 = arith.constant 4 : i32
        %parallel_loop3A_1960 = arith.index_cast %parallel_loop3A_1959 : i32 to index
        %parallel_loop3A_1961 = arith.index_cast %parallel_loop3A_1958 : i32 to index
        %parallel_loop3A_1962 = tpu.vector_load %arg5[%parallel_loop3A_1960, %parallel_loop3A_1961] {strides = array<i32>} : memref<8x2048xf32, #tpu.memory_space<vmem>>, vector<1x16xf32>,
        %parallel_loop3A_1963 = vector.shape_cast %parallel_loop3A_1962 : vector<1x16xf32> to vector<16xf32>
        %parallel_loop3A_1964 = arith.constant 48 : i32
        %parallel_loop3A_1965 = arith.addi %parallel_loop3A_1291, %parallel_loop3A_1964 : i32
        %parallel_loop3A_1966 = arith.constant 4 : i32
        %parallel_loop3A_1967 = arith.index_cast %parallel_loop3A_1966 : i32 to index
        %parallel_loop3A_1968 = arith.index_cast %parallel_loop3A_1965 : i32 to index
        %parallel_loop3A_1969 = tpu.vector_load %arg7[%parallel_loop3A_1967, %parallel_loop3A_1968] {strides = array<i32>} : memref<8x2048xf32, #tpu.memory_space<vmem>>, vector<1x16xf32>,
        %parallel_loop3A_1970 = vector.shape_cast %parallel_loop3A_1969 : vector<1x16xf32> to vector<16xf32>
        %parallel_loop3A_1971 = math.exp %parallel_loop3A_1963 : vector<16xf32>
        %parallel_loop3A_1972 = arith.addf %parallel_loop3A_1953, %parallel_loop3A_1971 : vector<16xf32>
        %parallel_loop3A_1973 = arith.mulf %parallel_loop3A_1971, %parallel_loop3A_1970 : vector<16xf32>
        %parallel_loop3A_1974 = arith.addf %parallel_loop3A_1955, %parallel_loop3A_1973 : vector<16xf32>
        %parallel_loop3A_1975 = arith.addf %parallel_loop3A_1956, %parallel_loop3A_1970 : vector<16xf32>
        %parallel_loop3A_1976 = arith.constant 64 : i32
        %parallel_loop3A_1977 = arith.addi %parallel_loop3A_1291, %parallel_loop3A_1976 : i32
        %parallel_loop3A_1978 = arith.constant 4 : i32
        %parallel_loop3A_1979 = arith.index_cast %parallel_loop3A_1978 : i32 to index
        %parallel_loop3A_1980 = arith.index_cast %parallel_loop3A_1977 : i32 to index
        %parallel_loop3A_1981 = tpu.vector_load %arg5[%parallel_loop3A_1979, %parallel_loop3A_1980] {strides = array<i32>} : memref<8x2048xf32, #tpu.memory_space<vmem>>, vector<1x16xf32>,
        %parallel_loop3A_1982 = vector.shape_cast %parallel_loop3A_1981 : vector<1x16xf32> to vector<16xf32>
        %parallel_loop3A_1983 = arith.constant 64 : i32
        %parallel_loop3A_1984 = arith.addi %parallel_loop3A_1291, %parallel_loop3A_1983 : i32
        %parallel_loop3A_1985 = arith.constant 4 : i32
        %parallel_loop3A_1986 = arith.index_cast %parallel_loop3A_1985 : i32 to index
        %parallel_loop3A_1987 = arith.index_cast %parallel_loop3A_1984 : i32 to index
        %parallel_loop3A_1988 = tpu.vector_load %arg7[%parallel_loop3A_1986, %parallel_loop3A_1987] {strides = array<i32>} : memref<8x2048xf32, #tpu.memory_space<vmem>>, vector<1x16xf32>,
        %parallel_loop3A_1989 = vector.shape_cast %parallel_loop3A_1988 : vector<1x16xf32> to vector<16xf32>
        %parallel_loop3A_1990 = math.exp %parallel_loop3A_1982 : vector<16xf32>
        %parallel_loop3A_1991 = arith.addf %parallel_loop3A_1972, %parallel_loop3A_1990 : vector<16xf32>
        %parallel_loop3A_1992 = arith.mulf %parallel_loop3A_1990, %parallel_loop3A_1989 : vector<16xf32>
        %parallel_loop3A_1993 = arith.addf %parallel_loop3A_1974, %parallel_loop3A_1992 : vector<16xf32>
        %parallel_loop3A_1994 = arith.addf %parallel_loop3A_1975, %parallel_loop3A_1989 : vector<16xf32>
        %parallel_loop3A_1995 = arith.constant 80 : i32
        %parallel_loop3A_1996 = arith.addi %parallel_loop3A_1291, %parallel_loop3A_1995 : i32
        %parallel_loop3A_1997 = arith.constant 4 : i32
        %parallel_loop3A_1998 = arith.index_cast %parallel_loop3A_1997 : i32 to index
        %parallel_loop3A_1999 = arith.index_cast %parallel_loop3A_1996 : i32 to index
        %parallel_loop3A_2000 = tpu.vector_load %arg5[%parallel_loop3A_1998, %parallel_loop3A_1999] {strides = array<i32>} : memref<8x2048xf32, #tpu.memory_space<vmem>>, vector<1x16xf32>,
        %parallel_loop3A_2001 = vector.shape_cast %parallel_loop3A_2000 : vector<1x16xf32> to vector<16xf32>
        %parallel_loop3A_2002 = arith.constant 80 : i32
        %parallel_loop3A_2003 = arith.addi %parallel_loop3A_1291, %parallel_loop3A_2002 : i32
        %parallel_loop3A_2004 = arith.constant 4 : i32
        %parallel_loop3A_2005 = arith.index_cast %parallel_loop3A_2004 : i32 to index
        %parallel_loop3A_2006 = arith.index_cast %parallel_loop3A_2003 : i32 to index
        %parallel_loop3A_2007 = tpu.vector_load %arg7[%parallel_loop3A_2005, %parallel_loop3A_2006] {strides = array<i32>} : memref<8x2048xf32, #tpu.memory_space<vmem>>, vector<1x16xf32>,
        %parallel_loop3A_2008 = vector.shape_cast %parallel_loop3A_2007 : vector<1x16xf32> to vector<16xf32>
        %parallel_loop3A_2009 = math.exp %parallel_loop3A_2001 : vector<16xf32>
        %parallel_loop3A_2010 = arith.addf %parallel_loop3A_1991, %parallel_loop3A_2009 : vector<16xf32>
        %parallel_loop3A_2011 = arith.mulf %parallel_loop3A_2009, %parallel_loop3A_2008 : vector<16xf32>
        %parallel_loop3A_2012 = arith.addf %parallel_loop3A_1993, %parallel_loop3A_2011 : vector<16xf32>
        %parallel_loop3A_2013 = arith.addf %parallel_loop3A_1994, %parallel_loop3A_2008 : vector<16xf32>
        %parallel_loop3A_2014 = arith.constant 96 : i32
        %parallel_loop3A_2015 = arith.addi %parallel_loop3A_1291, %parallel_loop3A_2014 : i32
        %parallel_loop3A_2016 = arith.constant 4 : i32
        %parallel_loop3A_2017 = arith.index_cast %parallel_loop3A_2016 : i32 to index
        %parallel_loop3A_2018 = arith.index_cast %parallel_loop3A_2015 : i32 to index
        %parallel_loop3A_2019 = tpu.vector_load %arg5[%parallel_loop3A_2017, %parallel_loop3A_2018] {strides = array<i32>} : memref<8x2048xf32, #tpu.memory_space<vmem>>, vector<1x16xf32>,
        %parallel_loop3A_2020 = vector.shape_cast %parallel_loop3A_2019 : vector<1x16xf32> to vector<16xf32>
        %parallel_loop3A_2021 = arith.constant 96 : i32
        %parallel_loop3A_2022 = arith.addi %parallel_loop3A_1291, %parallel_loop3A_2021 : i32
        %parallel_loop3A_2023 = arith.constant 4 : i32
        %parallel_loop3A_2024 = arith.index_cast %parallel_loop3A_2023 : i32 to index
        %parallel_loop3A_2025 = arith.index_cast %parallel_loop3A_2022 : i32 to index
        %parallel_loop3A_2026 = tpu.vector_load %arg7[%parallel_loop3A_2024, %parallel_loop3A_2025] {strides = array<i32>} : memref<8x2048xf32, #tpu.memory_space<vmem>>, vector<1x16xf32>,
        %parallel_loop3A_2027 = vector.shape_cast %parallel_loop3A_2026 : vector<1x16xf32> to vector<16xf32>
        %parallel_loop3A_2028 = math.exp %parallel_loop3A_2020 : vector<16xf32>
        %parallel_loop3A_2029 = arith.addf %parallel_loop3A_2010, %parallel_loop3A_2028 : vector<16xf32>
        %parallel_loop3A_2030 = arith.mulf %parallel_loop3A_2028, %parallel_loop3A_2027 : vector<16xf32>
        %parallel_loop3A_2031 = arith.addf %parallel_loop3A_2012, %parallel_loop3A_2030 : vector<16xf32>
        %parallel_loop3A_2032 = arith.addf %parallel_loop3A_2013, %parallel_loop3A_2027 : vector<16xf32>
        %parallel_loop3A_2033 = arith.constant 112 : i32
        %parallel_loop3A_2034 = arith.addi %parallel_loop3A_1291, %parallel_loop3A_2033 : i32
        %parallel_loop3A_2035 = arith.constant 4 : i32
        %parallel_loop3A_2036 = arith.index_cast %parallel_loop3A_2035 : i32 to index
        %parallel_loop3A_2037 = arith.index_cast %parallel_loop3A_2034 : i32 to index
        %parallel_loop3A_2038 = tpu.vector_load %arg5[%parallel_loop3A_2036, %parallel_loop3A_2037] {strides = array<i32>} : memref<8x2048xf32, #tpu.memory_space<vmem>>, vector<1x16xf32>,
        %parallel_loop3A_2039 = vector.shape_cast %parallel_loop3A_2038 : vector<1x16xf32> to vector<16xf32>
        %parallel_loop3A_2040 = arith.constant 112 : i32
        %parallel_loop3A_2041 = arith.addi %parallel_loop3A_1291, %parallel_loop3A_2040 : i32
        %parallel_loop3A_2042 = arith.constant 4 : i32
        %parallel_loop3A_2043 = arith.index_cast %parallel_loop3A_2042 : i32 to index
        %parallel_loop3A_2044 = arith.index_cast %parallel_loop3A_2041 : i32 to index
        %parallel_loop3A_2045 = tpu.vector_load %arg7[%parallel_loop3A_2043, %parallel_loop3A_2044] {strides = array<i32>} : memref<8x2048xf32, #tpu.memory_space<vmem>>, vector<1x16xf32>,
        %parallel_loop3A_2046 = vector.shape_cast %parallel_loop3A_2045 : vector<1x16xf32> to vector<16xf32>
        %parallel_loop3A_2047 = math.exp %parallel_loop3A_2039 : vector<16xf32>
        %parallel_loop3A_2048 = arith.addf %parallel_loop3A_2029, %parallel_loop3A_2047 : vector<16xf32>
        %parallel_loop3A_2049 = arith.mulf %parallel_loop3A_2047, %parallel_loop3A_2046 : vector<16xf32>
        %parallel_loop3A_2050 = arith.addf %parallel_loop3A_2031, %parallel_loop3A_2049 : vector<16xf32>
        %parallel_loop3A_2051 = arith.addf %parallel_loop3A_2032, %parallel_loop3A_2046 : vector<16xf32>
        %parallel_loop3A_2052 = arith.constant 0 : i32
        %parallel_loop3A_2053 = arith.addi %parallel_loop3A_1291, %parallel_loop3A_2052 : i32
        %parallel_loop3A_2054 = arith.constant 5 : i32
        %parallel_loop3A_2055 = arith.index_cast %parallel_loop3A_2054 : i32 to index
        %parallel_loop3A_2056 = arith.index_cast %parallel_loop3A_2053 : i32 to index
        %parallel_loop3A_2057 = tpu.vector_load %arg5[%parallel_loop3A_2055, %parallel_loop3A_2056] {strides = array<i32>} : memref<8x2048xf32, #tpu.memory_space<vmem>>, vector<1x16xf32>,
        %parallel_loop3A_2058 = vector.shape_cast %parallel_loop3A_2057 : vector<1x16xf32> to vector<16xf32>
        %parallel_loop3A_2059 = arith.constant 0 : i32
        %parallel_loop3A_2060 = arith.addi %parallel_loop3A_1291, %parallel_loop3A_2059 : i32
        %parallel_loop3A_2061 = arith.constant 5 : i32
        %parallel_loop3A_2062 = arith.index_cast %parallel_loop3A_2061 : i32 to index
        %parallel_loop3A_2063 = arith.index_cast %parallel_loop3A_2060 : i32 to index
        %parallel_loop3A_2064 = tpu.vector_load %arg7[%parallel_loop3A_2062, %parallel_loop3A_2063] {strides = array<i32>} : memref<8x2048xf32, #tpu.memory_space<vmem>>, vector<1x16xf32>,
        %parallel_loop3A_2065 = vector.shape_cast %parallel_loop3A_2064 : vector<1x16xf32> to vector<16xf32>
        %parallel_loop3A_2066 = math.exp %parallel_loop3A_2058 : vector<16xf32>
        %parallel_loop3A_2067 = arith.addf %parallel_loop3A_1271, %parallel_loop3A_2066 : vector<16xf32>
        %parallel_loop3A_2068 = arith.mulf %parallel_loop3A_2066, %parallel_loop3A_2065 : vector<16xf32>
        %parallel_loop3A_2069 = arith.addf %parallel_loop3A_1279, %parallel_loop3A_2068 : vector<16xf32>
        %parallel_loop3A_2070 = arith.addf %parallel_loop3A_1287, %parallel_loop3A_2065 : vector<16xf32>
        %parallel_loop3A_2071 = arith.constant 16 : i32
        %parallel_loop3A_2072 = arith.addi %parallel_loop3A_1291, %parallel_loop3A_2071 : i32
        %parallel_loop3A_2073 = arith.constant 5 : i32
        %parallel_loop3A_2074 = arith.index_cast %parallel_loop3A_2073 : i32 to index
        %parallel_loop3A_2075 = arith.index_cast %parallel_loop3A_2072 : i32 to index
        %parallel_loop3A_2076 = tpu.vector_load %arg5[%parallel_loop3A_2074, %parallel_loop3A_2075] {strides = array<i32>} : memref<8x2048xf32, #tpu.memory_space<vmem>>, vector<1x16xf32>,
        %parallel_loop3A_2077 = vector.shape_cast %parallel_loop3A_2076 : vector<1x16xf32> to vector<16xf32>
        %parallel_loop3A_2078 = arith.constant 16 : i32
        %parallel_loop3A_2079 = arith.addi %parallel_loop3A_1291, %parallel_loop3A_2078 : i32
        %parallel_loop3A_2080 = arith.constant 5 : i32
        %parallel_loop3A_2081 = arith.index_cast %parallel_loop3A_2080 : i32 to index
        %parallel_loop3A_2082 = arith.index_cast %parallel_loop3A_2079 : i32 to index
        %parallel_loop3A_2083 = tpu.vector_load %arg7[%parallel_loop3A_2081, %parallel_loop3A_2082] {strides = array<i32>} : memref<8x2048xf32, #tpu.memory_space<vmem>>, vector<1x16xf32>,
        %parallel_loop3A_2084 = vector.shape_cast %parallel_loop3A_2083 : vector<1x16xf32> to vector<16xf32>
        %parallel_loop3A_2085 = math.exp %parallel_loop3A_2077 : vector<16xf32>
        %parallel_loop3A_2086 = arith.addf %parallel_loop3A_2067, %parallel_loop3A_2085 : vector<16xf32>
        %parallel_loop3A_2087 = arith.mulf %parallel_loop3A_2085, %parallel_loop3A_2084 : vector<16xf32>
        %parallel_loop3A_2088 = arith.addf %parallel_loop3A_2069, %parallel_loop3A_2087 : vector<16xf32>
        %parallel_loop3A_2089 = arith.addf %parallel_loop3A_2070, %parallel_loop3A_2084 : vector<16xf32>
        %parallel_loop3A_2090 = arith.constant 32 : i32
        %parallel_loop3A_2091 = arith.addi %parallel_loop3A_1291, %parallel_loop3A_2090 : i32
        %parallel_loop3A_2092 = arith.constant 5 : i32
        %parallel_loop3A_2093 = arith.index_cast %parallel_loop3A_2092 : i32 to index
        %parallel_loop3A_2094 = arith.index_cast %parallel_loop3A_2091 : i32 to index
        %parallel_loop3A_2095 = tpu.vector_load %arg5[%parallel_loop3A_2093, %parallel_loop3A_2094] {strides = array<i32>} : memref<8x2048xf32, #tpu.memory_space<vmem>>, vector<1x16xf32>,
        %parallel_loop3A_2096 = vector.shape_cast %parallel_loop3A_2095 : vector<1x16xf32> to vector<16xf32>
        %parallel_loop3A_2097 = arith.constant 32 : i32
        %parallel_loop3A_2098 = arith.addi %parallel_loop3A_1291, %parallel_loop3A_2097 : i32
        %parallel_loop3A_2099 = arith.constant 5 : i32
        %parallel_loop3A_2100 = arith.index_cast %parallel_loop3A_2099 : i32 to index
        %parallel_loop3A_2101 = arith.index_cast %parallel_loop3A_2098 : i32 to index
        %parallel_loop3A_2102 = tpu.vector_load %arg7[%parallel_loop3A_2100, %parallel_loop3A_2101] {strides = array<i32>} : memref<8x2048xf32, #tpu.memory_space<vmem>>, vector<1x16xf32>,
        %parallel_loop3A_2103 = vector.shape_cast %parallel_loop3A_2102 : vector<1x16xf32> to vector<16xf32>
        %parallel_loop3A_2104 = math.exp %parallel_loop3A_2096 : vector<16xf32>
        %parallel_loop3A_2105 = arith.addf %parallel_loop3A_2086, %parallel_loop3A_2104 : vector<16xf32>
        %parallel_loop3A_2106 = arith.mulf %parallel_loop3A_2104, %parallel_loop3A_2103 : vector<16xf32>
        %parallel_loop3A_2107 = arith.addf %parallel_loop3A_2088, %parallel_loop3A_2106 : vector<16xf32>
        %parallel_loop3A_2108 = arith.addf %parallel_loop3A_2089, %parallel_loop3A_2103 : vector<16xf32>
        %parallel_loop3A_2109 = arith.constant 48 : i32
        %parallel_loop3A_2110 = arith.addi %parallel_loop3A_1291, %parallel_loop3A_2109 : i32
        %parallel_loop3A_2111 = arith.constant 5 : i32
        %parallel_loop3A_2112 = arith.index_cast %parallel_loop3A_2111 : i32 to index
        %parallel_loop3A_2113 = arith.index_cast %parallel_loop3A_2110 : i32 to index
        %parallel_loop3A_2114 = tpu.vector_load %arg5[%parallel_loop3A_2112, %parallel_loop3A_2113] {strides = array<i32>} : memref<8x2048xf32, #tpu.memory_space<vmem>>, vector<1x16xf32>,
        %parallel_loop3A_2115 = vector.shape_cast %parallel_loop3A_2114 : vector<1x16xf32> to vector<16xf32>
        %parallel_loop3A_2116 = arith.constant 48 : i32
        %parallel_loop3A_2117 = arith.addi %parallel_loop3A_1291, %parallel_loop3A_2116 : i32
        %parallel_loop3A_2118 = arith.constant 5 : i32
        %parallel_loop3A_2119 = arith.index_cast %parallel_loop3A_2118 : i32 to index
        %parallel_loop3A_2120 = arith.index_cast %parallel_loop3A_2117 : i32 to index
        %parallel_loop3A_2121 = tpu.vector_load %arg7[%parallel_loop3A_2119, %parallel_loop3A_2120] {strides = array<i32>} : memref<8x2048xf32, #tpu.memory_space<vmem>>, vector<1x16xf32>,
        %parallel_loop3A_2122 = vector.shape_cast %parallel_loop3A_2121 : vector<1x16xf32> to vector<16xf32>
        %parallel_loop3A_2123 = math.exp %parallel_loop3A_2115 : vector<16xf32>
        %parallel_loop3A_2124 = arith.addf %parallel_loop3A_2105, %parallel_loop3A_2123 : vector<16xf32>
        %parallel_loop3A_2125 = arith.mulf %parallel_loop3A_2123, %parallel_loop3A_2122 : vector<16xf32>
        %parallel_loop3A_2126 = arith.addf %parallel_loop3A_2107, %parallel_loop3A_2125 : vector<16xf32>
        %parallel_loop3A_2127 = arith.addf %parallel_loop3A_2108, %parallel_loop3A_2122 : vector<16xf32>
        %parallel_loop3A_2128 = arith.constant 64 : i32
        %parallel_loop3A_2129 = arith.addi %parallel_loop3A_1291, %parallel_loop3A_2128 : i32
        %parallel_loop3A_2130 = arith.constant 5 : i32
        %parallel_loop3A_2131 = arith.index_cast %parallel_loop3A_2130 : i32 to index
        %parallel_loop3A_2132 = arith.index_cast %parallel_loop3A_2129 : i32 to index
        %parallel_loop3A_2133 = tpu.vector_load %arg5[%parallel_loop3A_2131, %parallel_loop3A_2132] {strides = array<i32>} : memref<8x2048xf32, #tpu.memory_space<vmem>>, vector<1x16xf32>,
        %parallel_loop3A_2134 = vector.shape_cast %parallel_loop3A_2133 : vector<1x16xf32> to vector<16xf32>
        %parallel_loop3A_2135 = arith.constant 64 : i32
        %parallel_loop3A_2136 = arith.addi %parallel_loop3A_1291, %parallel_loop3A_2135 : i32
        %parallel_loop3A_2137 = arith.constant 5 : i32
        %parallel_loop3A_2138 = arith.index_cast %parallel_loop3A_2137 : i32 to index
        %parallel_loop3A_2139 = arith.index_cast %parallel_loop3A_2136 : i32 to index
        %parallel_loop3A_2140 = tpu.vector_load %arg7[%parallel_loop3A_2138, %parallel_loop3A_2139] {strides = array<i32>} : memref<8x2048xf32, #tpu.memory_space<vmem>>, vector<1x16xf32>,
        %parallel_loop3A_2141 = vector.shape_cast %parallel_loop3A_2140 : vector<1x16xf32> to vector<16xf32>
        %parallel_loop3A_2142 = math.exp %parallel_loop3A_2134 : vector<16xf32>
        %parallel_loop3A_2143 = arith.addf %parallel_loop3A_2124, %parallel_loop3A_2142 : vector<16xf32>
        %parallel_loop3A_2144 = arith.mulf %parallel_loop3A_2142, %parallel_loop3A_2141 : vector<16xf32>
        %parallel_loop3A_2145 = arith.addf %parallel_loop3A_2126, %parallel_loop3A_2144 : vector<16xf32>
        %parallel_loop3A_2146 = arith.addf %parallel_loop3A_2127, %parallel_loop3A_2141 : vector<16xf32>
        %parallel_loop3A_2147 = arith.constant 80 : i32
        %parallel_loop3A_2148 = arith.addi %parallel_loop3A_1291, %parallel_loop3A_2147 : i32
        %parallel_loop3A_2149 = arith.constant 5 : i32
        %parallel_loop3A_2150 = arith.index_cast %parallel_loop3A_2149 : i32 to index
        %parallel_loop3A_2151 = arith.index_cast %parallel_loop3A_2148 : i32 to index
        %parallel_loop3A_2152 = tpu.vector_load %arg5[%parallel_loop3A_2150, %parallel_loop3A_2151] {strides = array<i32>} : memref<8x2048xf32, #tpu.memory_space<vmem>>, vector<1x16xf32>,
        %parallel_loop3A_2153 = vector.shape_cast %parallel_loop3A_2152 : vector<1x16xf32> to vector<16xf32>
        %parallel_loop3A_2154 = arith.constant 80 : i32
        %parallel_loop3A_2155 = arith.addi %parallel_loop3A_1291, %parallel_loop3A_2154 : i32
        %parallel_loop3A_2156 = arith.constant 5 : i32
        %parallel_loop3A_2157 = arith.index_cast %parallel_loop3A_2156 : i32 to index
        %parallel_loop3A_2158 = arith.index_cast %parallel_loop3A_2155 : i32 to index
        %parallel_loop3A_2159 = tpu.vector_load %arg7[%parallel_loop3A_2157, %parallel_loop3A_2158] {strides = array<i32>} : memref<8x2048xf32, #tpu.memory_space<vmem>>, vector<1x16xf32>,
        %parallel_loop3A_2160 = vector.shape_cast %parallel_loop3A_2159 : vector<1x16xf32> to vector<16xf32>
        %parallel_loop3A_2161 = math.exp %parallel_loop3A_2153 : vector<16xf32>
        %parallel_loop3A_2162 = arith.addf %parallel_loop3A_2143, %parallel_loop3A_2161 : vector<16xf32>
        %parallel_loop3A_2163 = arith.mulf %parallel_loop3A_2161, %parallel_loop3A_2160 : vector<16xf32>
        %parallel_loop3A_2164 = arith.addf %parallel_loop3A_2145, %parallel_loop3A_2163 : vector<16xf32>
        %parallel_loop3A_2165 = arith.addf %parallel_loop3A_2146, %parallel_loop3A_2160 : vector<16xf32>
        %parallel_loop3A_2166 = arith.constant 96 : i32
        %parallel_loop3A_2167 = arith.addi %parallel_loop3A_1291, %parallel_loop3A_2166 : i32
        %parallel_loop3A_2168 = arith.constant 5 : i32
        %parallel_loop3A_2169 = arith.index_cast %parallel_loop3A_2168 : i32 to index
        %parallel_loop3A_2170 = arith.index_cast %parallel_loop3A_2167 : i32 to index
        %parallel_loop3A_2171 = tpu.vector_load %arg5[%parallel_loop3A_2169, %parallel_loop3A_2170] {strides = array<i32>} : memref<8x2048xf32, #tpu.memory_space<vmem>>, vector<1x16xf32>,
        %parallel_loop3A_2172 = vector.shape_cast %parallel_loop3A_2171 : vector<1x16xf32> to vector<16xf32>
        %parallel_loop3A_2173 = arith.constant 96 : i32
        %parallel_loop3A_2174 = arith.addi %parallel_loop3A_1291, %parallel_loop3A_2173 : i32
        %parallel_loop3A_2175 = arith.constant 5 : i32
        %parallel_loop3A_2176 = arith.index_cast %parallel_loop3A_2175 : i32 to index
        %parallel_loop3A_2177 = arith.index_cast %parallel_loop3A_2174 : i32 to index
        %parallel_loop3A_2178 = tpu.vector_load %arg7[%parallel_loop3A_2176, %parallel_loop3A_2177] {strides = array<i32>} : memref<8x2048xf32, #tpu.memory_space<vmem>>, vector<1x16xf32>,
        %parallel_loop3A_2179 = vector.shape_cast %parallel_loop3A_2178 : vector<1x16xf32> to vector<16xf32>
        %parallel_loop3A_2180 = math.exp %parallel_loop3A_2172 : vector<16xf32>
        %parallel_loop3A_2181 = arith.addf %parallel_loop3A_2162, %parallel_loop3A_2180 : vector<16xf32>
        %parallel_loop3A_2182 = arith.mulf %parallel_loop3A_2180, %parallel_loop3A_2179 : vector<16xf32>
        %parallel_loop3A_2183 = arith.addf %parallel_loop3A_2164, %parallel_loop3A_2182 : vector<16xf32>
        %parallel_loop3A_2184 = arith.addf %parallel_loop3A_2165, %parallel_loop3A_2179 : vector<16xf32>
        %parallel_loop3A_2185 = arith.constant 112 : i32
        %parallel_loop3A_2186 = arith.addi %parallel_loop3A_1291, %parallel_loop3A_2185 : i32
        %parallel_loop3A_2187 = arith.constant 5 : i32
        %parallel_loop3A_2188 = arith.index_cast %parallel_loop3A_2187 : i32 to index
        %parallel_loop3A_2189 = arith.index_cast %parallel_loop3A_2186 : i32 to index
        %parallel_loop3A_2190 = tpu.vector_load %arg5[%parallel_loop3A_2188, %parallel_loop3A_2189] {strides = array<i32>} : memref<8x2048xf32, #tpu.memory_space<vmem>>, vector<1x16xf32>,
        %parallel_loop3A_2191 = vector.shape_cast %parallel_loop3A_2190 : vector<1x16xf32> to vector<16xf32>
        %parallel_loop3A_2192 = arith.constant 112 : i32
        %parallel_loop3A_2193 = arith.addi %parallel_loop3A_1291, %parallel_loop3A_2192 : i32
        %parallel_loop3A_2194 = arith.constant 5 : i32
        %parallel_loop3A_2195 = arith.index_cast %parallel_loop3A_2194 : i32 to index
        %parallel_loop3A_2196 = arith.index_cast %parallel_loop3A_2193 : i32 to index
        %parallel_loop3A_2197 = tpu.vector_load %arg7[%parallel_loop3A_2195, %parallel_loop3A_2196] {strides = array<i32>} : memref<8x2048xf32, #tpu.memory_space<vmem>>, vector<1x16xf32>,
        %parallel_loop3A_2198 = vector.shape_cast %parallel_loop3A_2197 : vector<1x16xf32> to vector<16xf32>
        %parallel_loop3A_2199 = math.exp %parallel_loop3A_2191 : vector<16xf32>
        %parallel_loop3A_2200 = arith.addf %parallel_loop3A_2181, %parallel_loop3A_2199 : vector<16xf32>
        %parallel_loop3A_2201 = arith.mulf %parallel_loop3A_2199, %parallel_loop3A_2198 : vector<16xf32>
        %parallel_loop3A_2202 = arith.addf %parallel_loop3A_2183, %parallel_loop3A_2201 : vector<16xf32>
        %parallel_loop3A_2203 = arith.addf %parallel_loop3A_2184, %parallel_loop3A_2198 : vector<16xf32>
        %parallel_loop3A_2204 = arith.constant 0 : i32
        %parallel_loop3A_2205 = arith.addi %parallel_loop3A_1291, %parallel_loop3A_2204 : i32
        %parallel_loop3A_2206 = arith.constant 6 : i32
        %parallel_loop3A_2207 = arith.index_cast %parallel_loop3A_2206 : i32 to index
        %parallel_loop3A_2208 = arith.index_cast %parallel_loop3A_2205 : i32 to index
        %parallel_loop3A_2209 = tpu.vector_load %arg5[%parallel_loop3A_2207, %parallel_loop3A_2208] {strides = array<i32>} : memref<8x2048xf32, #tpu.memory_space<vmem>>, vector<1x16xf32>,
        %parallel_loop3A_2210 = vector.shape_cast %parallel_loop3A_2209 : vector<1x16xf32> to vector<16xf32>
        %parallel_loop3A_2211 = arith.constant 0 : i32
        %parallel_loop3A_2212 = arith.addi %parallel_loop3A_1291, %parallel_loop3A_2211 : i32
        %parallel_loop3A_2213 = arith.constant 6 : i32
        %parallel_loop3A_2214 = arith.index_cast %parallel_loop3A_2213 : i32 to index
        %parallel_loop3A_2215 = arith.index_cast %parallel_loop3A_2212 : i32 to index
        %parallel_loop3A_2216 = tpu.vector_load %arg7[%parallel_loop3A_2214, %parallel_loop3A_2215] {strides = array<i32>} : memref<8x2048xf32, #tpu.memory_space<vmem>>, vector<1x16xf32>,
        %parallel_loop3A_2217 = vector.shape_cast %parallel_loop3A_2216 : vector<1x16xf32> to vector<16xf32>
        %parallel_loop3A_2218 = math.exp %parallel_loop3A_2210 : vector<16xf32>
        %parallel_loop3A_2219 = arith.addf %parallel_loop3A_1272, %parallel_loop3A_2218 : vector<16xf32>
        %parallel_loop3A_2220 = arith.mulf %parallel_loop3A_2218, %parallel_loop3A_2217 : vector<16xf32>
        %parallel_loop3A_2221 = arith.addf %parallel_loop3A_1280, %parallel_loop3A_2220 : vector<16xf32>
        %parallel_loop3A_2222 = arith.addf %parallel_loop3A_1288, %parallel_loop3A_2217 : vector<16xf32>
        %parallel_loop3A_2223 = arith.constant 16 : i32
        %parallel_loop3A_2224 = arith.addi %parallel_loop3A_1291, %parallel_loop3A_2223 : i32
        %parallel_loop3A_2225 = arith.constant 6 : i32
        %parallel_loop3A_2226 = arith.index_cast %parallel_loop3A_2225 : i32 to index
        %parallel_loop3A_2227 = arith.index_cast %parallel_loop3A_2224 : i32 to index
        %parallel_loop3A_2228 = tpu.vector_load %arg5[%parallel_loop3A_2226, %parallel_loop3A_2227] {strides = array<i32>} : memref<8x2048xf32, #tpu.memory_space<vmem>>, vector<1x16xf32>,
        %parallel_loop3A_2229 = vector.shape_cast %parallel_loop3A_2228 : vector<1x16xf32> to vector<16xf32>
        %parallel_loop3A_2230 = arith.constant 16 : i32
        %parallel_loop3A_2231 = arith.addi %parallel_loop3A_1291, %parallel_loop3A_2230 : i32
        %parallel_loop3A_2232 = arith.constant 6 : i32
        %parallel_loop3A_2233 = arith.index_cast %parallel_loop3A_2232 : i32 to index
        %parallel_loop3A_2234 = arith.index_cast %parallel_loop3A_2231 : i32 to index
        %parallel_loop3A_2235 = tpu.vector_load %arg7[%parallel_loop3A_2233, %parallel_loop3A_2234] {strides = array<i32>} : memref<8x2048xf32, #tpu.memory_space<vmem>>, vector<1x16xf32>,
        %parallel_loop3A_2236 = vector.shape_cast %parallel_loop3A_2235 : vector<1x16xf32> to vector<16xf32>
        %parallel_loop3A_2237 = math.exp %parallel_loop3A_2229 : vector<16xf32>
        %parallel_loop3A_2238 = arith.addf %parallel_loop3A_2219, %parallel_loop3A_2237 : vector<16xf32>
        %parallel_loop3A_2239 = arith.mulf %parallel_loop3A_2237, %parallel_loop3A_2236 : vector<16xf32>
        %parallel_loop3A_2240 = arith.addf %parallel_loop3A_2221, %parallel_loop3A_2239 : vector<16xf32>
        %parallel_loop3A_2241 = arith.addf %parallel_loop3A_2222, %parallel_loop3A_2236 : vector<16xf32>
        %parallel_loop3A_2242 = arith.constant 32 : i32
        %parallel_loop3A_2243 = arith.addi %parallel_loop3A_1291, %parallel_loop3A_2242 : i32
        %parallel_loop3A_2244 = arith.constant 6 : i32
        %parallel_loop3A_2245 = arith.index_cast %parallel_loop3A_2244 : i32 to index
        %parallel_loop3A_2246 = arith.index_cast %parallel_loop3A_2243 : i32 to index
        %parallel_loop3A_2247 = tpu.vector_load %arg5[%parallel_loop3A_2245, %parallel_loop3A_2246] {strides = array<i32>} : memref<8x2048xf32, #tpu.memory_space<vmem>>, vector<1x16xf32>,
        %parallel_loop3A_2248 = vector.shape_cast %parallel_loop3A_2247 : vector<1x16xf32> to vector<16xf32>
        %parallel_loop3A_2249 = arith.constant 32 : i32
        %parallel_loop3A_2250 = arith.addi %parallel_loop3A_1291, %parallel_loop3A_2249 : i32
        %parallel_loop3A_2251 = arith.constant 6 : i32
        %parallel_loop3A_2252 = arith.index_cast %parallel_loop3A_2251 : i32 to index
        %parallel_loop3A_2253 = arith.index_cast %parallel_loop3A_2250 : i32 to index
        %parallel_loop3A_2254 = tpu.vector_load %arg7[%parallel_loop3A_2252, %parallel_loop3A_2253] {strides = array<i32>} : memref<8x2048xf32, #tpu.memory_space<vmem>>, vector<1x16xf32>,
        %parallel_loop3A_2255 = vector.shape_cast %parallel_loop3A_2254 : vector<1x16xf32> to vector<16xf32>
        %parallel_loop3A_2256 = math.exp %parallel_loop3A_2248 : vector<16xf32>
        %parallel_loop3A_2257 = arith.addf %parallel_loop3A_2238, %parallel_loop3A_2256 : vector<16xf32>
        %parallel_loop3A_2258 = arith.mulf %parallel_loop3A_2256, %parallel_loop3A_2255 : vector<16xf32>
        %parallel_loop3A_2259 = arith.addf %parallel_loop3A_2240, %parallel_loop3A_2258 : vector<16xf32>
        %parallel_loop3A_2260 = arith.addf %parallel_loop3A_2241, %parallel_loop3A_2255 : vector<16xf32>
        %parallel_loop3A_2261 = arith.constant 48 : i32
        %parallel_loop3A_2262 = arith.addi %parallel_loop3A_1291, %parallel_loop3A_2261 : i32
        %parallel_loop3A_2263 = arith.constant 6 : i32
        %parallel_loop3A_2264 = arith.index_cast %parallel_loop3A_2263 : i32 to index
        %parallel_loop3A_2265 = arith.index_cast %parallel_loop3A_2262 : i32 to index
        %parallel_loop3A_2266 = tpu.vector_load %arg5[%parallel_loop3A_2264, %parallel_loop3A_2265] {strides = array<i32>} : memref<8x2048xf32, #tpu.memory_space<vmem>>, vector<1x16xf32>,
        %parallel_loop3A_2267 = vector.shape_cast %parallel_loop3A_2266 : vector<1x16xf32> to vector<16xf32>
        %parallel_loop3A_2268 = arith.constant 48 : i32
        %parallel_loop3A_2269 = arith.addi %parallel_loop3A_1291, %parallel_loop3A_2268 : i32
        %parallel_loop3A_2270 = arith.constant 6 : i32
        %parallel_loop3A_2271 = arith.index_cast %parallel_loop3A_2270 : i32 to index
        %parallel_loop3A_2272 = arith.index_cast %parallel_loop3A_2269 : i32 to index
        %parallel_loop3A_2273 = tpu.vector_load %arg7[%parallel_loop3A_2271, %parallel_loop3A_2272] {strides = array<i32>} : memref<8x2048xf32, #tpu.memory_space<vmem>>, vector<1x16xf32>,
        %parallel_loop3A_2274 = vector.shape_cast %parallel_loop3A_2273 : vector<1x16xf32> to vector<16xf32>
        %parallel_loop3A_2275 = math.exp %parallel_loop3A_2267 : vector<16xf32>
        %parallel_loop3A_2276 = arith.addf %parallel_loop3A_2257, %parallel_loop3A_2275 : vector<16xf32>
        %parallel_loop3A_2277 = arith.mulf %parallel_loop3A_2275, %parallel_loop3A_2274 : vector<16xf32>
        %parallel_loop3A_2278 = arith.addf %parallel_loop3A_2259, %parallel_loop3A_2277 : vector<16xf32>
        %parallel_loop3A_2279 = arith.addf %parallel_loop3A_2260, %parallel_loop3A_2274 : vector<16xf32>
        %parallel_loop3A_2280 = arith.constant 64 : i32
        %parallel_loop3A_2281 = arith.addi %parallel_loop3A_1291, %parallel_loop3A_2280 : i32
        %parallel_loop3A_2282 = arith.constant 6 : i32
        %parallel_loop3A_2283 = arith.index_cast %parallel_loop3A_2282 : i32 to index
        %parallel_loop3A_2284 = arith.index_cast %parallel_loop3A_2281 : i32 to index
        %parallel_loop3A_2285 = tpu.vector_load %arg5[%parallel_loop3A_2283, %parallel_loop3A_2284] {strides = array<i32>} : memref<8x2048xf32, #tpu.memory_space<vmem>>, vector<1x16xf32>,
        %parallel_loop3A_2286 = vector.shape_cast %parallel_loop3A_2285 : vector<1x16xf32> to vector<16xf32>
        %parallel_loop3A_2287 = arith.constant 64 : i32
        %parallel_loop3A_2288 = arith.addi %parallel_loop3A_1291, %parallel_loop3A_2287 : i32
        %parallel_loop3A_2289 = arith.constant 6 : i32
        %parallel_loop3A_2290 = arith.index_cast %parallel_loop3A_2289 : i32 to index
        %parallel_loop3A_2291 = arith.index_cast %parallel_loop3A_2288 : i32 to index
        %parallel_loop3A_2292 = tpu.vector_load %arg7[%parallel_loop3A_2290, %parallel_loop3A_2291] {strides = array<i32>} : memref<8x2048xf32, #tpu.memory_space<vmem>>, vector<1x16xf32>,
        %parallel_loop3A_2293 = vector.shape_cast %parallel_loop3A_2292 : vector<1x16xf32> to vector<16xf32>
        %parallel_loop3A_2294 = math.exp %parallel_loop3A_2286 : vector<16xf32>
        %parallel_loop3A_2295 = arith.addf %parallel_loop3A_2276, %parallel_loop3A_2294 : vector<16xf32>
        %parallel_loop3A_2296 = arith.mulf %parallel_loop3A_2294, %parallel_loop3A_2293 : vector<16xf32>
        %parallel_loop3A_2297 = arith.addf %parallel_loop3A_2278, %parallel_loop3A_2296 : vector<16xf32>
        %parallel_loop3A_2298 = arith.addf %parallel_loop3A_2279, %parallel_loop3A_2293 : vector<16xf32>
        %parallel_loop3A_2299 = arith.constant 80 : i32
        %parallel_loop3A_2300 = arith.addi %parallel_loop3A_1291, %parallel_loop3A_2299 : i32
        %parallel_loop3A_2301 = arith.constant 6 : i32
        %parallel_loop3A_2302 = arith.index_cast %parallel_loop3A_2301 : i32 to index
        %parallel_loop3A_2303 = arith.index_cast %parallel_loop3A_2300 : i32 to index
        %parallel_loop3A_2304 = tpu.vector_load %arg5[%parallel_loop3A_2302, %parallel_loop3A_2303] {strides = array<i32>} : memref<8x2048xf32, #tpu.memory_space<vmem>>, vector<1x16xf32>,
        %parallel_loop3A_2305 = vector.shape_cast %parallel_loop3A_2304 : vector<1x16xf32> to vector<16xf32>
        %parallel_loop3A_2306 = arith.constant 80 : i32
        %parallel_loop3A_2307 = arith.addi %parallel_loop3A_1291, %parallel_loop3A_2306 : i32
        %parallel_loop3A_2308 = arith.constant 6 : i32
        %parallel_loop3A_2309 = arith.index_cast %parallel_loop3A_2308 : i32 to index
        %parallel_loop3A_2310 = arith.index_cast %parallel_loop3A_2307 : i32 to index
        %parallel_loop3A_2311 = tpu.vector_load %arg7[%parallel_loop3A_2309, %parallel_loop3A_2310] {strides = array<i32>} : memref<8x2048xf32, #tpu.memory_space<vmem>>, vector<1x16xf32>,
        %parallel_loop3A_2312 = vector.shape_cast %parallel_loop3A_2311 : vector<1x16xf32> to vector<16xf32>
        %parallel_loop3A_2313 = math.exp %parallel_loop3A_2305 : vector<16xf32>
        %parallel_loop3A_2314 = arith.addf %parallel_loop3A_2295, %parallel_loop3A_2313 : vector<16xf32>
        %parallel_loop3A_2315 = arith.mulf %parallel_loop3A_2313, %parallel_loop3A_2312 : vector<16xf32>
        %parallel_loop3A_2316 = arith.addf %parallel_loop3A_2297, %parallel_loop3A_2315 : vector<16xf32>
        %parallel_loop3A_2317 = arith.addf %parallel_loop3A_2298, %parallel_loop3A_2312 : vector<16xf32>
        %parallel_loop3A_2318 = arith.constant 96 : i32
        %parallel_loop3A_2319 = arith.addi %parallel_loop3A_1291, %parallel_loop3A_2318 : i32
        %parallel_loop3A_2320 = arith.constant 6 : i32
        %parallel_loop3A_2321 = arith.index_cast %parallel_loop3A_2320 : i32 to index
        %parallel_loop3A_2322 = arith.index_cast %parallel_loop3A_2319 : i32 to index
        %parallel_loop3A_2323 = tpu.vector_load %arg5[%parallel_loop3A_2321, %parallel_loop3A_2322] {strides = array<i32>} : memref<8x2048xf32, #tpu.memory_space<vmem>>, vector<1x16xf32>,
        %parallel_loop3A_2324 = vector.shape_cast %parallel_loop3A_2323 : vector<1x16xf32> to vector<16xf32>
        %parallel_loop3A_2325 = arith.constant 96 : i32
        %parallel_loop3A_2326 = arith.addi %parallel_loop3A_1291, %parallel_loop3A_2325 : i32
        %parallel_loop3A_2327 = arith.constant 6 : i32
        %parallel_loop3A_2328 = arith.index_cast %parallel_loop3A_2327 : i32 to index
        %parallel_loop3A_2329 = arith.index_cast %parallel_loop3A_2326 : i32 to index
        %parallel_loop3A_2330 = tpu.vector_load %arg7[%parallel_loop3A_2328, %parallel_loop3A_2329] {strides = array<i32>} : memref<8x2048xf32, #tpu.memory_space<vmem>>, vector<1x16xf32>,
        %parallel_loop3A_2331 = vector.shape_cast %parallel_loop3A_2330 : vector<1x16xf32> to vector<16xf32>
        %parallel_loop3A_2332 = math.exp %parallel_loop3A_2324 : vector<16xf32>
        %parallel_loop3A_2333 = arith.addf %parallel_loop3A_2314, %parallel_loop3A_2332 : vector<16xf32>
        %parallel_loop3A_2334 = arith.mulf %parallel_loop3A_2332, %parallel_loop3A_2331 : vector<16xf32>
        %parallel_loop3A_2335 = arith.addf %parallel_loop3A_2316, %parallel_loop3A_2334 : vector<16xf32>
        %parallel_loop3A_2336 = arith.addf %parallel_loop3A_2317, %parallel_loop3A_2331 : vector<16xf32>
        %parallel_loop3A_2337 = arith.constant 112 : i32
        %parallel_loop3A_2338 = arith.addi %parallel_loop3A_1291, %parallel_loop3A_2337 : i32
        %parallel_loop3A_2339 = arith.constant 6 : i32
        %parallel_loop3A_2340 = arith.index_cast %parallel_loop3A_2339 : i32 to index
        %parallel_loop3A_2341 = arith.index_cast %parallel_loop3A_2338 : i32 to index
        %parallel_loop3A_2342 = tpu.vector_load %arg5[%parallel_loop3A_2340, %parallel_loop3A_2341] {strides = array<i32>} : memref<8x2048xf32, #tpu.memory_space<vmem>>, vector<1x16xf32>,
        %parallel_loop3A_2343 = vector.shape_cast %parallel_loop3A_2342 : vector<1x16xf32> to vector<16xf32>
        %parallel_loop3A_2344 = arith.constant 112 : i32
        %parallel_loop3A_2345 = arith.addi %parallel_loop3A_1291, %parallel_loop3A_2344 : i32
        %parallel_loop3A_2346 = arith.constant 6 : i32
        %parallel_loop3A_2347 = arith.index_cast %parallel_loop3A_2346 : i32 to index
        %parallel_loop3A_2348 = arith.index_cast %parallel_loop3A_2345 : i32 to index
        %parallel_loop3A_2349 = tpu.vector_load %arg7[%parallel_loop3A_2347, %parallel_loop3A_2348] {strides = array<i32>} : memref<8x2048xf32, #tpu.memory_space<vmem>>, vector<1x16xf32>,
        %parallel_loop3A_2350 = vector.shape_cast %parallel_loop3A_2349 : vector<1x16xf32> to vector<16xf32>
        %parallel_loop3A_2351 = math.exp %parallel_loop3A_2343 : vector<16xf32>
        %parallel_loop3A_2352 = arith.addf %parallel_loop3A_2333, %parallel_loop3A_2351 : vector<16xf32>
        %parallel_loop3A_2353 = arith.mulf %parallel_loop3A_2351, %parallel_loop3A_2350 : vector<16xf32>
        %parallel_loop3A_2354 = arith.addf %parallel_loop3A_2335, %parallel_loop3A_2353 : vector<16xf32>
        %parallel_loop3A_2355 = arith.addf %parallel_loop3A_2336, %parallel_loop3A_2350 : vector<16xf32>
        %parallel_loop3A_2356 = arith.constant 0 : i32
        %parallel_loop3A_2357 = arith.addi %parallel_loop3A_1291, %parallel_loop3A_2356 : i32
        %parallel_loop3A_2358 = arith.constant 7 : i32
        %parallel_loop3A_2359 = arith.index_cast %parallel_loop3A_2358 : i32 to index
        %parallel_loop3A_2360 = arith.index_cast %parallel_loop3A_2357 : i32 to index
        %parallel_loop3A_2361 = tpu.vector_load %arg5[%parallel_loop3A_2359, %parallel_loop3A_2360] {strides = array<i32>} : memref<8x2048xf32, #tpu.memory_space<vmem>>, vector<1x16xf32>,
        %parallel_loop3A_2362 = vector.shape_cast %parallel_loop3A_2361 : vector<1x16xf32> to vector<16xf32>
        %parallel_loop3A_2363 = arith.constant 0 : i32
        %parallel_loop3A_2364 = arith.addi %parallel_loop3A_1291, %parallel_loop3A_2363 : i32
        %parallel_loop3A_2365 = arith.constant 7 : i32
        %parallel_loop3A_2366 = arith.index_cast %parallel_loop3A_2365 : i32 to index
        %parallel_loop3A_2367 = arith.index_cast %parallel_loop3A_2364 : i32 to index
        %parallel_loop3A_2368 = tpu.vector_load %arg7[%parallel_loop3A_2366, %parallel_loop3A_2367] {strides = array<i32>} : memref<8x2048xf32, #tpu.memory_space<vmem>>, vector<1x16xf32>,
        %parallel_loop3A_2369 = vector.shape_cast %parallel_loop3A_2368 : vector<1x16xf32> to vector<16xf32>
        %parallel_loop3A_2370 = math.exp %parallel_loop3A_2362 : vector<16xf32>
        %parallel_loop3A_2371 = arith.addf %parallel_loop3A_1273, %parallel_loop3A_2370 : vector<16xf32>
        %parallel_loop3A_2372 = arith.mulf %parallel_loop3A_2370, %parallel_loop3A_2369 : vector<16xf32>
        %parallel_loop3A_2373 = arith.addf %parallel_loop3A_1281, %parallel_loop3A_2372 : vector<16xf32>
        %parallel_loop3A_2374 = arith.addf %parallel_loop3A_1289, %parallel_loop3A_2369 : vector<16xf32>
        %parallel_loop3A_2375 = arith.constant 16 : i32
        %parallel_loop3A_2376 = arith.addi %parallel_loop3A_1291, %parallel_loop3A_2375 : i32
        %parallel_loop3A_2377 = arith.constant 7 : i32
        %parallel_loop3A_2378 = arith.index_cast %parallel_loop3A_2377 : i32 to index
        %parallel_loop3A_2379 = arith.index_cast %parallel_loop3A_2376 : i32 to index
        %parallel_loop3A_2380 = tpu.vector_load %arg5[%parallel_loop3A_2378, %parallel_loop3A_2379] {strides = array<i32>} : memref<8x2048xf32, #tpu.memory_space<vmem>>, vector<1x16xf32>,
        %parallel_loop3A_2381 = vector.shape_cast %parallel_loop3A_2380 : vector<1x16xf32> to vector<16xf32>
        %parallel_loop3A_2382 = arith.constant 16 : i32
        %parallel_loop3A_2383 = arith.addi %parallel_loop3A_1291, %parallel_loop3A_2382 : i32
        %parallel_loop3A_2384 = arith.constant 7 : i32
        %parallel_loop3A_2385 = arith.index_cast %parallel_loop3A_2384 : i32 to index
        %parallel_loop3A_2386 = arith.index_cast %parallel_loop3A_2383 : i32 to index
        %parallel_loop3A_2387 = tpu.vector_load %arg7[%parallel_loop3A_2385, %parallel_loop3A_2386] {strides = array<i32>} : memref<8x2048xf32, #tpu.memory_space<vmem>>, vector<1x16xf32>,
        %parallel_loop3A_2388 = vector.shape_cast %parallel_loop3A_2387 : vector<1x16xf32> to vector<16xf32>
        %parallel_loop3A_2389 = math.exp %parallel_loop3A_2381 : vector<16xf32>
        %parallel_loop3A_2390 = arith.addf %parallel_loop3A_2371, %parallel_loop3A_2389 : vector<16xf32>
        %parallel_loop3A_2391 = arith.mulf %parallel_loop3A_2389, %parallel_loop3A_2388 : vector<16xf32>
        %parallel_loop3A_2392 = arith.addf %parallel_loop3A_2373, %parallel_loop3A_2391 : vector<16xf32>
        %parallel_loop3A_2393 = arith.addf %parallel_loop3A_2374, %parallel_loop3A_2388 : vector<16xf32>
        %parallel_loop3A_2394 = arith.constant 32 : i32
        %parallel_loop3A_2395 = arith.addi %parallel_loop3A_1291, %parallel_loop3A_2394 : i32
        %parallel_loop3A_2396 = arith.constant 7 : i32
        %parallel_loop3A_2397 = arith.index_cast %parallel_loop3A_2396 : i32 to index
        %parallel_loop3A_2398 = arith.index_cast %parallel_loop3A_2395 : i32 to index
        %parallel_loop3A_2399 = tpu.vector_load %arg5[%parallel_loop3A_2397, %parallel_loop3A_2398] {strides = array<i32>} : memref<8x2048xf32, #tpu.memory_space<vmem>>, vector<1x16xf32>,
        %parallel_loop3A_2400 = vector.shape_cast %parallel_loop3A_2399 : vector<1x16xf32> to vector<16xf32>
        %parallel_loop3A_2401 = arith.constant 32 : i32
        %parallel_loop3A_2402 = arith.addi %parallel_loop3A_1291, %parallel_loop3A_2401 : i32
        %parallel_loop3A_2403 = arith.constant 7 : i32
        %parallel_loop3A_2404 = arith.index_cast %parallel_loop3A_2403 : i32 to index
        %parallel_loop3A_2405 = arith.index_cast %parallel_loop3A_2402 : i32 to index
        %parallel_loop3A_2406 = tpu.vector_load %arg7[%parallel_loop3A_2404, %parallel_loop3A_2405] {strides = array<i32>} : memref<8x2048xf32, #tpu.memory_space<vmem>>, vector<1x16xf32>,
        %parallel_loop3A_2407 = vector.shape_cast %parallel_loop3A_2406 : vector<1x16xf32> to vector<16xf32>
        %parallel_loop3A_2408 = math.exp %parallel_loop3A_2400 : vector<16xf32>
        %parallel_loop3A_2409 = arith.addf %parallel_loop3A_2390, %parallel_loop3A_2408 : vector<16xf32>
        %parallel_loop3A_2410 = arith.mulf %parallel_loop3A_2408, %parallel_loop3A_2407 : vector<16xf32>
        %parallel_loop3A_2411 = arith.addf %parallel_loop3A_2392, %parallel_loop3A_2410 : vector<16xf32>
        %parallel_loop3A_2412 = arith.addf %parallel_loop3A_2393, %parallel_loop3A_2407 : vector<16xf32>
        %parallel_loop3A_2413 = arith.constant 48 : i32
        %parallel_loop3A_2414 = arith.addi %parallel_loop3A_1291, %parallel_loop3A_2413 : i32
        %parallel_loop3A_2415 = arith.constant 7 : i32
        %parallel_loop3A_2416 = arith.index_cast %parallel_loop3A_2415 : i32 to index
        %parallel_loop3A_2417 = arith.index_cast %parallel_loop3A_2414 : i32 to index
        %parallel_loop3A_2418 = tpu.vector_load %arg5[%parallel_loop3A_2416, %parallel_loop3A_2417] {strides = array<i32>} : memref<8x2048xf32, #tpu.memory_space<vmem>>, vector<1x16xf32>,
        %parallel_loop3A_2419 = vector.shape_cast %parallel_loop3A_2418 : vector<1x16xf32> to vector<16xf32>
        %parallel_loop3A_2420 = arith.constant 48 : i32
        %parallel_loop3A_2421 = arith.addi %parallel_loop3A_1291, %parallel_loop3A_2420 : i32
        %parallel_loop3A_2422 = arith.constant 7 : i32
        %parallel_loop3A_2423 = arith.index_cast %parallel_loop3A_2422 : i32 to index
        %parallel_loop3A_2424 = arith.index_cast %parallel_loop3A_2421 : i32 to index
        %parallel_loop3A_2425 = tpu.vector_load %arg7[%parallel_loop3A_2423, %parallel_loop3A_2424] {strides = array<i32>} : memref<8x2048xf32, #tpu.memory_space<vmem>>, vector<1x16xf32>,
        %parallel_loop3A_2426 = vector.shape_cast %parallel_loop3A_2425 : vector<1x16xf32> to vector<16xf32>
        %parallel_loop3A_2427 = math.exp %parallel_loop3A_2419 : vector<16xf32>
        %parallel_loop3A_2428 = arith.addf %parallel_loop3A_2409, %parallel_loop3A_2427 : vector<16xf32>
        %parallel_loop3A_2429 = arith.mulf %parallel_loop3A_2427, %parallel_loop3A_2426 : vector<16xf32>
        %parallel_loop3A_2430 = arith.addf %parallel_loop3A_2411, %parallel_loop3A_2429 : vector<16xf32>
        %parallel_loop3A_2431 = arith.addf %parallel_loop3A_2412, %parallel_loop3A_2426 : vector<16xf32>
        %parallel_loop3A_2432 = arith.constant 64 : i32
        %parallel_loop3A_2433 = arith.addi %parallel_loop3A_1291, %parallel_loop3A_2432 : i32
        %parallel_loop3A_2434 = arith.constant 7 : i32
        %parallel_loop3A_2435 = arith.index_cast %parallel_loop3A_2434 : i32 to index
        %parallel_loop3A_2436 = arith.index_cast %parallel_loop3A_2433 : i32 to index
        %parallel_loop3A_2437 = tpu.vector_load %arg5[%parallel_loop3A_2435, %parallel_loop3A_2436] {strides = array<i32>} : memref<8x2048xf32, #tpu.memory_space<vmem>>, vector<1x16xf32>,
        %parallel_loop3A_2438 = vector.shape_cast %parallel_loop3A_2437 : vector<1x16xf32> to vector<16xf32>
        %parallel_loop3A_2439 = arith.constant 64 : i32
        %parallel_loop3A_2440 = arith.addi %parallel_loop3A_1291, %parallel_loop3A_2439 : i32
        %parallel_loop3A_2441 = arith.constant 7 : i32
        %parallel_loop3A_2442 = arith.index_cast %parallel_loop3A_2441 : i32 to index
        %parallel_loop3A_2443 = arith.index_cast %parallel_loop3A_2440 : i32 to index
        %parallel_loop3A_2444 = tpu.vector_load %arg7[%parallel_loop3A_2442, %parallel_loop3A_2443] {strides = array<i32>} : memref<8x2048xf32, #tpu.memory_space<vmem>>, vector<1x16xf32>,
        %parallel_loop3A_2445 = vector.shape_cast %parallel_loop3A_2444 : vector<1x16xf32> to vector<16xf32>
        %parallel_loop3A_2446 = math.exp %parallel_loop3A_2438 : vector<16xf32>
        %parallel_loop3A_2447 = arith.addf %parallel_loop3A_2428, %parallel_loop3A_2446 : vector<16xf32>
        %parallel_loop3A_2448 = arith.mulf %parallel_loop3A_2446, %parallel_loop3A_2445 : vector<16xf32>
        %parallel_loop3A_2449 = arith.addf %parallel_loop3A_2430, %parallel_loop3A_2448 : vector<16xf32>
        %parallel_loop3A_2450 = arith.addf %parallel_loop3A_2431, %parallel_loop3A_2445 : vector<16xf32>
        %parallel_loop3A_2451 = arith.constant 80 : i32
        %parallel_loop3A_2452 = arith.addi %parallel_loop3A_1291, %parallel_loop3A_2451 : i32
        %parallel_loop3A_2453 = arith.constant 7 : i32
        %parallel_loop3A_2454 = arith.index_cast %parallel_loop3A_2453 : i32 to index
        %parallel_loop3A_2455 = arith.index_cast %parallel_loop3A_2452 : i32 to index
        %parallel_loop3A_2456 = tpu.vector_load %arg5[%parallel_loop3A_2454, %parallel_loop3A_2455] {strides = array<i32>} : memref<8x2048xf32, #tpu.memory_space<vmem>>, vector<1x16xf32>,
        %parallel_loop3A_2457 = vector.shape_cast %parallel_loop3A_2456 : vector<1x16xf32> to vector<16xf32>
        %parallel_loop3A_2458 = arith.constant 80 : i32
        %parallel_loop3A_2459 = arith.addi %parallel_loop3A_1291, %parallel_loop3A_2458 : i32
        %parallel_loop3A_2460 = arith.constant 7 : i32
        %parallel_loop3A_2461 = arith.index_cast %parallel_loop3A_2460 : i32 to index
        %parallel_loop3A_2462 = arith.index_cast %parallel_loop3A_2459 : i32 to index
        %parallel_loop3A_2463 = tpu.vector_load %arg7[%parallel_loop3A_2461, %parallel_loop3A_2462] {strides = array<i32>} : memref<8x2048xf32, #tpu.memory_space<vmem>>, vector<1x16xf32>,
        %parallel_loop3A_2464 = vector.shape_cast %parallel_loop3A_2463 : vector<1x16xf32> to vector<16xf32>
        %parallel_loop3A_2465 = math.exp %parallel_loop3A_2457 : vector<16xf32>
        %parallel_loop3A_2466 = arith.addf %parallel_loop3A_2447, %parallel_loop3A_2465 : vector<16xf32>
        %parallel_loop3A_2467 = arith.mulf %parallel_loop3A_2465, %parallel_loop3A_2464 : vector<16xf32>
        %parallel_loop3A_2468 = arith.addf %parallel_loop3A_2449, %parallel_loop3A_2467 : vector<16xf32>
        %parallel_loop3A_2469 = arith.addf %parallel_loop3A_2450, %parallel_loop3A_2464 : vector<16xf32>
        %parallel_loop3A_2470 = arith.constant 96 : i32
        %parallel_loop3A_2471 = arith.addi %parallel_loop3A_1291, %parallel_loop3A_2470 : i32
        %parallel_loop3A_2472 = arith.constant 7 : i32
        %parallel_loop3A_2473 = arith.index_cast %parallel_loop3A_2472 : i32 to index
        %parallel_loop3A_2474 = arith.index_cast %parallel_loop3A_2471 : i32 to index
        %parallel_loop3A_2475 = tpu.vector_load %arg5[%parallel_loop3A_2473, %parallel_loop3A_2474] {strides = array<i32>} : memref<8x2048xf32, #tpu.memory_space<vmem>>, vector<1x16xf32>,
        %parallel_loop3A_2476 = vector.shape_cast %parallel_loop3A_2475 : vector<1x16xf32> to vector<16xf32>
        %parallel_loop3A_2477 = arith.constant 96 : i32
        %parallel_loop3A_2478 = arith.addi %parallel_loop3A_1291, %parallel_loop3A_2477 : i32
        %parallel_loop3A_2479 = arith.constant 7 : i32
        %parallel_loop3A_2480 = arith.index_cast %parallel_loop3A_2479 : i32 to index
        %parallel_loop3A_2481 = arith.index_cast %parallel_loop3A_2478 : i32 to index
        %parallel_loop3A_2482 = tpu.vector_load %arg7[%parallel_loop3A_2480, %parallel_loop3A_2481] {strides = array<i32>} : memref<8x2048xf32, #tpu.memory_space<vmem>>, vector<1x16xf32>,
        %parallel_loop3A_2483 = vector.shape_cast %parallel_loop3A_2482 : vector<1x16xf32> to vector<16xf32>
        %parallel_loop3A_2484 = math.exp %parallel_loop3A_2476 : vector<16xf32>
        %parallel_loop3A_2485 = arith.addf %parallel_loop3A_2466, %parallel_loop3A_2484 : vector<16xf32>
        %parallel_loop3A_2486 = arith.mulf %parallel_loop3A_2484, %parallel_loop3A_2483 : vector<16xf32>
        %parallel_loop3A_2487 = arith.addf %parallel_loop3A_2468, %parallel_loop3A_2486 : vector<16xf32>
        %parallel_loop3A_2488 = arith.addf %parallel_loop3A_2469, %parallel_loop3A_2483 : vector<16xf32>
        %parallel_loop3A_2489 = arith.constant 112 : i32
        %parallel_loop3A_2490 = arith.addi %parallel_loop3A_1291, %parallel_loop3A_2489 : i32
        %parallel_loop3A_2491 = arith.constant 7 : i32
        %parallel_loop3A_2492 = arith.index_cast %parallel_loop3A_2491 : i32 to index
        %parallel_loop3A_2493 = arith.index_cast %parallel_loop3A_2490 : i32 to index
        %parallel_loop3A_2494 = tpu.vector_load %arg5[%parallel_loop3A_2492, %parallel_loop3A_2493] {strides = array<i32>} : memref<8x2048xf32, #tpu.memory_space<vmem>>, vector<1x16xf32>,
        %parallel_loop3A_2495 = vector.shape_cast %parallel_loop3A_2494 : vector<1x16xf32> to vector<16xf32>
        %parallel_loop3A_2496 = arith.constant 112 : i32
        %parallel_loop3A_2497 = arith.addi %parallel_loop3A_1291, %parallel_loop3A_2496 : i32
        %parallel_loop3A_2498 = arith.constant 7 : i32
        %parallel_loop3A_2499 = arith.index_cast %parallel_loop3A_2498 : i32 to index
        %parallel_loop3A_2500 = arith.index_cast %parallel_loop3A_2497 : i32 to index
        %parallel_loop3A_2501 = tpu.vector_load %arg7[%parallel_loop3A_2499, %parallel_loop3A_2500] {strides = array<i32>} : memref<8x2048xf32, #tpu.memory_space<vmem>>, vector<1x16xf32>,
        %parallel_loop3A_2502 = vector.shape_cast %parallel_loop3A_2501 : vector<1x16xf32> to vector<16xf32>
        %parallel_loop3A_2503 = math.exp %parallel_loop3A_2495 : vector<16xf32>
        %parallel_loop3A_2504 = arith.addf %parallel_loop3A_2485, %parallel_loop3A_2503 : vector<16xf32>
        %parallel_loop3A_2505 = arith.mulf %parallel_loop3A_2503, %parallel_loop3A_2502 : vector<16xf32>
        %parallel_loop3A_2506 = arith.addf %parallel_loop3A_2487, %parallel_loop3A_2505 : vector<16xf32>
        %parallel_loop3A_2507 = arith.addf %parallel_loop3A_2488, %parallel_loop3A_2502 : vector<16xf32>
        scf.yield %parallel_loop3A_1440, %parallel_loop3A_1592, %parallel_loop3A_1744, %parallel_loop3A_1896, %parallel_loop3A_2048, %parallel_loop3A_2200, %parallel_loop3A_2352, %parallel_loop3A_2504, %parallel_loop3A_1442, %parallel_loop3A_1594, %parallel_loop3A_1746, %parallel_loop3A_1898, %parallel_loop3A_2050, %parallel_loop3A_2202, %parallel_loop3A_2354, %parallel_loop3A_2506, %parallel_loop3A_1443, %parallel_loop3A_1595, %parallel_loop3A_1747, %parallel_loop3A_1899, %parallel_loop3A_2051, %parallel_loop3A_2203, %parallel_loop3A_2355, %parallel_loop3A_2507 : vector<16xf32>, vector<16xf32>, vector<16xf32>, vector<16xf32>, vector<16xf32>, vector<16xf32>, vector<16xf32>, vector<16xf32>, vector<16xf32>, vector<16xf32>, vector<16xf32>, vector<16xf32>, vector<16xf32>, vector<16xf32>, vector<16xf32>, vector<16xf32>, vector<16xf32>, vector<16xf32>, vector<16xf32>, vector<16xf32>, vector<16xf32>, vector<16xf32>, vector<16xf32>, vector<16xf32>
      } {sc.loop_unroll_factor = 1 : i64, sc.parallel_access}
      %add3A_1233 = arith.constant 2 : i32
      %add3A_1234 = arith.addi %add3A_1218, %add3A_1233 : i32
      %lt3A_1235 = arith.constant 16 : i32
      %lt3A_1236 = arith.cmpi slt, %add3A_1234, %lt3A_1235 : i32
      %convert_element_type3A = arith.extui %lt3A_1236 : i1 to i32
      %cond3A = arith.constant 0 : i32
      %cond3A_1237 = arith.cmpi ne, %convert_element_type3A, %cond3A : i32
      scf.if %cond3A_1237 {
        %add3A_1265 = arith.constant 2 : i32
        %add3A_1266 = arith.addi %add3A_1218, %add3A_1265 : i32
        %mul3A_1267 = arith.constant 2048 : i32
        %mul3A_1268 = arith.muli %add3A_1266, %mul3A_1267 : i32
        %add3A_1269 = arith.addi %mul3A_34, %mul3A_1268 : i32
        %dma_start3A_1270 = tpu.memref_slice %arg2[%mul3A_32, %add3A_1269] : memref<32x262144xf32, #tpu.memory_space<hbm>> -> memref<8x2048xf32, #tpu.memory_space<hbm>>
        %dma_start3A_1271 = tpu.memref_slice %arg2[%mul3A_32, %add3A_1269] : memref<32x262144xf32, #tpu.memory_space<hbm>> -> memref<8x2048xf32, #tpu.memory_space<hbm>>
        tpu.enqueue_dma source(%dma_start3A_1271 : memref<8x2048xf32, #tpu.memory_space<hbm>>) target(%arg5 : memref<8x2048xf32, #tpu.memory_space<vmem>>) target_semaphore(%arg13 : memref<!tpu.dma_semaphore, #tpu.memory_space<semaphore_mem>>)
        %mul3A_1272 = arith.constant 2048 : i32
        %mul3A_1273 = arith.muli %add3A_1266, %mul3A_1272 : i32
        %add3A_1274 = arith.addi %mul3A_34, %mul3A_1273 : i32
        %dma_start3A_1275 = tpu.memref_slice %arg3[%mul3A_32, %add3A_1274] : memref<32x262144xf32, #tpu.memory_space<hbm>> -> memref<8x2048xf32, #tpu.memory_space<hbm>>
        %dma_start3A_1276 = tpu.memref_slice %arg3[%mul3A_32, %add3A_1274] : memref<32x262144xf32, #tpu.memory_space<hbm>> -> memref<8x2048xf32, #tpu.memory_space<hbm>>
        tpu.enqueue_dma source(%dma_start3A_1276 : memref<8x2048xf32, #tpu.memory_space<hbm>>) target(%arg7 : memref<8x2048xf32, #tpu.memory_space<vmem>>) target_semaphore(%arg15 : memref<!tpu.dma_semaphore, #tpu.memory_space<semaphore_mem>>)
      } else {
      }
      %mul3A_1238 = arith.constant 2 : i32
      %mul3A_1239 = arith.muli %mul3A_1238, %scan3A_1190 : i32
      %add3A_1240 = arith.constant 1 : i32
      %add3A_1241 = arith.addi %mul3A_1239, %add3A_1240 : i32
      %dma_wait3A_1242 = arith.constant 0 : i32
      %dma_wait3A_1243 = arith.constant 0 : i32
      %dma_wait3A_1244 = tpu.memref_slice %arg2[%dma_wait3A_1242, %dma_wait3A_1243] : memref<32x262144xf32, #tpu.memory_space<hbm>> -> memref<8x2048xf32, #tpu.memory_space<hbm>>
      %dma_wait3A_1245 = arith.constant 0 : i32
      %dma_wait3A_1246 = arith.constant 0 : i32
      %dma_wait3A_1247 = tpu.memref_slice %arg2[%dma_wait3A_1245, %dma_wait3A_1246] : memref<32x262144xf32, #tpu.memory_space<hbm>> -> memref<8x2048xf32, #tpu.memory_space<hbm>>
      tpu.wait_dma2 semaphore(%arg14 : memref<!tpu.dma_semaphore, #tpu.memory_space<semaphore_mem>>) src(%dma_wait3A_1247 : memref<8x2048xf32, #tpu.memory_space<hbm>>) dst(%arg6 : memref<8x2048xf32, #tpu.memory_space<vmem>>)
      %dma_wait3A_1248 = arith.constant 0 : i32
      %dma_wait3A_1249 = arith.constant 0 : i32
      %dma_wait3A_1250 = tpu.memref_slice %arg3[%dma_wait3A_1248, %dma_wait3A_1249] : memref<32x262144xf32, #tpu.memory_space<hbm>> -> memref<8x2048xf32, #tpu.memory_space<hbm>>
      %dma_wait3A_1251 = arith.constant 0 : i32
      %dma_wait3A_1252 = arith.constant 0 : i32
      %dma_wait3A_1253 = tpu.memref_slice %arg3[%dma_wait3A_1251, %dma_wait3A_1252] : memref<32x262144xf32, #tpu.memory_space<hbm>> -> memref<8x2048xf32, #tpu.memory_space<hbm>>
      tpu.wait_dma2 semaphore(%arg16 : memref<!tpu.dma_semaphore, #tpu.memory_space<semaphore_mem>>) src(%dma_wait3A_1253 : memref<8x2048xf32, #tpu.memory_space<hbm>>) dst(%arg8 : memref<8x2048xf32, #tpu.memory_space<vmem>>)
      %parallel_loop3A_1254 = arith.constant 0 : i32
      %parallel_loop3A_1255 = arith.constant 16 : i32
      %parallel_loop3A_1256 = arith.constant 1 : i32
      %parallel_loop3A_1257:24 = scf.for %parallel_loop3A_1265 = %parallel_loop3A_1254 to %parallel_loop3A_1255 step %parallel_loop3A_1256 iter_args(%parallel_loop3A_1266 = %parallel_loop3A_1232#0, %parallel_loop3A_1267 = %parallel_loop3A_1232#1, %parallel_loop3A_1268 = %parallel_loop3A_1232#2, %parallel_loop3A_1269 = %parallel_loop3A_1232#3, %parallel_loop3A_1270 = %parallel_loop3A_1232#4, %parallel_loop3A_1271 = %parallel_loop3A_1232#5, %parallel_loop3A_1272 = %parallel_loop3A_1232#6, %parallel_loop3A_1273 = %parallel_loop3A_1232#7, %parallel_loop3A_1274 = %parallel_loop3A_1232#8, %parallel_loop3A_1275 = %parallel_loop3A_1232#9, %parallel_loop3A_1276 = %parallel_loop3A_1232#10, %parallel_loop3A_1277 = %parallel_loop3A_1232#11, %parallel_loop3A_1278 = %parallel_loop3A_1232#12, %parallel_loop3A_1279 = %parallel_loop3A_1232#13, %parallel_loop3A_1280 = %parallel_loop3A_1232#14, %parallel_loop3A_1281 = %parallel_loop3A_1232#15, %parallel_loop3A_1282 = %parallel_loop3A_1232#16, %parallel_loop3A_1283 = %parallel_loop3A_1232#17, %parallel_loop3A_1284 = %parallel_loop3A_1232#18, %parallel_loop3A_1285 = %parallel_loop3A_1232#19, %parallel_loop3A_1286 = %parallel_loop3A_1232#20, %parallel_loop3A_1287 = %parallel_loop3A_1232#21, %parallel_loop3A_1288 = %parallel_loop3A_1232#22, %parallel_loop3A_1289 = %parallel_loop3A_1232#23) -> (vector<16xf32>, vector<16xf32>, vector<16xf32>, vector<16xf32>, vector<16xf32>, vector<16xf32>, vector<16xf32>, vector<16xf32>, vector<16xf32>, vector<16xf32>, vector<16xf32>, vector<16xf32>, vector<16xf32>, vector<16xf32>, vector<16xf32>, vector<16xf32>, vector<16xf32>, vector<16xf32>, vector<16xf32>, vector<16xf32>, vector<16xf32>, vector<16xf32>, vector<16xf32>, vector<16xf32>)  : i32 {
        %parallel_loop3A_1290 = arith.constant 128 : i32
        %parallel_loop3A_1291 = arith.muli %parallel_loop3A_1265, %parallel_loop3A_1290 : i32
        %parallel_loop3A_1292 = arith.constant 0 : i32
        %parallel_loop3A_1293 = arith.addi %parallel_loop3A_1291, %parallel_loop3A_1292 : i32
        %parallel_loop3A_1294 = arith.constant 0 : i32
        %parallel_loop3A_1295 = arith.index_cast %parallel_loop3A_1294 : i32 to index
        %parallel_loop3A_1296 = arith.index_cast %parallel_loop3A_1293 : i32 to index
        %parallel_loop3A_1297 = tpu.vector_load %arg6[%parallel_loop3A_1295, %parallel_loop3A_1296] {strides = array<i32>} : memref<8x2048xf32, #tpu.memory_space<vmem>>, vector<1x16xf32>,
        %parallel_loop3A_1298 = vector.shape_cast %parallel_loop3A_1297 : vector<1x16xf32> to vector<16xf32>
        %parallel_loop3A_1299 = arith.constant 0 : i32
        %parallel_loop3A_1300 = arith.addi %parallel_loop3A_1291, %parallel_loop3A_1299 : i32
        %parallel_loop3A_1301 = arith.constant 0 : i32
        %parallel_loop3A_1302 = arith.index_cast %parallel_loop3A_1301 : i32 to index
        %parallel_loop3A_1303 = arith.index_cast %parallel_loop3A_1300 : i32 to index
        %parallel_loop3A_1304 = tpu.vector_load %arg8[%parallel_loop3A_1302, %parallel_loop3A_1303] {strides = array<i32>} : memref<8x2048xf32, #tpu.memory_space<vmem>>, vector<1x16xf32>,
        %parallel_loop3A_1305 = vector.shape_cast %parallel_loop3A_1304 : vector<1x16xf32> to vector<16xf32>
        %parallel_loop3A_1306 = math.exp %parallel_loop3A_1298 : vector<16xf32>
        %parallel_loop3A_1307 = arith.addf %parallel_loop3A_1266, %parallel_loop3A_1306 : vector<16xf32>
        %parallel_loop3A_1308 = arith.mulf %parallel_loop3A_1306, %parallel_loop3A_1305 : vector<16xf32>
        %parallel_loop3A_1309 = arith.addf %parallel_loop3A_1274, %parallel_loop3A_1308 : vector<16xf32>
        %parallel_loop3A_1310 = arith.addf %parallel_loop3A_1282, %parallel_loop3A_1305 : vector<16xf32>
        %parallel_loop3A_1311 = arith.constant 16 : i32
        %parallel_loop3A_1312 = arith.addi %parallel_loop3A_1291, %parallel_loop3A_1311 : i32
        %parallel_loop3A_1313 = arith.constant 0 : i32
        %parallel_loop3A_1314 = arith.index_cast %parallel_loop3A_1313 : i32 to index
        %parallel_loop3A_1315 = arith.index_cast %parallel_loop3A_1312 : i32 to index
        %parallel_loop3A_1316 = tpu.vector_load %arg6[%parallel_loop3A_1314, %parallel_loop3A_1315] {strides = array<i32>} : memref<8x2048xf32, #tpu.memory_space<vmem>>, vector<1x16xf32>,
        %parallel_loop3A_1317 = vector.shape_cast %parallel_loop3A_1316 : vector<1x16xf32> to vector<16xf32>
        %parallel_loop3A_1318 = arith.constant 16 : i32
        %parallel_loop3A_1319 = arith.addi %parallel_loop3A_1291, %parallel_loop3A_1318 : i32
        %parallel_loop3A_1320 = arith.constant 0 : i32
        %parallel_loop3A_1321 = arith.index_cast %parallel_loop3A_1320 : i32 to index
        %parallel_loop3A_1322 = arith.index_cast %parallel_loop3A_1319 : i32 to index
        %parallel_loop3A_1323 = tpu.vector_load %arg8[%parallel_loop3A_1321, %parallel_loop3A_1322] {strides = array<i32>} : memref<8x2048xf32, #tpu.memory_space<vmem>>, vector<1x16xf32>,
        %parallel_loop3A_1324 = vector.shape_cast %parallel_loop3A_1323 : vector<1x16xf32> to vector<16xf32>
        %parallel_loop3A_1325 = math.exp %parallel_loop3A_1317 : vector<16xf32>
        %parallel_loop3A_1326 = arith.addf %parallel_loop3A_1307, %parallel_loop3A_1325 : vector<16xf32>
        %parallel_loop3A_1327 = arith.mulf %parallel_loop3A_1325, %parallel_loop3A_1324 : vector<16xf32>
        %parallel_loop3A_1328 = arith.addf %parallel_loop3A_1309, %parallel_loop3A_1327 : vector<16xf32>
        %parallel_loop3A_1329 = arith.addf %parallel_loop3A_1310, %parallel_loop3A_1324 : vector<16xf32>
        %parallel_loop3A_1330 = arith.constant 32 : i32
        %parallel_loop3A_1331 = arith.addi %parallel_loop3A_1291, %parallel_loop3A_1330 : i32
        %parallel_loop3A_1332 = arith.constant 0 : i32
        %parallel_loop3A_1333 = arith.index_cast %parallel_loop3A_1332 : i32 to index
        %parallel_loop3A_1334 = arith.index_cast %parallel_loop3A_1331 : i32 to index
        %parallel_loop3A_1335 = tpu.vector_load %arg6[%parallel_loop3A_1333, %parallel_loop3A_1334] {strides = array<i32>} : memref<8x2048xf32, #tpu.memory_space<vmem>>, vector<1x16xf32>,
        %parallel_loop3A_1336 = vector.shape_cast %parallel_loop3A_1335 : vector<1x16xf32> to vector<16xf32>
        %parallel_loop3A_1337 = arith.constant 32 : i32
        %parallel_loop3A_1338 = arith.addi %parallel_loop3A_1291, %parallel_loop3A_1337 : i32
        %parallel_loop3A_1339 = arith.constant 0 : i32
        %parallel_loop3A_1340 = arith.index_cast %parallel_loop3A_1339 : i32 to index
        %parallel_loop3A_1341 = arith.index_cast %parallel_loop3A_1338 : i32 to index
        %parallel_loop3A_1342 = tpu.vector_load %arg8[%parallel_loop3A_1340, %parallel_loop3A_1341] {strides = array<i32>} : memref<8x2048xf32, #tpu.memory_space<vmem>>, vector<1x16xf32>,
        %parallel_loop3A_1343 = vector.shape_cast %parallel_loop3A_1342 : vector<1x16xf32> to vector<16xf32>
        %parallel_loop3A_1344 = math.exp %parallel_loop3A_1336 : vector<16xf32>
        %parallel_loop3A_1345 = arith.addf %parallel_loop3A_1326, %parallel_loop3A_1344 : vector<16xf32>
        %parallel_loop3A_1346 = arith.mulf %parallel_loop3A_1344, %parallel_loop3A_1343 : vector<16xf32>
        %parallel_loop3A_1347 = arith.addf %parallel_loop3A_1328, %parallel_loop3A_1346 : vector<16xf32>
        %parallel_loop3A_1348 = arith.addf %parallel_loop3A_1329, %parallel_loop3A_1343 : vector<16xf32>
        %parallel_loop3A_1349 = arith.constant 48 : i32
        %parallel_loop3A_1350 = arith.addi %parallel_loop3A_1291, %parallel_loop3A_1349 : i32
        %parallel_loop3A_1351 = arith.constant 0 : i32
        %parallel_loop3A_1352 = arith.index_cast %parallel_loop3A_1351 : i32 to index
        %parallel_loop3A_1353 = arith.index_cast %parallel_loop3A_1350 : i32 to index
        %parallel_loop3A_1354 = tpu.vector_load %arg6[%parallel_loop3A_1352, %parallel_loop3A_1353] {strides = array<i32>} : memref<8x2048xf32, #tpu.memory_space<vmem>>, vector<1x16xf32>,
        %parallel_loop3A_1355 = vector.shape_cast %parallel_loop3A_1354 : vector<1x16xf32> to vector<16xf32>
        %parallel_loop3A_1356 = arith.constant 48 : i32
        %parallel_loop3A_1357 = arith.addi %parallel_loop3A_1291, %parallel_loop3A_1356 : i32
        %parallel_loop3A_1358 = arith.constant 0 : i32
        %parallel_loop3A_1359 = arith.index_cast %parallel_loop3A_1358 : i32 to index
        %parallel_loop3A_1360 = arith.index_cast %parallel_loop3A_1357 : i32 to index
        %parallel_loop3A_1361 = tpu.vector_load %arg8[%parallel_loop3A_1359, %parallel_loop3A_1360] {strides = array<i32>} : memref<8x2048xf32, #tpu.memory_space<vmem>>, vector<1x16xf32>,
        %parallel_loop3A_1362 = vector.shape_cast %parallel_loop3A_1361 : vector<1x16xf32> to vector<16xf32>
        %parallel_loop3A_1363 = math.exp %parallel_loop3A_1355 : vector<16xf32>
        %parallel_loop3A_1364 = arith.addf %parallel_loop3A_1345, %parallel_loop3A_1363 : vector<16xf32>
        %parallel_loop3A_1365 = arith.mulf %parallel_loop3A_1363, %parallel_loop3A_1362 : vector<16xf32>
        %parallel_loop3A_1366 = arith.addf %parallel_loop3A_1347, %parallel_loop3A_1365 : vector<16xf32>
        %parallel_loop3A_1367 = arith.addf %parallel_loop3A_1348, %parallel_loop3A_1362 : vector<16xf32>
        %parallel_loop3A_1368 = arith.constant 64 : i32
        %parallel_loop3A_1369 = arith.addi %parallel_loop3A_1291, %parallel_loop3A_1368 : i32
        %parallel_loop3A_1370 = arith.constant 0 : i32
        %parallel_loop3A_1371 = arith.index_cast %parallel_loop3A_1370 : i32 to index
        %parallel_loop3A_1372 = arith.index_cast %parallel_loop3A_1369 : i32 to index
        %parallel_loop3A_1373 = tpu.vector_load %arg6[%parallel_loop3A_1371, %parallel_loop3A_1372] {strides = array<i32>} : memref<8x2048xf32, #tpu.memory_space<vmem>>, vector<1x16xf32>,
        %parallel_loop3A_1374 = vector.shape_cast %parallel_loop3A_1373 : vector<1x16xf32> to vector<16xf32>
        %parallel_loop3A_1375 = arith.constant 64 : i32
        %parallel_loop3A_1376 = arith.addi %parallel_loop3A_1291, %parallel_loop3A_1375 : i32
        %parallel_loop3A_1377 = arith.constant 0 : i32
        %parallel_loop3A_1378 = arith.index_cast %parallel_loop3A_1377 : i32 to index
        %parallel_loop3A_1379 = arith.index_cast %parallel_loop3A_1376 : i32 to index
        %parallel_loop3A_1380 = tpu.vector_load %arg8[%parallel_loop3A_1378, %parallel_loop3A_1379] {strides = array<i32>} : memref<8x2048xf32, #tpu.memory_space<vmem>>, vector<1x16xf32>,
        %parallel_loop3A_1381 = vector.shape_cast %parallel_loop3A_1380 : vector<1x16xf32> to vector<16xf32>
        %parallel_loop3A_1382 = math.exp %parallel_loop3A_1374 : vector<16xf32>
        %parallel_loop3A_1383 = arith.addf %parallel_loop3A_1364, %parallel_loop3A_1382 : vector<16xf32>
        %parallel_loop3A_1384 = arith.mulf %parallel_loop3A_1382, %parallel_loop3A_1381 : vector<16xf32>
        %parallel_loop3A_1385 = arith.addf %parallel_loop3A_1366, %parallel_loop3A_1384 : vector<16xf32>
        %parallel_loop3A_1386 = arith.addf %parallel_loop3A_1367, %parallel_loop3A_1381 : vector<16xf32>
        %parallel_loop3A_1387 = arith.constant 80 : i32
        %parallel_loop3A_1388 = arith.addi %parallel_loop3A_1291, %parallel_loop3A_1387 : i32
        %parallel_loop3A_1389 = arith.constant 0 : i32
        %parallel_loop3A_1390 = arith.index_cast %parallel_loop3A_1389 : i32 to index
        %parallel_loop3A_1391 = arith.index_cast %parallel_loop3A_1388 : i32 to index
        %parallel_loop3A_1392 = tpu.vector_load %arg6[%parallel_loop3A_1390, %parallel_loop3A_1391] {strides = array<i32>} : memref<8x2048xf32, #tpu.memory_space<vmem>>, vector<1x16xf32>,
        %parallel_loop3A_1393 = vector.shape_cast %parallel_loop3A_1392 : vector<1x16xf32> to vector<16xf32>
        %parallel_loop3A_1394 = arith.constant 80 : i32
        %parallel_loop3A_1395 = arith.addi %parallel_loop3A_1291, %parallel_loop3A_1394 : i32
        %parallel_loop3A_1396 = arith.constant 0 : i32
        %parallel_loop3A_1397 = arith.index_cast %parallel_loop3A_1396 : i32 to index
        %parallel_loop3A_1398 = arith.index_cast %parallel_loop3A_1395 : i32 to index
        %parallel_loop3A_1399 = tpu.vector_load %arg8[%parallel_loop3A_1397, %parallel_loop3A_1398] {strides = array<i32>} : memref<8x2048xf32, #tpu.memory_space<vmem>>, vector<1x16xf32>,
        %parallel_loop3A_1400 = vector.shape_cast %parallel_loop3A_1399 : vector<1x16xf32> to vector<16xf32>
        %parallel_loop3A_1401 = math.exp %parallel_loop3A_1393 : vector<16xf32>
        %parallel_loop3A_1402 = arith.addf %parallel_loop3A_1383, %parallel_loop3A_1401 : vector<16xf32>
        %parallel_loop3A_1403 = arith.mulf %parallel_loop3A_1401, %parallel_loop3A_1400 : vector<16xf32>
        %parallel_loop3A_1404 = arith.addf %parallel_loop3A_1385, %parallel_loop3A_1403 : vector<16xf32>
        %parallel_loop3A_1405 = arith.addf %parallel_loop3A_1386, %parallel_loop3A_1400 : vector<16xf32>
        %parallel_loop3A_1406 = arith.constant 96 : i32
        %parallel_loop3A_1407 = arith.addi %parallel_loop3A_1291, %parallel_loop3A_1406 : i32
        %parallel_loop3A_1408 = arith.constant 0 : i32
        %parallel_loop3A_1409 = arith.index_cast %parallel_loop3A_1408 : i32 to index
        %parallel_loop3A_1410 = arith.index_cast %parallel_loop3A_1407 : i32 to index
        %parallel_loop3A_1411 = tpu.vector_load %arg6[%parallel_loop3A_1409, %parallel_loop3A_1410] {strides = array<i32>} : memref<8x2048xf32, #tpu.memory_space<vmem>>, vector<1x16xf32>,
        %parallel_loop3A_1412 = vector.shape_cast %parallel_loop3A_1411 : vector<1x16xf32> to vector<16xf32>
        %parallel_loop3A_1413 = arith.constant 96 : i32
        %parallel_loop3A_1414 = arith.addi %parallel_loop3A_1291, %parallel_loop3A_1413 : i32
        %parallel_loop3A_1415 = arith.constant 0 : i32
        %parallel_loop3A_1416 = arith.index_cast %parallel_loop3A_1415 : i32 to index
        %parallel_loop3A_1417 = arith.index_cast %parallel_loop3A_1414 : i32 to index
        %parallel_loop3A_1418 = tpu.vector_load %arg8[%parallel_loop3A_1416, %parallel_loop3A_1417] {strides = array<i32>} : memref<8x2048xf32, #tpu.memory_space<vmem>>, vector<1x16xf32>,
        %parallel_loop3A_1419 = vector.shape_cast %parallel_loop3A_1418 : vector<1x16xf32> to vector<16xf32>
        %parallel_loop3A_1420 = math.exp %parallel_loop3A_1412 : vector<16xf32>
        %parallel_loop3A_1421 = arith.addf %parallel_loop3A_1402, %parallel_loop3A_1420 : vector<16xf32>
        %parallel_loop3A_1422 = arith.mulf %parallel_loop3A_1420, %parallel_loop3A_1419 : vector<16xf32>
        %parallel_loop3A_1423 = arith.addf %parallel_loop3A_1404, %parallel_loop3A_1422 : vector<16xf32>
        %parallel_loop3A_1424 = arith.addf %parallel_loop3A_1405, %parallel_loop3A_1419 : vector<16xf32>
        %parallel_loop3A_1425 = arith.constant 112 : i32
        %parallel_loop3A_1426 = arith.addi %parallel_loop3A_1291, %parallel_loop3A_1425 : i32
        %parallel_loop3A_1427 = arith.constant 0 : i32
        %parallel_loop3A_1428 = arith.index_cast %parallel_loop3A_1427 : i32 to index
        %parallel_loop3A_1429 = arith.index_cast %parallel_loop3A_1426 : i32 to index
        %parallel_loop3A_1430 = tpu.vector_load %arg6[%parallel_loop3A_1428, %parallel_loop3A_1429] {strides = array<i32>} : memref<8x2048xf32, #tpu.memory_space<vmem>>, vector<1x16xf32>,
        %parallel_loop3A_1431 = vector.shape_cast %parallel_loop3A_1430 : vector<1x16xf32> to vector<16xf32>
        %parallel_loop3A_1432 = arith.constant 112 : i32
        %parallel_loop3A_1433 = arith.addi %parallel_loop3A_1291, %parallel_loop3A_1432 : i32
        %parallel_loop3A_1434 = arith.constant 0 : i32
        %parallel_loop3A_1435 = arith.index_cast %parallel_loop3A_1434 : i32 to index
        %parallel_loop3A_1436 = arith.index_cast %parallel_loop3A_1433 : i32 to index
        %parallel_loop3A_1437 = tpu.vector_load %arg8[%parallel_loop3A_1435, %parallel_loop3A_1436] {strides = array<i32>} : memref<8x2048xf32, #tpu.memory_space<vmem>>, vector<1x16xf32>,
        %parallel_loop3A_1438 = vector.shape_cast %parallel_loop3A_1437 : vector<1x16xf32> to vector<16xf32>
        %parallel_loop3A_1439 = math.exp %parallel_loop3A_1431 : vector<16xf32>
        %parallel_loop3A_1440 = arith.addf %parallel_loop3A_1421, %parallel_loop3A_1439 : vector<16xf32>
        %parallel_loop3A_1441 = arith.mulf %parallel_loop3A_1439, %parallel_loop3A_1438 : vector<16xf32>
        %parallel_loop3A_1442 = arith.addf %parallel_loop3A_1423, %parallel_loop3A_1441 : vector<16xf32>
        %parallel_loop3A_1443 = arith.addf %parallel_loop3A_1424, %parallel_loop3A_1438 : vector<16xf32>
        %parallel_loop3A_1444 = arith.constant 0 : i32
        %parallel_loop3A_1445 = arith.addi %parallel_loop3A_1291, %parallel_loop3A_1444 : i32
        %parallel_loop3A_1446 = arith.constant 1 : i32
        %parallel_loop3A_1447 = arith.index_cast %parallel_loop3A_1446 : i32 to index
        %parallel_loop3A_1448 = arith.index_cast %parallel_loop3A_1445 : i32 to index
        %parallel_loop3A_1449 = tpu.vector_load %arg6[%parallel_loop3A_1447, %parallel_loop3A_1448] {strides = array<i32>} : memref<8x2048xf32, #tpu.memory_space<vmem>>, vector<1x16xf32>,
        %parallel_loop3A_1450 = vector.shape_cast %parallel_loop3A_1449 : vector<1x16xf32> to vector<16xf32>
        %parallel_loop3A_1451 = arith.constant 0 : i32
        %parallel_loop3A_1452 = arith.addi %parallel_loop3A_1291, %parallel_loop3A_1451 : i32
        %parallel_loop3A_1453 = arith.constant 1 : i32
        %parallel_loop3A_1454 = arith.index_cast %parallel_loop3A_1453 : i32 to index
        %parallel_loop3A_1455 = arith.index_cast %parallel_loop3A_1452 : i32 to index
        %parallel_loop3A_1456 = tpu.vector_load %arg8[%parallel_loop3A_1454, %parallel_loop3A_1455] {strides = array<i32>} : memref<8x2048xf32, #tpu.memory_space<vmem>>, vector<1x16xf32>,
        %parallel_loop3A_1457 = vector.shape_cast %parallel_loop3A_1456 : vector<1x16xf32> to vector<16xf32>
        %parallel_loop3A_1458 = math.exp %parallel_loop3A_1450 : vector<16xf32>
        %parallel_loop3A_1459 = arith.addf %parallel_loop3A_1267, %parallel_loop3A_1458 : vector<16xf32>
        %parallel_loop3A_1460 = arith.mulf %parallel_loop3A_1458, %parallel_loop3A_1457 : vector<16xf32>
        %parallel_loop3A_1461 = arith.addf %parallel_loop3A_1275, %parallel_loop3A_1460 : vector<16xf32>
        %parallel_loop3A_1462 = arith.addf %parallel_loop3A_1283, %parallel_loop3A_1457 : vector<16xf32>
        %parallel_loop3A_1463 = arith.constant 16 : i32
        %parallel_loop3A_1464 = arith.addi %parallel_loop3A_1291, %parallel_loop3A_1463 : i32
        %parallel_loop3A_1465 = arith.constant 1 : i32
        %parallel_loop3A_1466 = arith.index_cast %parallel_loop3A_1465 : i32 to index
        %parallel_loop3A_1467 = arith.index_cast %parallel_loop3A_1464 : i32 to index
        %parallel_loop3A_1468 = tpu.vector_load %arg6[%parallel_loop3A_1466, %parallel_loop3A_1467] {strides = array<i32>} : memref<8x2048xf32, #tpu.memory_space<vmem>>, vector<1x16xf32>,
        %parallel_loop3A_1469 = vector.shape_cast %parallel_loop3A_1468 : vector<1x16xf32> to vector<16xf32>
        %parallel_loop3A_1470 = arith.constant 16 : i32
        %parallel_loop3A_1471 = arith.addi %parallel_loop3A_1291, %parallel_loop3A_1470 : i32
        %parallel_loop3A_1472 = arith.constant 1 : i32
        %parallel_loop3A_1473 = arith.index_cast %parallel_loop3A_1472 : i32 to index
        %parallel_loop3A_1474 = arith.index_cast %parallel_loop3A_1471 : i32 to index
        %parallel_loop3A_1475 = tpu.vector_load %arg8[%parallel_loop3A_1473, %parallel_loop3A_1474] {strides = array<i32>} : memref<8x2048xf32, #tpu.memory_space<vmem>>, vector<1x16xf32>,
        %parallel_loop3A_1476 = vector.shape_cast %parallel_loop3A_1475 : vector<1x16xf32> to vector<16xf32>
        %parallel_loop3A_1477 = math.exp %parallel_loop3A_1469 : vector<16xf32>
        %parallel_loop3A_1478 = arith.addf %parallel_loop3A_1459, %parallel_loop3A_1477 : vector<16xf32>
        %parallel_loop3A_1479 = arith.mulf %parallel_loop3A_1477, %parallel_loop3A_1476 : vector<16xf32>
        %parallel_loop3A_1480 = arith.addf %parallel_loop3A_1461, %parallel_loop3A_1479 : vector<16xf32>
        %parallel_loop3A_1481 = arith.addf %parallel_loop3A_1462, %parallel_loop3A_1476 : vector<16xf32>
        %parallel_loop3A_1482 = arith.constant 32 : i32
        %parallel_loop3A_1483 = arith.addi %parallel_loop3A_1291, %parallel_loop3A_1482 : i32
        %parallel_loop3A_1484 = arith.constant 1 : i32
        %parallel_loop3A_1485 = arith.index_cast %parallel_loop3A_1484 : i32 to index
        %parallel_loop3A_1486 = arith.index_cast %parallel_loop3A_1483 : i32 to index
        %parallel_loop3A_1487 = tpu.vector_load %arg6[%parallel_loop3A_1485, %parallel_loop3A_1486] {strides = array<i32>} : memref<8x2048xf32, #tpu.memory_space<vmem>>, vector<1x16xf32>,
        %parallel_loop3A_1488 = vector.shape_cast %parallel_loop3A_1487 : vector<1x16xf32> to vector<16xf32>
        %parallel_loop3A_1489 = arith.constant 32 : i32
        %parallel_loop3A_1490 = arith.addi %parallel_loop3A_1291, %parallel_loop3A_1489 : i32
        %parallel_loop3A_1491 = arith.constant 1 : i32
        %parallel_loop3A_1492 = arith.index_cast %parallel_loop3A_1491 : i32 to index
        %parallel_loop3A_1493 = arith.index_cast %parallel_loop3A_1490 : i32 to index
        %parallel_loop3A_1494 = tpu.vector_load %arg8[%parallel_loop3A_1492, %parallel_loop3A_1493] {strides = array<i32>} : memref<8x2048xf32, #tpu.memory_space<vmem>>, vector<1x16xf32>,
        %parallel_loop3A_1495 = vector.shape_cast %parallel_loop3A_1494 : vector<1x16xf32> to vector<16xf32>
        %parallel_loop3A_1496 = math.exp %parallel_loop3A_1488 : vector<16xf32>
        %parallel_loop3A_1497 = arith.addf %parallel_loop3A_1478, %parallel_loop3A_1496 : vector<16xf32>
        %parallel_loop3A_1498 = arith.mulf %parallel_loop3A_1496, %parallel_loop3A_1495 : vector<16xf32>
        %parallel_loop3A_1499 = arith.addf %parallel_loop3A_1480, %parallel_loop3A_1498 : vector<16xf32>
        %parallel_loop3A_1500 = arith.addf %parallel_loop3A_1481, %parallel_loop3A_1495 : vector<16xf32>
        %parallel_loop3A_1501 = arith.constant 48 : i32
        %parallel_loop3A_1502 = arith.addi %parallel_loop3A_1291, %parallel_loop3A_1501 : i32
        %parallel_loop3A_1503 = arith.constant 1 : i32
        %parallel_loop3A_1504 = arith.index_cast %parallel_loop3A_1503 : i32 to index
        %parallel_loop3A_1505 = arith.index_cast %parallel_loop3A_1502 : i32 to index
        %parallel_loop3A_1506 = tpu.vector_load %arg6[%parallel_loop3A_1504, %parallel_loop3A_1505] {strides = array<i32>} : memref<8x2048xf32, #tpu.memory_space<vmem>>, vector<1x16xf32>,
        %parallel_loop3A_1507 = vector.shape_cast %parallel_loop3A_1506 : vector<1x16xf32> to vector<16xf32>
        %parallel_loop3A_1508 = arith.constant 48 : i32
        %parallel_loop3A_1509 = arith.addi %parallel_loop3A_1291, %parallel_loop3A_1508 : i32
        %parallel_loop3A_1510 = arith.constant 1 : i32
        %parallel_loop3A_1511 = arith.index_cast %parallel_loop3A_1510 : i32 to index
        %parallel_loop3A_1512 = arith.index_cast %parallel_loop3A_1509 : i32 to index
        %parallel_loop3A_1513 = tpu.vector_load %arg8[%parallel_loop3A_1511, %parallel_loop3A_1512] {strides = array<i32>} : memref<8x2048xf32, #tpu.memory_space<vmem>>, vector<1x16xf32>,
        %parallel_loop3A_1514 = vector.shape_cast %parallel_loop3A_1513 : vector<1x16xf32> to vector<16xf32>
        %parallel_loop3A_1515 = math.exp %parallel_loop3A_1507 : vector<16xf32>
        %parallel_loop3A_1516 = arith.addf %parallel_loop3A_1497, %parallel_loop3A_1515 : vector<16xf32>
        %parallel_loop3A_1517 = arith.mulf %parallel_loop3A_1515, %parallel_loop3A_1514 : vector<16xf32>
        %parallel_loop3A_1518 = arith.addf %parallel_loop3A_1499, %parallel_loop3A_1517 : vector<16xf32>
        %parallel_loop3A_1519 = arith.addf %parallel_loop3A_1500, %parallel_loop3A_1514 : vector<16xf32>
        %parallel_loop3A_1520 = arith.constant 64 : i32
        %parallel_loop3A_1521 = arith.addi %parallel_loop3A_1291, %parallel_loop3A_1520 : i32
        %parallel_loop3A_1522 = arith.constant 1 : i32
        %parallel_loop3A_1523 = arith.index_cast %parallel_loop3A_1522 : i32 to index
        %parallel_loop3A_1524 = arith.index_cast %parallel_loop3A_1521 : i32 to index
        %parallel_loop3A_1525 = tpu.vector_load %arg6[%parallel_loop3A_1523, %parallel_loop3A_1524] {strides = array<i32>} : memref<8x2048xf32, #tpu.memory_space<vmem>>, vector<1x16xf32>,
        %parallel_loop3A_1526 = vector.shape_cast %parallel_loop3A_1525 : vector<1x16xf32> to vector<16xf32>
        %parallel_loop3A_1527 = arith.constant 64 : i32
        %parallel_loop3A_1528 = arith.addi %parallel_loop3A_1291, %parallel_loop3A_1527 : i32
        %parallel_loop3A_1529 = arith.constant 1 : i32
        %parallel_loop3A_1530 = arith.index_cast %parallel_loop3A_1529 : i32 to index
        %parallel_loop3A_1531 = arith.index_cast %parallel_loop3A_1528 : i32 to index
        %parallel_loop3A_1532 = tpu.vector_load %arg8[%parallel_loop3A_1530, %parallel_loop3A_1531] {strides = array<i32>} : memref<8x2048xf32, #tpu.memory_space<vmem>>, vector<1x16xf32>,
        %parallel_loop3A_1533 = vector.shape_cast %parallel_loop3A_1532 : vector<1x16xf32> to vector<16xf32>
        %parallel_loop3A_1534 = math.exp %parallel_loop3A_1526 : vector<16xf32>
        %parallel_loop3A_1535 = arith.addf %parallel_loop3A_1516, %parallel_loop3A_1534 : vector<16xf32>
        %parallel_loop3A_1536 = arith.mulf %parallel_loop3A_1534, %parallel_loop3A_1533 : vector<16xf32>
        %parallel_loop3A_1537 = arith.addf %parallel_loop3A_1518, %parallel_loop3A_1536 : vector<16xf32>
        %parallel_loop3A_1538 = arith.addf %parallel_loop3A_1519, %parallel_loop3A_1533 : vector<16xf32>
        %parallel_loop3A_1539 = arith.constant 80 : i32
        %parallel_loop3A_1540 = arith.addi %parallel_loop3A_1291, %parallel_loop3A_1539 : i32
        %parallel_loop3A_1541 = arith.constant 1 : i32
        %parallel_loop3A_1542 = arith.index_cast %parallel_loop3A_1541 : i32 to index
        %parallel_loop3A_1543 = arith.index_cast %parallel_loop3A_1540 : i32 to index
        %parallel_loop3A_1544 = tpu.vector_load %arg6[%parallel_loop3A_1542, %parallel_loop3A_1543] {strides = array<i32>} : memref<8x2048xf32, #tpu.memory_space<vmem>>, vector<1x16xf32>,
        %parallel_loop3A_1545 = vector.shape_cast %parallel_loop3A_1544 : vector<1x16xf32> to vector<16xf32>
        %parallel_loop3A_1546 = arith.constant 80 : i32
        %parallel_loop3A_1547 = arith.addi %parallel_loop3A_1291, %parallel_loop3A_1546 : i32
        %parallel_loop3A_1548 = arith.constant 1 : i32
        %parallel_loop3A_1549 = arith.index_cast %parallel_loop3A_1548 : i32 to index
        %parallel_loop3A_1550 = arith.index_cast %parallel_loop3A_1547 : i32 to index
        %parallel_loop3A_1551 = tpu.vector_load %arg8[%parallel_loop3A_1549, %parallel_loop3A_1550] {strides = array<i32>} : memref<8x2048xf32, #tpu.memory_space<vmem>>, vector<1x16xf32>,
        %parallel_loop3A_1552 = vector.shape_cast %parallel_loop3A_1551 : vector<1x16xf32> to vector<16xf32>
        %parallel_loop3A_1553 = math.exp %parallel_loop3A_1545 : vector<16xf32>
        %parallel_loop3A_1554 = arith.addf %parallel_loop3A_1535, %parallel_loop3A_1553 : vector<16xf32>
        %parallel_loop3A_1555 = arith.mulf %parallel_loop3A_1553, %parallel_loop3A_1552 : vector<16xf32>
        %parallel_loop3A_1556 = arith.addf %parallel_loop3A_1537, %parallel_loop3A_1555 : vector<16xf32>
        %parallel_loop3A_1557 = arith.addf %parallel_loop3A_1538, %parallel_loop3A_1552 : vector<16xf32>
        %parallel_loop3A_1558 = arith.constant 96 : i32
        %parallel_loop3A_1559 = arith.addi %parallel_loop3A_1291, %parallel_loop3A_1558 : i32
        %parallel_loop3A_1560 = arith.constant 1 : i32
        %parallel_loop3A_1561 = arith.index_cast %parallel_loop3A_1560 : i32 to index
        %parallel_loop3A_1562 = arith.index_cast %parallel_loop3A_1559 : i32 to index
        %parallel_loop3A_1563 = tpu.vector_load %arg6[%parallel_loop3A_1561, %parallel_loop3A_1562] {strides = array<i32>} : memref<8x2048xf32, #tpu.memory_space<vmem>>, vector<1x16xf32>,
        %parallel_loop3A_1564 = vector.shape_cast %parallel_loop3A_1563 : vector<1x16xf32> to vector<16xf32>
        %parallel_loop3A_1565 = arith.constant 96 : i32
        %parallel_loop3A_1566 = arith.addi %parallel_loop3A_1291, %parallel_loop3A_1565 : i32
        %parallel_loop3A_1567 = arith.constant 1 : i32
        %parallel_loop3A_1568 = arith.index_cast %parallel_loop3A_1567 : i32 to index
        %parallel_loop3A_1569 = arith.index_cast %parallel_loop3A_1566 : i32 to index
        %parallel_loop3A_1570 = tpu.vector_load %arg8[%parallel_loop3A_1568, %parallel_loop3A_1569] {strides = array<i32>} : memref<8x2048xf32, #tpu.memory_space<vmem>>, vector<1x16xf32>,
        %parallel_loop3A_1571 = vector.shape_cast %parallel_loop3A_1570 : vector<1x16xf32> to vector<16xf32>
        %parallel_loop3A_1572 = math.exp %parallel_loop3A_1564 : vector<16xf32>
        %parallel_loop3A_1573 = arith.addf %parallel_loop3A_1554, %parallel_loop3A_1572 : vector<16xf32>
        %parallel_loop3A_1574 = arith.mulf %parallel_loop3A_1572, %parallel_loop3A_1571 : vector<16xf32>
        %parallel_loop3A_1575 = arith.addf %parallel_loop3A_1556, %parallel_loop3A_1574 : vector<16xf32>
        %parallel_loop3A_1576 = arith.addf %parallel_loop3A_1557, %parallel_loop3A_1571 : vector<16xf32>
        %parallel_loop3A_1577 = arith.constant 112 : i32
        %parallel_loop3A_1578 = arith.addi %parallel_loop3A_1291, %parallel_loop3A_1577 : i32
        %parallel_loop3A_1579 = arith.constant 1 : i32
        %parallel_loop3A_1580 = arith.index_cast %parallel_loop3A_1579 : i32 to index
        %parallel_loop3A_1581 = arith.index_cast %parallel_loop3A_1578 : i32 to index
        %parallel_loop3A_1582 = tpu.vector_load %arg6[%parallel_loop3A_1580, %parallel_loop3A_1581] {strides = array<i32>} : memref<8x2048xf32, #tpu.memory_space<vmem>>, vector<1x16xf32>,
        %parallel_loop3A_1583 = vector.shape_cast %parallel_loop3A_1582 : vector<1x16xf32> to vector<16xf32>
        %parallel_loop3A_1584 = arith.constant 112 : i32
        %parallel_loop3A_1585 = arith.addi %parallel_loop3A_1291, %parallel_loop3A_1584 : i32
        %parallel_loop3A_1586 = arith.constant 1 : i32
        %parallel_loop3A_1587 = arith.index_cast %parallel_loop3A_1586 : i32 to index
        %parallel_loop3A_1588 = arith.index_cast %parallel_loop3A_1585 : i32 to index
        %parallel_loop3A_1589 = tpu.vector_load %arg8[%parallel_loop3A_1587, %parallel_loop3A_1588] {strides = array<i32>} : memref<8x2048xf32, #tpu.memory_space<vmem>>, vector<1x16xf32>,
        %parallel_loop3A_1590 = vector.shape_cast %parallel_loop3A_1589 : vector<1x16xf32> to vector<16xf32>
        %parallel_loop3A_1591 = math.exp %parallel_loop3A_1583 : vector<16xf32>
        %parallel_loop3A_1592 = arith.addf %parallel_loop3A_1573, %parallel_loop3A_1591 : vector<16xf32>
        %parallel_loop3A_1593 = arith.mulf %parallel_loop3A_1591, %parallel_loop3A_1590 : vector<16xf32>
        %parallel_loop3A_1594 = arith.addf %parallel_loop3A_1575, %parallel_loop3A_1593 : vector<16xf32>
        %parallel_loop3A_1595 = arith.addf %parallel_loop3A_1576, %parallel_loop3A_1590 : vector<16xf32>
        %parallel_loop3A_1596 = arith.constant 0 : i32
        %parallel_loop3A_1597 = arith.addi %parallel_loop3A_1291, %parallel_loop3A_1596 : i32
        %parallel_loop3A_1598 = arith.constant 2 : i32
        %parallel_loop3A_1599 = arith.index_cast %parallel_loop3A_1598 : i32 to index
        %parallel_loop3A_1600 = arith.index_cast %parallel_loop3A_1597 : i32 to index
        %parallel_loop3A_1601 = tpu.vector_load %arg6[%parallel_loop3A_1599, %parallel_loop3A_1600] {strides = array<i32>} : memref<8x2048xf32, #tpu.memory_space<vmem>>, vector<1x16xf32>,
        %parallel_loop3A_1602 = vector.shape_cast %parallel_loop3A_1601 : vector<1x16xf32> to vector<16xf32>
        %parallel_loop3A_1603 = arith.constant 0 : i32
        %parallel_loop3A_1604 = arith.addi %parallel_loop3A_1291, %parallel_loop3A_1603 : i32
        %parallel_loop3A_1605 = arith.constant 2 : i32
        %parallel_loop3A_1606 = arith.index_cast %parallel_loop3A_1605 : i32 to index
        %parallel_loop3A_1607 = arith.index_cast %parallel_loop3A_1604 : i32 to index
        %parallel_loop3A_1608 = tpu.vector_load %arg8[%parallel_loop3A_1606, %parallel_loop3A_1607] {strides = array<i32>} : memref<8x2048xf32, #tpu.memory_space<vmem>>, vector<1x16xf32>,
        %parallel_loop3A_1609 = vector.shape_cast %parallel_loop3A_1608 : vector<1x16xf32> to vector<16xf32>
        %parallel_loop3A_1610 = math.exp %parallel_loop3A_1602 : vector<16xf32>
        %parallel_loop3A_1611 = arith.addf %parallel_loop3A_1268, %parallel_loop3A_1610 : vector<16xf32>
        %parallel_loop3A_1612 = arith.mulf %parallel_loop3A_1610, %parallel_loop3A_1609 : vector<16xf32>
        %parallel_loop3A_1613 = arith.addf %parallel_loop3A_1276, %parallel_loop3A_1612 : vector<16xf32>
        %parallel_loop3A_1614 = arith.addf %parallel_loop3A_1284, %parallel_loop3A_1609 : vector<16xf32>
        %parallel_loop3A_1615 = arith.constant 16 : i32
        %parallel_loop3A_1616 = arith.addi %parallel_loop3A_1291, %parallel_loop3A_1615 : i32
        %parallel_loop3A_1617 = arith.constant 2 : i32
        %parallel_loop3A_1618 = arith.index_cast %parallel_loop3A_1617 : i32 to index
        %parallel_loop3A_1619 = arith.index_cast %parallel_loop3A_1616 : i32 to index
        %parallel_loop3A_1620 = tpu.vector_load %arg6[%parallel_loop3A_1618, %parallel_loop3A_1619] {strides = array<i32>} : memref<8x2048xf32, #tpu.memory_space<vmem>>, vector<1x16xf32>,
        %parallel_loop3A_1621 = vector.shape_cast %parallel_loop3A_1620 : vector<1x16xf32> to vector<16xf32>
        %parallel_loop3A_1622 = arith.constant 16 : i32
        %parallel_loop3A_1623 = arith.addi %parallel_loop3A_1291, %parallel_loop3A_1622 : i32
        %parallel_loop3A_1624 = arith.constant 2 : i32
        %parallel_loop3A_1625 = arith.index_cast %parallel_loop3A_1624 : i32 to index
        %parallel_loop3A_1626 = arith.index_cast %parallel_loop3A_1623 : i32 to index
        %parallel_loop3A_1627 = tpu.vector_load %arg8[%parallel_loop3A_1625, %parallel_loop3A_1626] {strides = array<i32>} : memref<8x2048xf32, #tpu.memory_space<vmem>>, vector<1x16xf32>,
        %parallel_loop3A_1628 = vector.shape_cast %parallel_loop3A_1627 : vector<1x16xf32> to vector<16xf32>
        %parallel_loop3A_1629 = math.exp %parallel_loop3A_1621 : vector<16xf32>
        %parallel_loop3A_1630 = arith.addf %parallel_loop3A_1611, %parallel_loop3A_1629 : vector<16xf32>
        %parallel_loop3A_1631 = arith.mulf %parallel_loop3A_1629, %parallel_loop3A_1628 : vector<16xf32>
        %parallel_loop3A_1632 = arith.addf %parallel_loop3A_1613, %parallel_loop3A_1631 : vector<16xf32>
        %parallel_loop3A_1633 = arith.addf %parallel_loop3A_1614, %parallel_loop3A_1628 : vector<16xf32>
        %parallel_loop3A_1634 = arith.constant 32 : i32
        %parallel_loop3A_1635 = arith.addi %parallel_loop3A_1291, %parallel_loop3A_1634 : i32
        %parallel_loop3A_1636 = arith.constant 2 : i32
        %parallel_loop3A_1637 = arith.index_cast %parallel_loop3A_1636 : i32 to index
        %parallel_loop3A_1638 = arith.index_cast %parallel_loop3A_1635 : i32 to index
        %parallel_loop3A_1639 = tpu.vector_load %arg6[%parallel_loop3A_1637, %parallel_loop3A_1638] {strides = array<i32>} : memref<8x2048xf32, #tpu.memory_space<vmem>>, vector<1x16xf32>,
        %parallel_loop3A_1640 = vector.shape_cast %parallel_loop3A_1639 : vector<1x16xf32> to vector<16xf32>
        %parallel_loop3A_1641 = arith.constant 32 : i32
        %parallel_loop3A_1642 = arith.addi %parallel_loop3A_1291, %parallel_loop3A_1641 : i32
        %parallel_loop3A_1643 = arith.constant 2 : i32
        %parallel_loop3A_1644 = arith.index_cast %parallel_loop3A_1643 : i32 to index
        %parallel_loop3A_1645 = arith.index_cast %parallel_loop3A_1642 : i32 to index
        %parallel_loop3A_1646 = tpu.vector_load %arg8[%parallel_loop3A_1644, %parallel_loop3A_1645] {strides = array<i32>} : memref<8x2048xf32, #tpu.memory_space<vmem>>, vector<1x16xf32>,
        %parallel_loop3A_1647 = vector.shape_cast %parallel_loop3A_1646 : vector<1x16xf32> to vector<16xf32>
        %parallel_loop3A_1648 = math.exp %parallel_loop3A_1640 : vector<16xf32>
        %parallel_loop3A_1649 = arith.addf %parallel_loop3A_1630, %parallel_loop3A_1648 : vector<16xf32>
        %parallel_loop3A_1650 = arith.mulf %parallel_loop3A_1648, %parallel_loop3A_1647 : vector<16xf32>
        %parallel_loop3A_1651 = arith.addf %parallel_loop3A_1632, %parallel_loop3A_1650 : vector<16xf32>
        %parallel_loop3A_1652 = arith.addf %parallel_loop3A_1633, %parallel_loop3A_1647 : vector<16xf32>
        %parallel_loop3A_1653 = arith.constant 48 : i32
        %parallel_loop3A_1654 = arith.addi %parallel_loop3A_1291, %parallel_loop3A_1653 : i32
        %parallel_loop3A_1655 = arith.constant 2 : i32
        %parallel_loop3A_1656 = arith.index_cast %parallel_loop3A_1655 : i32 to index
        %parallel_loop3A_1657 = arith.index_cast %parallel_loop3A_1654 : i32 to index
        %parallel_loop3A_1658 = tpu.vector_load %arg6[%parallel_loop3A_1656, %parallel_loop3A_1657] {strides = array<i32>} : memref<8x2048xf32, #tpu.memory_space<vmem>>, vector<1x16xf32>,
        %parallel_loop3A_1659 = vector.shape_cast %parallel_loop3A_1658 : vector<1x16xf32> to vector<16xf32>
        %parallel_loop3A_1660 = arith.constant 48 : i32
        %parallel_loop3A_1661 = arith.addi %parallel_loop3A_1291, %parallel_loop3A_1660 : i32
        %parallel_loop3A_1662 = arith.constant 2 : i32
        %parallel_loop3A_1663 = arith.index_cast %parallel_loop3A_1662 : i32 to index
        %parallel_loop3A_1664 = arith.index_cast %parallel_loop3A_1661 : i32 to index
        %parallel_loop3A_1665 = tpu.vector_load %arg8[%parallel_loop3A_1663, %parallel_loop3A_1664] {strides = array<i32>} : memref<8x2048xf32, #tpu.memory_space<vmem>>, vector<1x16xf32>,
        %parallel_loop3A_1666 = vector.shape_cast %parallel_loop3A_1665 : vector<1x16xf32> to vector<16xf32>
        %parallel_loop3A_1667 = math.exp %parallel_loop3A_1659 : vector<16xf32>
        %parallel_loop3A_1668 = arith.addf %parallel_loop3A_1649, %parallel_loop3A_1667 : vector<16xf32>
        %parallel_loop3A_1669 = arith.mulf %parallel_loop3A_1667, %parallel_loop3A_1666 : vector<16xf32>
        %parallel_loop3A_1670 = arith.addf %parallel_loop3A_1651, %parallel_loop3A_1669 : vector<16xf32>
        %parallel_loop3A_1671 = arith.addf %parallel_loop3A_1652, %parallel_loop3A_1666 : vector<16xf32>
        %parallel_loop3A_1672 = arith.constant 64 : i32
        %parallel_loop3A_1673 = arith.addi %parallel_loop3A_1291, %parallel_loop3A_1672 : i32
        %parallel_loop3A_1674 = arith.constant 2 : i32
        %parallel_loop3A_1675 = arith.index_cast %parallel_loop3A_1674 : i32 to index
        %parallel_loop3A_1676 = arith.index_cast %parallel_loop3A_1673 : i32 to index
        %parallel_loop3A_1677 = tpu.vector_load %arg6[%parallel_loop3A_1675, %parallel_loop3A_1676] {strides = array<i32>} : memref<8x2048xf32, #tpu.memory_space<vmem>>, vector<1x16xf32>,
        %parallel_loop3A_1678 = vector.shape_cast %parallel_loop3A_1677 : vector<1x16xf32> to vector<16xf32>
        %parallel_loop3A_1679 = arith.constant 64 : i32
        %parallel_loop3A_1680 = arith.addi %parallel_loop3A_1291, %parallel_loop3A_1679 : i32
        %parallel_loop3A_1681 = arith.constant 2 : i32
        %parallel_loop3A_1682 = arith.index_cast %parallel_loop3A_1681 : i32 to index
        %parallel_loop3A_1683 = arith.index_cast %parallel_loop3A_1680 : i32 to index
        %parallel_loop3A_1684 = tpu.vector_load %arg8[%parallel_loop3A_1682, %parallel_loop3A_1683] {strides = array<i32>} : memref<8x2048xf32, #tpu.memory_space<vmem>>, vector<1x16xf32>,
        %parallel_loop3A_1685 = vector.shape_cast %parallel_loop3A_1684 : vector<1x16xf32> to vector<16xf32>
        %parallel_loop3A_1686 = math.exp %parallel_loop3A_1678 : vector<16xf32>
        %parallel_loop3A_1687 = arith.addf %parallel_loop3A_1668, %parallel_loop3A_1686 : vector<16xf32>
        %parallel_loop3A_1688 = arith.mulf %parallel_loop3A_1686, %parallel_loop3A_1685 : vector<16xf32>
        %parallel_loop3A_1689 = arith.addf %parallel_loop3A_1670, %parallel_loop3A_1688 : vector<16xf32>
        %parallel_loop3A_1690 = arith.addf %parallel_loop3A_1671, %parallel_loop3A_1685 : vector<16xf32>
        %parallel_loop3A_1691 = arith.constant 80 : i32
        %parallel_loop3A_1692 = arith.addi %parallel_loop3A_1291, %parallel_loop3A_1691 : i32
        %parallel_loop3A_1693 = arith.constant 2 : i32
        %parallel_loop3A_1694 = arith.index_cast %parallel_loop3A_1693 : i32 to index
        %parallel_loop3A_1695 = arith.index_cast %parallel_loop3A_1692 : i32 to index
        %parallel_loop3A_1696 = tpu.vector_load %arg6[%parallel_loop3A_1694, %parallel_loop3A_1695] {strides = array<i32>} : memref<8x2048xf32, #tpu.memory_space<vmem>>, vector<1x16xf32>,
        %parallel_loop3A_1697 = vector.shape_cast %parallel_loop3A_1696 : vector<1x16xf32> to vector<16xf32>
        %parallel_loop3A_1698 = arith.constant 80 : i32
        %parallel_loop3A_1699 = arith.addi %parallel_loop3A_1291, %parallel_loop3A_1698 : i32
        %parallel_loop3A_1700 = arith.constant 2 : i32
        %parallel_loop3A_1701 = arith.index_cast %parallel_loop3A_1700 : i32 to index
        %parallel_loop3A_1702 = arith.index_cast %parallel_loop3A_1699 : i32 to index
        %parallel_loop3A_1703 = tpu.vector_load %arg8[%parallel_loop3A_1701, %parallel_loop3A_1702] {strides = array<i32>} : memref<8x2048xf32, #tpu.memory_space<vmem>>, vector<1x16xf32>,
        %parallel_loop3A_1704 = vector.shape_cast %parallel_loop3A_1703 : vector<1x16xf32> to vector<16xf32>
        %parallel_loop3A_1705 = math.exp %parallel_loop3A_1697 : vector<16xf32>
        %parallel_loop3A_1706 = arith.addf %parallel_loop3A_1687, %parallel_loop3A_1705 : vector<16xf32>
        %parallel_loop3A_1707 = arith.mulf %parallel_loop3A_1705, %parallel_loop3A_1704 : vector<16xf32>
        %parallel_loop3A_1708 = arith.addf %parallel_loop3A_1689, %parallel_loop3A_1707 : vector<16xf32>
        %parallel_loop3A_1709 = arith.addf %parallel_loop3A_1690, %parallel_loop3A_1704 : vector<16xf32>
        %parallel_loop3A_1710 = arith.constant 96 : i32
        %parallel_loop3A_1711 = arith.addi %parallel_loop3A_1291, %parallel_loop3A_1710 : i32
        %parallel_loop3A_1712 = arith.constant 2 : i32
        %parallel_loop3A_1713 = arith.index_cast %parallel_loop3A_1712 : i32 to index
        %parallel_loop3A_1714 = arith.index_cast %parallel_loop3A_1711 : i32 to index
        %parallel_loop3A_1715 = tpu.vector_load %arg6[%parallel_loop3A_1713, %parallel_loop3A_1714] {strides = array<i32>} : memref<8x2048xf32, #tpu.memory_space<vmem>>, vector<1x16xf32>,
        %parallel_loop3A_1716 = vector.shape_cast %parallel_loop3A_1715 : vector<1x16xf32> to vector<16xf32>
        %parallel_loop3A_1717 = arith.constant 96 : i32
        %parallel_loop3A_1718 = arith.addi %parallel_loop3A_1291, %parallel_loop3A_1717 : i32
        %parallel_loop3A_1719 = arith.constant 2 : i32
        %parallel_loop3A_1720 = arith.index_cast %parallel_loop3A_1719 : i32 to index
        %parallel_loop3A_1721 = arith.index_cast %parallel_loop3A_1718 : i32 to index
        %parallel_loop3A_1722 = tpu.vector_load %arg8[%parallel_loop3A_1720, %parallel_loop3A_1721] {strides = array<i32>} : memref<8x2048xf32, #tpu.memory_space<vmem>>, vector<1x16xf32>,
        %parallel_loop3A_1723 = vector.shape_cast %parallel_loop3A_1722 : vector<1x16xf32> to vector<16xf32>
        %parallel_loop3A_1724 = math.exp %parallel_loop3A_1716 : vector<16xf32>
        %parallel_loop3A_1725 = arith.addf %parallel_loop3A_1706, %parallel_loop3A_1724 : vector<16xf32>
        %parallel_loop3A_1726 = arith.mulf %parallel_loop3A_1724, %parallel_loop3A_1723 : vector<16xf32>
        %parallel_loop3A_1727 = arith.addf %parallel_loop3A_1708, %parallel_loop3A_1726 : vector<16xf32>
        %parallel_loop3A_1728 = arith.addf %parallel_loop3A_1709, %parallel_loop3A_1723 : vector<16xf32>
        %parallel_loop3A_1729 = arith.constant 112 : i32
        %parallel_loop3A_1730 = arith.addi %parallel_loop3A_1291, %parallel_loop3A_1729 : i32
        %parallel_loop3A_1731 = arith.constant 2 : i32
        %parallel_loop3A_1732 = arith.index_cast %parallel_loop3A_1731 : i32 to index
        %parallel_loop3A_1733 = arith.index_cast %parallel_loop3A_1730 : i32 to index
        %parallel_loop3A_1734 = tpu.vector_load %arg6[%parallel_loop3A_1732, %parallel_loop3A_1733] {strides = array<i32>} : memref<8x2048xf32, #tpu.memory_space<vmem>>, vector<1x16xf32>,
        %parallel_loop3A_1735 = vector.shape_cast %parallel_loop3A_1734 : vector<1x16xf32> to vector<16xf32>
        %parallel_loop3A_1736 = arith.constant 112 : i32
        %parallel_loop3A_1737 = arith.addi %parallel_loop3A_1291, %parallel_loop3A_1736 : i32
        %parallel_loop3A_1738 = arith.constant 2 : i32
        %parallel_loop3A_1739 = arith.index_cast %parallel_loop3A_1738 : i32 to index
        %parallel_loop3A_1740 = arith.index_cast %parallel_loop3A_1737 : i32 to index
        %parallel_loop3A_1741 = tpu.vector_load %arg8[%parallel_loop3A_1739, %parallel_loop3A_1740] {strides = array<i32>} : memref<8x2048xf32, #tpu.memory_space<vmem>>, vector<1x16xf32>,
        %parallel_loop3A_1742 = vector.shape_cast %parallel_loop3A_1741 : vector<1x16xf32> to vector<16xf32>
        %parallel_loop3A_1743 = math.exp %parallel_loop3A_1735 : vector<16xf32>
        %parallel_loop3A_1744 = arith.addf %parallel_loop3A_1725, %parallel_loop3A_1743 : vector<16xf32>
        %parallel_loop3A_1745 = arith.mulf %parallel_loop3A_1743, %parallel_loop3A_1742 : vector<16xf32>
        %parallel_loop3A_1746 = arith.addf %parallel_loop3A_1727, %parallel_loop3A_1745 : vector<16xf32>
        %parallel_loop3A_1747 = arith.addf %parallel_loop3A_1728, %parallel_loop3A_1742 : vector<16xf32>
        %parallel_loop3A_1748 = arith.constant 0 : i32
        %parallel_loop3A_1749 = arith.addi %parallel_loop3A_1291, %parallel_loop3A_1748 : i32
        %parallel_loop3A_1750 = arith.constant 3 : i32
        %parallel_loop3A_1751 = arith.index_cast %parallel_loop3A_1750 : i32 to index
        %parallel_loop3A_1752 = arith.index_cast %parallel_loop3A_1749 : i32 to index
        %parallel_loop3A_1753 = tpu.vector_load %arg6[%parallel_loop3A_1751, %parallel_loop3A_1752] {strides = array<i32>} : memref<8x2048xf32, #tpu.memory_space<vmem>>, vector<1x16xf32>,
        %parallel_loop3A_1754 = vector.shape_cast %parallel_loop3A_1753 : vector<1x16xf32> to vector<16xf32>
        %parallel_loop3A_1755 = arith.constant 0 : i32
        %parallel_loop3A_1756 = arith.addi %parallel_loop3A_1291, %parallel_loop3A_1755 : i32
        %parallel_loop3A_1757 = arith.constant 3 : i32
        %parallel_loop3A_1758 = arith.index_cast %parallel_loop3A_1757 : i32 to index
        %parallel_loop3A_1759 = arith.index_cast %parallel_loop3A_1756 : i32 to index
        %parallel_loop3A_1760 = tpu.vector_load %arg8[%parallel_loop3A_1758, %parallel_loop3A_1759] {strides = array<i32>} : memref<8x2048xf32, #tpu.memory_space<vmem>>, vector<1x16xf32>,
        %parallel_loop3A_1761 = vector.shape_cast %parallel_loop3A_1760 : vector<1x16xf32> to vector<16xf32>
        %parallel_loop3A_1762 = math.exp %parallel_loop3A_1754 : vector<16xf32>
        %parallel_loop3A_1763 = arith.addf %parallel_loop3A_1269, %parallel_loop3A_1762 : vector<16xf32>
        %parallel_loop3A_1764 = arith.mulf %parallel_loop3A_1762, %parallel_loop3A_1761 : vector<16xf32>
        %parallel_loop3A_1765 = arith.addf %parallel_loop3A_1277, %parallel_loop3A_1764 : vector<16xf32>
        %parallel_loop3A_1766 = arith.addf %parallel_loop3A_1285, %parallel_loop3A_1761 : vector<16xf32>
        %parallel_loop3A_1767 = arith.constant 16 : i32
        %parallel_loop3A_1768 = arith.addi %parallel_loop3A_1291, %parallel_loop3A_1767 : i32
        %parallel_loop3A_1769 = arith.constant 3 : i32
        %parallel_loop3A_1770 = arith.index_cast %parallel_loop3A_1769 : i32 to index
        %parallel_loop3A_1771 = arith.index_cast %parallel_loop3A_1768 : i32 to index
        %parallel_loop3A_1772 = tpu.vector_load %arg6[%parallel_loop3A_1770, %parallel_loop3A_1771] {strides = array<i32>} : memref<8x2048xf32, #tpu.memory_space<vmem>>, vector<1x16xf32>,
        %parallel_loop3A_1773 = vector.shape_cast %parallel_loop3A_1772 : vector<1x16xf32> to vector<16xf32>
        %parallel_loop3A_1774 = arith.constant 16 : i32
        %parallel_loop3A_1775 = arith.addi %parallel_loop3A_1291, %parallel_loop3A_1774 : i32
        %parallel_loop3A_1776 = arith.constant 3 : i32
        %parallel_loop3A_1777 = arith.index_cast %parallel_loop3A_1776 : i32 to index
        %parallel_loop3A_1778 = arith.index_cast %parallel_loop3A_1775 : i32 to index
        %parallel_loop3A_1779 = tpu.vector_load %arg8[%parallel_loop3A_1777, %parallel_loop3A_1778] {strides = array<i32>} : memref<8x2048xf32, #tpu.memory_space<vmem>>, vector<1x16xf32>,
        %parallel_loop3A_1780 = vector.shape_cast %parallel_loop3A_1779 : vector<1x16xf32> to vector<16xf32>
        %parallel_loop3A_1781 = math.exp %parallel_loop3A_1773 : vector<16xf32>
        %parallel_loop3A_1782 = arith.addf %parallel_loop3A_1763, %parallel_loop3A_1781 : vector<16xf32>
        %parallel_loop3A_1783 = arith.mulf %parallel_loop3A_1781, %parallel_loop3A_1780 : vector<16xf32>
        %parallel_loop3A_1784 = arith.addf %parallel_loop3A_1765, %parallel_loop3A_1783 : vector<16xf32>
        %parallel_loop3A_1785 = arith.addf %parallel_loop3A_1766, %parallel_loop3A_1780 : vector<16xf32>
        %parallel_loop3A_1786 = arith.constant 32 : i32
        %parallel_loop3A_1787 = arith.addi %parallel_loop3A_1291, %parallel_loop3A_1786 : i32
        %parallel_loop3A_1788 = arith.constant 3 : i32
        %parallel_loop3A_1789 = arith.index_cast %parallel_loop3A_1788 : i32 to index
        %parallel_loop3A_1790 = arith.index_cast %parallel_loop3A_1787 : i32 to index
        %parallel_loop3A_1791 = tpu.vector_load %arg6[%parallel_loop3A_1789, %parallel_loop3A_1790] {strides = array<i32>} : memref<8x2048xf32, #tpu.memory_space<vmem>>, vector<1x16xf32>,
        %parallel_loop3A_1792 = vector.shape_cast %parallel_loop3A_1791 : vector<1x16xf32> to vector<16xf32>
        %parallel_loop3A_1793 = arith.constant 32 : i32
        %parallel_loop3A_1794 = arith.addi %parallel_loop3A_1291, %parallel_loop3A_1793 : i32
        %parallel_loop3A_1795 = arith.constant 3 : i32
        %parallel_loop3A_1796 = arith.index_cast %parallel_loop3A_1795 : i32 to index
        %parallel_loop3A_1797 = arith.index_cast %parallel_loop3A_1794 : i32 to index
        %parallel_loop3A_1798 = tpu.vector_load %arg8[%parallel_loop3A_1796, %parallel_loop3A_1797] {strides = array<i32>} : memref<8x2048xf32, #tpu.memory_space<vmem>>, vector<1x16xf32>,
        %parallel_loop3A_1799 = vector.shape_cast %parallel_loop3A_1798 : vector<1x16xf32> to vector<16xf32>
        %parallel_loop3A_1800 = math.exp %parallel_loop3A_1792 : vector<16xf32>
        %parallel_loop3A_1801 = arith.addf %parallel_loop3A_1782, %parallel_loop3A_1800 : vector<16xf32>
        %parallel_loop3A_1802 = arith.mulf %parallel_loop3A_1800, %parallel_loop3A_1799 : vector<16xf32>
        %parallel_loop3A_1803 = arith.addf %parallel_loop3A_1784, %parallel_loop3A_1802 : vector<16xf32>
        %parallel_loop3A_1804 = arith.addf %parallel_loop3A_1785, %parallel_loop3A_1799 : vector<16xf32>
        %parallel_loop3A_1805 = arith.constant 48 : i32
        %parallel_loop3A_1806 = arith.addi %parallel_loop3A_1291, %parallel_loop3A_1805 : i32
        %parallel_loop3A_1807 = arith.constant 3 : i32
        %parallel_loop3A_1808 = arith.index_cast %parallel_loop3A_1807 : i32 to index
        %parallel_loop3A_1809 = arith.index_cast %parallel_loop3A_1806 : i32 to index
        %parallel_loop3A_1810 = tpu.vector_load %arg6[%parallel_loop3A_1808, %parallel_loop3A_1809] {strides = array<i32>} : memref<8x2048xf32, #tpu.memory_space<vmem>>, vector<1x16xf32>,
        %parallel_loop3A_1811 = vector.shape_cast %parallel_loop3A_1810 : vector<1x16xf32> to vector<16xf32>
        %parallel_loop3A_1812 = arith.constant 48 : i32
        %parallel_loop3A_1813 = arith.addi %parallel_loop3A_1291, %parallel_loop3A_1812 : i32
        %parallel_loop3A_1814 = arith.constant 3 : i32
        %parallel_loop3A_1815 = arith.index_cast %parallel_loop3A_1814 : i32 to index
        %parallel_loop3A_1816 = arith.index_cast %parallel_loop3A_1813 : i32 to index
        %parallel_loop3A_1817 = tpu.vector_load %arg8[%parallel_loop3A_1815, %parallel_loop3A_1816] {strides = array<i32>} : memref<8x2048xf32, #tpu.memory_space<vmem>>, vector<1x16xf32>,
        %parallel_loop3A_1818 = vector.shape_cast %parallel_loop3A_1817 : vector<1x16xf32> to vector<16xf32>
        %parallel_loop3A_1819 = math.exp %parallel_loop3A_1811 : vector<16xf32>
        %parallel_loop3A_1820 = arith.addf %parallel_loop3A_1801, %parallel_loop3A_1819 : vector<16xf32>
        %parallel_loop3A_1821 = arith.mulf %parallel_loop3A_1819, %parallel_loop3A_1818 : vector<16xf32>
        %parallel_loop3A_1822 = arith.addf %parallel_loop3A_1803, %parallel_loop3A_1821 : vector<16xf32>
        %parallel_loop3A_1823 = arith.addf %parallel_loop3A_1804, %parallel_loop3A_1818 : vector<16xf32>
        %parallel_loop3A_1824 = arith.constant 64 : i32
        %parallel_loop3A_1825 = arith.addi %parallel_loop3A_1291, %parallel_loop3A_1824 : i32
        %parallel_loop3A_1826 = arith.constant 3 : i32
        %parallel_loop3A_1827 = arith.index_cast %parallel_loop3A_1826 : i32 to index
        %parallel_loop3A_1828 = arith.index_cast %parallel_loop3A_1825 : i32 to index
        %parallel_loop3A_1829 = tpu.vector_load %arg6[%parallel_loop3A_1827, %parallel_loop3A_1828] {strides = array<i32>} : memref<8x2048xf32, #tpu.memory_space<vmem>>, vector<1x16xf32>,
        %parallel_loop3A_1830 = vector.shape_cast %parallel_loop3A_1829 : vector<1x16xf32> to vector<16xf32>
        %parallel_loop3A_1831 = arith.constant 64 : i32
        %parallel_loop3A_1832 = arith.addi %parallel_loop3A_1291, %parallel_loop3A_1831 : i32
        %parallel_loop3A_1833 = arith.constant 3 : i32
        %parallel_loop3A_1834 = arith.index_cast %parallel_loop3A_1833 : i32 to index
        %parallel_loop3A_1835 = arith.index_cast %parallel_loop3A_1832 : i32 to index
        %parallel_loop3A_1836 = tpu.vector_load %arg8[%parallel_loop3A_1834, %parallel_loop3A_1835] {strides = array<i32>} : memref<8x2048xf32, #tpu.memory_space<vmem>>, vector<1x16xf32>,
        %parallel_loop3A_1837 = vector.shape_cast %parallel_loop3A_1836 : vector<1x16xf32> to vector<16xf32>
        %parallel_loop3A_1838 = math.exp %parallel_loop3A_1830 : vector<16xf32>
        %parallel_loop3A_1839 = arith.addf %parallel_loop3A_1820, %parallel_loop3A_1838 : vector<16xf32>
        %parallel_loop3A_1840 = arith.mulf %parallel_loop3A_1838, %parallel_loop3A_1837 : vector<16xf32>
        %parallel_loop3A_1841 = arith.addf %parallel_loop3A_1822, %parallel_loop3A_1840 : vector<16xf32>
        %parallel_loop3A_1842 = arith.addf %parallel_loop3A_1823, %parallel_loop3A_1837 : vector<16xf32>
        %parallel_loop3A_1843 = arith.constant 80 : i32
        %parallel_loop3A_1844 = arith.addi %parallel_loop3A_1291, %parallel_loop3A_1843 : i32
        %parallel_loop3A_1845 = arith.constant 3 : i32
        %parallel_loop3A_1846 = arith.index_cast %parallel_loop3A_1845 : i32 to index
        %parallel_loop3A_1847 = arith.index_cast %parallel_loop3A_1844 : i32 to index
        %parallel_loop3A_1848 = tpu.vector_load %arg6[%parallel_loop3A_1846, %parallel_loop3A_1847] {strides = array<i32>} : memref<8x2048xf32, #tpu.memory_space<vmem>>, vector<1x16xf32>,
        %parallel_loop3A_1849 = vector.shape_cast %parallel_loop3A_1848 : vector<1x16xf32> to vector<16xf32>
        %parallel_loop3A_1850 = arith.constant 80 : i32
        %parallel_loop3A_1851 = arith.addi %parallel_loop3A_1291, %parallel_loop3A_1850 : i32
        %parallel_loop3A_1852 = arith.constant 3 : i32
        %parallel_loop3A_1853 = arith.index_cast %parallel_loop3A_1852 : i32 to index
        %parallel_loop3A_1854 = arith.index_cast %parallel_loop3A_1851 : i32 to index
        %parallel_loop3A_1855 = tpu.vector_load %arg8[%parallel_loop3A_1853, %parallel_loop3A_1854] {strides = array<i32>} : memref<8x2048xf32, #tpu.memory_space<vmem>>, vector<1x16xf32>,
        %parallel_loop3A_1856 = vector.shape_cast %parallel_loop3A_1855 : vector<1x16xf32> to vector<16xf32>
        %parallel_loop3A_1857 = math.exp %parallel_loop3A_1849 : vector<16xf32>
        %parallel_loop3A_1858 = arith.addf %parallel_loop3A_1839, %parallel_loop3A_1857 : vector<16xf32>
        %parallel_loop3A_1859 = arith.mulf %parallel_loop3A_1857, %parallel_loop3A_1856 : vector<16xf32>
        %parallel_loop3A_1860 = arith.addf %parallel_loop3A_1841, %parallel_loop3A_1859 : vector<16xf32>
        %parallel_loop3A_1861 = arith.addf %parallel_loop3A_1842, %parallel_loop3A_1856 : vector<16xf32>
        %parallel_loop3A_1862 = arith.constant 96 : i32
        %parallel_loop3A_1863 = arith.addi %parallel_loop3A_1291, %parallel_loop3A_1862 : i32
        %parallel_loop3A_1864 = arith.constant 3 : i32
        %parallel_loop3A_1865 = arith.index_cast %parallel_loop3A_1864 : i32 to index
        %parallel_loop3A_1866 = arith.index_cast %parallel_loop3A_1863 : i32 to index
        %parallel_loop3A_1867 = tpu.vector_load %arg6[%parallel_loop3A_1865, %parallel_loop3A_1866] {strides = array<i32>} : memref<8x2048xf32, #tpu.memory_space<vmem>>, vector<1x16xf32>,
        %parallel_loop3A_1868 = vector.shape_cast %parallel_loop3A_1867 : vector<1x16xf32> to vector<16xf32>
        %parallel_loop3A_1869 = arith.constant 96 : i32
        %parallel_loop3A_1870 = arith.addi %parallel_loop3A_1291, %parallel_loop3A_1869 : i32
        %parallel_loop3A_1871 = arith.constant 3 : i32
        %parallel_loop3A_1872 = arith.index_cast %parallel_loop3A_1871 : i32 to index
        %parallel_loop3A_1873 = arith.index_cast %parallel_loop3A_1870 : i32 to index
        %parallel_loop3A_1874 = tpu.vector_load %arg8[%parallel_loop3A_1872, %parallel_loop3A_1873] {strides = array<i32>} : memref<8x2048xf32, #tpu.memory_space<vmem>>, vector<1x16xf32>,
        %parallel_loop3A_1875 = vector.shape_cast %parallel_loop3A_1874 : vector<1x16xf32> to vector<16xf32>
        %parallel_loop3A_1876 = math.exp %parallel_loop3A_1868 : vector<16xf32>
        %parallel_loop3A_1877 = arith.addf %parallel_loop3A_1858, %parallel_loop3A_1876 : vector<16xf32>
        %parallel_loop3A_1878 = arith.mulf %parallel_loop3A_1876, %parallel_loop3A_1875 : vector<16xf32>
        %parallel_loop3A_1879 = arith.addf %parallel_loop3A_1860, %parallel_loop3A_1878 : vector<16xf32>
        %parallel_loop3A_1880 = arith.addf %parallel_loop3A_1861, %parallel_loop3A_1875 : vector<16xf32>
        %parallel_loop3A_1881 = arith.constant 112 : i32
        %parallel_loop3A_1882 = arith.addi %parallel_loop3A_1291, %parallel_loop3A_1881 : i32
        %parallel_loop3A_1883 = arith.constant 3 : i32
        %parallel_loop3A_1884 = arith.index_cast %parallel_loop3A_1883 : i32 to index
        %parallel_loop3A_1885 = arith.index_cast %parallel_loop3A_1882 : i32 to index
        %parallel_loop3A_1886 = tpu.vector_load %arg6[%parallel_loop3A_1884, %parallel_loop3A_1885] {strides = array<i32>} : memref<8x2048xf32, #tpu.memory_space<vmem>>, vector<1x16xf32>,
        %parallel_loop3A_1887 = vector.shape_cast %parallel_loop3A_1886 : vector<1x16xf32> to vector<16xf32>
        %parallel_loop3A_1888 = arith.constant 112 : i32
        %parallel_loop3A_1889 = arith.addi %parallel_loop3A_1291, %parallel_loop3A_1888 : i32
        %parallel_loop3A_1890 = arith.constant 3 : i32
        %parallel_loop3A_1891 = arith.index_cast %parallel_loop3A_1890 : i32 to index
        %parallel_loop3A_1892 = arith.index_cast %parallel_loop3A_1889 : i32 to index
        %parallel_loop3A_1893 = tpu.vector_load %arg8[%parallel_loop3A_1891, %parallel_loop3A_1892] {strides = array<i32>} : memref<8x2048xf32, #tpu.memory_space<vmem>>, vector<1x16xf32>,
        %parallel_loop3A_1894 = vector.shape_cast %parallel_loop3A_1893 : vector<1x16xf32> to vector<16xf32>
        %parallel_loop3A_1895 = math.exp %parallel_loop3A_1887 : vector<16xf32>
        %parallel_loop3A_1896 = arith.addf %parallel_loop3A_1877, %parallel_loop3A_1895 : vector<16xf32>
        %parallel_loop3A_1897 = arith.mulf %parallel_loop3A_1895, %parallel_loop3A_1894 : vector<16xf32>
        %parallel_loop3A_1898 = arith.addf %parallel_loop3A_1879, %parallel_loop3A_1897 : vector<16xf32>
        %parallel_loop3A_1899 = arith.addf %parallel_loop3A_1880, %parallel_loop3A_1894 : vector<16xf32>
        %parallel_loop3A_1900 = arith.constant 0 : i32
        %parallel_loop3A_1901 = arith.addi %parallel_loop3A_1291, %parallel_loop3A_1900 : i32
        %parallel_loop3A_1902 = arith.constant 4 : i32
        %parallel_loop3A_1903 = arith.index_cast %parallel_loop3A_1902 : i32 to index
        %parallel_loop3A_1904 = arith.index_cast %parallel_loop3A_1901 : i32 to index
        %parallel_loop3A_1905 = tpu.vector_load %arg6[%parallel_loop3A_1903, %parallel_loop3A_1904] {strides = array<i32>} : memref<8x2048xf32, #tpu.memory_space<vmem>>, vector<1x16xf32>,
        %parallel_loop3A_1906 = vector.shape_cast %parallel_loop3A_1905 : vector<1x16xf32> to vector<16xf32>
        %parallel_loop3A_1907 = arith.constant 0 : i32
        %parallel_loop3A_1908 = arith.addi %parallel_loop3A_1291, %parallel_loop3A_1907 : i32
        %parallel_loop3A_1909 = arith.constant 4 : i32
        %parallel_loop3A_1910 = arith.index_cast %parallel_loop3A_1909 : i32 to index
        %parallel_loop3A_1911 = arith.index_cast %parallel_loop3A_1908 : i32 to index
        %parallel_loop3A_1912 = tpu.vector_load %arg8[%parallel_loop3A_1910, %parallel_loop3A_1911] {strides = array<i32>} : memref<8x2048xf32, #tpu.memory_space<vmem>>, vector<1x16xf32>,
        %parallel_loop3A_1913 = vector.shape_cast %parallel_loop3A_1912 : vector<1x16xf32> to vector<16xf32>
        %parallel_loop3A_1914 = math.exp %parallel_loop3A_1906 : vector<16xf32>
        %parallel_loop3A_1915 = arith.addf %parallel_loop3A_1270, %parallel_loop3A_1914 : vector<16xf32>
        %parallel_loop3A_1916 = arith.mulf %parallel_loop3A_1914, %parallel_loop3A_1913 : vector<16xf32>
        %parallel_loop3A_1917 = arith.addf %parallel_loop3A_1278, %parallel_loop3A_1916 : vector<16xf32>
        %parallel_loop3A_1918 = arith.addf %parallel_loop3A_1286, %parallel_loop3A_1913 : vector<16xf32>
        %parallel_loop3A_1919 = arith.constant 16 : i32
        %parallel_loop3A_1920 = arith.addi %parallel_loop3A_1291, %parallel_loop3A_1919 : i32
        %parallel_loop3A_1921 = arith.constant 4 : i32
        %parallel_loop3A_1922 = arith.index_cast %parallel_loop3A_1921 : i32 to index
        %parallel_loop3A_1923 = arith.index_cast %parallel_loop3A_1920 : i32 to index
        %parallel_loop3A_1924 = tpu.vector_load %arg6[%parallel_loop3A_1922, %parallel_loop3A_1923] {strides = array<i32>} : memref<8x2048xf32, #tpu.memory_space<vmem>>, vector<1x16xf32>,
        %parallel_loop3A_1925 = vector.shape_cast %parallel_loop3A_1924 : vector<1x16xf32> to vector<16xf32>
        %parallel_loop3A_1926 = arith.constant 16 : i32
        %parallel_loop3A_1927 = arith.addi %parallel_loop3A_1291, %parallel_loop3A_1926 : i32
        %parallel_loop3A_1928 = arith.constant 4 : i32
        %parallel_loop3A_1929 = arith.index_cast %parallel_loop3A_1928 : i32 to index
        %parallel_loop3A_1930 = arith.index_cast %parallel_loop3A_1927 : i32 to index
        %parallel_loop3A_1931 = tpu.vector_load %arg8[%parallel_loop3A_1929, %parallel_loop3A_1930] {strides = array<i32>} : memref<8x2048xf32, #tpu.memory_space<vmem>>, vector<1x16xf32>,
        %parallel_loop3A_1932 = vector.shape_cast %parallel_loop3A_1931 : vector<1x16xf32> to vector<16xf32>
        %parallel_loop3A_1933 = math.exp %parallel_loop3A_1925 : vector<16xf32>
        %parallel_loop3A_1934 = arith.addf %parallel_loop3A_1915, %parallel_loop3A_1933 : vector<16xf32>
        %parallel_loop3A_1935 = arith.mulf %parallel_loop3A_1933, %parallel_loop3A_1932 : vector<16xf32>
        %parallel_loop3A_1936 = arith.addf %parallel_loop3A_1917, %parallel_loop3A_1935 : vector<16xf32>
        %parallel_loop3A_1937 = arith.addf %parallel_loop3A_1918, %parallel_loop3A_1932 : vector<16xf32>
        %parallel_loop3A_1938 = arith.constant 32 : i32
        %parallel_loop3A_1939 = arith.addi %parallel_loop3A_1291, %parallel_loop3A_1938 : i32
        %parallel_loop3A_1940 = arith.constant 4 : i32
        %parallel_loop3A_1941 = arith.index_cast %parallel_loop3A_1940 : i32 to index
        %parallel_loop3A_1942 = arith.index_cast %parallel_loop3A_1939 : i32 to index
        %parallel_loop3A_1943 = tpu.vector_load %arg6[%parallel_loop3A_1941, %parallel_loop3A_1942] {strides = array<i32>} : memref<8x2048xf32, #tpu.memory_space<vmem>>, vector<1x16xf32>,
        %parallel_loop3A_1944 = vector.shape_cast %parallel_loop3A_1943 : vector<1x16xf32> to vector<16xf32>
        %parallel_loop3A_1945 = arith.constant 32 : i32
        %parallel_loop3A_1946 = arith.addi %parallel_loop3A_1291, %parallel_loop3A_1945 : i32
        %parallel_loop3A_1947 = arith.constant 4 : i32
        %parallel_loop3A_1948 = arith.index_cast %parallel_loop3A_1947 : i32 to index
        %parallel_loop3A_1949 = arith.index_cast %parallel_loop3A_1946 : i32 to index
        %parallel_loop3A_1950 = tpu.vector_load %arg8[%parallel_loop3A_1948, %parallel_loop3A_1949] {strides = array<i32>} : memref<8x2048xf32, #tpu.memory_space<vmem>>, vector<1x16xf32>,
        %parallel_loop3A_1951 = vector.shape_cast %parallel_loop3A_1950 : vector<1x16xf32> to vector<16xf32>
        %parallel_loop3A_1952 = math.exp %parallel_loop3A_1944 : vector<16xf32>
        %parallel_loop3A_1953 = arith.addf %parallel_loop3A_1934, %parallel_loop3A_1952 : vector<16xf32>
        %parallel_loop3A_1954 = arith.mulf %parallel_loop3A_1952, %parallel_loop3A_1951 : vector<16xf32>
        %parallel_loop3A_1955 = arith.addf %parallel_loop3A_1936, %parallel_loop3A_1954 : vector<16xf32>
        %parallel_loop3A_1956 = arith.addf %parallel_loop3A_1937, %parallel_loop3A_1951 : vector<16xf32>
        %parallel_loop3A_1957 = arith.constant 48 : i32
        %parallel_loop3A_1958 = arith.addi %parallel_loop3A_1291, %parallel_loop3A_1957 : i32
        %parallel_loop3A_1959 = arith.constant 4 : i32
        %parallel_loop3A_1960 = arith.index_cast %parallel_loop3A_1959 : i32 to index
        %parallel_loop3A_1961 = arith.index_cast %parallel_loop3A_1958 : i32 to index
        %parallel_loop3A_1962 = tpu.vector_load %arg6[%parallel_loop3A_1960, %parallel_loop3A_1961] {strides = array<i32>} : memref<8x2048xf32, #tpu.memory_space<vmem>>, vector<1x16xf32>,
        %parallel_loop3A_1963 = vector.shape_cast %parallel_loop3A_1962 : vector<1x16xf32> to vector<16xf32>
        %parallel_loop3A_1964 = arith.constant 48 : i32
        %parallel_loop3A_1965 = arith.addi %parallel_loop3A_1291, %parallel_loop3A_1964 : i32
        %parallel_loop3A_1966 = arith.constant 4 : i32
        %parallel_loop3A_1967 = arith.index_cast %parallel_loop3A_1966 : i32 to index
        %parallel_loop3A_1968 = arith.index_cast %parallel_loop3A_1965 : i32 to index
        %parallel_loop3A_1969 = tpu.vector_load %arg8[%parallel_loop3A_1967, %parallel_loop3A_1968] {strides = array<i32>} : memref<8x2048xf32, #tpu.memory_space<vmem>>, vector<1x16xf32>,
        %parallel_loop3A_1970 = vector.shape_cast %parallel_loop3A_1969 : vector<1x16xf32> to vector<16xf32>
        %parallel_loop3A_1971 = math.exp %parallel_loop3A_1963 : vector<16xf32>
        %parallel_loop3A_1972 = arith.addf %parallel_loop3A_1953, %parallel_loop3A_1971 : vector<16xf32>
        %parallel_loop3A_1973 = arith.mulf %parallel_loop3A_1971, %parallel_loop3A_1970 : vector<16xf32>
        %parallel_loop3A_1974 = arith.addf %parallel_loop3A_1955, %parallel_loop3A_1973 : vector<16xf32>
        %parallel_loop3A_1975 = arith.addf %parallel_loop3A_1956, %parallel_loop3A_1970 : vector<16xf32>
        %parallel_loop3A_1976 = arith.constant 64 : i32
        %parallel_loop3A_1977 = arith.addi %parallel_loop3A_1291, %parallel_loop3A_1976 : i32
        %parallel_loop3A_1978 = arith.constant 4 : i32
        %parallel_loop3A_1979 = arith.index_cast %parallel_loop3A_1978 : i32 to index
        %parallel_loop3A_1980 = arith.index_cast %parallel_loop3A_1977 : i32 to index
        %parallel_loop3A_1981 = tpu.vector_load %arg6[%parallel_loop3A_1979, %parallel_loop3A_1980] {strides = array<i32>} : memref<8x2048xf32, #tpu.memory_space<vmem>>, vector<1x16xf32>,
        %parallel_loop3A_1982 = vector.shape_cast %parallel_loop3A_1981 : vector<1x16xf32> to vector<16xf32>
        %parallel_loop3A_1983 = arith.constant 64 : i32
        %parallel_loop3A_1984 = arith.addi %parallel_loop3A_1291, %parallel_loop3A_1983 : i32
        %parallel_loop3A_1985 = arith.constant 4 : i32
        %parallel_loop3A_1986 = arith.index_cast %parallel_loop3A_1985 : i32 to index
        %parallel_loop3A_1987 = arith.index_cast %parallel_loop3A_1984 : i32 to index
        %parallel_loop3A_1988 = tpu.vector_load %arg8[%parallel_loop3A_1986, %parallel_loop3A_1987] {strides = array<i32>} : memref<8x2048xf32, #tpu.memory_space<vmem>>, vector<1x16xf32>,
        %parallel_loop3A_1989 = vector.shape_cast %parallel_loop3A_1988 : vector<1x16xf32> to vector<16xf32>
        %parallel_loop3A_1990 = math.exp %parallel_loop3A_1982 : vector<16xf32>
        %parallel_loop3A_1991 = arith.addf %parallel_loop3A_1972, %parallel_loop3A_1990 : vector<16xf32>
        %parallel_loop3A_1992 = arith.mulf %parallel_loop3A_1990, %parallel_loop3A_1989 : vector<16xf32>
        %parallel_loop3A_1993 = arith.addf %parallel_loop3A_1974, %parallel_loop3A_1992 : vector<16xf32>
        %parallel_loop3A_1994 = arith.addf %parallel_loop3A_1975, %parallel_loop3A_1989 : vector<16xf32>
        %parallel_loop3A_1995 = arith.constant 80 : i32
        %parallel_loop3A_1996 = arith.addi %parallel_loop3A_1291, %parallel_loop3A_1995 : i32
        %parallel_loop3A_1997 = arith.constant 4 : i32
        %parallel_loop3A_1998 = arith.index_cast %parallel_loop3A_1997 : i32 to index
        %parallel_loop3A_1999 = arith.index_cast %parallel_loop3A_1996 : i32 to index
        %parallel_loop3A_2000 = tpu.vector_load %arg6[%parallel_loop3A_1998, %parallel_loop3A_1999] {strides = array<i32>} : memref<8x2048xf32, #tpu.memory_space<vmem>>, vector<1x16xf32>,
        %parallel_loop3A_2001 = vector.shape_cast %parallel_loop3A_2000 : vector<1x16xf32> to vector<16xf32>
        %parallel_loop3A_2002 = arith.constant 80 : i32
        %parallel_loop3A_2003 = arith.addi %parallel_loop3A_1291, %parallel_loop3A_2002 : i32
        %parallel_loop3A_2004 = arith.constant 4 : i32
        %parallel_loop3A_2005 = arith.index_cast %parallel_loop3A_2004 : i32 to index
        %parallel_loop3A_2006 = arith.index_cast %parallel_loop3A_2003 : i32 to index
        %parallel_loop3A_2007 = tpu.vector_load %arg8[%parallel_loop3A_2005, %parallel_loop3A_2006] {strides = array<i32>} : memref<8x2048xf32, #tpu.memory_space<vmem>>, vector<1x16xf32>,
        %parallel_loop3A_2008 = vector.shape_cast %parallel_loop3A_2007 : vector<1x16xf32> to vector<16xf32>
        %parallel_loop3A_2009 = math.exp %parallel_loop3A_2001 : vector<16xf32>
        %parallel_loop3A_2010 = arith.addf %parallel_loop3A_1991, %parallel_loop3A_2009 : vector<16xf32>
        %parallel_loop3A_2011 = arith.mulf %parallel_loop3A_2009, %parallel_loop3A_2008 : vector<16xf32>
        %parallel_loop3A_2012 = arith.addf %parallel_loop3A_1993, %parallel_loop3A_2011 : vector<16xf32>
        %parallel_loop3A_2013 = arith.addf %parallel_loop3A_1994, %parallel_loop3A_2008 : vector<16xf32>
        %parallel_loop3A_2014 = arith.constant 96 : i32
        %parallel_loop3A_2015 = arith.addi %parallel_loop3A_1291, %parallel_loop3A_2014 : i32
        %parallel_loop3A_2016 = arith.constant 4 : i32
        %parallel_loop3A_2017 = arith.index_cast %parallel_loop3A_2016 : i32 to index
        %parallel_loop3A_2018 = arith.index_cast %parallel_loop3A_2015 : i32 to index
        %parallel_loop3A_2019 = tpu.vector_load %arg6[%parallel_loop3A_2017, %parallel_loop3A_2018] {strides = array<i32>} : memref<8x2048xf32, #tpu.memory_space<vmem>>, vector<1x16xf32>,
        %parallel_loop3A_2020 = vector.shape_cast %parallel_loop3A_2019 : vector<1x16xf32> to vector<16xf32>
        %parallel_loop3A_2021 = arith.constant 96 : i32
        %parallel_loop3A_2022 = arith.addi %parallel_loop3A_1291, %parallel_loop3A_2021 : i32
        %parallel_loop3A_2023 = arith.constant 4 : i32
        %parallel_loop3A_2024 = arith.index_cast %parallel_loop3A_2023 : i32 to index
        %parallel_loop3A_2025 = arith.index_cast %parallel_loop3A_2022 : i32 to index
        %parallel_loop3A_2026 = tpu.vector_load %arg8[%parallel_loop3A_2024, %parallel_loop3A_2025] {strides = array<i32>} : memref<8x2048xf32, #tpu.memory_space<vmem>>, vector<1x16xf32>,
        %parallel_loop3A_2027 = vector.shape_cast %parallel_loop3A_2026 : vector<1x16xf32> to vector<16xf32>
        %parallel_loop3A_2028 = math.exp %parallel_loop3A_2020 : vector<16xf32>
        %parallel_loop3A_2029 = arith.addf %parallel_loop3A_2010, %parallel_loop3A_2028 : vector<16xf32>
        %parallel_loop3A_2030 = arith.mulf %parallel_loop3A_2028, %parallel_loop3A_2027 : vector<16xf32>
        %parallel_loop3A_2031 = arith.addf %parallel_loop3A_2012, %parallel_loop3A_2030 : vector<16xf32>
        %parallel_loop3A_2032 = arith.addf %parallel_loop3A_2013, %parallel_loop3A_2027 : vector<16xf32>
        %parallel_loop3A_2033 = arith.constant 112 : i32
        %parallel_loop3A_2034 = arith.addi %parallel_loop3A_1291, %parallel_loop3A_2033 : i32
        %parallel_loop3A_2035 = arith.constant 4 : i32
        %parallel_loop3A_2036 = arith.index_cast %parallel_loop3A_2035 : i32 to index
        %parallel_loop3A_2037 = arith.index_cast %parallel_loop3A_2034 : i32 to index
        %parallel_loop3A_2038 = tpu.vector_load %arg6[%parallel_loop3A_2036, %parallel_loop3A_2037] {strides = array<i32>} : memref<8x2048xf32, #tpu.memory_space<vmem>>, vector<1x16xf32>,
        %parallel_loop3A_2039 = vector.shape_cast %parallel_loop3A_2038 : vector<1x16xf32> to vector<16xf32>
        %parallel_loop3A_2040 = arith.constant 112 : i32
        %parallel_loop3A_2041 = arith.addi %parallel_loop3A_1291, %parallel_loop3A_2040 : i32
        %parallel_loop3A_2042 = arith.constant 4 : i32
        %parallel_loop3A_2043 = arith.index_cast %parallel_loop3A_2042 : i32 to index
        %parallel_loop3A_2044 = arith.index_cast %parallel_loop3A_2041 : i32 to index
        %parallel_loop3A_2045 = tpu.vector_load %arg8[%parallel_loop3A_2043, %parallel_loop3A_2044] {strides = array<i32>} : memref<8x2048xf32, #tpu.memory_space<vmem>>, vector<1x16xf32>,
        %parallel_loop3A_2046 = vector.shape_cast %parallel_loop3A_2045 : vector<1x16xf32> to vector<16xf32>
        %parallel_loop3A_2047 = math.exp %parallel_loop3A_2039 : vector<16xf32>
        %parallel_loop3A_2048 = arith.addf %parallel_loop3A_2029, %parallel_loop3A_2047 : vector<16xf32>
        %parallel_loop3A_2049 = arith.mulf %parallel_loop3A_2047, %parallel_loop3A_2046 : vector<16xf32>
        %parallel_loop3A_2050 = arith.addf %parallel_loop3A_2031, %parallel_loop3A_2049 : vector<16xf32>
        %parallel_loop3A_2051 = arith.addf %parallel_loop3A_2032, %parallel_loop3A_2046 : vector<16xf32>
        %parallel_loop3A_2052 = arith.constant 0 : i32
        %parallel_loop3A_2053 = arith.addi %parallel_loop3A_1291, %parallel_loop3A_2052 : i32
        %parallel_loop3A_2054 = arith.constant 5 : i32
        %parallel_loop3A_2055 = arith.index_cast %parallel_loop3A_2054 : i32 to index
        %parallel_loop3A_2056 = arith.index_cast %parallel_loop3A_2053 : i32 to index
        %parallel_loop3A_2057 = tpu.vector_load %arg6[%parallel_loop3A_2055, %parallel_loop3A_2056] {strides = array<i32>} : memref<8x2048xf32, #tpu.memory_space<vmem>>, vector<1x16xf32>,
        %parallel_loop3A_2058 = vector.shape_cast %parallel_loop3A_2057 : vector<1x16xf32> to vector<16xf32>
        %parallel_loop3A_2059 = arith.constant 0 : i32
        %parallel_loop3A_2060 = arith.addi %parallel_loop3A_1291, %parallel_loop3A_2059 : i32
        %parallel_loop3A_2061 = arith.constant 5 : i32
        %parallel_loop3A_2062 = arith.index_cast %parallel_loop3A_2061 : i32 to index
        %parallel_loop3A_2063 = arith.index_cast %parallel_loop3A_2060 : i32 to index
        %parallel_loop3A_2064 = tpu.vector_load %arg8[%parallel_loop3A_2062, %parallel_loop3A_2063] {strides = array<i32>} : memref<8x2048xf32, #tpu.memory_space<vmem>>, vector<1x16xf32>,
        %parallel_loop3A_2065 = vector.shape_cast %parallel_loop3A_2064 : vector<1x16xf32> to vector<16xf32>
        %parallel_loop3A_2066 = math.exp %parallel_loop3A_2058 : vector<16xf32>
        %parallel_loop3A_2067 = arith.addf %parallel_loop3A_1271, %parallel_loop3A_2066 : vector<16xf32>
        %parallel_loop3A_2068 = arith.mulf %parallel_loop3A_2066, %parallel_loop3A_2065 : vector<16xf32>
        %parallel_loop3A_2069 = arith.addf %parallel_loop3A_1279, %parallel_loop3A_2068 : vector<16xf32>
        %parallel_loop3A_2070 = arith.addf %parallel_loop3A_1287, %parallel_loop3A_2065 : vector<16xf32>
        %parallel_loop3A_2071 = arith.constant 16 : i32
        %parallel_loop3A_2072 = arith.addi %parallel_loop3A_1291, %parallel_loop3A_2071 : i32
        %parallel_loop3A_2073 = arith.constant 5 : i32
        %parallel_loop3A_2074 = arith.index_cast %parallel_loop3A_2073 : i32 to index
        %parallel_loop3A_2075 = arith.index_cast %parallel_loop3A_2072 : i32 to index
        %parallel_loop3A_2076 = tpu.vector_load %arg6[%parallel_loop3A_2074, %parallel_loop3A_2075] {strides = array<i32>} : memref<8x2048xf32, #tpu.memory_space<vmem>>, vector<1x16xf32>,
        %parallel_loop3A_2077 = vector.shape_cast %parallel_loop3A_2076 : vector<1x16xf32> to vector<16xf32>
        %parallel_loop3A_2078 = arith.constant 16 : i32
        %parallel_loop3A_2079 = arith.addi %parallel_loop3A_1291, %parallel_loop3A_2078 : i32
        %parallel_loop3A_2080 = arith.constant 5 : i32
        %parallel_loop3A_2081 = arith.index_cast %parallel_loop3A_2080 : i32 to index
        %parallel_loop3A_2082 = arith.index_cast %parallel_loop3A_2079 : i32 to index
        %parallel_loop3A_2083 = tpu.vector_load %arg8[%parallel_loop3A_2081, %parallel_loop3A_2082] {strides = array<i32>} : memref<8x2048xf32, #tpu.memory_space<vmem>>, vector<1x16xf32>,
        %parallel_loop3A_2084 = vector.shape_cast %parallel_loop3A_2083 : vector<1x16xf32> to vector<16xf32>
        %parallel_loop3A_2085 = math.exp %parallel_loop3A_2077 : vector<16xf32>
        %parallel_loop3A_2086 = arith.addf %parallel_loop3A_2067, %parallel_loop3A_2085 : vector<16xf32>
        %parallel_loop3A_2087 = arith.mulf %parallel_loop3A_2085, %parallel_loop3A_2084 : vector<16xf32>
        %parallel_loop3A_2088 = arith.addf %parallel_loop3A_2069, %parallel_loop3A_2087 : vector<16xf32>
        %parallel_loop3A_2089 = arith.addf %parallel_loop3A_2070, %parallel_loop3A_2084 : vector<16xf32>
        %parallel_loop3A_2090 = arith.constant 32 : i32
        %parallel_loop3A_2091 = arith.addi %parallel_loop3A_1291, %parallel_loop3A_2090 : i32
        %parallel_loop3A_2092 = arith.constant 5 : i32
        %parallel_loop3A_2093 = arith.index_cast %parallel_loop3A_2092 : i32 to index
        %parallel_loop3A_2094 = arith.index_cast %parallel_loop3A_2091 : i32 to index
        %parallel_loop3A_2095 = tpu.vector_load %arg6[%parallel_loop3A_2093, %parallel_loop3A_2094] {strides = array<i32>} : memref<8x2048xf32, #tpu.memory_space<vmem>>, vector<1x16xf32>,
        %parallel_loop3A_2096 = vector.shape_cast %parallel_loop3A_2095 : vector<1x16xf32> to vector<16xf32>
        %parallel_loop3A_2097 = arith.constant 32 : i32
        %parallel_loop3A_2098 = arith.addi %parallel_loop3A_1291, %parallel_loop3A_2097 : i32
        %parallel_loop3A_2099 = arith.constant 5 : i32
        %parallel_loop3A_2100 = arith.index_cast %parallel_loop3A_2099 : i32 to index
        %parallel_loop3A_2101 = arith.index_cast %parallel_loop3A_2098 : i32 to index
        %parallel_loop3A_2102 = tpu.vector_load %arg8[%parallel_loop3A_2100, %parallel_loop3A_2101] {strides = array<i32>} : memref<8x2048xf32, #tpu.memory_space<vmem>>, vector<1x16xf32>,
        %parallel_loop3A_2103 = vector.shape_cast %parallel_loop3A_2102 : vector<1x16xf32> to vector<16xf32>
        %parallel_loop3A_2104 = math.exp %parallel_loop3A_2096 : vector<16xf32>
        %parallel_loop3A_2105 = arith.addf %parallel_loop3A_2086, %parallel_loop3A_2104 : vector<16xf32>
        %parallel_loop3A_2106 = arith.mulf %parallel_loop3A_2104, %parallel_loop3A_2103 : vector<16xf32>
        %parallel_loop3A_2107 = arith.addf %parallel_loop3A_2088, %parallel_loop3A_2106 : vector<16xf32>
        %parallel_loop3A_2108 = arith.addf %parallel_loop3A_2089, %parallel_loop3A_2103 : vector<16xf32>
        %parallel_loop3A_2109 = arith.constant 48 : i32
        %parallel_loop3A_2110 = arith.addi %parallel_loop3A_1291, %parallel_loop3A_2109 : i32
        %parallel_loop3A_2111 = arith.constant 5 : i32
        %parallel_loop3A_2112 = arith.index_cast %parallel_loop3A_2111 : i32 to index
        %parallel_loop3A_2113 = arith.index_cast %parallel_loop3A_2110 : i32 to index
        %parallel_loop3A_2114 = tpu.vector_load %arg6[%parallel_loop3A_2112, %parallel_loop3A_2113] {strides = array<i32>} : memref<8x2048xf32, #tpu.memory_space<vmem>>, vector<1x16xf32>,
        %parallel_loop3A_2115 = vector.shape_cast %parallel_loop3A_2114 : vector<1x16xf32> to vector<16xf32>
        %parallel_loop3A_2116 = arith.constant 48 : i32
        %parallel_loop3A_2117 = arith.addi %parallel_loop3A_1291, %parallel_loop3A_2116 : i32
        %parallel_loop3A_2118 = arith.constant 5 : i32
        %parallel_loop3A_2119 = arith.index_cast %parallel_loop3A_2118 : i32 to index
        %parallel_loop3A_2120 = arith.index_cast %parallel_loop3A_2117 : i32 to index
        %parallel_loop3A_2121 = tpu.vector_load %arg8[%parallel_loop3A_2119, %parallel_loop3A_2120] {strides = array<i32>} : memref<8x2048xf32, #tpu.memory_space<vmem>>, vector<1x16xf32>,
        %parallel_loop3A_2122 = vector.shape_cast %parallel_loop3A_2121 : vector<1x16xf32> to vector<16xf32>
        %parallel_loop3A_2123 = math.exp %parallel_loop3A_2115 : vector<16xf32>
        %parallel_loop3A_2124 = arith.addf %parallel_loop3A_2105, %parallel_loop3A_2123 : vector<16xf32>
        %parallel_loop3A_2125 = arith.mulf %parallel_loop3A_2123, %parallel_loop3A_2122 : vector<16xf32>
        %parallel_loop3A_2126 = arith.addf %parallel_loop3A_2107, %parallel_loop3A_2125 : vector<16xf32>
        %parallel_loop3A_2127 = arith.addf %parallel_loop3A_2108, %parallel_loop3A_2122 : vector<16xf32>
        %parallel_loop3A_2128 = arith.constant 64 : i32
        %parallel_loop3A_2129 = arith.addi %parallel_loop3A_1291, %parallel_loop3A_2128 : i32
        %parallel_loop3A_2130 = arith.constant 5 : i32
        %parallel_loop3A_2131 = arith.index_cast %parallel_loop3A_2130 : i32 to index
        %parallel_loop3A_2132 = arith.index_cast %parallel_loop3A_2129 : i32 to index
        %parallel_loop3A_2133 = tpu.vector_load %arg6[%parallel_loop3A_2131, %parallel_loop3A_2132] {strides = array<i32>} : memref<8x2048xf32, #tpu.memory_space<vmem>>, vector<1x16xf32>,
        %parallel_loop3A_2134 = vector.shape_cast %parallel_loop3A_2133 : vector<1x16xf32> to vector<16xf32>
        %parallel_loop3A_2135 = arith.constant 64 : i32
        %parallel_loop3A_2136 = arith.addi %parallel_loop3A_1291, %parallel_loop3A_2135 : i32
        %parallel_loop3A_2137 = arith.constant 5 : i32
        %parallel_loop3A_2138 = arith.index_cast %parallel_loop3A_2137 : i32 to index
        %parallel_loop3A_2139 = arith.index_cast %parallel_loop3A_2136 : i32 to index
        %parallel_loop3A_2140 = tpu.vector_load %arg8[%parallel_loop3A_2138, %parallel_loop3A_2139] {strides = array<i32>} : memref<8x2048xf32, #tpu.memory_space<vmem>>, vector<1x16xf32>,
        %parallel_loop3A_2141 = vector.shape_cast %parallel_loop3A_2140 : vector<1x16xf32> to vector<16xf32>
        %parallel_loop3A_2142 = math.exp %parallel_loop3A_2134 : vector<16xf32>
        %parallel_loop3A_2143 = arith.addf %parallel_loop3A_2124, %parallel_loop3A_2142 : vector<16xf32>
        %parallel_loop3A_2144 = arith.mulf %parallel_loop3A_2142, %parallel_loop3A_2141 : vector<16xf32>
        %parallel_loop3A_2145 = arith.addf %parallel_loop3A_2126, %parallel_loop3A_2144 : vector<16xf32>
        %parallel_loop3A_2146 = arith.addf %parallel_loop3A_2127, %parallel_loop3A_2141 : vector<16xf32>
        %parallel_loop3A_2147 = arith.constant 80 : i32
        %parallel_loop3A_2148 = arith.addi %parallel_loop3A_1291, %parallel_loop3A_2147 : i32
        %parallel_loop3A_2149 = arith.constant 5 : i32
        %parallel_loop3A_2150 = arith.index_cast %parallel_loop3A_2149 : i32 to index
        %parallel_loop3A_2151 = arith.index_cast %parallel_loop3A_2148 : i32 to index
        %parallel_loop3A_2152 = tpu.vector_load %arg6[%parallel_loop3A_2150, %parallel_loop3A_2151] {strides = array<i32>} : memref<8x2048xf32, #tpu.memory_space<vmem>>, vector<1x16xf32>,
        %parallel_loop3A_2153 = vector.shape_cast %parallel_loop3A_2152 : vector<1x16xf32> to vector<16xf32>
        %parallel_loop3A_2154 = arith.constant 80 : i32
        %parallel_loop3A_2155 = arith.addi %parallel_loop3A_1291, %parallel_loop3A_2154 : i32
        %parallel_loop3A_2156 = arith.constant 5 : i32
        %parallel_loop3A_2157 = arith.index_cast %parallel_loop3A_2156 : i32 to index
        %parallel_loop3A_2158 = arith.index_cast %parallel_loop3A_2155 : i32 to index
        %parallel_loop3A_2159 = tpu.vector_load %arg8[%parallel_loop3A_2157, %parallel_loop3A_2158] {strides = array<i32>} : memref<8x2048xf32, #tpu.memory_space<vmem>>, vector<1x16xf32>,
        %parallel_loop3A_2160 = vector.shape_cast %parallel_loop3A_2159 : vector<1x16xf32> to vector<16xf32>
        %parallel_loop3A_2161 = math.exp %parallel_loop3A_2153 : vector<16xf32>
        %parallel_loop3A_2162 = arith.addf %parallel_loop3A_2143, %parallel_loop3A_2161 : vector<16xf32>
        %parallel_loop3A_2163 = arith.mulf %parallel_loop3A_2161, %parallel_loop3A_2160 : vector<16xf32>
        %parallel_loop3A_2164 = arith.addf %parallel_loop3A_2145, %parallel_loop3A_2163 : vector<16xf32>
        %parallel_loop3A_2165 = arith.addf %parallel_loop3A_2146, %parallel_loop3A_2160 : vector<16xf32>
        %parallel_loop3A_2166 = arith.constant 96 : i32
        %parallel_loop3A_2167 = arith.addi %parallel_loop3A_1291, %parallel_loop3A_2166 : i32
        %parallel_loop3A_2168 = arith.constant 5 : i32
        %parallel_loop3A_2169 = arith.index_cast %parallel_loop3A_2168 : i32 to index
        %parallel_loop3A_2170 = arith.index_cast %parallel_loop3A_2167 : i32 to index
        %parallel_loop3A_2171 = tpu.vector_load %arg6[%parallel_loop3A_2169, %parallel_loop3A_2170] {strides = array<i32>} : memref<8x2048xf32, #tpu.memory_space<vmem>>, vector<1x16xf32>,
        %parallel_loop3A_2172 = vector.shape_cast %parallel_loop3A_2171 : vector<1x16xf32> to vector<16xf32>
        %parallel_loop3A_2173 = arith.constant 96 : i32
        %parallel_loop3A_2174 = arith.addi %parallel_loop3A_1291, %parallel_loop3A_2173 : i32
        %parallel_loop3A_2175 = arith.constant 5 : i32
        %parallel_loop3A_2176 = arith.index_cast %parallel_loop3A_2175 : i32 to index
        %parallel_loop3A_2177 = arith.index_cast %parallel_loop3A_2174 : i32 to index
        %parallel_loop3A_2178 = tpu.vector_load %arg8[%parallel_loop3A_2176, %parallel_loop3A_2177] {strides = array<i32>} : memref<8x2048xf32, #tpu.memory_space<vmem>>, vector<1x16xf32>,
        %parallel_loop3A_2179 = vector.shape_cast %parallel_loop3A_2178 : vector<1x16xf32> to vector<16xf32>
        %parallel_loop3A_2180 = math.exp %parallel_loop3A_2172 : vector<16xf32>
        %parallel_loop3A_2181 = arith.addf %parallel_loop3A_2162, %parallel_loop3A_2180 : vector<16xf32>
        %parallel_loop3A_2182 = arith.mulf %parallel_loop3A_2180, %parallel_loop3A_2179 : vector<16xf32>
        %parallel_loop3A_2183 = arith.addf %parallel_loop3A_2164, %parallel_loop3A_2182 : vector<16xf32>
        %parallel_loop3A_2184 = arith.addf %parallel_loop3A_2165, %parallel_loop3A_2179 : vector<16xf32>
        %parallel_loop3A_2185 = arith.constant 112 : i32
        %parallel_loop3A_2186 = arith.addi %parallel_loop3A_1291, %parallel_loop3A_2185 : i32
        %parallel_loop3A_2187 = arith.constant 5 : i32
        %parallel_loop3A_2188 = arith.index_cast %parallel_loop3A_2187 : i32 to index
        %parallel_loop3A_2189 = arith.index_cast %parallel_loop3A_2186 : i32 to index
        %parallel_loop3A_2190 = tpu.vector_load %arg6[%parallel_loop3A_2188, %parallel_loop3A_2189] {strides = array<i32>} : memref<8x2048xf32, #tpu.memory_space<vmem>>, vector<1x16xf32>,
        %parallel_loop3A_2191 = vector.shape_cast %parallel_loop3A_2190 : vector<1x16xf32> to vector<16xf32>
        %parallel_loop3A_2192 = arith.constant 112 : i32
        %parallel_loop3A_2193 = arith.addi %parallel_loop3A_1291, %parallel_loop3A_2192 : i32
        %parallel_loop3A_2194 = arith.constant 5 : i32
        %parallel_loop3A_2195 = arith.index_cast %parallel_loop3A_2194 : i32 to index
        %parallel_loop3A_2196 = arith.index_cast %parallel_loop3A_2193 : i32 to index
        %parallel_loop3A_2197 = tpu.vector_load %arg8[%parallel_loop3A_2195, %parallel_loop3A_2196] {strides = array<i32>} : memref<8x2048xf32, #tpu.memory_space<vmem>>, vector<1x16xf32>,
        %parallel_loop3A_2198 = vector.shape_cast %parallel_loop3A_2197 : vector<1x16xf32> to vector<16xf32>
        %parallel_loop3A_2199 = math.exp %parallel_loop3A_2191 : vector<16xf32>
        %parallel_loop3A_2200 = arith.addf %parallel_loop3A_2181, %parallel_loop3A_2199 : vector<16xf32>
        %parallel_loop3A_2201 = arith.mulf %parallel_loop3A_2199, %parallel_loop3A_2198 : vector<16xf32>
        %parallel_loop3A_2202 = arith.addf %parallel_loop3A_2183, %parallel_loop3A_2201 : vector<16xf32>
        %parallel_loop3A_2203 = arith.addf %parallel_loop3A_2184, %parallel_loop3A_2198 : vector<16xf32>
        %parallel_loop3A_2204 = arith.constant 0 : i32
        %parallel_loop3A_2205 = arith.addi %parallel_loop3A_1291, %parallel_loop3A_2204 : i32
        %parallel_loop3A_2206 = arith.constant 6 : i32
        %parallel_loop3A_2207 = arith.index_cast %parallel_loop3A_2206 : i32 to index
        %parallel_loop3A_2208 = arith.index_cast %parallel_loop3A_2205 : i32 to index
        %parallel_loop3A_2209 = tpu.vector_load %arg6[%parallel_loop3A_2207, %parallel_loop3A_2208] {strides = array<i32>} : memref<8x2048xf32, #tpu.memory_space<vmem>>, vector<1x16xf32>,
        %parallel_loop3A_2210 = vector.shape_cast %parallel_loop3A_2209 : vector<1x16xf32> to vector<16xf32>
        %parallel_loop3A_2211 = arith.constant 0 : i32
        %parallel_loop3A_2212 = arith.addi %parallel_loop3A_1291, %parallel_loop3A_2211 : i32
        %parallel_loop3A_2213 = arith.constant 6 : i32
        %parallel_loop3A_2214 = arith.index_cast %parallel_loop3A_2213 : i32 to index
        %parallel_loop3A_2215 = arith.index_cast %parallel_loop3A_2212 : i32 to index
        %parallel_loop3A_2216 = tpu.vector_load %arg8[%parallel_loop3A_2214, %parallel_loop3A_2215] {strides = array<i32>} : memref<8x2048xf32, #tpu.memory_space<vmem>>, vector<1x16xf32>,
        %parallel_loop3A_2217 = vector.shape_cast %parallel_loop3A_2216 : vector<1x16xf32> to vector<16xf32>
        %parallel_loop3A_2218 = math.exp %parallel_loop3A_2210 : vector<16xf32>
        %parallel_loop3A_2219 = arith.addf %parallel_loop3A_1272, %parallel_loop3A_2218 : vector<16xf32>
        %parallel_loop3A_2220 = arith.mulf %parallel_loop3A_2218, %parallel_loop3A_2217 : vector<16xf32>
        %parallel_loop3A_2221 = arith.addf %parallel_loop3A_1280, %parallel_loop3A_2220 : vector<16xf32>
        %parallel_loop3A_2222 = arith.addf %parallel_loop3A_1288, %parallel_loop3A_2217 : vector<16xf32>
        %parallel_loop3A_2223 = arith.constant 16 : i32
        %parallel_loop3A_2224 = arith.addi %parallel_loop3A_1291, %parallel_loop3A_2223 : i32
        %parallel_loop3A_2225 = arith.constant 6 : i32
        %parallel_loop3A_2226 = arith.index_cast %parallel_loop3A_2225 : i32 to index
        %parallel_loop3A_2227 = arith.index_cast %parallel_loop3A_2224 : i32 to index
        %parallel_loop3A_2228 = tpu.vector_load %arg6[%parallel_loop3A_2226, %parallel_loop3A_2227] {strides = array<i32>} : memref<8x2048xf32, #tpu.memory_space<vmem>>, vector<1x16xf32>,
        %parallel_loop3A_2229 = vector.shape_cast %parallel_loop3A_2228 : vector<1x16xf32> to vector<16xf32>
        %parallel_loop3A_2230 = arith.constant 16 : i32
        %parallel_loop3A_2231 = arith.addi %parallel_loop3A_1291, %parallel_loop3A_2230 : i32
        %parallel_loop3A_2232 = arith.constant 6 : i32
        %parallel_loop3A_2233 = arith.index_cast %parallel_loop3A_2232 : i32 to index
        %parallel_loop3A_2234 = arith.index_cast %parallel_loop3A_2231 : i32 to index
        %parallel_loop3A_2235 = tpu.vector_load %arg8[%parallel_loop3A_2233, %parallel_loop3A_2234] {strides = array<i32>} : memref<8x2048xf32, #tpu.memory_space<vmem>>, vector<1x16xf32>,
        %parallel_loop3A_2236 = vector.shape_cast %parallel_loop3A_2235 : vector<1x16xf32> to vector<16xf32>
        %parallel_loop3A_2237 = math.exp %parallel_loop3A_2229 : vector<16xf32>
        %parallel_loop3A_2238 = arith.addf %parallel_loop3A_2219, %parallel_loop3A_2237 : vector<16xf32>
        %parallel_loop3A_2239 = arith.mulf %parallel_loop3A_2237, %parallel_loop3A_2236 : vector<16xf32>
        %parallel_loop3A_2240 = arith.addf %parallel_loop3A_2221, %parallel_loop3A_2239 : vector<16xf32>
        %parallel_loop3A_2241 = arith.addf %parallel_loop3A_2222, %parallel_loop3A_2236 : vector<16xf32>
        %parallel_loop3A_2242 = arith.constant 32 : i32
        %parallel_loop3A_2243 = arith.addi %parallel_loop3A_1291, %parallel_loop3A_2242 : i32
        %parallel_loop3A_2244 = arith.constant 6 : i32
        %parallel_loop3A_2245 = arith.index_cast %parallel_loop3A_2244 : i32 to index
        %parallel_loop3A_2246 = arith.index_cast %parallel_loop3A_2243 : i32 to index
        %parallel_loop3A_2247 = tpu.vector_load %arg6[%parallel_loop3A_2245, %parallel_loop3A_2246] {strides = array<i32>} : memref<8x2048xf32, #tpu.memory_space<vmem>>, vector<1x16xf32>,
        %parallel_loop3A_2248 = vector.shape_cast %parallel_loop3A_2247 : vector<1x16xf32> to vector<16xf32>
        %parallel_loop3A_2249 = arith.constant 32 : i32
        %parallel_loop3A_2250 = arith.addi %parallel_loop3A_1291, %parallel_loop3A_2249 : i32
        %parallel_loop3A_2251 = arith.constant 6 : i32
        %parallel_loop3A_2252 = arith.index_cast %parallel_loop3A_2251 : i32 to index
        %parallel_loop3A_2253 = arith.index_cast %parallel_loop3A_2250 : i32 to index
        %parallel_loop3A_2254 = tpu.vector_load %arg8[%parallel_loop3A_2252, %parallel_loop3A_2253] {strides = array<i32>} : memref<8x2048xf32, #tpu.memory_space<vmem>>, vector<1x16xf32>,
        %parallel_loop3A_2255 = vector.shape_cast %parallel_loop3A_2254 : vector<1x16xf32> to vector<16xf32>
        %parallel_loop3A_2256 = math.exp %parallel_loop3A_2248 : vector<16xf32>
        %parallel_loop3A_2257 = arith.addf %parallel_loop3A_2238, %parallel_loop3A_2256 : vector<16xf32>
        %parallel_loop3A_2258 = arith.mulf %parallel_loop3A_2256, %parallel_loop3A_2255 : vector<16xf32>
        %parallel_loop3A_2259 = arith.addf %parallel_loop3A_2240, %parallel_loop3A_2258 : vector<16xf32>
        %parallel_loop3A_2260 = arith.addf %parallel_loop3A_2241, %parallel_loop3A_2255 : vector<16xf32>
        %parallel_loop3A_2261 = arith.constant 48 : i32
        %parallel_loop3A_2262 = arith.addi %parallel_loop3A_1291, %parallel_loop3A_2261 : i32
        %parallel_loop3A_2263 = arith.constant 6 : i32
        %parallel_loop3A_2264 = arith.index_cast %parallel_loop3A_2263 : i32 to index
        %parallel_loop3A_2265 = arith.index_cast %parallel_loop3A_2262 : i32 to index
        %parallel_loop3A_2266 = tpu.vector_load %arg6[%parallel_loop3A_2264, %parallel_loop3A_2265] {strides = array<i32>} : memref<8x2048xf32, #tpu.memory_space<vmem>>, vector<1x16xf32>,
        %parallel_loop3A_2267 = vector.shape_cast %parallel_loop3A_2266 : vector<1x16xf32> to vector<16xf32>
        %parallel_loop3A_2268 = arith.constant 48 : i32
        %parallel_loop3A_2269 = arith.addi %parallel_loop3A_1291, %parallel_loop3A_2268 : i32
        %parallel_loop3A_2270 = arith.constant 6 : i32
        %parallel_loop3A_2271 = arith.index_cast %parallel_loop3A_2270 : i32 to index
        %parallel_loop3A_2272 = arith.index_cast %parallel_loop3A_2269 : i32 to index
        %parallel_loop3A_2273 = tpu.vector_load %arg8[%parallel_loop3A_2271, %parallel_loop3A_2272] {strides = array<i32>} : memref<8x2048xf32, #tpu.memory_space<vmem>>, vector<1x16xf32>,
        %parallel_loop3A_2274 = vector.shape_cast %parallel_loop3A_2273 : vector<1x16xf32> to vector<16xf32>
        %parallel_loop3A_2275 = math.exp %parallel_loop3A_2267 : vector<16xf32>
        %parallel_loop3A_2276 = arith.addf %parallel_loop3A_2257, %parallel_loop3A_2275 : vector<16xf32>
        %parallel_loop3A_2277 = arith.mulf %parallel_loop3A_2275, %parallel_loop3A_2274 : vector<16xf32>
        %parallel_loop3A_2278 = arith.addf %parallel_loop3A_2259, %parallel_loop3A_2277 : vector<16xf32>
        %parallel_loop3A_2279 = arith.addf %parallel_loop3A_2260, %parallel_loop3A_2274 : vector<16xf32>
        %parallel_loop3A_2280 = arith.constant 64 : i32
        %parallel_loop3A_2281 = arith.addi %parallel_loop3A_1291, %parallel_loop3A_2280 : i32
        %parallel_loop3A_2282 = arith.constant 6 : i32
        %parallel_loop3A_2283 = arith.index_cast %parallel_loop3A_2282 : i32 to index
        %parallel_loop3A_2284 = arith.index_cast %parallel_loop3A_2281 : i32 to index
        %parallel_loop3A_2285 = tpu.vector_load %arg6[%parallel_loop3A_2283, %parallel_loop3A_2284] {strides = array<i32>} : memref<8x2048xf32, #tpu.memory_space<vmem>>, vector<1x16xf32>,
        %parallel_loop3A_2286 = vector.shape_cast %parallel_loop3A_2285 : vector<1x16xf32> to vector<16xf32>
        %parallel_loop3A_2287 = arith.constant 64 : i32
        %parallel_loop3A_2288 = arith.addi %parallel_loop3A_1291, %parallel_loop3A_2287 : i32
        %parallel_loop3A_2289 = arith.constant 6 : i32
        %parallel_loop3A_2290 = arith.index_cast %parallel_loop3A_2289 : i32 to index
        %parallel_loop3A_2291 = arith.index_cast %parallel_loop3A_2288 : i32 to index
        %parallel_loop3A_2292 = tpu.vector_load %arg8[%parallel_loop3A_2290, %parallel_loop3A_2291] {strides = array<i32>} : memref<8x2048xf32, #tpu.memory_space<vmem>>, vector<1x16xf32>,
        %parallel_loop3A_2293 = vector.shape_cast %parallel_loop3A_2292 : vector<1x16xf32> to vector<16xf32>
        %parallel_loop3A_2294 = math.exp %parallel_loop3A_2286 : vector<16xf32>
        %parallel_loop3A_2295 = arith.addf %parallel_loop3A_2276, %parallel_loop3A_2294 : vector<16xf32>
        %parallel_loop3A_2296 = arith.mulf %parallel_loop3A_2294, %parallel_loop3A_2293 : vector<16xf32>
        %parallel_loop3A_2297 = arith.addf %parallel_loop3A_2278, %parallel_loop3A_2296 : vector<16xf32>
        %parallel_loop3A_2298 = arith.addf %parallel_loop3A_2279, %parallel_loop3A_2293 : vector<16xf32>
        %parallel_loop3A_2299 = arith.constant 80 : i32
        %parallel_loop3A_2300 = arith.addi %parallel_loop3A_1291, %parallel_loop3A_2299 : i32
        %parallel_loop3A_2301 = arith.constant 6 : i32
        %parallel_loop3A_2302 = arith.index_cast %parallel_loop3A_2301 : i32 to index
        %parallel_loop3A_2303 = arith.index_cast %parallel_loop3A_2300 : i32 to index
        %parallel_loop3A_2304 = tpu.vector_load %arg6[%parallel_loop3A_2302, %parallel_loop3A_2303] {strides = array<i32>} : memref<8x2048xf32, #tpu.memory_space<vmem>>, vector<1x16xf32>,
        %parallel_loop3A_2305 = vector.shape_cast %parallel_loop3A_2304 : vector<1x16xf32> to vector<16xf32>
        %parallel_loop3A_2306 = arith.constant 80 : i32
        %parallel_loop3A_2307 = arith.addi %parallel_loop3A_1291, %parallel_loop3A_2306 : i32
        %parallel_loop3A_2308 = arith.constant 6 : i32
        %parallel_loop3A_2309 = arith.index_cast %parallel_loop3A_2308 : i32 to index
        %parallel_loop3A_2310 = arith.index_cast %parallel_loop3A_2307 : i32 to index
        %parallel_loop3A_2311 = tpu.vector_load %arg8[%parallel_loop3A_2309, %parallel_loop3A_2310] {strides = array<i32>} : memref<8x2048xf32, #tpu.memory_space<vmem>>, vector<1x16xf32>,
        %parallel_loop3A_2312 = vector.shape_cast %parallel_loop3A_2311 : vector<1x16xf32> to vector<16xf32>
        %parallel_loop3A_2313 = math.exp %parallel_loop3A_2305 : vector<16xf32>
        %parallel_loop3A_2314 = arith.addf %parallel_loop3A_2295, %parallel_loop3A_2313 : vector<16xf32>
        %parallel_loop3A_2315 = arith.mulf %parallel_loop3A_2313, %parallel_loop3A_2312 : vector<16xf32>
        %parallel_loop3A_2316 = arith.addf %parallel_loop3A_2297, %parallel_loop3A_2315 : vector<16xf32>
        %parallel_loop3A_2317 = arith.addf %parallel_loop3A_2298, %parallel_loop3A_2312 : vector<16xf32>
        %parallel_loop3A_2318 = arith.constant 96 : i32
        %parallel_loop3A_2319 = arith.addi %parallel_loop3A_1291, %parallel_loop3A_2318 : i32
        %parallel_loop3A_2320 = arith.constant 6 : i32
        %parallel_loop3A_2321 = arith.index_cast %parallel_loop3A_2320 : i32 to index
        %parallel_loop3A_2322 = arith.index_cast %parallel_loop3A_2319 : i32 to index
        %parallel_loop3A_2323 = tpu.vector_load %arg6[%parallel_loop3A_2321, %parallel_loop3A_2322] {strides = array<i32>} : memref<8x2048xf32, #tpu.memory_space<vmem>>, vector<1x16xf32>,
        %parallel_loop3A_2324 = vector.shape_cast %parallel_loop3A_2323 : vector<1x16xf32> to vector<16xf32>
        %parallel_loop3A_2325 = arith.constant 96 : i32
        %parallel_loop3A_2326 = arith.addi %parallel_loop3A_1291, %parallel_loop3A_2325 : i32
        %parallel_loop3A_2327 = arith.constant 6 : i32
        %parallel_loop3A_2328 = arith.index_cast %parallel_loop3A_2327 : i32 to index
        %parallel_loop3A_2329 = arith.index_cast %parallel_loop3A_2326 : i32 to index
        %parallel_loop3A_2330 = tpu.vector_load %arg8[%parallel_loop3A_2328, %parallel_loop3A_2329] {strides = array<i32>} : memref<8x2048xf32, #tpu.memory_space<vmem>>, vector<1x16xf32>,
        %parallel_loop3A_2331 = vector.shape_cast %parallel_loop3A_2330 : vector<1x16xf32> to vector<16xf32>
        %parallel_loop3A_2332 = math.exp %parallel_loop3A_2324 : vector<16xf32>
        %parallel_loop3A_2333 = arith.addf %parallel_loop3A_2314, %parallel_loop3A_2332 : vector<16xf32>
        %parallel_loop3A_2334 = arith.mulf %parallel_loop3A_2332, %parallel_loop3A_2331 : vector<16xf32>
        %parallel_loop3A_2335 = arith.addf %parallel_loop3A_2316, %parallel_loop3A_2334 : vector<16xf32>
        %parallel_loop3A_2336 = arith.addf %parallel_loop3A_2317, %parallel_loop3A_2331 : vector<16xf32>
        %parallel_loop3A_2337 = arith.constant 112 : i32
        %parallel_loop3A_2338 = arith.addi %parallel_loop3A_1291, %parallel_loop3A_2337 : i32
        %parallel_loop3A_2339 = arith.constant 6 : i32
        %parallel_loop3A_2340 = arith.index_cast %parallel_loop3A_2339 : i32 to index
        %parallel_loop3A_2341 = arith.index_cast %parallel_loop3A_2338 : i32 to index
        %parallel_loop3A_2342 = tpu.vector_load %arg6[%parallel_loop3A_2340, %parallel_loop3A_2341] {strides = array<i32>} : memref<8x2048xf32, #tpu.memory_space<vmem>>, vector<1x16xf32>,
        %parallel_loop3A_2343 = vector.shape_cast %parallel_loop3A_2342 : vector<1x16xf32> to vector<16xf32>
        %parallel_loop3A_2344 = arith.constant 112 : i32
        %parallel_loop3A_2345 = arith.addi %parallel_loop3A_1291, %parallel_loop3A_2344 : i32
        %parallel_loop3A_2346 = arith.constant 6 : i32
        %parallel_loop3A_2347 = arith.index_cast %parallel_loop3A_2346 : i32 to index
        %parallel_loop3A_2348 = arith.index_cast %parallel_loop3A_2345 : i32 to index
        %parallel_loop3A_2349 = tpu.vector_load %arg8[%parallel_loop3A_2347, %parallel_loop3A_2348] {strides = array<i32>} : memref<8x2048xf32, #tpu.memory_space<vmem>>, vector<1x16xf32>,
        %parallel_loop3A_2350 = vector.shape_cast %parallel_loop3A_2349 : vector<1x16xf32> to vector<16xf32>
        %parallel_loop3A_2351 = math.exp %parallel_loop3A_2343 : vector<16xf32>
        %parallel_loop3A_2352 = arith.addf %parallel_loop3A_2333, %parallel_loop3A_2351 : vector<16xf32>
        %parallel_loop3A_2353 = arith.mulf %parallel_loop3A_2351, %parallel_loop3A_2350 : vector<16xf32>
        %parallel_loop3A_2354 = arith.addf %parallel_loop3A_2335, %parallel_loop3A_2353 : vector<16xf32>
        %parallel_loop3A_2355 = arith.addf %parallel_loop3A_2336, %parallel_loop3A_2350 : vector<16xf32>
        %parallel_loop3A_2356 = arith.constant 0 : i32
        %parallel_loop3A_2357 = arith.addi %parallel_loop3A_1291, %parallel_loop3A_2356 : i32
        %parallel_loop3A_2358 = arith.constant 7 : i32
        %parallel_loop3A_2359 = arith.index_cast %parallel_loop3A_2358 : i32 to index
        %parallel_loop3A_2360 = arith.index_cast %parallel_loop3A_2357 : i32 to index
        %parallel_loop3A_2361 = tpu.vector_load %arg6[%parallel_loop3A_2359, %parallel_loop3A_2360] {strides = array<i32>} : memref<8x2048xf32, #tpu.memory_space<vmem>>, vector<1x16xf32>,
        %parallel_loop3A_2362 = vector.shape_cast %parallel_loop3A_2361 : vector<1x16xf32> to vector<16xf32>
        %parallel_loop3A_2363 = arith.constant 0 : i32
        %parallel_loop3A_2364 = arith.addi %parallel_loop3A_1291, %parallel_loop3A_2363 : i32
        %parallel_loop3A_2365 = arith.constant 7 : i32
        %parallel_loop3A_2366 = arith.index_cast %parallel_loop3A_2365 : i32 to index
        %parallel_loop3A_2367 = arith.index_cast %parallel_loop3A_2364 : i32 to index
        %parallel_loop3A_2368 = tpu.vector_load %arg8[%parallel_loop3A_2366, %parallel_loop3A_2367] {strides = array<i32>} : memref<8x2048xf32, #tpu.memory_space<vmem>>, vector<1x16xf32>,
        %parallel_loop3A_2369 = vector.shape_cast %parallel_loop3A_2368 : vector<1x16xf32> to vector<16xf32>
        %parallel_loop3A_2370 = math.exp %parallel_loop3A_2362 : vector<16xf32>
        %parallel_loop3A_2371 = arith.addf %parallel_loop3A_1273, %parallel_loop3A_2370 : vector<16xf32>
        %parallel_loop3A_2372 = arith.mulf %parallel_loop3A_2370, %parallel_loop3A_2369 : vector<16xf32>
        %parallel_loop3A_2373 = arith.addf %parallel_loop3A_1281, %parallel_loop3A_2372 : vector<16xf32>
        %parallel_loop3A_2374 = arith.addf %parallel_loop3A_1289, %parallel_loop3A_2369 : vector<16xf32>
        %parallel_loop3A_2375 = arith.constant 16 : i32
        %parallel_loop3A_2376 = arith.addi %parallel_loop3A_1291, %parallel_loop3A_2375 : i32
        %parallel_loop3A_2377 = arith.constant 7 : i32
        %parallel_loop3A_2378 = arith.index_cast %parallel_loop3A_2377 : i32 to index
        %parallel_loop3A_2379 = arith.index_cast %parallel_loop3A_2376 : i32 to index
        %parallel_loop3A_2380 = tpu.vector_load %arg6[%parallel_loop3A_2378, %parallel_loop3A_2379] {strides = array<i32>} : memref<8x2048xf32, #tpu.memory_space<vmem>>, vector<1x16xf32>,
        %parallel_loop3A_2381 = vector.shape_cast %parallel_loop3A_2380 : vector<1x16xf32> to vector<16xf32>
        %parallel_loop3A_2382 = arith.constant 16 : i32
        %parallel_loop3A_2383 = arith.addi %parallel_loop3A_1291, %parallel_loop3A_2382 : i32
        %parallel_loop3A_2384 = arith.constant 7 : i32
        %parallel_loop3A_2385 = arith.index_cast %parallel_loop3A_2384 : i32 to index
        %parallel_loop3A_2386 = arith.index_cast %parallel_loop3A_2383 : i32 to index
        %parallel_loop3A_2387 = tpu.vector_load %arg8[%parallel_loop3A_2385, %parallel_loop3A_2386] {strides = array<i32>} : memref<8x2048xf32, #tpu.memory_space<vmem>>, vector<1x16xf32>,
        %parallel_loop3A_2388 = vector.shape_cast %parallel_loop3A_2387 : vector<1x16xf32> to vector<16xf32>
        %parallel_loop3A_2389 = math.exp %parallel_loop3A_2381 : vector<16xf32>
        %parallel_loop3A_2390 = arith.addf %parallel_loop3A_2371, %parallel_loop3A_2389 : vector<16xf32>
        %parallel_loop3A_2391 = arith.mulf %parallel_loop3A_2389, %parallel_loop3A_2388 : vector<16xf32>
        %parallel_loop3A_2392 = arith.addf %parallel_loop3A_2373, %parallel_loop3A_2391 : vector<16xf32>
        %parallel_loop3A_2393 = arith.addf %parallel_loop3A_2374, %parallel_loop3A_2388 : vector<16xf32>
        %parallel_loop3A_2394 = arith.constant 32 : i32
        %parallel_loop3A_2395 = arith.addi %parallel_loop3A_1291, %parallel_loop3A_2394 : i32
        %parallel_loop3A_2396 = arith.constant 7 : i32
        %parallel_loop3A_2397 = arith.index_cast %parallel_loop3A_2396 : i32 to index
        %parallel_loop3A_2398 = arith.index_cast %parallel_loop3A_2395 : i32 to index
        %parallel_loop3A_2399 = tpu.vector_load %arg6[%parallel_loop3A_2397, %parallel_loop3A_2398] {strides = array<i32>} : memref<8x2048xf32, #tpu.memory_space<vmem>>, vector<1x16xf32>,
        %parallel_loop3A_2400 = vector.shape_cast %parallel_loop3A_2399 : vector<1x16xf32> to vector<16xf32>
        %parallel_loop3A_2401 = arith.constant 32 : i32
        %parallel_loop3A_2402 = arith.addi %parallel_loop3A_1291, %parallel_loop3A_2401 : i32
        %parallel_loop3A_2403 = arith.constant 7 : i32
        %parallel_loop3A_2404 = arith.index_cast %parallel_loop3A_2403 : i32 to index
        %parallel_loop3A_2405 = arith.index_cast %parallel_loop3A_2402 : i32 to index
        %parallel_loop3A_2406 = tpu.vector_load %arg8[%parallel_loop3A_2404, %parallel_loop3A_2405] {strides = array<i32>} : memref<8x2048xf32, #tpu.memory_space<vmem>>, vector<1x16xf32>,
        %parallel_loop3A_2407 = vector.shape_cast %parallel_loop3A_2406 : vector<1x16xf32> to vector<16xf32>
        %parallel_loop3A_2408 = math.exp %parallel_loop3A_2400 : vector<16xf32>
        %parallel_loop3A_2409 = arith.addf %parallel_loop3A_2390, %parallel_loop3A_2408 : vector<16xf32>
        %parallel_loop3A_2410 = arith.mulf %parallel_loop3A_2408, %parallel_loop3A_2407 : vector<16xf32>
        %parallel_loop3A_2411 = arith.addf %parallel_loop3A_2392, %parallel_loop3A_2410 : vector<16xf32>
        %parallel_loop3A_2412 = arith.addf %parallel_loop3A_2393, %parallel_loop3A_2407 : vector<16xf32>
        %parallel_loop3A_2413 = arith.constant 48 : i32
        %parallel_loop3A_2414 = arith.addi %parallel_loop3A_1291, %parallel_loop3A_2413 : i32
        %parallel_loop3A_2415 = arith.constant 7 : i32
        %parallel_loop3A_2416 = arith.index_cast %parallel_loop3A_2415 : i32 to index
        %parallel_loop3A_2417 = arith.index_cast %parallel_loop3A_2414 : i32 to index
        %parallel_loop3A_2418 = tpu.vector_load %arg6[%parallel_loop3A_2416, %parallel_loop3A_2417] {strides = array<i32>} : memref<8x2048xf32, #tpu.memory_space<vmem>>, vector<1x16xf32>,
        %parallel_loop3A_2419 = vector.shape_cast %parallel_loop3A_2418 : vector<1x16xf32> to vector<16xf32>
        %parallel_loop3A_2420 = arith.constant 48 : i32
        %parallel_loop3A_2421 = arith.addi %parallel_loop3A_1291, %parallel_loop3A_2420 : i32
        %parallel_loop3A_2422 = arith.constant 7 : i32
        %parallel_loop3A_2423 = arith.index_cast %parallel_loop3A_2422 : i32 to index
        %parallel_loop3A_2424 = arith.index_cast %parallel_loop3A_2421 : i32 to index
        %parallel_loop3A_2425 = tpu.vector_load %arg8[%parallel_loop3A_2423, %parallel_loop3A_2424] {strides = array<i32>} : memref<8x2048xf32, #tpu.memory_space<vmem>>, vector<1x16xf32>,
        %parallel_loop3A_2426 = vector.shape_cast %parallel_loop3A_2425 : vector<1x16xf32> to vector<16xf32>
        %parallel_loop3A_2427 = math.exp %parallel_loop3A_2419 : vector<16xf32>
        %parallel_loop3A_2428 = arith.addf %parallel_loop3A_2409, %parallel_loop3A_2427 : vector<16xf32>
        %parallel_loop3A_2429 = arith.mulf %parallel_loop3A_2427, %parallel_loop3A_2426 : vector<16xf32>
        %parallel_loop3A_2430 = arith.addf %parallel_loop3A_2411, %parallel_loop3A_2429 : vector<16xf32>
        %parallel_loop3A_2431 = arith.addf %parallel_loop3A_2412, %parallel_loop3A_2426 : vector<16xf32>
        %parallel_loop3A_2432 = arith.constant 64 : i32
        %parallel_loop3A_2433 = arith.addi %parallel_loop3A_1291, %parallel_loop3A_2432 : i32
        %parallel_loop3A_2434 = arith.constant 7 : i32
        %parallel_loop3A_2435 = arith.index_cast %parallel_loop3A_2434 : i32 to index
        %parallel_loop3A_2436 = arith.index_cast %parallel_loop3A_2433 : i32 to index
        %parallel_loop3A_2437 = tpu.vector_load %arg6[%parallel_loop3A_2435, %parallel_loop3A_2436] {strides = array<i32>} : memref<8x2048xf32, #tpu.memory_space<vmem>>, vector<1x16xf32>,
        %parallel_loop3A_2438 = vector.shape_cast %parallel_loop3A_2437 : vector<1x16xf32> to vector<16xf32>
        %parallel_loop3A_2439 = arith.constant 64 : i32
        %parallel_loop3A_2440 = arith.addi %parallel_loop3A_1291, %parallel_loop3A_2439 : i32
        %parallel_loop3A_2441 = arith.constant 7 : i32
        %parallel_loop3A_2442 = arith.index_cast %parallel_loop3A_2441 : i32 to index
        %parallel_loop3A_2443 = arith.index_cast %parallel_loop3A_2440 : i32 to index
        %parallel_loop3A_2444 = tpu.vector_load %arg8[%parallel_loop3A_2442, %parallel_loop3A_2443] {strides = array<i32>} : memref<8x2048xf32, #tpu.memory_space<vmem>>, vector<1x16xf32>,
        %parallel_loop3A_2445 = vector.shape_cast %parallel_loop3A_2444 : vector<1x16xf32> to vector<16xf32>
        %parallel_loop3A_2446 = math.exp %parallel_loop3A_2438 : vector<16xf32>
        %parallel_loop3A_2447 = arith.addf %parallel_loop3A_2428, %parallel_loop3A_2446 : vector<16xf32>
        %parallel_loop3A_2448 = arith.mulf %parallel_loop3A_2446, %parallel_loop3A_2445 : vector<16xf32>
        %parallel_loop3A_2449 = arith.addf %parallel_loop3A_2430, %parallel_loop3A_2448 : vector<16xf32>
        %parallel_loop3A_2450 = arith.addf %parallel_loop3A_2431, %parallel_loop3A_2445 : vector<16xf32>
        %parallel_loop3A_2451 = arith.constant 80 : i32
        %parallel_loop3A_2452 = arith.addi %parallel_loop3A_1291, %parallel_loop3A_2451 : i32
        %parallel_loop3A_2453 = arith.constant 7 : i32
        %parallel_loop3A_2454 = arith.index_cast %parallel_loop3A_2453 : i32 to index
        %parallel_loop3A_2455 = arith.index_cast %parallel_loop3A_2452 : i32 to index
        %parallel_loop3A_2456 = tpu.vector_load %arg6[%parallel_loop3A_2454, %parallel_loop3A_2455] {strides = array<i32>} : memref<8x2048xf32, #tpu.memory_space<vmem>>, vector<1x16xf32>,
        %parallel_loop3A_2457 = vector.shape_cast %parallel_loop3A_2456 : vector<1x16xf32> to vector<16xf32>
        %parallel_loop3A_2458 = arith.constant 80 : i32
        %parallel_loop3A_2459 = arith.addi %parallel_loop3A_1291, %parallel_loop3A_2458 : i32
        %parallel_loop3A_2460 = arith.constant 7 : i32
        %parallel_loop3A_2461 = arith.index_cast %parallel_loop3A_2460 : i32 to index
        %parallel_loop3A_2462 = arith.index_cast %parallel_loop3A_2459 : i32 to index
        %parallel_loop3A_2463 = tpu.vector_load %arg8[%parallel_loop3A_2461, %parallel_loop3A_2462] {strides = array<i32>} : memref<8x2048xf32, #tpu.memory_space<vmem>>, vector<1x16xf32>,
        %parallel_loop3A_2464 = vector.shape_cast %parallel_loop3A_2463 : vector<1x16xf32> to vector<16xf32>
        %parallel_loop3A_2465 = math.exp %parallel_loop3A_2457 : vector<16xf32>
        %parallel_loop3A_2466 = arith.addf %parallel_loop3A_2447, %parallel_loop3A_2465 : vector<16xf32>
        %parallel_loop3A_2467 = arith.mulf %parallel_loop3A_2465, %parallel_loop3A_2464 : vector<16xf32>
        %parallel_loop3A_2468 = arith.addf %parallel_loop3A_2449, %parallel_loop3A_2467 : vector<16xf32>
        %parallel_loop3A_2469 = arith.addf %parallel_loop3A_2450, %parallel_loop3A_2464 : vector<16xf32>
        %parallel_loop3A_2470 = arith.constant 96 : i32
        %parallel_loop3A_2471 = arith.addi %parallel_loop3A_1291, %parallel_loop3A_2470 : i32
        %parallel_loop3A_2472 = arith.constant 7 : i32
        %parallel_loop3A_2473 = arith.index_cast %parallel_loop3A_2472 : i32 to index
        %parallel_loop3A_2474 = arith.index_cast %parallel_loop3A_2471 : i32 to index
        %parallel_loop3A_2475 = tpu.vector_load %arg6[%parallel_loop3A_2473, %parallel_loop3A_2474] {strides = array<i32>} : memref<8x2048xf32, #tpu.memory_space<vmem>>, vector<1x16xf32>,
        %parallel_loop3A_2476 = vector.shape_cast %parallel_loop3A_2475 : vector<1x16xf32> to vector<16xf32>
        %parallel_loop3A_2477 = arith.constant 96 : i32
        %parallel_loop3A_2478 = arith.addi %parallel_loop3A_1291, %parallel_loop3A_2477 : i32
        %parallel_loop3A_2479 = arith.constant 7 : i32
        %parallel_loop3A_2480 = arith.index_cast %parallel_loop3A_2479 : i32 to index
        %parallel_loop3A_2481 = arith.index_cast %parallel_loop3A_2478 : i32 to index
        %parallel_loop3A_2482 = tpu.vector_load %arg8[%parallel_loop3A_2480, %parallel_loop3A_2481] {strides = array<i32>} : memref<8x2048xf32, #tpu.memory_space<vmem>>, vector<1x16xf32>,
        %parallel_loop3A_2483 = vector.shape_cast %parallel_loop3A_2482 : vector<1x16xf32> to vector<16xf32>
        %parallel_loop3A_2484 = math.exp %parallel_loop3A_2476 : vector<16xf32>
        %parallel_loop3A_2485 = arith.addf %parallel_loop3A_2466, %parallel_loop3A_2484 : vector<16xf32>
        %parallel_loop3A_2486 = arith.mulf %parallel_loop3A_2484, %parallel_loop3A_2483 : vector<16xf32>
        %parallel_loop3A_2487 = arith.addf %parallel_loop3A_2468, %parallel_loop3A_2486 : vector<16xf32>
        %parallel_loop3A_2488 = arith.addf %parallel_loop3A_2469, %parallel_loop3A_2483 : vector<16xf32>
        %parallel_loop3A_2489 = arith.constant 112 : i32
        %parallel_loop3A_2490 = arith.addi %parallel_loop3A_1291, %parallel_loop3A_2489 : i32
        %parallel_loop3A_2491 = arith.constant 7 : i32
        %parallel_loop3A_2492 = arith.index_cast %parallel_loop3A_2491 : i32 to index
        %parallel_loop3A_2493 = arith.index_cast %parallel_loop3A_2490 : i32 to index
        %parallel_loop3A_2494 = tpu.vector_load %arg6[%parallel_loop3A_2492, %parallel_loop3A_2493] {strides = array<i32>} : memref<8x2048xf32, #tpu.memory_space<vmem>>, vector<1x16xf32>,
        %parallel_loop3A_2495 = vector.shape_cast %parallel_loop3A_2494 : vector<1x16xf32> to vector<16xf32>
        %parallel_loop3A_2496 = arith.constant 112 : i32
        %parallel_loop3A_2497 = arith.addi %parallel_loop3A_1291, %parallel_loop3A_2496 : i32
        %parallel_loop3A_2498 = arith.constant 7 : i32
        %parallel_loop3A_2499 = arith.index_cast %parallel_loop3A_2498 : i32 to index
        %parallel_loop3A_2500 = arith.index_cast %parallel_loop3A_2497 : i32 to index
        %parallel_loop3A_2501 = tpu.vector_load %arg8[%parallel_loop3A_2499, %parallel_loop3A_2500] {strides = array<i32>} : memref<8x2048xf32, #tpu.memory_space<vmem>>, vector<1x16xf32>,
        %parallel_loop3A_2502 = vector.shape_cast %parallel_loop3A_2501 : vector<1x16xf32> to vector<16xf32>
        %parallel_loop3A_2503 = math.exp %parallel_loop3A_2495 : vector<16xf32>
        %parallel_loop3A_2504 = arith.addf %parallel_loop3A_2485, %parallel_loop3A_2503 : vector<16xf32>
        %parallel_loop3A_2505 = arith.mulf %parallel_loop3A_2503, %parallel_loop3A_2502 : vector<16xf32>
        %parallel_loop3A_2506 = arith.addf %parallel_loop3A_2487, %parallel_loop3A_2505 : vector<16xf32>
        %parallel_loop3A_2507 = arith.addf %parallel_loop3A_2488, %parallel_loop3A_2502 : vector<16xf32>
        scf.yield %parallel_loop3A_1440, %parallel_loop3A_1592, %parallel_loop3A_1744, %parallel_loop3A_1896, %parallel_loop3A_2048, %parallel_loop3A_2200, %parallel_loop3A_2352, %parallel_loop3A_2504, %parallel_loop3A_1442, %parallel_loop3A_1594, %parallel_loop3A_1746, %parallel_loop3A_1898, %parallel_loop3A_2050, %parallel_loop3A_2202, %parallel_loop3A_2354, %parallel_loop3A_2506, %parallel_loop3A_1443, %parallel_loop3A_1595, %parallel_loop3A_1747, %parallel_loop3A_1899, %parallel_loop3A_2051, %parallel_loop3A_2203, %parallel_loop3A_2355, %parallel_loop3A_2507 : vector<16xf32>, vector<16xf32>, vector<16xf32>, vector<16xf32>, vector<16xf32>, vector<16xf32>, vector<16xf32>, vector<16xf32>, vector<16xf32>, vector<16xf32>, vector<16xf32>, vector<16xf32>, vector<16xf32>, vector<16xf32>, vector<16xf32>, vector<16xf32>, vector<16xf32>, vector<16xf32>, vector<16xf32>, vector<16xf32>, vector<16xf32>, vector<16xf32>, vector<16xf32>, vector<16xf32>
      } {sc.loop_unroll_factor = 1 : i64, sc.parallel_access}
      %add3A_1258 = arith.constant 2 : i32
      %add3A_1259 = arith.addi %add3A_1241, %add3A_1258 : i32
      %lt3A_1260 = arith.constant 16 : i32
      %lt3A_1261 = arith.cmpi slt, %add3A_1259, %lt3A_1260 : i32
      %convert_element_type3A_1262 = arith.extui %lt3A_1261 : i1 to i32
      %cond3A_1263 = arith.constant 0 : i32
      %cond3A_1264 = arith.cmpi ne, %convert_element_type3A_1262, %cond3A_1263 : i32
      scf.if %cond3A_1264 {
        %add3A_1265 = arith.constant 2 : i32
        %add3A_1266 = arith.addi %add3A_1241, %add3A_1265 : i32
        %mul3A_1267 = arith.constant 2048 : i32
        %mul3A_1268 = arith.muli %add3A_1266, %mul3A_1267 : i32
        %add3A_1269 = arith.addi %mul3A_34, %mul3A_1268 : i32
        %dma_start3A_1270 = tpu.memref_slice %arg2[%mul3A_32, %add3A_1269] : memref<32x262144xf32, #tpu.memory_space<hbm>> -> memref<8x2048xf32, #tpu.memory_space<hbm>>
        %dma_start3A_1271 = tpu.memref_slice %arg2[%mul3A_32, %add3A_1269] : memref<32x262144xf32, #tpu.memory_space<hbm>> -> memref<8x2048xf32, #tpu.memory_space<hbm>>
        tpu.enqueue_dma source(%dma_start3A_1271 : memref<8x2048xf32, #tpu.memory_space<hbm>>) target(%arg6 : memref<8x2048xf32, #tpu.memory_space<vmem>>) target_semaphore(%arg14 : memref<!tpu.dma_semaphore, #tpu.memory_space<semaphore_mem>>)
        %mul3A_1272 = arith.constant 2048 : i32
        %mul3A_1273 = arith.muli %add3A_1266, %mul3A_1272 : i32
        %add3A_1274 = arith.addi %mul3A_34, %mul3A_1273 : i32
        %dma_start3A_1275 = tpu.memref_slice %arg3[%mul3A_32, %add3A_1274] : memref<32x262144xf32, #tpu.memory_space<hbm>> -> memref<8x2048xf32, #tpu.memory_space<hbm>>
        %dma_start3A_1276 = tpu.memref_slice %arg3[%mul3A_32, %add3A_1274] : memref<32x262144xf32, #tpu.memory_space<hbm>> -> memref<8x2048xf32, #tpu.memory_space<hbm>>
        tpu.enqueue_dma source(%dma_start3A_1276 : memref<8x2048xf32, #tpu.memory_space<hbm>>) target(%arg8 : memref<8x2048xf32, #tpu.memory_space<vmem>>) target_semaphore(%arg16 : memref<!tpu.dma_semaphore, #tpu.memory_space<semaphore_mem>>)
      } else {
      }
      scf.yield %parallel_loop3A_1257#0, %parallel_loop3A_1257#1, %parallel_loop3A_1257#2, %parallel_loop3A_1257#3, %parallel_loop3A_1257#4, %parallel_loop3A_1257#5, %parallel_loop3A_1257#6, %parallel_loop3A_1257#7, %parallel_loop3A_1257#8, %parallel_loop3A_1257#9, %parallel_loop3A_1257#10, %parallel_loop3A_1257#11, %parallel_loop3A_1257#12, %parallel_loop3A_1257#13, %parallel_loop3A_1257#14, %parallel_loop3A_1257#15, %parallel_loop3A_1257#16, %parallel_loop3A_1257#17, %parallel_loop3A_1257#18, %parallel_loop3A_1257#19, %parallel_loop3A_1257#20, %parallel_loop3A_1257#21, %parallel_loop3A_1257#22, %parallel_loop3A_1257#23 : vector<16xf32>, vector<16xf32>, vector<16xf32>, vector<16xf32>, vector<16xf32>, vector<16xf32>, vector<16xf32>, vector<16xf32>, vector<16xf32>, vector<16xf32>, vector<16xf32>, vector<16xf32>, vector<16xf32>, vector<16xf32>, vector<16xf32>, vector<16xf32>, vector<16xf32>, vector<16xf32>, vector<16xf32>, vector<16xf32>, vector<16xf32>, vector<16xf32>, vector<16xf32>, vector<16xf32>
    }
    %scan3A_55 = arith.constant 8 : i32
    %iota3A = tpu.iota {dimensions = array<i32: 0>} : vector<16xi32>
    %xor3A = arith.constant 1 : i32
    %xor3A_56 = vector.broadcast %xor3A : i32 to vector<16xi32>
    %xor3A_57 = arith.xori %iota3A, %xor3A_56 : vector<16xi32>
    %broadcast_in_dim3A_58 = vector.shape_cast %xor3A_57 : vector<16xi32> to vector<16x1xi32>
    %gather3A = vector.shape_cast %broadcast_in_dim3A_58 : vector<16x1xi32> to vector<16xi32>
    %gather3A_59 = tpu.dynamic_gather %scan3A_54#0[%gather3A] in [0] : vector<16xf32>, vector<16xi32> -> vector<16xf32>
    %add3A_60 = arith.addf %scan3A_54#0, %gather3A_59 : vector<16xf32>
    %iota3A_61 = tpu.iota {dimensions = array<i32: 0>} : vector<16xi32>
    %xor3A_62 = arith.constant 2 : i32
    %xor3A_63 = vector.broadcast %xor3A_62 : i32 to vector<16xi32>
    %xor3A_64 = arith.xori %iota3A_61, %xor3A_63 : vector<16xi32>
    %broadcast_in_dim3A_65 = vector.shape_cast %xor3A_64 : vector<16xi32> to vector<16x1xi32>
    %gather3A_66 = vector.shape_cast %broadcast_in_dim3A_65 : vector<16x1xi32> to vector<16xi32>
    %gather3A_67 = tpu.dynamic_gather %add3A_60[%gather3A_66] in [0] : vector<16xf32>, vector<16xi32> -> vector<16xf32>
    %add3A_68 = arith.addf %add3A_60, %gather3A_67 : vector<16xf32>
    %iota3A_69 = tpu.iota {dimensions = array<i32: 0>} : vector<16xi32>
    %xor3A_70 = arith.constant 4 : i32
    %xor3A_71 = vector.broadcast %xor3A_70 : i32 to vector<16xi32>
    %xor3A_72 = arith.xori %iota3A_69, %xor3A_71 : vector<16xi32>
    %broadcast_in_dim3A_73 = vector.shape_cast %xor3A_72 : vector<16xi32> to vector<16x1xi32>
    %gather3A_74 = vector.shape_cast %broadcast_in_dim3A_73 : vector<16x1xi32> to vector<16xi32>
    %gather3A_75 = tpu.dynamic_gather %add3A_68[%gather3A_74] in [0] : vector<16xf32>, vector<16xi32> -> vector<16xf32>
    %add3A_76 = arith.addf %add3A_68, %gather3A_75 : vector<16xf32>
    %iota3A_77 = tpu.iota {dimensions = array<i32: 0>} : vector<16xi32>
    %xor3A_78 = arith.constant 8 : i32
    %xor3A_79 = vector.broadcast %xor3A_78 : i32 to vector<16xi32>
    %xor3A_80 = arith.xori %iota3A_77, %xor3A_79 : vector<16xi32>
    %broadcast_in_dim3A_81 = vector.shape_cast %xor3A_80 : vector<16xi32> to vector<16x1xi32>
    %gather3A_82 = vector.shape_cast %broadcast_in_dim3A_81 : vector<16x1xi32> to vector<16xi32>
    %gather3A_83 = tpu.dynamic_gather %add3A_76[%gather3A_82] in [0] : vector<16xf32>, vector<16xi32> -> vector<16xf32>
    %add3A_84 = arith.addf %add3A_76, %gather3A_83 : vector<16xf32>
    %swap3A = arith.constant 0 : index
    %swap3A_85 = tpu.vector_load %arg9[%swap3A] {strides = array<i32>} : memref<384xf32, #tpu.memory_space<vmem>>, vector<16xf32>,
    %swap3A_86 = vector.shape_cast %swap3A_85 : vector<16xf32> to vector<16xf32>
    %swap3A_87 = vector.shape_cast %add3A_84 : vector<16xf32> to vector<16xf32>
    tpu.vector_store %arg9[%swap3A], %swap3A_87 {strides = array<i32>} : memref<384xf32, #tpu.memory_space<vmem>>, vector<16xf32>,
    %iota3A_88 = tpu.iota {dimensions = array<i32: 0>} : vector<16xi32>
    %xor3A_89 = arith.constant 1 : i32
    %xor3A_90 = vector.broadcast %xor3A_89 : i32 to vector<16xi32>
    %xor3A_91 = arith.xori %iota3A_88, %xor3A_90 : vector<16xi32>
    %broadcast_in_dim3A_92 = vector.shape_cast %xor3A_91 : vector<16xi32> to vector<16x1xi32>
    %gather3A_93 = vector.shape_cast %broadcast_in_dim3A_92 : vector<16x1xi32> to vector<16xi32>
    %gather3A_94 = tpu.dynamic_gather %scan3A_54#8[%gather3A_93] in [0] : vector<16xf32>, vector<16xi32> -> vector<16xf32>
    %add3A_95 = arith.addf %scan3A_54#8, %gather3A_94 : vector<16xf32>
    %iota3A_96 = tpu.iota {dimensions = array<i32: 0>} : vector<16xi32>
    %xor3A_97 = arith.constant 2 : i32
    %xor3A_98 = vector.broadcast %xor3A_97 : i32 to vector<16xi32>
    %xor3A_99 = arith.xori %iota3A_96, %xor3A_98 : vector<16xi32>
    %broadcast_in_dim3A_100 = vector.shape_cast %xor3A_99 : vector<16xi32> to vector<16x1xi32>
    %gather3A_101 = vector.shape_cast %broadcast_in_dim3A_100 : vector<16x1xi32> to vector<16xi32>
    %gather3A_102 = tpu.dynamic_gather %add3A_95[%gather3A_101] in [0] : vector<16xf32>, vector<16xi32> -> vector<16xf32>
    %add3A_103 = arith.addf %add3A_95, %gather3A_102 : vector<16xf32>
    %iota3A_104 = tpu.iota {dimensions = array<i32: 0>} : vector<16xi32>
    %xor3A_105 = arith.constant 4 : i32
    %xor3A_106 = vector.broadcast %xor3A_105 : i32 to vector<16xi32>
    %xor3A_107 = arith.xori %iota3A_104, %xor3A_106 : vector<16xi32>
    %broadcast_in_dim3A_108 = vector.shape_cast %xor3A_107 : vector<16xi32> to vector<16x1xi32>
    %gather3A_109 = vector.shape_cast %broadcast_in_dim3A_108 : vector<16x1xi32> to vector<16xi32>
    %gather3A_110 = tpu.dynamic_gather %add3A_103[%gather3A_109] in [0] : vector<16xf32>, vector<16xi32> -> vector<16xf32>
    %add3A_111 = arith.addf %add3A_103, %gather3A_110 : vector<16xf32>
    %iota3A_112 = tpu.iota {dimensions = array<i32: 0>} : vector<16xi32>
    %xor3A_113 = arith.constant 8 : i32
    %xor3A_114 = vector.broadcast %xor3A_113 : i32 to vector<16xi32>
    %xor3A_115 = arith.xori %iota3A_112, %xor3A_114 : vector<16xi32>
    %broadcast_in_dim3A_116 = vector.shape_cast %xor3A_115 : vector<16xi32> to vector<16x1xi32>
    %gather3A_117 = vector.shape_cast %broadcast_in_dim3A_116 : vector<16x1xi32> to vector<16xi32>
    %gather3A_118 = tpu.dynamic_gather %add3A_111[%gather3A_117] in [0] : vector<16xf32>, vector<16xi32> -> vector<16xf32>
    %add3A_119 = arith.addf %add3A_111, %gather3A_118 : vector<16xf32>
    %swap3A_120 = arith.constant 16 : index
    %swap3A_121 = tpu.vector_load %arg9[%swap3A_120] {strides = array<i32>} : memref<384xf32, #tpu.memory_space<vmem>>, vector<16xf32>,
    %swap3A_122 = vector.shape_cast %swap3A_121 : vector<16xf32> to vector<16xf32>
    %swap3A_123 = vector.shape_cast %add3A_119 : vector<16xf32> to vector<16xf32>
    tpu.vector_store %arg9[%swap3A_120], %swap3A_123 {strides = array<i32>} : memref<384xf32, #tpu.memory_space<vmem>>, vector<16xf32>,
    %iota3A_124 = tpu.iota {dimensions = array<i32: 0>} : vector<16xi32>
    %xor3A_125 = arith.constant 1 : i32
    %xor3A_126 = vector.broadcast %xor3A_125 : i32 to vector<16xi32>
    %xor3A_127 = arith.xori %iota3A_124, %xor3A_126 : vector<16xi32>
    %broadcast_in_dim3A_128 = vector.shape_cast %xor3A_127 : vector<16xi32> to vector<16x1xi32>
    %gather3A_129 = vector.shape_cast %broadcast_in_dim3A_128 : vector<16x1xi32> to vector<16xi32>
    %gather3A_130 = tpu.dynamic_gather %scan3A_54#16[%gather3A_129] in [0] : vector<16xf32>, vector<16xi32> -> vector<16xf32>
    %add3A_131 = arith.addf %scan3A_54#16, %gather3A_130 : vector<16xf32>
    %iota3A_132 = tpu.iota {dimensions = array<i32: 0>} : vector<16xi32>
    %xor3A_133 = arith.constant 2 : i32
    %xor3A_134 = vector.broadcast %xor3A_133 : i32 to vector<16xi32>
    %xor3A_135 = arith.xori %iota3A_132, %xor3A_134 : vector<16xi32>
    %broadcast_in_dim3A_136 = vector.shape_cast %xor3A_135 : vector<16xi32> to vector<16x1xi32>
    %gather3A_137 = vector.shape_cast %broadcast_in_dim3A_136 : vector<16x1xi32> to vector<16xi32>
    %gather3A_138 = tpu.dynamic_gather %add3A_131[%gather3A_137] in [0] : vector<16xf32>, vector<16xi32> -> vector<16xf32>
    %add3A_139 = arith.addf %add3A_131, %gather3A_138 : vector<16xf32>
    %iota3A_140 = tpu.iota {dimensions = array<i32: 0>} : vector<16xi32>
    %xor3A_141 = arith.constant 4 : i32
    %xor3A_142 = vector.broadcast %xor3A_141 : i32 to vector<16xi32>
    %xor3A_143 = arith.xori %iota3A_140, %xor3A_142 : vector<16xi32>
    %broadcast_in_dim3A_144 = vector.shape_cast %xor3A_143 : vector<16xi32> to vector<16x1xi32>
    %gather3A_145 = vector.shape_cast %broadcast_in_dim3A_144 : vector<16x1xi32> to vector<16xi32>
    %gather3A_146 = tpu.dynamic_gather %add3A_139[%gather3A_145] in [0] : vector<16xf32>, vector<16xi32> -> vector<16xf32>
    %add3A_147 = arith.addf %add3A_139, %gather3A_146 : vector<16xf32>
    %iota3A_148 = tpu.iota {dimensions = array<i32: 0>} : vector<16xi32>
    %xor3A_149 = arith.constant 8 : i32
    %xor3A_150 = vector.broadcast %xor3A_149 : i32 to vector<16xi32>
    %xor3A_151 = arith.xori %iota3A_148, %xor3A_150 : vector<16xi32>
    %broadcast_in_dim3A_152 = vector.shape_cast %xor3A_151 : vector<16xi32> to vector<16x1xi32>
    %gather3A_153 = vector.shape_cast %broadcast_in_dim3A_152 : vector<16x1xi32> to vector<16xi32>
    %gather3A_154 = tpu.dynamic_gather %add3A_147[%gather3A_153] in [0] : vector<16xf32>, vector<16xi32> -> vector<16xf32>
    %add3A_155 = arith.addf %add3A_147, %gather3A_154 : vector<16xf32>
    %swap3A_156 = arith.constant 32 : index
    %swap3A_157 = tpu.vector_load %arg9[%swap3A_156] {strides = array<i32>} : memref<384xf32, #tpu.memory_space<vmem>>, vector<16xf32>,
    %swap3A_158 = vector.shape_cast %swap3A_157 : vector<16xf32> to vector<16xf32>
    %swap3A_159 = vector.shape_cast %add3A_155 : vector<16xf32> to vector<16xf32>
    tpu.vector_store %arg9[%swap3A_156], %swap3A_159 {strides = array<i32>} : memref<384xf32, #tpu.memory_space<vmem>>, vector<16xf32>,
    %iota3A_160 = tpu.iota {dimensions = array<i32: 0>} : vector<16xi32>
    %xor3A_161 = arith.constant 1 : i32
    %xor3A_162 = vector.broadcast %xor3A_161 : i32 to vector<16xi32>
    %xor3A_163 = arith.xori %iota3A_160, %xor3A_162 : vector<16xi32>
    %broadcast_in_dim3A_164 = vector.shape_cast %xor3A_163 : vector<16xi32> to vector<16x1xi32>
    %gather3A_165 = vector.shape_cast %broadcast_in_dim3A_164 : vector<16x1xi32> to vector<16xi32>
    %gather3A_166 = tpu.dynamic_gather %scan3A_54#1[%gather3A_165] in [0] : vector<16xf32>, vector<16xi32> -> vector<16xf32>
    %add3A_167 = arith.addf %scan3A_54#1, %gather3A_166 : vector<16xf32>
    %iota3A_168 = tpu.iota {dimensions = array<i32: 0>} : vector<16xi32>
    %xor3A_169 = arith.constant 2 : i32
    %xor3A_170 = vector.broadcast %xor3A_169 : i32 to vector<16xi32>
    %xor3A_171 = arith.xori %iota3A_168, %xor3A_170 : vector<16xi32>
    %broadcast_in_dim3A_172 = vector.shape_cast %xor3A_171 : vector<16xi32> to vector<16x1xi32>
    %gather3A_173 = vector.shape_cast %broadcast_in_dim3A_172 : vector<16x1xi32> to vector<16xi32>
    %gather3A_174 = tpu.dynamic_gather %add3A_167[%gather3A_173] in [0] : vector<16xf32>, vector<16xi32> -> vector<16xf32>
    %add3A_175 = arith.addf %add3A_167, %gather3A_174 : vector<16xf32>
    %iota3A_176 = tpu.iota {dimensions = array<i32: 0>} : vector<16xi32>
    %xor3A_177 = arith.constant 4 : i32
    %xor3A_178 = vector.broadcast %xor3A_177 : i32 to vector<16xi32>
    %xor3A_179 = arith.xori %iota3A_176, %xor3A_178 : vector<16xi32>
    %broadcast_in_dim3A_180 = vector.shape_cast %xor3A_179 : vector<16xi32> to vector<16x1xi32>
    %gather3A_181 = vector.shape_cast %broadcast_in_dim3A_180 : vector<16x1xi32> to vector<16xi32>
    %gather3A_182 = tpu.dynamic_gather %add3A_175[%gather3A_181] in [0] : vector<16xf32>, vector<16xi32> -> vector<16xf32>
    %add3A_183 = arith.addf %add3A_175, %gather3A_182 : vector<16xf32>
    %iota3A_184 = tpu.iota {dimensions = array<i32: 0>} : vector<16xi32>
    %xor3A_185 = arith.constant 8 : i32
    %xor3A_186 = vector.broadcast %xor3A_185 : i32 to vector<16xi32>
    %xor3A_187 = arith.xori %iota3A_184, %xor3A_186 : vector<16xi32>
    %broadcast_in_dim3A_188 = vector.shape_cast %xor3A_187 : vector<16xi32> to vector<16x1xi32>
    %gather3A_189 = vector.shape_cast %broadcast_in_dim3A_188 : vector<16x1xi32> to vector<16xi32>
    %gather3A_190 = tpu.dynamic_gather %add3A_183[%gather3A_189] in [0] : vector<16xf32>, vector<16xi32> -> vector<16xf32>
    %add3A_191 = arith.addf %add3A_183, %gather3A_190 : vector<16xf32>
    %swap3A_192 = arith.constant 48 : index
    %swap3A_193 = tpu.vector_load %arg9[%swap3A_192] {strides = array<i32>} : memref<384xf32, #tpu.memory_space<vmem>>, vector<16xf32>,
    %swap3A_194 = vector.shape_cast %swap3A_193 : vector<16xf32> to vector<16xf32>
    %swap3A_195 = vector.shape_cast %add3A_191 : vector<16xf32> to vector<16xf32>
    tpu.vector_store %arg9[%swap3A_192], %swap3A_195 {strides = array<i32>} : memref<384xf32, #tpu.memory_space<vmem>>, vector<16xf32>,
    %iota3A_196 = tpu.iota {dimensions = array<i32: 0>} : vector<16xi32>
    %xor3A_197 = arith.constant 1 : i32
    %xor3A_198 = vector.broadcast %xor3A_197 : i32 to vector<16xi32>
    %xor3A_199 = arith.xori %iota3A_196, %xor3A_198 : vector<16xi32>
    %broadcast_in_dim3A_200 = vector.shape_cast %xor3A_199 : vector<16xi32> to vector<16x1xi32>
    %gather3A_201 = vector.shape_cast %broadcast_in_dim3A_200 : vector<16x1xi32> to vector<16xi32>
    %gather3A_202 = tpu.dynamic_gather %scan3A_54#9[%gather3A_201] in [0] : vector<16xf32>, vector<16xi32> -> vector<16xf32>
    %add3A_203 = arith.addf %scan3A_54#9, %gather3A_202 : vector<16xf32>
    %iota3A_204 = tpu.iota {dimensions = array<i32: 0>} : vector<16xi32>
    %xor3A_205 = arith.constant 2 : i32
    %xor3A_206 = vector.broadcast %xor3A_205 : i32 to vector<16xi32>
    %xor3A_207 = arith.xori %iota3A_204, %xor3A_206 : vector<16xi32>
    %broadcast_in_dim3A_208 = vector.shape_cast %xor3A_207 : vector<16xi32> to vector<16x1xi32>
    %gather3A_209 = vector.shape_cast %broadcast_in_dim3A_208 : vector<16x1xi32> to vector<16xi32>
    %gather3A_210 = tpu.dynamic_gather %add3A_203[%gather3A_209] in [0] : vector<16xf32>, vector<16xi32> -> vector<16xf32>
    %add3A_211 = arith.addf %add3A_203, %gather3A_210 : vector<16xf32>
    %iota3A_212 = tpu.iota {dimensions = array<i32: 0>} : vector<16xi32>
    %xor3A_213 = arith.constant 4 : i32
    %xor3A_214 = vector.broadcast %xor3A_213 : i32 to vector<16xi32>
    %xor3A_215 = arith.xori %iota3A_212, %xor3A_214 : vector<16xi32>
    %broadcast_in_dim3A_216 = vector.shape_cast %xor3A_215 : vector<16xi32> to vector<16x1xi32>
    %gather3A_217 = vector.shape_cast %broadcast_in_dim3A_216 : vector<16x1xi32> to vector<16xi32>
    %gather3A_218 = tpu.dynamic_gather %add3A_211[%gather3A_217] in [0] : vector<16xf32>, vector<16xi32> -> vector<16xf32>
    %add3A_219 = arith.addf %add3A_211, %gather3A_218 : vector<16xf32>
    %iota3A_220 = tpu.iota {dimensions = array<i32: 0>} : vector<16xi32>
    %xor3A_221 = arith.constant 8 : i32
    %xor3A_222 = vector.broadcast %xor3A_221 : i32 to vector<16xi32>
    %xor3A_223 = arith.xori %iota3A_220, %xor3A_222 : vector<16xi32>
    %broadcast_in_dim3A_224 = vector.shape_cast %xor3A_223 : vector<16xi32> to vector<16x1xi32>
    %gather3A_225 = vector.shape_cast %broadcast_in_dim3A_224 : vector<16x1xi32> to vector<16xi32>
    %gather3A_226 = tpu.dynamic_gather %add3A_219[%gather3A_225] in [0] : vector<16xf32>, vector<16xi32> -> vector<16xf32>
    %add3A_227 = arith.addf %add3A_219, %gather3A_226 : vector<16xf32>
    %swap3A_228 = arith.constant 64 : index
    %swap3A_229 = tpu.vector_load %arg9[%swap3A_228] {strides = array<i32>} : memref<384xf32, #tpu.memory_space<vmem>>, vector<16xf32>,
    %swap3A_230 = vector.shape_cast %swap3A_229 : vector<16xf32> to vector<16xf32>
    %swap3A_231 = vector.shape_cast %add3A_227 : vector<16xf32> to vector<16xf32>
    tpu.vector_store %arg9[%swap3A_228], %swap3A_231 {strides = array<i32>} : memref<384xf32, #tpu.memory_space<vmem>>, vector<16xf32>,
    %iota3A_232 = tpu.iota {dimensions = array<i32: 0>} : vector<16xi32>
    %xor3A_233 = arith.constant 1 : i32
    %xor3A_234 = vector.broadcast %xor3A_233 : i32 to vector<16xi32>
    %xor3A_235 = arith.xori %iota3A_232, %xor3A_234 : vector<16xi32>
    %broadcast_in_dim3A_236 = vector.shape_cast %xor3A_235 : vector<16xi32> to vector<16x1xi32>
    %gather3A_237 = vector.shape_cast %broadcast_in_dim3A_236 : vector<16x1xi32> to vector<16xi32>
    %gather3A_238 = tpu.dynamic_gather %scan3A_54#17[%gather3A_237] in [0] : vector<16xf32>, vector<16xi32> -> vector<16xf32>
    %add3A_239 = arith.addf %scan3A_54#17, %gather3A_238 : vector<16xf32>
    %iota3A_240 = tpu.iota {dimensions = array<i32: 0>} : vector<16xi32>
    %xor3A_241 = arith.constant 2 : i32
    %xor3A_242 = vector.broadcast %xor3A_241 : i32 to vector<16xi32>
    %xor3A_243 = arith.xori %iota3A_240, %xor3A_242 : vector<16xi32>
    %broadcast_in_dim3A_244 = vector.shape_cast %xor3A_243 : vector<16xi32> to vector<16x1xi32>
    %gather3A_245 = vector.shape_cast %broadcast_in_dim3A_244 : vector<16x1xi32> to vector<16xi32>
    %gather3A_246 = tpu.dynamic_gather %add3A_239[%gather3A_245] in [0] : vector<16xf32>, vector<16xi32> -> vector<16xf32>
    %add3A_247 = arith.addf %add3A_239, %gather3A_246 : vector<16xf32>
    %iota3A_248 = tpu.iota {dimensions = array<i32: 0>} : vector<16xi32>
    %xor3A_249 = arith.constant 4 : i32
    %xor3A_250 = vector.broadcast %xor3A_249 : i32 to vector<16xi32>
    %xor3A_251 = arith.xori %iota3A_248, %xor3A_250 : vector<16xi32>
    %broadcast_in_dim3A_252 = vector.shape_cast %xor3A_251 : vector<16xi32> to vector<16x1xi32>
    %gather3A_253 = vector.shape_cast %broadcast_in_dim3A_252 : vector<16x1xi32> to vector<16xi32>
    %gather3A_254 = tpu.dynamic_gather %add3A_247[%gather3A_253] in [0] : vector<16xf32>, vector<16xi32> -> vector<16xf32>
    %add3A_255 = arith.addf %add3A_247, %gather3A_254 : vector<16xf32>
    %iota3A_256 = tpu.iota {dimensions = array<i32: 0>} : vector<16xi32>
    %xor3A_257 = arith.constant 8 : i32
    %xor3A_258 = vector.broadcast %xor3A_257 : i32 to vector<16xi32>
    %xor3A_259 = arith.xori %iota3A_256, %xor3A_258 : vector<16xi32>
    %broadcast_in_dim3A_260 = vector.shape_cast %xor3A_259 : vector<16xi32> to vector<16x1xi32>
    %gather3A_261 = vector.shape_cast %broadcast_in_dim3A_260 : vector<16x1xi32> to vector<16xi32>
    %gather3A_262 = tpu.dynamic_gather %add3A_255[%gather3A_261] in [0] : vector<16xf32>, vector<16xi32> -> vector<16xf32>
    %add3A_263 = arith.addf %add3A_255, %gather3A_262 : vector<16xf32>
    %swap3A_264 = arith.constant 80 : index
    %swap3A_265 = tpu.vector_load %arg9[%swap3A_264] {strides = array<i32>} : memref<384xf32, #tpu.memory_space<vmem>>, vector<16xf32>,
    %swap3A_266 = vector.shape_cast %swap3A_265 : vector<16xf32> to vector<16xf32>
    %swap3A_267 = vector.shape_cast %add3A_263 : vector<16xf32> to vector<16xf32>
    tpu.vector_store %arg9[%swap3A_264], %swap3A_267 {strides = array<i32>} : memref<384xf32, #tpu.memory_space<vmem>>, vector<16xf32>,
    %iota3A_268 = tpu.iota {dimensions = array<i32: 0>} : vector<16xi32>
    %xor3A_269 = arith.constant 1 : i32
    %xor3A_270 = vector.broadcast %xor3A_269 : i32 to vector<16xi32>
    %xor3A_271 = arith.xori %iota3A_268, %xor3A_270 : vector<16xi32>
    %broadcast_in_dim3A_272 = vector.shape_cast %xor3A_271 : vector<16xi32> to vector<16x1xi32>
    %gather3A_273 = vector.shape_cast %broadcast_in_dim3A_272 : vector<16x1xi32> to vector<16xi32>
    %gather3A_274 = tpu.dynamic_gather %scan3A_54#2[%gather3A_273] in [0] : vector<16xf32>, vector<16xi32> -> vector<16xf32>
    %add3A_275 = arith.addf %scan3A_54#2, %gather3A_274 : vector<16xf32>
    %iota3A_276 = tpu.iota {dimensions = array<i32: 0>} : vector<16xi32>
    %xor3A_277 = arith.constant 2 : i32
    %xor3A_278 = vector.broadcast %xor3A_277 : i32 to vector<16xi32>
    %xor3A_279 = arith.xori %iota3A_276, %xor3A_278 : vector<16xi32>
    %broadcast_in_dim3A_280 = vector.shape_cast %xor3A_279 : vector<16xi32> to vector<16x1xi32>
    %gather3A_281 = vector.shape_cast %broadcast_in_dim3A_280 : vector<16x1xi32> to vector<16xi32>
    %gather3A_282 = tpu.dynamic_gather %add3A_275[%gather3A_281] in [0] : vector<16xf32>, vector<16xi32> -> vector<16xf32>
    %add3A_283 = arith.addf %add3A_275, %gather3A_282 : vector<16xf32>
    %iota3A_284 = tpu.iota {dimensions = array<i32: 0>} : vector<16xi32>
    %xor3A_285 = arith.constant 4 : i32
    %xor3A_286 = vector.broadcast %xor3A_285 : i32 to vector<16xi32>
    %xor3A_287 = arith.xori %iota3A_284, %xor3A_286 : vector<16xi32>
    %broadcast_in_dim3A_288 = vector.shape_cast %xor3A_287 : vector<16xi32> to vector<16x1xi32>
    %gather3A_289 = vector.shape_cast %broadcast_in_dim3A_288 : vector<16x1xi32> to vector<16xi32>
    %gather3A_290 = tpu.dynamic_gather %add3A_283[%gather3A_289] in [0] : vector<16xf32>, vector<16xi32> -> vector<16xf32>
    %add3A_291 = arith.addf %add3A_283, %gather3A_290 : vector<16xf32>
    %iota3A_292 = tpu.iota {dimensions = array<i32: 0>} : vector<16xi32>
    %xor3A_293 = arith.constant 8 : i32
    %xor3A_294 = vector.broadcast %xor3A_293 : i32 to vector<16xi32>
    %xor3A_295 = arith.xori %iota3A_292, %xor3A_294 : vector<16xi32>
    %broadcast_in_dim3A_296 = vector.shape_cast %xor3A_295 : vector<16xi32> to vector<16x1xi32>
    %gather3A_297 = vector.shape_cast %broadcast_in_dim3A_296 : vector<16x1xi32> to vector<16xi32>
    %gather3A_298 = tpu.dynamic_gather %add3A_291[%gather3A_297] in [0] : vector<16xf32>, vector<16xi32> -> vector<16xf32>
    %add3A_299 = arith.addf %add3A_291, %gather3A_298 : vector<16xf32>
    %swap3A_300 = arith.constant 96 : index
    %swap3A_301 = tpu.vector_load %arg9[%swap3A_300] {strides = array<i32>} : memref<384xf32, #tpu.memory_space<vmem>>, vector<16xf32>,
    %swap3A_302 = vector.shape_cast %swap3A_301 : vector<16xf32> to vector<16xf32>
    %swap3A_303 = vector.shape_cast %add3A_299 : vector<16xf32> to vector<16xf32>
    tpu.vector_store %arg9[%swap3A_300], %swap3A_303 {strides = array<i32>} : memref<384xf32, #tpu.memory_space<vmem>>, vector<16xf32>,
    %iota3A_304 = tpu.iota {dimensions = array<i32: 0>} : vector<16xi32>
    %xor3A_305 = arith.constant 1 : i32
    %xor3A_306 = vector.broadcast %xor3A_305 : i32 to vector<16xi32>
    %xor3A_307 = arith.xori %iota3A_304, %xor3A_306 : vector<16xi32>
    %broadcast_in_dim3A_308 = vector.shape_cast %xor3A_307 : vector<16xi32> to vector<16x1xi32>
    %gather3A_309 = vector.shape_cast %broadcast_in_dim3A_308 : vector<16x1xi32> to vector<16xi32>
    %gather3A_310 = tpu.dynamic_gather %scan3A_54#10[%gather3A_309] in [0] : vector<16xf32>, vector<16xi32> -> vector<16xf32>
    %add3A_311 = arith.addf %scan3A_54#10, %gather3A_310 : vector<16xf32>
    %iota3A_312 = tpu.iota {dimensions = array<i32: 0>} : vector<16xi32>
    %xor3A_313 = arith.constant 2 : i32
    %xor3A_314 = vector.broadcast %xor3A_313 : i32 to vector<16xi32>
    %xor3A_315 = arith.xori %iota3A_312, %xor3A_314 : vector<16xi32>
    %broadcast_in_dim3A_316 = vector.shape_cast %xor3A_315 : vector<16xi32> to vector<16x1xi32>
    %gather3A_317 = vector.shape_cast %broadcast_in_dim3A_316 : vector<16x1xi32> to vector<16xi32>
    %gather3A_318 = tpu.dynamic_gather %add3A_311[%gather3A_317] in [0] : vector<16xf32>, vector<16xi32> -> vector<16xf32>
    %add3A_319 = arith.addf %add3A_311, %gather3A_318 : vector<16xf32>
    %iota3A_320 = tpu.iota {dimensions = array<i32: 0>} : vector<16xi32>
    %xor3A_321 = arith.constant 4 : i32
    %xor3A_322 = vector.broadcast %xor3A_321 : i32 to vector<16xi32>
    %xor3A_323 = arith.xori %iota3A_320, %xor3A_322 : vector<16xi32>
    %broadcast_in_dim3A_324 = vector.shape_cast %xor3A_323 : vector<16xi32> to vector<16x1xi32>
    %gather3A_325 = vector.shape_cast %broadcast_in_dim3A_324 : vector<16x1xi32> to vector<16xi32>
    %gather3A_326 = tpu.dynamic_gather %add3A_319[%gather3A_325] in [0] : vector<16xf32>, vector<16xi32> -> vector<16xf32>
    %add3A_327 = arith.addf %add3A_319, %gather3A_326 : vector<16xf32>
    %iota3A_328 = tpu.iota {dimensions = array<i32: 0>} : vector<16xi32>
    %xor3A_329 = arith.constant 8 : i32
    %xor3A_330 = vector.broadcast %xor3A_329 : i32 to vector<16xi32>
    %xor3A_331 = arith.xori %iota3A_328, %xor3A_330 : vector<16xi32>
    %broadcast_in_dim3A_332 = vector.shape_cast %xor3A_331 : vector<16xi32> to vector<16x1xi32>
    %gather3A_333 = vector.shape_cast %broadcast_in_dim3A_332 : vector<16x1xi32> to vector<16xi32>
    %gather3A_334 = tpu.dynamic_gather %add3A_327[%gather3A_333] in [0] : vector<16xf32>, vector<16xi32> -> vector<16xf32>
    %add3A_335 = arith.addf %add3A_327, %gather3A_334 : vector<16xf32>
    %swap3A_336 = arith.constant 112 : index
    %swap3A_337 = tpu.vector_load %arg9[%swap3A_336] {strides = array<i32>} : memref<384xf32, #tpu.memory_space<vmem>>, vector<16xf32>,
    %swap3A_338 = vector.shape_cast %swap3A_337 : vector<16xf32> to vector<16xf32>
    %swap3A_339 = vector.shape_cast %add3A_335 : vector<16xf32> to vector<16xf32>
    tpu.vector_store %arg9[%swap3A_336], %swap3A_339 {strides = array<i32>} : memref<384xf32, #tpu.memory_space<vmem>>, vector<16xf32>,
    %iota3A_340 = tpu.iota {dimensions = array<i32: 0>} : vector<16xi32>
    %xor3A_341 = arith.constant 1 : i32
    %xor3A_342 = vector.broadcast %xor3A_341 : i32 to vector<16xi32>
    %xor3A_343 = arith.xori %iota3A_340, %xor3A_342 : vector<16xi32>
    %broadcast_in_dim3A_344 = vector.shape_cast %xor3A_343 : vector<16xi32> to vector<16x1xi32>
    %gather3A_345 = vector.shape_cast %broadcast_in_dim3A_344 : vector<16x1xi32> to vector<16xi32>
    %gather3A_346 = tpu.dynamic_gather %scan3A_54#18[%gather3A_345] in [0] : vector<16xf32>, vector<16xi32> -> vector<16xf32>
    %add3A_347 = arith.addf %scan3A_54#18, %gather3A_346 : vector<16xf32>
    %iota3A_348 = tpu.iota {dimensions = array<i32: 0>} : vector<16xi32>
    %xor3A_349 = arith.constant 2 : i32
    %xor3A_350 = vector.broadcast %xor3A_349 : i32 to vector<16xi32>
    %xor3A_351 = arith.xori %iota3A_348, %xor3A_350 : vector<16xi32>
    %broadcast_in_dim3A_352 = vector.shape_cast %xor3A_351 : vector<16xi32> to vector<16x1xi32>
    %gather3A_353 = vector.shape_cast %broadcast_in_dim3A_352 : vector<16x1xi32> to vector<16xi32>
    %gather3A_354 = tpu.dynamic_gather %add3A_347[%gather3A_353] in [0] : vector<16xf32>, vector<16xi32> -> vector<16xf32>
    %add3A_355 = arith.addf %add3A_347, %gather3A_354 : vector<16xf32>
    %iota3A_356 = tpu.iota {dimensions = array<i32: 0>} : vector<16xi32>
    %xor3A_357 = arith.constant 4 : i32
    %xor3A_358 = vector.broadcast %xor3A_357 : i32 to vector<16xi32>
    %xor3A_359 = arith.xori %iota3A_356, %xor3A_358 : vector<16xi32>
    %broadcast_in_dim3A_360 = vector.shape_cast %xor3A_359 : vector<16xi32> to vector<16x1xi32>
    %gather3A_361 = vector.shape_cast %broadcast_in_dim3A_360 : vector<16x1xi32> to vector<16xi32>
    %gather3A_362 = tpu.dynamic_gather %add3A_355[%gather3A_361] in [0] : vector<16xf32>, vector<16xi32> -> vector<16xf32>
    %add3A_363 = arith.addf %add3A_355, %gather3A_362 : vector<16xf32>
    %iota3A_364 = tpu.iota {dimensions = array<i32: 0>} : vector<16xi32>
    %xor3A_365 = arith.constant 8 : i32
    %xor3A_366 = vector.broadcast %xor3A_365 : i32 to vector<16xi32>
    %xor3A_367 = arith.xori %iota3A_364, %xor3A_366 : vector<16xi32>
    %broadcast_in_dim3A_368 = vector.shape_cast %xor3A_367 : vector<16xi32> to vector<16x1xi32>
    %gather3A_369 = vector.shape_cast %broadcast_in_dim3A_368 : vector<16x1xi32> to vector<16xi32>
    %gather3A_370 = tpu.dynamic_gather %add3A_363[%gather3A_369] in [0] : vector<16xf32>, vector<16xi32> -> vector<16xf32>
    %add3A_371 = arith.addf %add3A_363, %gather3A_370 : vector<16xf32>
    %swap3A_372 = arith.constant 128 : index
    %swap3A_373 = tpu.vector_load %arg9[%swap3A_372] {strides = array<i32>} : memref<384xf32, #tpu.memory_space<vmem>>, vector<16xf32>,
    %swap3A_374 = vector.shape_cast %swap3A_373 : vector<16xf32> to vector<16xf32>
    %swap3A_375 = vector.shape_cast %add3A_371 : vector<16xf32> to vector<16xf32>
    tpu.vector_store %arg9[%swap3A_372], %swap3A_375 {strides = array<i32>} : memref<384xf32, #tpu.memory_space<vmem>>, vector<16xf32>,
    %iota3A_376 = tpu.iota {dimensions = array<i32: 0>} : vector<16xi32>
    %xor3A_377 = arith.constant 1 : i32
    %xor3A_378 = vector.broadcast %xor3A_377 : i32 to vector<16xi32>
    %xor3A_379 = arith.xori %iota3A_376, %xor3A_378 : vector<16xi32>
    %broadcast_in_dim3A_380 = vector.shape_cast %xor3A_379 : vector<16xi32> to vector<16x1xi32>
    %gather3A_381 = vector.shape_cast %broadcast_in_dim3A_380 : vector<16x1xi32> to vector<16xi32>
    %gather3A_382 = tpu.dynamic_gather %scan3A_54#3[%gather3A_381] in [0] : vector<16xf32>, vector<16xi32> -> vector<16xf32>
    %add3A_383 = arith.addf %scan3A_54#3, %gather3A_382 : vector<16xf32>
    %iota3A_384 = tpu.iota {dimensions = array<i32: 0>} : vector<16xi32>
    %xor3A_385 = arith.constant 2 : i32
    %xor3A_386 = vector.broadcast %xor3A_385 : i32 to vector<16xi32>
    %xor3A_387 = arith.xori %iota3A_384, %xor3A_386 : vector<16xi32>
    %broadcast_in_dim3A_388 = vector.shape_cast %xor3A_387 : vector<16xi32> to vector<16x1xi32>
    %gather3A_389 = vector.shape_cast %broadcast_in_dim3A_388 : vector<16x1xi32> to vector<16xi32>
    %gather3A_390 = tpu.dynamic_gather %add3A_383[%gather3A_389] in [0] : vector<16xf32>, vector<16xi32> -> vector<16xf32>
    %add3A_391 = arith.addf %add3A_383, %gather3A_390 : vector<16xf32>
    %iota3A_392 = tpu.iota {dimensions = array<i32: 0>} : vector<16xi32>
    %xor3A_393 = arith.constant 4 : i32
    %xor3A_394 = vector.broadcast %xor3A_393 : i32 to vector<16xi32>
    %xor3A_395 = arith.xori %iota3A_392, %xor3A_394 : vector<16xi32>
    %broadcast_in_dim3A_396 = vector.shape_cast %xor3A_395 : vector<16xi32> to vector<16x1xi32>
    %gather3A_397 = vector.shape_cast %broadcast_in_dim3A_396 : vector<16x1xi32> to vector<16xi32>
    %gather3A_398 = tpu.dynamic_gather %add3A_391[%gather3A_397] in [0] : vector<16xf32>, vector<16xi32> -> vector<16xf32>
    %add3A_399 = arith.addf %add3A_391, %gather3A_398 : vector<16xf32>
    %iota3A_400 = tpu.iota {dimensions = array<i32: 0>} : vector<16xi32>
    %xor3A_401 = arith.constant 8 : i32
    %xor3A_402 = vector.broadcast %xor3A_401 : i32 to vector<16xi32>
    %xor3A_403 = arith.xori %iota3A_400, %xor3A_402 : vector<16xi32>
    %broadcast_in_dim3A_404 = vector.shape_cast %xor3A_403 : vector<16xi32> to vector<16x1xi32>
    %gather3A_405 = vector.shape_cast %broadcast_in_dim3A_404 : vector<16x1xi32> to vector<16xi32>
    %gather3A_406 = tpu.dynamic_gather %add3A_399[%gather3A_405] in [0] : vector<16xf32>, vector<16xi32> -> vector<16xf32>
    %add3A_407 = arith.addf %add3A_399, %gather3A_406 : vector<16xf32>
    %swap3A_408 = arith.constant 144 : index
    %swap3A_409 = tpu.vector_load %arg9[%swap3A_408] {strides = array<i32>} : memref<384xf32, #tpu.memory_space<vmem>>, vector<16xf32>,
    %swap3A_410 = vector.shape_cast %swap3A_409 : vector<16xf32> to vector<16xf32>
    %swap3A_411 = vector.shape_cast %add3A_407 : vector<16xf32> to vector<16xf32>
    tpu.vector_store %arg9[%swap3A_408], %swap3A_411 {strides = array<i32>} : memref<384xf32, #tpu.memory_space<vmem>>, vector<16xf32>,
    %iota3A_412 = tpu.iota {dimensions = array<i32: 0>} : vector<16xi32>
    %xor3A_413 = arith.constant 1 : i32
    %xor3A_414 = vector.broadcast %xor3A_413 : i32 to vector<16xi32>
    %xor3A_415 = arith.xori %iota3A_412, %xor3A_414 : vector<16xi32>
    %broadcast_in_dim3A_416 = vector.shape_cast %xor3A_415 : vector<16xi32> to vector<16x1xi32>
    %gather3A_417 = vector.shape_cast %broadcast_in_dim3A_416 : vector<16x1xi32> to vector<16xi32>
    %gather3A_418 = tpu.dynamic_gather %scan3A_54#11[%gather3A_417] in [0] : vector<16xf32>, vector<16xi32> -> vector<16xf32>
    %add3A_419 = arith.addf %scan3A_54#11, %gather3A_418 : vector<16xf32>
    %iota3A_420 = tpu.iota {dimensions = array<i32: 0>} : vector<16xi32>
    %xor3A_421 = arith.constant 2 : i32
    %xor3A_422 = vector.broadcast %xor3A_421 : i32 to vector<16xi32>
    %xor3A_423 = arith.xori %iota3A_420, %xor3A_422 : vector<16xi32>
    %broadcast_in_dim3A_424 = vector.shape_cast %xor3A_423 : vector<16xi32> to vector<16x1xi32>
    %gather3A_425 = vector.shape_cast %broadcast_in_dim3A_424 : vector<16x1xi32> to vector<16xi32>
    %gather3A_426 = tpu.dynamic_gather %add3A_419[%gather3A_425] in [0] : vector<16xf32>, vector<16xi32> -> vector<16xf32>
    %add3A_427 = arith.addf %add3A_419, %gather3A_426 : vector<16xf32>
    %iota3A_428 = tpu.iota {dimensions = array<i32: 0>} : vector<16xi32>
    %xor3A_429 = arith.constant 4 : i32
    %xor3A_430 = vector.broadcast %xor3A_429 : i32 to vector<16xi32>
    %xor3A_431 = arith.xori %iota3A_428, %xor3A_430 : vector<16xi32>
    %broadcast_in_dim3A_432 = vector.shape_cast %xor3A_431 : vector<16xi32> to vector<16x1xi32>
    %gather3A_433 = vector.shape_cast %broadcast_in_dim3A_432 : vector<16x1xi32> to vector<16xi32>
    %gather3A_434 = tpu.dynamic_gather %add3A_427[%gather3A_433] in [0] : vector<16xf32>, vector<16xi32> -> vector<16xf32>
    %add3A_435 = arith.addf %add3A_427, %gather3A_434 : vector<16xf32>
    %iota3A_436 = tpu.iota {dimensions = array<i32: 0>} : vector<16xi32>
    %xor3A_437 = arith.constant 8 : i32
    %xor3A_438 = vector.broadcast %xor3A_437 : i32 to vector<16xi32>
    %xor3A_439 = arith.xori %iota3A_436, %xor3A_438 : vector<16xi32>
    %broadcast_in_dim3A_440 = vector.shape_cast %xor3A_439 : vector<16xi32> to vector<16x1xi32>
    %gather3A_441 = vector.shape_cast %broadcast_in_dim3A_440 : vector<16x1xi32> to vector<16xi32>
    %gather3A_442 = tpu.dynamic_gather %add3A_435[%gather3A_441] in [0] : vector<16xf32>, vector<16xi32> -> vector<16xf32>
    %add3A_443 = arith.addf %add3A_435, %gather3A_442 : vector<16xf32>
    %swap3A_444 = arith.constant 160 : index
    %swap3A_445 = tpu.vector_load %arg9[%swap3A_444] {strides = array<i32>} : memref<384xf32, #tpu.memory_space<vmem>>, vector<16xf32>,
    %swap3A_446 = vector.shape_cast %swap3A_445 : vector<16xf32> to vector<16xf32>
    %swap3A_447 = vector.shape_cast %add3A_443 : vector<16xf32> to vector<16xf32>
    tpu.vector_store %arg9[%swap3A_444], %swap3A_447 {strides = array<i32>} : memref<384xf32, #tpu.memory_space<vmem>>, vector<16xf32>,
    %iota3A_448 = tpu.iota {dimensions = array<i32: 0>} : vector<16xi32>
    %xor3A_449 = arith.constant 1 : i32
    %xor3A_450 = vector.broadcast %xor3A_449 : i32 to vector<16xi32>
    %xor3A_451 = arith.xori %iota3A_448, %xor3A_450 : vector<16xi32>
    %broadcast_in_dim3A_452 = vector.shape_cast %xor3A_451 : vector<16xi32> to vector<16x1xi32>
    %gather3A_453 = vector.shape_cast %broadcast_in_dim3A_452 : vector<16x1xi32> to vector<16xi32>
    %gather3A_454 = tpu.dynamic_gather %scan3A_54#19[%gather3A_453] in [0] : vector<16xf32>, vector<16xi32> -> vector<16xf32>
    %add3A_455 = arith.addf %scan3A_54#19, %gather3A_454 : vector<16xf32>
    %iota3A_456 = tpu.iota {dimensions = array<i32: 0>} : vector<16xi32>
    %xor3A_457 = arith.constant 2 : i32
    %xor3A_458 = vector.broadcast %xor3A_457 : i32 to vector<16xi32>
    %xor3A_459 = arith.xori %iota3A_456, %xor3A_458 : vector<16xi32>
    %broadcast_in_dim3A_460 = vector.shape_cast %xor3A_459 : vector<16xi32> to vector<16x1xi32>
    %gather3A_461 = vector.shape_cast %broadcast_in_dim3A_460 : vector<16x1xi32> to vector<16xi32>
    %gather3A_462 = tpu.dynamic_gather %add3A_455[%gather3A_461] in [0] : vector<16xf32>, vector<16xi32> -> vector<16xf32>
    %add3A_463 = arith.addf %add3A_455, %gather3A_462 : vector<16xf32>
    %iota3A_464 = tpu.iota {dimensions = array<i32: 0>} : vector<16xi32>
    %xor3A_465 = arith.constant 4 : i32
    %xor3A_466 = vector.broadcast %xor3A_465 : i32 to vector<16xi32>
    %xor3A_467 = arith.xori %iota3A_464, %xor3A_466 : vector<16xi32>
    %broadcast_in_dim3A_468 = vector.shape_cast %xor3A_467 : vector<16xi32> to vector<16x1xi32>
    %gather3A_469 = vector.shape_cast %broadcast_in_dim3A_468 : vector<16x1xi32> to vector<16xi32>
    %gather3A_470 = tpu.dynamic_gather %add3A_463[%gather3A_469] in [0] : vector<16xf32>, vector<16xi32> -> vector<16xf32>
    %add3A_471 = arith.addf %add3A_463, %gather3A_470 : vector<16xf32>
    %iota3A_472 = tpu.iota {dimensions = array<i32: 0>} : vector<16xi32>
    %xor3A_473 = arith.constant 8 : i32
    %xor3A_474 = vector.broadcast %xor3A_473 : i32 to vector<16xi32>
    %xor3A_475 = arith.xori %iota3A_472, %xor3A_474 : vector<16xi32>
    %broadcast_in_dim3A_476 = vector.shape_cast %xor3A_475 : vector<16xi32> to vector<16x1xi32>
    %gather3A_477 = vector.shape_cast %broadcast_in_dim3A_476 : vector<16x1xi32> to vector<16xi32>
    %gather3A_478 = tpu.dynamic_gather %add3A_471[%gather3A_477] in [0] : vector<16xf32>, vector<16xi32> -> vector<16xf32>
    %add3A_479 = arith.addf %add3A_471, %gather3A_478 : vector<16xf32>
    %swap3A_480 = arith.constant 176 : index
    %swap3A_481 = tpu.vector_load %arg9[%swap3A_480] {strides = array<i32>} : memref<384xf32, #tpu.memory_space<vmem>>, vector<16xf32>,
    %swap3A_482 = vector.shape_cast %swap3A_481 : vector<16xf32> to vector<16xf32>
    %swap3A_483 = vector.shape_cast %add3A_479 : vector<16xf32> to vector<16xf32>
    tpu.vector_store %arg9[%swap3A_480], %swap3A_483 {strides = array<i32>} : memref<384xf32, #tpu.memory_space<vmem>>, vector<16xf32>,
    %iota3A_484 = tpu.iota {dimensions = array<i32: 0>} : vector<16xi32>
    %xor3A_485 = arith.constant 1 : i32
    %xor3A_486 = vector.broadcast %xor3A_485 : i32 to vector<16xi32>
    %xor3A_487 = arith.xori %iota3A_484, %xor3A_486 : vector<16xi32>
    %broadcast_in_dim3A_488 = vector.shape_cast %xor3A_487 : vector<16xi32> to vector<16x1xi32>
    %gather3A_489 = vector.shape_cast %broadcast_in_dim3A_488 : vector<16x1xi32> to vector<16xi32>
    %gather3A_490 = tpu.dynamic_gather %scan3A_54#4[%gather3A_489] in [0] : vector<16xf32>, vector<16xi32> -> vector<16xf32>
    %add3A_491 = arith.addf %scan3A_54#4, %gather3A_490 : vector<16xf32>
    %iota3A_492 = tpu.iota {dimensions = array<i32: 0>} : vector<16xi32>
    %xor3A_493 = arith.constant 2 : i32
    %xor3A_494 = vector.broadcast %xor3A_493 : i32 to vector<16xi32>
    %xor3A_495 = arith.xori %iota3A_492, %xor3A_494 : vector<16xi32>
    %broadcast_in_dim3A_496 = vector.shape_cast %xor3A_495 : vector<16xi32> to vector<16x1xi32>
    %gather3A_497 = vector.shape_cast %broadcast_in_dim3A_496 : vector<16x1xi32> to vector<16xi32>
    %gather3A_498 = tpu.dynamic_gather %add3A_491[%gather3A_497] in [0] : vector<16xf32>, vector<16xi32> -> vector<16xf32>
    %add3A_499 = arith.addf %add3A_491, %gather3A_498 : vector<16xf32>
    %iota3A_500 = tpu.iota {dimensions = array<i32: 0>} : vector<16xi32>
    %xor3A_501 = arith.constant 4 : i32
    %xor3A_502 = vector.broadcast %xor3A_501 : i32 to vector<16xi32>
    %xor3A_503 = arith.xori %iota3A_500, %xor3A_502 : vector<16xi32>
    %broadcast_in_dim3A_504 = vector.shape_cast %xor3A_503 : vector<16xi32> to vector<16x1xi32>
    %gather3A_505 = vector.shape_cast %broadcast_in_dim3A_504 : vector<16x1xi32> to vector<16xi32>
    %gather3A_506 = tpu.dynamic_gather %add3A_499[%gather3A_505] in [0] : vector<16xf32>, vector<16xi32> -> vector<16xf32>
    %add3A_507 = arith.addf %add3A_499, %gather3A_506 : vector<16xf32>
    %iota3A_508 = tpu.iota {dimensions = array<i32: 0>} : vector<16xi32>
    %xor3A_509 = arith.constant 8 : i32
    %xor3A_510 = vector.broadcast %xor3A_509 : i32 to vector<16xi32>
    %xor3A_511 = arith.xori %iota3A_508, %xor3A_510 : vector<16xi32>
    %broadcast_in_dim3A_512 = vector.shape_cast %xor3A_511 : vector<16xi32> to vector<16x1xi32>
    %gather3A_513 = vector.shape_cast %broadcast_in_dim3A_512 : vector<16x1xi32> to vector<16xi32>
    %gather3A_514 = tpu.dynamic_gather %add3A_507[%gather3A_513] in [0] : vector<16xf32>, vector<16xi32> -> vector<16xf32>
    %add3A_515 = arith.addf %add3A_507, %gather3A_514 : vector<16xf32>
    %swap3A_516 = arith.constant 192 : index
    %swap3A_517 = tpu.vector_load %arg9[%swap3A_516] {strides = array<i32>} : memref<384xf32, #tpu.memory_space<vmem>>, vector<16xf32>,
    %swap3A_518 = vector.shape_cast %swap3A_517 : vector<16xf32> to vector<16xf32>
    %swap3A_519 = vector.shape_cast %add3A_515 : vector<16xf32> to vector<16xf32>
    tpu.vector_store %arg9[%swap3A_516], %swap3A_519 {strides = array<i32>} : memref<384xf32, #tpu.memory_space<vmem>>, vector<16xf32>,
    %iota3A_520 = tpu.iota {dimensions = array<i32: 0>} : vector<16xi32>
    %xor3A_521 = arith.constant 1 : i32
    %xor3A_522 = vector.broadcast %xor3A_521 : i32 to vector<16xi32>
    %xor3A_523 = arith.xori %iota3A_520, %xor3A_522 : vector<16xi32>
    %broadcast_in_dim3A_524 = vector.shape_cast %xor3A_523 : vector<16xi32> to vector<16x1xi32>
    %gather3A_525 = vector.shape_cast %broadcast_in_dim3A_524 : vector<16x1xi32> to vector<16xi32>
    %gather3A_526 = tpu.dynamic_gather %scan3A_54#12[%gather3A_525] in [0] : vector<16xf32>, vector<16xi32> -> vector<16xf32>
    %add3A_527 = arith.addf %scan3A_54#12, %gather3A_526 : vector<16xf32>
    %iota3A_528 = tpu.iota {dimensions = array<i32: 0>} : vector<16xi32>
    %xor3A_529 = arith.constant 2 : i32
    %xor3A_530 = vector.broadcast %xor3A_529 : i32 to vector<16xi32>
    %xor3A_531 = arith.xori %iota3A_528, %xor3A_530 : vector<16xi32>
    %broadcast_in_dim3A_532 = vector.shape_cast %xor3A_531 : vector<16xi32> to vector<16x1xi32>
    %gather3A_533 = vector.shape_cast %broadcast_in_dim3A_532 : vector<16x1xi32> to vector<16xi32>
    %gather3A_534 = tpu.dynamic_gather %add3A_527[%gather3A_533] in [0] : vector<16xf32>, vector<16xi32> -> vector<16xf32>
    %add3A_535 = arith.addf %add3A_527, %gather3A_534 : vector<16xf32>
    %iota3A_536 = tpu.iota {dimensions = array<i32: 0>} : vector<16xi32>
    %xor3A_537 = arith.constant 4 : i32
    %xor3A_538 = vector.broadcast %xor3A_537 : i32 to vector<16xi32>
    %xor3A_539 = arith.xori %iota3A_536, %xor3A_538 : vector<16xi32>
    %broadcast_in_dim3A_540 = vector.shape_cast %xor3A_539 : vector<16xi32> to vector<16x1xi32>
    %gather3A_541 = vector.shape_cast %broadcast_in_dim3A_540 : vector<16x1xi32> to vector<16xi32>
    %gather3A_542 = tpu.dynamic_gather %add3A_535[%gather3A_541] in [0] : vector<16xf32>, vector<16xi32> -> vector<16xf32>
    %add3A_543 = arith.addf %add3A_535, %gather3A_542 : vector<16xf32>
    %iota3A_544 = tpu.iota {dimensions = array<i32: 0>} : vector<16xi32>
    %xor3A_545 = arith.constant 8 : i32
    %xor3A_546 = vector.broadcast %xor3A_545 : i32 to vector<16xi32>
    %xor3A_547 = arith.xori %iota3A_544, %xor3A_546 : vector<16xi32>
    %broadcast_in_dim3A_548 = vector.shape_cast %xor3A_547 : vector<16xi32> to vector<16x1xi32>
    %gather3A_549 = vector.shape_cast %broadcast_in_dim3A_548 : vector<16x1xi32> to vector<16xi32>
    %gather3A_550 = tpu.dynamic_gather %add3A_543[%gather3A_549] in [0] : vector<16xf32>, vector<16xi32> -> vector<16xf32>
    %add3A_551 = arith.addf %add3A_543, %gather3A_550 : vector<16xf32>
    %swap3A_552 = arith.constant 208 : index
    %swap3A_553 = tpu.vector_load %arg9[%swap3A_552] {strides = array<i32>} : memref<384xf32, #tpu.memory_space<vmem>>, vector<16xf32>,
    %swap3A_554 = vector.shape_cast %swap3A_553 : vector<16xf32> to vector<16xf32>
    %swap3A_555 = vector.shape_cast %add3A_551 : vector<16xf32> to vector<16xf32>
    tpu.vector_store %arg9[%swap3A_552], %swap3A_555 {strides = array<i32>} : memref<384xf32, #tpu.memory_space<vmem>>, vector<16xf32>,
    %iota3A_556 = tpu.iota {dimensions = array<i32: 0>} : vector<16xi32>
    %xor3A_557 = arith.constant 1 : i32
    %xor3A_558 = vector.broadcast %xor3A_557 : i32 to vector<16xi32>
    %xor3A_559 = arith.xori %iota3A_556, %xor3A_558 : vector<16xi32>
    %broadcast_in_dim3A_560 = vector.shape_cast %xor3A_559 : vector<16xi32> to vector<16x1xi32>
    %gather3A_561 = vector.shape_cast %broadcast_in_dim3A_560 : vector<16x1xi32> to vector<16xi32>
    %gather3A_562 = tpu.dynamic_gather %scan3A_54#20[%gather3A_561] in [0] : vector<16xf32>, vector<16xi32> -> vector<16xf32>
    %add3A_563 = arith.addf %scan3A_54#20, %gather3A_562 : vector<16xf32>
    %iota3A_564 = tpu.iota {dimensions = array<i32: 0>} : vector<16xi32>
    %xor3A_565 = arith.constant 2 : i32
    %xor3A_566 = vector.broadcast %xor3A_565 : i32 to vector<16xi32>
    %xor3A_567 = arith.xori %iota3A_564, %xor3A_566 : vector<16xi32>
    %broadcast_in_dim3A_568 = vector.shape_cast %xor3A_567 : vector<16xi32> to vector<16x1xi32>
    %gather3A_569 = vector.shape_cast %broadcast_in_dim3A_568 : vector<16x1xi32> to vector<16xi32>
    %gather3A_570 = tpu.dynamic_gather %add3A_563[%gather3A_569] in [0] : vector<16xf32>, vector<16xi32> -> vector<16xf32>
    %add3A_571 = arith.addf %add3A_563, %gather3A_570 : vector<16xf32>
    %iota3A_572 = tpu.iota {dimensions = array<i32: 0>} : vector<16xi32>
    %xor3A_573 = arith.constant 4 : i32
    %xor3A_574 = vector.broadcast %xor3A_573 : i32 to vector<16xi32>
    %xor3A_575 = arith.xori %iota3A_572, %xor3A_574 : vector<16xi32>
    %broadcast_in_dim3A_576 = vector.shape_cast %xor3A_575 : vector<16xi32> to vector<16x1xi32>
    %gather3A_577 = vector.shape_cast %broadcast_in_dim3A_576 : vector<16x1xi32> to vector<16xi32>
    %gather3A_578 = tpu.dynamic_gather %add3A_571[%gather3A_577] in [0] : vector<16xf32>, vector<16xi32> -> vector<16xf32>
    %add3A_579 = arith.addf %add3A_571, %gather3A_578 : vector<16xf32>
    %iota3A_580 = tpu.iota {dimensions = array<i32: 0>} : vector<16xi32>
    %xor3A_581 = arith.constant 8 : i32
    %xor3A_582 = vector.broadcast %xor3A_581 : i32 to vector<16xi32>
    %xor3A_583 = arith.xori %iota3A_580, %xor3A_582 : vector<16xi32>
    %broadcast_in_dim3A_584 = vector.shape_cast %xor3A_583 : vector<16xi32> to vector<16x1xi32>
    %gather3A_585 = vector.shape_cast %broadcast_in_dim3A_584 : vector<16x1xi32> to vector<16xi32>
    %gather3A_586 = tpu.dynamic_gather %add3A_579[%gather3A_585] in [0] : vector<16xf32>, vector<16xi32> -> vector<16xf32>
    %add3A_587 = arith.addf %add3A_579, %gather3A_586 : vector<16xf32>
    %swap3A_588 = arith.constant 224 : index
    %swap3A_589 = tpu.vector_load %arg9[%swap3A_588] {strides = array<i32>} : memref<384xf32, #tpu.memory_space<vmem>>, vector<16xf32>,
    %swap3A_590 = vector.shape_cast %swap3A_589 : vector<16xf32> to vector<16xf32>
    %swap3A_591 = vector.shape_cast %add3A_587 : vector<16xf32> to vector<16xf32>
    tpu.vector_store %arg9[%swap3A_588], %swap3A_591 {strides = array<i32>} : memref<384xf32, #tpu.memory_space<vmem>>, vector<16xf32>,
    %iota3A_592 = tpu.iota {dimensions = array<i32: 0>} : vector<16xi32>
    %xor3A_593 = arith.constant 1 : i32
    %xor3A_594 = vector.broadcast %xor3A_593 : i32 to vector<16xi32>
    %xor3A_595 = arith.xori %iota3A_592, %xor3A_594 : vector<16xi32>
    %broadcast_in_dim3A_596 = vector.shape_cast %xor3A_595 : vector<16xi32> to vector<16x1xi32>
    %gather3A_597 = vector.shape_cast %broadcast_in_dim3A_596 : vector<16x1xi32> to vector<16xi32>
    %gather3A_598 = tpu.dynamic_gather %scan3A_54#5[%gather3A_597] in [0] : vector<16xf32>, vector<16xi32> -> vector<16xf32>
    %add3A_599 = arith.addf %scan3A_54#5, %gather3A_598 : vector<16xf32>
    %iota3A_600 = tpu.iota {dimensions = array<i32: 0>} : vector<16xi32>
    %xor3A_601 = arith.constant 2 : i32
    %xor3A_602 = vector.broadcast %xor3A_601 : i32 to vector<16xi32>
    %xor3A_603 = arith.xori %iota3A_600, %xor3A_602 : vector<16xi32>
    %broadcast_in_dim3A_604 = vector.shape_cast %xor3A_603 : vector<16xi32> to vector<16x1xi32>
    %gather3A_605 = vector.shape_cast %broadcast_in_dim3A_604 : vector<16x1xi32> to vector<16xi32>
    %gather3A_606 = tpu.dynamic_gather %add3A_599[%gather3A_605] in [0] : vector<16xf32>, vector<16xi32> -> vector<16xf32>
    %add3A_607 = arith.addf %add3A_599, %gather3A_606 : vector<16xf32>
    %iota3A_608 = tpu.iota {dimensions = array<i32: 0>} : vector<16xi32>
    %xor3A_609 = arith.constant 4 : i32
    %xor3A_610 = vector.broadcast %xor3A_609 : i32 to vector<16xi32>
    %xor3A_611 = arith.xori %iota3A_608, %xor3A_610 : vector<16xi32>
    %broadcast_in_dim3A_612 = vector.shape_cast %xor3A_611 : vector<16xi32> to vector<16x1xi32>
    %gather3A_613 = vector.shape_cast %broadcast_in_dim3A_612 : vector<16x1xi32> to vector<16xi32>
    %gather3A_614 = tpu.dynamic_gather %add3A_607[%gather3A_613] in [0] : vector<16xf32>, vector<16xi32> -> vector<16xf32>
    %add3A_615 = arith.addf %add3A_607, %gather3A_614 : vector<16xf32>
    %iota3A_616 = tpu.iota {dimensions = array<i32: 0>} : vector<16xi32>
    %xor3A_617 = arith.constant 8 : i32
    %xor3A_618 = vector.broadcast %xor3A_617 : i32 to vector<16xi32>
    %xor3A_619 = arith.xori %iota3A_616, %xor3A_618 : vector<16xi32>
    %broadcast_in_dim3A_620 = vector.shape_cast %xor3A_619 : vector<16xi32> to vector<16x1xi32>
    %gather3A_621 = vector.shape_cast %broadcast_in_dim3A_620 : vector<16x1xi32> to vector<16xi32>
    %gather3A_622 = tpu.dynamic_gather %add3A_615[%gather3A_621] in [0] : vector<16xf32>, vector<16xi32> -> vector<16xf32>
    %add3A_623 = arith.addf %add3A_615, %gather3A_622 : vector<16xf32>
    %swap3A_624 = arith.constant 240 : index
    %swap3A_625 = tpu.vector_load %arg9[%swap3A_624] {strides = array<i32>} : memref<384xf32, #tpu.memory_space<vmem>>, vector<16xf32>,
    %swap3A_626 = vector.shape_cast %swap3A_625 : vector<16xf32> to vector<16xf32>
    %swap3A_627 = vector.shape_cast %add3A_623 : vector<16xf32> to vector<16xf32>
    tpu.vector_store %arg9[%swap3A_624], %swap3A_627 {strides = array<i32>} : memref<384xf32, #tpu.memory_space<vmem>>, vector<16xf32>,
    %iota3A_628 = tpu.iota {dimensions = array<i32: 0>} : vector<16xi32>
    %xor3A_629 = arith.constant 1 : i32
    %xor3A_630 = vector.broadcast %xor3A_629 : i32 to vector<16xi32>
    %xor3A_631 = arith.xori %iota3A_628, %xor3A_630 : vector<16xi32>
    %broadcast_in_dim3A_632 = vector.shape_cast %xor3A_631 : vector<16xi32> to vector<16x1xi32>
    %gather3A_633 = vector.shape_cast %broadcast_in_dim3A_632 : vector<16x1xi32> to vector<16xi32>
    %gather3A_634 = tpu.dynamic_gather %scan3A_54#13[%gather3A_633] in [0] : vector<16xf32>, vector<16xi32> -> vector<16xf32>
    %add3A_635 = arith.addf %scan3A_54#13, %gather3A_634 : vector<16xf32>
    %iota3A_636 = tpu.iota {dimensions = array<i32: 0>} : vector<16xi32>
    %xor3A_637 = arith.constant 2 : i32
    %xor3A_638 = vector.broadcast %xor3A_637 : i32 to vector<16xi32>
    %xor3A_639 = arith.xori %iota3A_636, %xor3A_638 : vector<16xi32>
    %broadcast_in_dim3A_640 = vector.shape_cast %xor3A_639 : vector<16xi32> to vector<16x1xi32>
    %gather3A_641 = vector.shape_cast %broadcast_in_dim3A_640 : vector<16x1xi32> to vector<16xi32>
    %gather3A_642 = tpu.dynamic_gather %add3A_635[%gather3A_641] in [0] : vector<16xf32>, vector<16xi32> -> vector<16xf32>
    %add3A_643 = arith.addf %add3A_635, %gather3A_642 : vector<16xf32>
    %iota3A_644 = tpu.iota {dimensions = array<i32: 0>} : vector<16xi32>
    %xor3A_645 = arith.constant 4 : i32
    %xor3A_646 = vector.broadcast %xor3A_645 : i32 to vector<16xi32>
    %xor3A_647 = arith.xori %iota3A_644, %xor3A_646 : vector<16xi32>
    %broadcast_in_dim3A_648 = vector.shape_cast %xor3A_647 : vector<16xi32> to vector<16x1xi32>
    %gather3A_649 = vector.shape_cast %broadcast_in_dim3A_648 : vector<16x1xi32> to vector<16xi32>
    %gather3A_650 = tpu.dynamic_gather %add3A_643[%gather3A_649] in [0] : vector<16xf32>, vector<16xi32> -> vector<16xf32>
    %add3A_651 = arith.addf %add3A_643, %gather3A_650 : vector<16xf32>
    %iota3A_652 = tpu.iota {dimensions = array<i32: 0>} : vector<16xi32>
    %xor3A_653 = arith.constant 8 : i32
    %xor3A_654 = vector.broadcast %xor3A_653 : i32 to vector<16xi32>
    %xor3A_655 = arith.xori %iota3A_652, %xor3A_654 : vector<16xi32>
    %broadcast_in_dim3A_656 = vector.shape_cast %xor3A_655 : vector<16xi32> to vector<16x1xi32>
    %gather3A_657 = vector.shape_cast %broadcast_in_dim3A_656 : vector<16x1xi32> to vector<16xi32>
    %gather3A_658 = tpu.dynamic_gather %add3A_651[%gather3A_657] in [0] : vector<16xf32>, vector<16xi32> -> vector<16xf32>
    %add3A_659 = arith.addf %add3A_651, %gather3A_658 : vector<16xf32>
    %swap3A_660 = arith.constant 256 : index
    %swap3A_661 = tpu.vector_load %arg9[%swap3A_660] {strides = array<i32>} : memref<384xf32, #tpu.memory_space<vmem>>, vector<16xf32>,
    %swap3A_662 = vector.shape_cast %swap3A_661 : vector<16xf32> to vector<16xf32>
    %swap3A_663 = vector.shape_cast %add3A_659 : vector<16xf32> to vector<16xf32>
    tpu.vector_store %arg9[%swap3A_660], %swap3A_663 {strides = array<i32>} : memref<384xf32, #tpu.memory_space<vmem>>, vector<16xf32>,
    %iota3A_664 = tpu.iota {dimensions = array<i32: 0>} : vector<16xi32>
    %xor3A_665 = arith.constant 1 : i32
    %xor3A_666 = vector.broadcast %xor3A_665 : i32 to vector<16xi32>
    %xor3A_667 = arith.xori %iota3A_664, %xor3A_666 : vector<16xi32>
    %broadcast_in_dim3A_668 = vector.shape_cast %xor3A_667 : vector<16xi32> to vector<16x1xi32>
    %gather3A_669 = vector.shape_cast %broadcast_in_dim3A_668 : vector<16x1xi32> to vector<16xi32>
    %gather3A_670 = tpu.dynamic_gather %scan3A_54#21[%gather3A_669] in [0] : vector<16xf32>, vector<16xi32> -> vector<16xf32>
    %add3A_671 = arith.addf %scan3A_54#21, %gather3A_670 : vector<16xf32>
    %iota3A_672 = tpu.iota {dimensions = array<i32: 0>} : vector<16xi32>
    %xor3A_673 = arith.constant 2 : i32
    %xor3A_674 = vector.broadcast %xor3A_673 : i32 to vector<16xi32>
    %xor3A_675 = arith.xori %iota3A_672, %xor3A_674 : vector<16xi32>
    %broadcast_in_dim3A_676 = vector.shape_cast %xor3A_675 : vector<16xi32> to vector<16x1xi32>
    %gather3A_677 = vector.shape_cast %broadcast_in_dim3A_676 : vector<16x1xi32> to vector<16xi32>
    %gather3A_678 = tpu.dynamic_gather %add3A_671[%gather3A_677] in [0] : vector<16xf32>, vector<16xi32> -> vector<16xf32>
    %add3A_679 = arith.addf %add3A_671, %gather3A_678 : vector<16xf32>
    %iota3A_680 = tpu.iota {dimensions = array<i32: 0>} : vector<16xi32>
    %xor3A_681 = arith.constant 4 : i32
    %xor3A_682 = vector.broadcast %xor3A_681 : i32 to vector<16xi32>
    %xor3A_683 = arith.xori %iota3A_680, %xor3A_682 : vector<16xi32>
    %broadcast_in_dim3A_684 = vector.shape_cast %xor3A_683 : vector<16xi32> to vector<16x1xi32>
    %gather3A_685 = vector.shape_cast %broadcast_in_dim3A_684 : vector<16x1xi32> to vector<16xi32>
    %gather3A_686 = tpu.dynamic_gather %add3A_679[%gather3A_685] in [0] : vector<16xf32>, vector<16xi32> -> vector<16xf32>
    %add3A_687 = arith.addf %add3A_679, %gather3A_686 : vector<16xf32>
    %iota3A_688 = tpu.iota {dimensions = array<i32: 0>} : vector<16xi32>
    %xor3A_689 = arith.constant 8 : i32
    %xor3A_690 = vector.broadcast %xor3A_689 : i32 to vector<16xi32>
    %xor3A_691 = arith.xori %iota3A_688, %xor3A_690 : vector<16xi32>
    %broadcast_in_dim3A_692 = vector.shape_cast %xor3A_691 : vector<16xi32> to vector<16x1xi32>
    %gather3A_693 = vector.shape_cast %broadcast_in_dim3A_692 : vector<16x1xi32> to vector<16xi32>
    %gather3A_694 = tpu.dynamic_gather %add3A_687[%gather3A_693] in [0] : vector<16xf32>, vector<16xi32> -> vector<16xf32>
    %add3A_695 = arith.addf %add3A_687, %gather3A_694 : vector<16xf32>
    %swap3A_696 = arith.constant 272 : index
    %swap3A_697 = tpu.vector_load %arg9[%swap3A_696] {strides = array<i32>} : memref<384xf32, #tpu.memory_space<vmem>>, vector<16xf32>,
    %swap3A_698 = vector.shape_cast %swap3A_697 : vector<16xf32> to vector<16xf32>
    %swap3A_699 = vector.shape_cast %add3A_695 : vector<16xf32> to vector<16xf32>
    tpu.vector_store %arg9[%swap3A_696], %swap3A_699 {strides = array<i32>} : memref<384xf32, #tpu.memory_space<vmem>>, vector<16xf32>,
    %iota3A_700 = tpu.iota {dimensions = array<i32: 0>} : vector<16xi32>
    %xor3A_701 = arith.constant 1 : i32
    %xor3A_702 = vector.broadcast %xor3A_701 : i32 to vector<16xi32>
    %xor3A_703 = arith.xori %iota3A_700, %xor3A_702 : vector<16xi32>
    %broadcast_in_dim3A_704 = vector.shape_cast %xor3A_703 : vector<16xi32> to vector<16x1xi32>
    %gather3A_705 = vector.shape_cast %broadcast_in_dim3A_704 : vector<16x1xi32> to vector<16xi32>
    %gather3A_706 = tpu.dynamic_gather %scan3A_54#6[%gather3A_705] in [0] : vector<16xf32>, vector<16xi32> -> vector<16xf32>
    %add3A_707 = arith.addf %scan3A_54#6, %gather3A_706 : vector<16xf32>
    %iota3A_708 = tpu.iota {dimensions = array<i32: 0>} : vector<16xi32>
    %xor3A_709 = arith.constant 2 : i32
    %xor3A_710 = vector.broadcast %xor3A_709 : i32 to vector<16xi32>
    %xor3A_711 = arith.xori %iota3A_708, %xor3A_710 : vector<16xi32>
    %broadcast_in_dim3A_712 = vector.shape_cast %xor3A_711 : vector<16xi32> to vector<16x1xi32>
    %gather3A_713 = vector.shape_cast %broadcast_in_dim3A_712 : vector<16x1xi32> to vector<16xi32>
    %gather3A_714 = tpu.dynamic_gather %add3A_707[%gather3A_713] in [0] : vector<16xf32>, vector<16xi32> -> vector<16xf32>
    %add3A_715 = arith.addf %add3A_707, %gather3A_714 : vector<16xf32>
    %iota3A_716 = tpu.iota {dimensions = array<i32: 0>} : vector<16xi32>
    %xor3A_717 = arith.constant 4 : i32
    %xor3A_718 = vector.broadcast %xor3A_717 : i32 to vector<16xi32>
    %xor3A_719 = arith.xori %iota3A_716, %xor3A_718 : vector<16xi32>
    %broadcast_in_dim3A_720 = vector.shape_cast %xor3A_719 : vector<16xi32> to vector<16x1xi32>
    %gather3A_721 = vector.shape_cast %broadcast_in_dim3A_720 : vector<16x1xi32> to vector<16xi32>
    %gather3A_722 = tpu.dynamic_gather %add3A_715[%gather3A_721] in [0] : vector<16xf32>, vector<16xi32> -> vector<16xf32>
    %add3A_723 = arith.addf %add3A_715, %gather3A_722 : vector<16xf32>
    %iota3A_724 = tpu.iota {dimensions = array<i32: 0>} : vector<16xi32>
    %xor3A_725 = arith.constant 8 : i32
    %xor3A_726 = vector.broadcast %xor3A_725 : i32 to vector<16xi32>
    %xor3A_727 = arith.xori %iota3A_724, %xor3A_726 : vector<16xi32>
    %broadcast_in_dim3A_728 = vector.shape_cast %xor3A_727 : vector<16xi32> to vector<16x1xi32>
    %gather3A_729 = vector.shape_cast %broadcast_in_dim3A_728 : vector<16x1xi32> to vector<16xi32>
    %gather3A_730 = tpu.dynamic_gather %add3A_723[%gather3A_729] in [0] : vector<16xf32>, vector<16xi32> -> vector<16xf32>
    %add3A_731 = arith.addf %add3A_723, %gather3A_730 : vector<16xf32>
    %swap3A_732 = arith.constant 288 : index
    %swap3A_733 = tpu.vector_load %arg9[%swap3A_732] {strides = array<i32>} : memref<384xf32, #tpu.memory_space<vmem>>, vector<16xf32>,
    %swap3A_734 = vector.shape_cast %swap3A_733 : vector<16xf32> to vector<16xf32>
    %swap3A_735 = vector.shape_cast %add3A_731 : vector<16xf32> to vector<16xf32>
    tpu.vector_store %arg9[%swap3A_732], %swap3A_735 {strides = array<i32>} : memref<384xf32, #tpu.memory_space<vmem>>, vector<16xf32>,
    %iota3A_736 = tpu.iota {dimensions = array<i32: 0>} : vector<16xi32>
    %xor3A_737 = arith.constant 1 : i32
    %xor3A_738 = vector.broadcast %xor3A_737 : i32 to vector<16xi32>
    %xor3A_739 = arith.xori %iota3A_736, %xor3A_738 : vector<16xi32>
    %broadcast_in_dim3A_740 = vector.shape_cast %xor3A_739 : vector<16xi32> to vector<16x1xi32>
    %gather3A_741 = vector.shape_cast %broadcast_in_dim3A_740 : vector<16x1xi32> to vector<16xi32>
    %gather3A_742 = tpu.dynamic_gather %scan3A_54#14[%gather3A_741] in [0] : vector<16xf32>, vector<16xi32> -> vector<16xf32>
    %add3A_743 = arith.addf %scan3A_54#14, %gather3A_742 : vector<16xf32>
    %iota3A_744 = tpu.iota {dimensions = array<i32: 0>} : vector<16xi32>
    %xor3A_745 = arith.constant 2 : i32
    %xor3A_746 = vector.broadcast %xor3A_745 : i32 to vector<16xi32>
    %xor3A_747 = arith.xori %iota3A_744, %xor3A_746 : vector<16xi32>
    %broadcast_in_dim3A_748 = vector.shape_cast %xor3A_747 : vector<16xi32> to vector<16x1xi32>
    %gather3A_749 = vector.shape_cast %broadcast_in_dim3A_748 : vector<16x1xi32> to vector<16xi32>
    %gather3A_750 = tpu.dynamic_gather %add3A_743[%gather3A_749] in [0] : vector<16xf32>, vector<16xi32> -> vector<16xf32>
    %add3A_751 = arith.addf %add3A_743, %gather3A_750 : vector<16xf32>
    %iota3A_752 = tpu.iota {dimensions = array<i32: 0>} : vector<16xi32>
    %xor3A_753 = arith.constant 4 : i32
    %xor3A_754 = vector.broadcast %xor3A_753 : i32 to vector<16xi32>
    %xor3A_755 = arith.xori %iota3A_752, %xor3A_754 : vector<16xi32>
    %broadcast_in_dim3A_756 = vector.shape_cast %xor3A_755 : vector<16xi32> to vector<16x1xi32>
    %gather3A_757 = vector.shape_cast %broadcast_in_dim3A_756 : vector<16x1xi32> to vector<16xi32>
    %gather3A_758 = tpu.dynamic_gather %add3A_751[%gather3A_757] in [0] : vector<16xf32>, vector<16xi32> -> vector<16xf32>
    %add3A_759 = arith.addf %add3A_751, %gather3A_758 : vector<16xf32>
    %iota3A_760 = tpu.iota {dimensions = array<i32: 0>} : vector<16xi32>
    %xor3A_761 = arith.constant 8 : i32
    %xor3A_762 = vector.broadcast %xor3A_761 : i32 to vector<16xi32>
    %xor3A_763 = arith.xori %iota3A_760, %xor3A_762 : vector<16xi32>
    %broadcast_in_dim3A_764 = vector.shape_cast %xor3A_763 : vector<16xi32> to vector<16x1xi32>
    %gather3A_765 = vector.shape_cast %broadcast_in_dim3A_764 : vector<16x1xi32> to vector<16xi32>
    %gather3A_766 = tpu.dynamic_gather %add3A_759[%gather3A_765] in [0] : vector<16xf32>, vector<16xi32> -> vector<16xf32>
    %add3A_767 = arith.addf %add3A_759, %gather3A_766 : vector<16xf32>
    %swap3A_768 = arith.constant 304 : index
    %swap3A_769 = tpu.vector_load %arg9[%swap3A_768] {strides = array<i32>} : memref<384xf32, #tpu.memory_space<vmem>>, vector<16xf32>,
    %swap3A_770 = vector.shape_cast %swap3A_769 : vector<16xf32> to vector<16xf32>
    %swap3A_771 = vector.shape_cast %add3A_767 : vector<16xf32> to vector<16xf32>
    tpu.vector_store %arg9[%swap3A_768], %swap3A_771 {strides = array<i32>} : memref<384xf32, #tpu.memory_space<vmem>>, vector<16xf32>,
    %iota3A_772 = tpu.iota {dimensions = array<i32: 0>} : vector<16xi32>
    %xor3A_773 = arith.constant 1 : i32
    %xor3A_774 = vector.broadcast %xor3A_773 : i32 to vector<16xi32>
    %xor3A_775 = arith.xori %iota3A_772, %xor3A_774 : vector<16xi32>
    %broadcast_in_dim3A_776 = vector.shape_cast %xor3A_775 : vector<16xi32> to vector<16x1xi32>
    %gather3A_777 = vector.shape_cast %broadcast_in_dim3A_776 : vector<16x1xi32> to vector<16xi32>
    %gather3A_778 = tpu.dynamic_gather %scan3A_54#22[%gather3A_777] in [0] : vector<16xf32>, vector<16xi32> -> vector<16xf32>
    %add3A_779 = arith.addf %scan3A_54#22, %gather3A_778 : vector<16xf32>
    %iota3A_780 = tpu.iota {dimensions = array<i32: 0>} : vector<16xi32>
    %xor3A_781 = arith.constant 2 : i32
    %xor3A_782 = vector.broadcast %xor3A_781 : i32 to vector<16xi32>
    %xor3A_783 = arith.xori %iota3A_780, %xor3A_782 : vector<16xi32>
    %broadcast_in_dim3A_784 = vector.shape_cast %xor3A_783 : vector<16xi32> to vector<16x1xi32>
    %gather3A_785 = vector.shape_cast %broadcast_in_dim3A_784 : vector<16x1xi32> to vector<16xi32>
    %gather3A_786 = tpu.dynamic_gather %add3A_779[%gather3A_785] in [0] : vector<16xf32>, vector<16xi32> -> vector<16xf32>
    %add3A_787 = arith.addf %add3A_779, %gather3A_786 : vector<16xf32>
    %iota3A_788 = tpu.iota {dimensions = array<i32: 0>} : vector<16xi32>
    %xor3A_789 = arith.constant 4 : i32
    %xor3A_790 = vector.broadcast %xor3A_789 : i32 to vector<16xi32>
    %xor3A_791 = arith.xori %iota3A_788, %xor3A_790 : vector<16xi32>
    %broadcast_in_dim3A_792 = vector.shape_cast %xor3A_791 : vector<16xi32> to vector<16x1xi32>
    %gather3A_793 = vector.shape_cast %broadcast_in_dim3A_792 : vector<16x1xi32> to vector<16xi32>
    %gather3A_794 = tpu.dynamic_gather %add3A_787[%gather3A_793] in [0] : vector<16xf32>, vector<16xi32> -> vector<16xf32>
    %add3A_795 = arith.addf %add3A_787, %gather3A_794 : vector<16xf32>
    %iota3A_796 = tpu.iota {dimensions = array<i32: 0>} : vector<16xi32>
    %xor3A_797 = arith.constant 8 : i32
    %xor3A_798 = vector.broadcast %xor3A_797 : i32 to vector<16xi32>
    %xor3A_799 = arith.xori %iota3A_796, %xor3A_798 : vector<16xi32>
    %broadcast_in_dim3A_800 = vector.shape_cast %xor3A_799 : vector<16xi32> to vector<16x1xi32>
    %gather3A_801 = vector.shape_cast %broadcast_in_dim3A_800 : vector<16x1xi32> to vector<16xi32>
    %gather3A_802 = tpu.dynamic_gather %add3A_795[%gather3A_801] in [0] : vector<16xf32>, vector<16xi32> -> vector<16xf32>
    %add3A_803 = arith.addf %add3A_795, %gather3A_802 : vector<16xf32>
    %swap3A_804 = arith.constant 320 : index
    %swap3A_805 = tpu.vector_load %arg9[%swap3A_804] {strides = array<i32>} : memref<384xf32, #tpu.memory_space<vmem>>, vector<16xf32>,
    %swap3A_806 = vector.shape_cast %swap3A_805 : vector<16xf32> to vector<16xf32>
    %swap3A_807 = vector.shape_cast %add3A_803 : vector<16xf32> to vector<16xf32>
    tpu.vector_store %arg9[%swap3A_804], %swap3A_807 {strides = array<i32>} : memref<384xf32, #tpu.memory_space<vmem>>, vector<16xf32>,
    %iota3A_808 = tpu.iota {dimensions = array<i32: 0>} : vector<16xi32>
    %xor3A_809 = arith.constant 1 : i32
    %xor3A_810 = vector.broadcast %xor3A_809 : i32 to vector<16xi32>
    %xor3A_811 = arith.xori %iota3A_808, %xor3A_810 : vector<16xi32>
    %broadcast_in_dim3A_812 = vector.shape_cast %xor3A_811 : vector<16xi32> to vector<16x1xi32>
    %gather3A_813 = vector.shape_cast %broadcast_in_dim3A_812 : vector<16x1xi32> to vector<16xi32>
    %gather3A_814 = tpu.dynamic_gather %scan3A_54#7[%gather3A_813] in [0] : vector<16xf32>, vector<16xi32> -> vector<16xf32>
    %add3A_815 = arith.addf %scan3A_54#7, %gather3A_814 : vector<16xf32>
    %iota3A_816 = tpu.iota {dimensions = array<i32: 0>} : vector<16xi32>
    %xor3A_817 = arith.constant 2 : i32
    %xor3A_818 = vector.broadcast %xor3A_817 : i32 to vector<16xi32>
    %xor3A_819 = arith.xori %iota3A_816, %xor3A_818 : vector<16xi32>
    %broadcast_in_dim3A_820 = vector.shape_cast %xor3A_819 : vector<16xi32> to vector<16x1xi32>
    %gather3A_821 = vector.shape_cast %broadcast_in_dim3A_820 : vector<16x1xi32> to vector<16xi32>
    %gather3A_822 = tpu.dynamic_gather %add3A_815[%gather3A_821] in [0] : vector<16xf32>, vector<16xi32> -> vector<16xf32>
    %add3A_823 = arith.addf %add3A_815, %gather3A_822 : vector<16xf32>
    %iota3A_824 = tpu.iota {dimensions = array<i32: 0>} : vector<16xi32>
    %xor3A_825 = arith.constant 4 : i32
    %xor3A_826 = vector.broadcast %xor3A_825 : i32 to vector<16xi32>
    %xor3A_827 = arith.xori %iota3A_824, %xor3A_826 : vector<16xi32>
    %broadcast_in_dim3A_828 = vector.shape_cast %xor3A_827 : vector<16xi32> to vector<16x1xi32>
    %gather3A_829 = vector.shape_cast %broadcast_in_dim3A_828 : vector<16x1xi32> to vector<16xi32>
    %gather3A_830 = tpu.dynamic_gather %add3A_823[%gather3A_829] in [0] : vector<16xf32>, vector<16xi32> -> vector<16xf32>
    %add3A_831 = arith.addf %add3A_823, %gather3A_830 : vector<16xf32>
    %iota3A_832 = tpu.iota {dimensions = array<i32: 0>} : vector<16xi32>
    %xor3A_833 = arith.constant 8 : i32
    %xor3A_834 = vector.broadcast %xor3A_833 : i32 to vector<16xi32>
    %xor3A_835 = arith.xori %iota3A_832, %xor3A_834 : vector<16xi32>
    %broadcast_in_dim3A_836 = vector.shape_cast %xor3A_835 : vector<16xi32> to vector<16x1xi32>
    %gather3A_837 = vector.shape_cast %broadcast_in_dim3A_836 : vector<16x1xi32> to vector<16xi32>
    %gather3A_838 = tpu.dynamic_gather %add3A_831[%gather3A_837] in [0] : vector<16xf32>, vector<16xi32> -> vector<16xf32>
    %add3A_839 = arith.addf %add3A_831, %gather3A_838 : vector<16xf32>
    %swap3A_840 = arith.constant 336 : index
    %swap3A_841 = tpu.vector_load %arg9[%swap3A_840] {strides = array<i32>} : memref<384xf32, #tpu.memory_space<vmem>>, vector<16xf32>,
    %swap3A_842 = vector.shape_cast %swap3A_841 : vector<16xf32> to vector<16xf32>
    %swap3A_843 = vector.shape_cast %add3A_839 : vector<16xf32> to vector<16xf32>
    tpu.vector_store %arg9[%swap3A_840], %swap3A_843 {strides = array<i32>} : memref<384xf32, #tpu.memory_space<vmem>>, vector<16xf32>,
    %iota3A_844 = tpu.iota {dimensions = array<i32: 0>} : vector<16xi32>
    %xor3A_845 = arith.constant 1 : i32
    %xor3A_846 = vector.broadcast %xor3A_845 : i32 to vector<16xi32>
    %xor3A_847 = arith.xori %iota3A_844, %xor3A_846 : vector<16xi32>
    %broadcast_in_dim3A_848 = vector.shape_cast %xor3A_847 : vector<16xi32> to vector<16x1xi32>
    %gather3A_849 = vector.shape_cast %broadcast_in_dim3A_848 : vector<16x1xi32> to vector<16xi32>
    %gather3A_850 = tpu.dynamic_gather %scan3A_54#15[%gather3A_849] in [0] : vector<16xf32>, vector<16xi32> -> vector<16xf32>
    %add3A_851 = arith.addf %scan3A_54#15, %gather3A_850 : vector<16xf32>
    %iota3A_852 = tpu.iota {dimensions = array<i32: 0>} : vector<16xi32>
    %xor3A_853 = arith.constant 2 : i32
    %xor3A_854 = vector.broadcast %xor3A_853 : i32 to vector<16xi32>
    %xor3A_855 = arith.xori %iota3A_852, %xor3A_854 : vector<16xi32>
    %broadcast_in_dim3A_856 = vector.shape_cast %xor3A_855 : vector<16xi32> to vector<16x1xi32>
    %gather3A_857 = vector.shape_cast %broadcast_in_dim3A_856 : vector<16x1xi32> to vector<16xi32>
    %gather3A_858 = tpu.dynamic_gather %add3A_851[%gather3A_857] in [0] : vector<16xf32>, vector<16xi32> -> vector<16xf32>
    %add3A_859 = arith.addf %add3A_851, %gather3A_858 : vector<16xf32>
    %iota3A_860 = tpu.iota {dimensions = array<i32: 0>} : vector<16xi32>
    %xor3A_861 = arith.constant 4 : i32
    %xor3A_862 = vector.broadcast %xor3A_861 : i32 to vector<16xi32>
    %xor3A_863 = arith.xori %iota3A_860, %xor3A_862 : vector<16xi32>
    %broadcast_in_dim3A_864 = vector.shape_cast %xor3A_863 : vector<16xi32> to vector<16x1xi32>
    %gather3A_865 = vector.shape_cast %broadcast_in_dim3A_864 : vector<16x1xi32> to vector<16xi32>
    %gather3A_866 = tpu.dynamic_gather %add3A_859[%gather3A_865] in [0] : vector<16xf32>, vector<16xi32> -> vector<16xf32>
    %add3A_867 = arith.addf %add3A_859, %gather3A_866 : vector<16xf32>
    %iota3A_868 = tpu.iota {dimensions = array<i32: 0>} : vector<16xi32>
    %xor3A_869 = arith.constant 8 : i32
    %xor3A_870 = vector.broadcast %xor3A_869 : i32 to vector<16xi32>
    %xor3A_871 = arith.xori %iota3A_868, %xor3A_870 : vector<16xi32>
    %broadcast_in_dim3A_872 = vector.shape_cast %xor3A_871 : vector<16xi32> to vector<16x1xi32>
    %gather3A_873 = vector.shape_cast %broadcast_in_dim3A_872 : vector<16x1xi32> to vector<16xi32>
    %gather3A_874 = tpu.dynamic_gather %add3A_867[%gather3A_873] in [0] : vector<16xf32>, vector<16xi32> -> vector<16xf32>
    %add3A_875 = arith.addf %add3A_867, %gather3A_874 : vector<16xf32>
    %swap3A_876 = arith.constant 352 : index
    %swap3A_877 = tpu.vector_load %arg9[%swap3A_876] {strides = array<i32>} : memref<384xf32, #tpu.memory_space<vmem>>, vector<16xf32>,
    %swap3A_878 = vector.shape_cast %swap3A_877 : vector<16xf32> to vector<16xf32>
    %swap3A_879 = vector.shape_cast %add3A_875 : vector<16xf32> to vector<16xf32>
    tpu.vector_store %arg9[%swap3A_876], %swap3A_879 {strides = array<i32>} : memref<384xf32, #tpu.memory_space<vmem>>, vector<16xf32>,
    %iota3A_880 = tpu.iota {dimensions = array<i32: 0>} : vector<16xi32>
    %xor3A_881 = arith.constant 1 : i32
    %xor3A_882 = vector.broadcast %xor3A_881 : i32 to vector<16xi32>
    %xor3A_883 = arith.xori %iota3A_880, %xor3A_882 : vector<16xi32>
    %broadcast_in_dim3A_884 = vector.shape_cast %xor3A_883 : vector<16xi32> to vector<16x1xi32>
    %gather3A_885 = vector.shape_cast %broadcast_in_dim3A_884 : vector<16x1xi32> to vector<16xi32>
    %gather3A_886 = tpu.dynamic_gather %scan3A_54#23[%gather3A_885] in [0] : vector<16xf32>, vector<16xi32> -> vector<16xf32>
    %add3A_887 = arith.addf %scan3A_54#23, %gather3A_886 : vector<16xf32>
    %iota3A_888 = tpu.iota {dimensions = array<i32: 0>} : vector<16xi32>
    %xor3A_889 = arith.constant 2 : i32
    %xor3A_890 = vector.broadcast %xor3A_889 : i32 to vector<16xi32>
    %xor3A_891 = arith.xori %iota3A_888, %xor3A_890 : vector<16xi32>
    %broadcast_in_dim3A_892 = vector.shape_cast %xor3A_891 : vector<16xi32> to vector<16x1xi32>
    %gather3A_893 = vector.shape_cast %broadcast_in_dim3A_892 : vector<16x1xi32> to vector<16xi32>
    %gather3A_894 = tpu.dynamic_gather %add3A_887[%gather3A_893] in [0] : vector<16xf32>, vector<16xi32> -> vector<16xf32>
    %add3A_895 = arith.addf %add3A_887, %gather3A_894 : vector<16xf32>
    %iota3A_896 = tpu.iota {dimensions = array<i32: 0>} : vector<16xi32>
    %xor3A_897 = arith.constant 4 : i32
    %xor3A_898 = vector.broadcast %xor3A_897 : i32 to vector<16xi32>
    %xor3A_899 = arith.xori %iota3A_896, %xor3A_898 : vector<16xi32>
    %broadcast_in_dim3A_900 = vector.shape_cast %xor3A_899 : vector<16xi32> to vector<16x1xi32>
    %gather3A_901 = vector.shape_cast %broadcast_in_dim3A_900 : vector<16x1xi32> to vector<16xi32>
    %gather3A_902 = tpu.dynamic_gather %add3A_895[%gather3A_901] in [0] : vector<16xf32>, vector<16xi32> -> vector<16xf32>
    %add3A_903 = arith.addf %add3A_895, %gather3A_902 : vector<16xf32>
    %iota3A_904 = tpu.iota {dimensions = array<i32: 0>} : vector<16xi32>
    %xor3A_905 = arith.constant 8 : i32
    %xor3A_906 = vector.broadcast %xor3A_905 : i32 to vector<16xi32>
    %xor3A_907 = arith.xori %iota3A_904, %xor3A_906 : vector<16xi32>
    %broadcast_in_dim3A_908 = vector.shape_cast %xor3A_907 : vector<16xi32> to vector<16x1xi32>
    %gather3A_909 = vector.shape_cast %broadcast_in_dim3A_908 : vector<16x1xi32> to vector<16xi32>
    %gather3A_910 = tpu.dynamic_gather %add3A_903[%gather3A_909] in [0] : vector<16xf32>, vector<16xi32> -> vector<16xf32>
    %add3A_911 = arith.addf %add3A_903, %gather3A_910 : vector<16xf32>
    %swap3A_912 = arith.constant 368 : index
    %swap3A_913 = tpu.vector_load %arg9[%swap3A_912] {strides = array<i32>} : memref<384xf32, #tpu.memory_space<vmem>>, vector<16xf32>,
    %swap3A_914 = vector.shape_cast %swap3A_913 : vector<16xf32> to vector<16xf32>
    %swap3A_915 = vector.shape_cast %add3A_911 : vector<16xf32> to vector<16xf32>
    tpu.vector_store %arg9[%swap3A_912], %swap3A_915 {strides = array<i32>} : memref<384xf32, #tpu.memory_space<vmem>>, vector<16xf32>,
    %mul3A_916 = arith.constant 384 : i32
    %mul3A_917 = arith.muli %arg1, %mul3A_916 : i32
    "tpu.region"() ({
      %run_scoped3A = tpu.sem_alloc : memref<!tpu.dma_semaphore, #tpu.memory_space<semaphore_mem>>
      %dma_start3A_1190 = tpu.memref_slice %arg12[%mul3A_917] : memref<6144xf32, #tpu.memory_space<vmem_shared>> -> memref<384xf32, #tpu.memory_space<vmem_shared>>
      %dma_start3A_1191 = tpu.memref_slice %arg12[%mul3A_917] : memref<6144xf32, #tpu.memory_space<vmem_shared>> -> memref<384xf32, #tpu.memory_space<vmem_shared>>
      tpu.enqueue_dma source(%arg9 : memref<384xf32, #tpu.memory_space<vmem>>) target(%dma_start3A_1191 : memref<384xf32, #tpu.memory_space<vmem_shared>>) target_semaphore(%run_scoped3A : memref<!tpu.dma_semaphore, #tpu.memory_space<semaphore_mem>>)
      %dma_wait3A = tpu.memref_slice %arg12[%mul3A_917] : memref<6144xf32, #tpu.memory_space<vmem_shared>> -> memref<384xf32, #tpu.memory_space<vmem_shared>>
      %dma_wait3A_1192 = tpu.memref_slice %arg12[%mul3A_917] : memref<6144xf32, #tpu.memory_space<vmem_shared>> -> memref<384xf32, #tpu.memory_space<vmem_shared>>
      tpu.wait_dma2 semaphore(%run_scoped3A : memref<!tpu.dma_semaphore, #tpu.memory_space<semaphore_mem>>) src(%arg9 : memref<384xf32, #tpu.memory_space<vmem>>) dst(%dma_wait3A_1192 : memref<384xf32, #tpu.memory_space<vmem_shared>>)
      tpu.yield
    }) : () -> ()
    %barrier3A = arith.constant 0 : index
    tpu.barrier barrier_id(%barrier3A)
    %jit3A_918 = arith.constant 8 : i32
    %eq3A_919 = arith.constant 0 : i32
    %eq3A_920 = arith.cmpi eq, %jit3A_918, %eq3A_919 : i32
    %jit3A_921 = arith.constant 1 : i32
    %select_n3A_922 = arith.select %eq3A_920, %jit3A_921, %jit3A_918 : i32
    %rem3A_923 = arith.remsi %arg1, %select_n3A_922 : i32
    %ne3A_924 = arith.constant 0 : i32
    %ne3A_925 = arith.cmpi ne, %rem3A_923, %ne3A_924 : i32
    %lt3A_926 = arith.constant 0 : i32
    %lt3A_927 = arith.cmpi slt, %rem3A_923, %lt3A_926 : i32
    %lt3A_928 = arith.constant 0 : i32
    %lt3A_929 = arith.cmpi slt, %select_n3A_922, %lt3A_928 : i32
    %ne3A_930 = arith.xori %lt3A_927, %lt3A_929 : i1
    %and3A_931 = arith.andi %ne3A_930, %ne3A_925 : i1
    %add3A_932 = arith.addi %rem3A_923, %select_n3A_922 : i32
    %select_n3A_933 = arith.select %and3A_931, %add3A_932, %rem3A_923 : i32
    %mul3A_934 = arith.constant 8 : i32
    %mul3A_935 = arith.muli %select_n3A, %mul3A_934 : i32
    %add3A_936 = arith.constant 0 : i32
    %add3A_937 = arith.addi %mul3A_935, %add3A_936 : i32
    %mul3A_938 = arith.constant 384 : i32
    %mul3A_939 = arith.muli %add3A_937, %mul3A_938 : i32
    "tpu.region"() ({
      %run_scoped3A = tpu.sem_alloc : memref<!tpu.dma_semaphore, #tpu.memory_space<semaphore_mem>>
      %dma_start3A_1190 = arith.constant 0 : i32
      %dma_start3A_1191 = tpu.memref_slice %arg10[%dma_start3A_1190] : memref<3072xf32, #tpu.memory_space<vmem>> -> memref<384xf32, #tpu.memory_space<vmem>>
      %dma_start3A_1192 = tpu.memref_slice %arg12[%mul3A_939] : memref<6144xf32, #tpu.memory_space<vmem_shared>> -> memref<384xf32, #tpu.memory_space<vmem_shared>>
      %dma_start3A_1193 = arith.constant 0 : i32
      %dma_start3A_1194 = tpu.memref_slice %arg10[%dma_start3A_1193] : memref<3072xf32, #tpu.memory_space<vmem>> -> memref<384xf32, #tpu.memory_space<vmem>>
      %dma_start3A_1195 = tpu.memref_slice %arg12[%mul3A_939] : memref<6144xf32, #tpu.memory_space<vmem_shared>> -> memref<384xf32, #tpu.memory_space<vmem_shared>>
      tpu.enqueue_dma source(%dma_start3A_1195 : memref<384xf32, #tpu.memory_space<vmem_shared>>) target(%dma_start3A_1194 : memref<384xf32, #tpu.memory_space<vmem>>) target_semaphore(%run_scoped3A : memref<!tpu.dma_semaphore, #tpu.memory_space<semaphore_mem>>)
      %dma_wait3A = arith.constant 0 : i32
      %dma_wait3A_1196 = tpu.memref_slice %arg10[%dma_wait3A] : memref<3072xf32, #tpu.memory_space<vmem>> -> memref<384xf32, #tpu.memory_space<vmem>>
      %dma_wait3A_1197 = tpu.memref_slice %arg12[%mul3A_939] : memref<6144xf32, #tpu.memory_space<vmem_shared>> -> memref<384xf32, #tpu.memory_space<vmem_shared>>
      %dma_wait3A_1198 = arith.constant 0 : i32
      %dma_wait3A_1199 = tpu.memref_slice %arg10[%dma_wait3A_1198] : memref<3072xf32, #tpu.memory_space<vmem>> -> memref<384xf32, #tpu.memory_space<vmem>>
      %dma_wait3A_1200 = tpu.memref_slice %arg12[%mul3A_939] : memref<6144xf32, #tpu.memory_space<vmem_shared>> -> memref<384xf32, #tpu.memory_space<vmem_shared>>
      tpu.wait_dma2 semaphore(%run_scoped3A : memref<!tpu.dma_semaphore, #tpu.memory_space<semaphore_mem>>) src(%dma_wait3A_1200 : memref<384xf32, #tpu.memory_space<vmem_shared>>) dst(%dma_wait3A_1199 : memref<384xf32, #tpu.memory_space<vmem>>)
      tpu.yield
    }) : () -> ()
    %mul3A_940 = arith.constant 8 : i32
    %mul3A_941 = arith.muli %select_n3A, %mul3A_940 : i32
    %add3A_942 = arith.constant 1 : i32
    %add3A_943 = arith.addi %mul3A_941, %add3A_942 : i32
    %mul3A_944 = arith.constant 384 : i32
    %mul3A_945 = arith.muli %add3A_943, %mul3A_944 : i32
    "tpu.region"() ({
      %run_scoped3A = tpu.sem_alloc : memref<!tpu.dma_semaphore, #tpu.memory_space<semaphore_mem>>
      %dma_start3A_1190 = arith.constant 384 : i32
      %dma_start3A_1191 = tpu.memref_slice %arg10[%dma_start3A_1190] : memref<3072xf32, #tpu.memory_space<vmem>> -> memref<384xf32, #tpu.memory_space<vmem>>
      %dma_start3A_1192 = tpu.memref_slice %arg12[%mul3A_945] : memref<6144xf32, #tpu.memory_space<vmem_shared>> -> memref<384xf32, #tpu.memory_space<vmem_shared>>
      %dma_start3A_1193 = arith.constant 384 : i32
      %dma_start3A_1194 = tpu.memref_slice %arg10[%dma_start3A_1193] : memref<3072xf32, #tpu.memory_space<vmem>> -> memref<384xf32, #tpu.memory_space<vmem>>
      %dma_start3A_1195 = tpu.memref_slice %arg12[%mul3A_945] : memref<6144xf32, #tpu.memory_space<vmem_shared>> -> memref<384xf32, #tpu.memory_space<vmem_shared>>
      tpu.enqueue_dma source(%dma_start3A_1195 : memref<384xf32, #tpu.memory_space<vmem_shared>>) target(%dma_start3A_1194 : memref<384xf32, #tpu.memory_space<vmem>>) target_semaphore(%run_scoped3A : memref<!tpu.dma_semaphore, #tpu.memory_space<semaphore_mem>>)
      %dma_wait3A = arith.constant 384 : i32
      %dma_wait3A_1196 = tpu.memref_slice %arg10[%dma_wait3A] : memref<3072xf32, #tpu.memory_space<vmem>> -> memref<384xf32, #tpu.memory_space<vmem>>
      %dma_wait3A_1197 = tpu.memref_slice %arg12[%mul3A_945] : memref<6144xf32, #tpu.memory_space<vmem_shared>> -> memref<384xf32, #tpu.memory_space<vmem_shared>>
      %dma_wait3A_1198 = arith.constant 384 : i32
      %dma_wait3A_1199 = tpu.memref_slice %arg10[%dma_wait3A_1198] : memref<3072xf32, #tpu.memory_space<vmem>> -> memref<384xf32, #tpu.memory_space<vmem>>
      %dma_wait3A_1200 = tpu.memref_slice %arg12[%mul3A_945] : memref<6144xf32, #tpu.memory_space<vmem_shared>> -> memref<384xf32, #tpu.memory_space<vmem_shared>>
      tpu.wait_dma2 semaphore(%run_scoped3A : memref<!tpu.dma_semaphore, #tpu.memory_space<semaphore_mem>>) src(%dma_wait3A_1200 : memref<384xf32, #tpu.memory_space<vmem_shared>>) dst(%dma_wait3A_1199 : memref<384xf32, #tpu.memory_space<vmem>>)
      tpu.yield
    }) : () -> ()
    %mul3A_946 = arith.constant 8 : i32
    %mul3A_947 = arith.muli %select_n3A, %mul3A_946 : i32
    %add3A_948 = arith.constant 2 : i32
    %add3A_949 = arith.addi %mul3A_947, %add3A_948 : i32
    %mul3A_950 = arith.constant 384 : i32
    %mul3A_951 = arith.muli %add3A_949, %mul3A_950 : i32
    "tpu.region"() ({
      %run_scoped3A = tpu.sem_alloc : memref<!tpu.dma_semaphore, #tpu.memory_space<semaphore_mem>>
      %dma_start3A_1190 = arith.constant 768 : i32
      %dma_start3A_1191 = tpu.memref_slice %arg10[%dma_start3A_1190] : memref<3072xf32, #tpu.memory_space<vmem>> -> memref<384xf32, #tpu.memory_space<vmem>>
      %dma_start3A_1192 = tpu.memref_slice %arg12[%mul3A_951] : memref<6144xf32, #tpu.memory_space<vmem_shared>> -> memref<384xf32, #tpu.memory_space<vmem_shared>>
      %dma_start3A_1193 = arith.constant 768 : i32
      %dma_start3A_1194 = tpu.memref_slice %arg10[%dma_start3A_1193] : memref<3072xf32, #tpu.memory_space<vmem>> -> memref<384xf32, #tpu.memory_space<vmem>>
      %dma_start3A_1195 = tpu.memref_slice %arg12[%mul3A_951] : memref<6144xf32, #tpu.memory_space<vmem_shared>> -> memref<384xf32, #tpu.memory_space<vmem_shared>>
      tpu.enqueue_dma source(%dma_start3A_1195 : memref<384xf32, #tpu.memory_space<vmem_shared>>) target(%dma_start3A_1194 : memref<384xf32, #tpu.memory_space<vmem>>) target_semaphore(%run_scoped3A : memref<!tpu.dma_semaphore, #tpu.memory_space<semaphore_mem>>)
      %dma_wait3A = arith.constant 768 : i32
      %dma_wait3A_1196 = tpu.memref_slice %arg10[%dma_wait3A] : memref<3072xf32, #tpu.memory_space<vmem>> -> memref<384xf32, #tpu.memory_space<vmem>>
      %dma_wait3A_1197 = tpu.memref_slice %arg12[%mul3A_951] : memref<6144xf32, #tpu.memory_space<vmem_shared>> -> memref<384xf32, #tpu.memory_space<vmem_shared>>
      %dma_wait3A_1198 = arith.constant 768 : i32
      %dma_wait3A_1199 = tpu.memref_slice %arg10[%dma_wait3A_1198] : memref<3072xf32, #tpu.memory_space<vmem>> -> memref<384xf32, #tpu.memory_space<vmem>>
      %dma_wait3A_1200 = tpu.memref_slice %arg12[%mul3A_951] : memref<6144xf32, #tpu.memory_space<vmem_shared>> -> memref<384xf32, #tpu.memory_space<vmem_shared>>
      tpu.wait_dma2 semaphore(%run_scoped3A : memref<!tpu.dma_semaphore, #tpu.memory_space<semaphore_mem>>) src(%dma_wait3A_1200 : memref<384xf32, #tpu.memory_space<vmem_shared>>) dst(%dma_wait3A_1199 : memref<384xf32, #tpu.memory_space<vmem>>)
      tpu.yield
    }) : () -> ()
    %mul3A_952 = arith.constant 8 : i32
    %mul3A_953 = arith.muli %select_n3A, %mul3A_952 : i32
    %add3A_954 = arith.constant 3 : i32
    %add3A_955 = arith.addi %mul3A_953, %add3A_954 : i32
    %mul3A_956 = arith.constant 384 : i32
    %mul3A_957 = arith.muli %add3A_955, %mul3A_956 : i32
    "tpu.region"() ({
      %run_scoped3A = tpu.sem_alloc : memref<!tpu.dma_semaphore, #tpu.memory_space<semaphore_mem>>
      %dma_start3A_1190 = arith.constant 1152 : i32
      %dma_start3A_1191 = tpu.memref_slice %arg10[%dma_start3A_1190] : memref<3072xf32, #tpu.memory_space<vmem>> -> memref<384xf32, #tpu.memory_space<vmem>>
      %dma_start3A_1192 = tpu.memref_slice %arg12[%mul3A_957] : memref<6144xf32, #tpu.memory_space<vmem_shared>> -> memref<384xf32, #tpu.memory_space<vmem_shared>>
      %dma_start3A_1193 = arith.constant 1152 : i32
      %dma_start3A_1194 = tpu.memref_slice %arg10[%dma_start3A_1193] : memref<3072xf32, #tpu.memory_space<vmem>> -> memref<384xf32, #tpu.memory_space<vmem>>
      %dma_start3A_1195 = tpu.memref_slice %arg12[%mul3A_957] : memref<6144xf32, #tpu.memory_space<vmem_shared>> -> memref<384xf32, #tpu.memory_space<vmem_shared>>
      tpu.enqueue_dma source(%dma_start3A_1195 : memref<384xf32, #tpu.memory_space<vmem_shared>>) target(%dma_start3A_1194 : memref<384xf32, #tpu.memory_space<vmem>>) target_semaphore(%run_scoped3A : memref<!tpu.dma_semaphore, #tpu.memory_space<semaphore_mem>>)
      %dma_wait3A = arith.constant 1152 : i32
      %dma_wait3A_1196 = tpu.memref_slice %arg10[%dma_wait3A] : memref<3072xf32, #tpu.memory_space<vmem>> -> memref<384xf32, #tpu.memory_space<vmem>>
      %dma_wait3A_1197 = tpu.memref_slice %arg12[%mul3A_957] : memref<6144xf32, #tpu.memory_space<vmem_shared>> -> memref<384xf32, #tpu.memory_space<vmem_shared>>
      %dma_wait3A_1198 = arith.constant 1152 : i32
      %dma_wait3A_1199 = tpu.memref_slice %arg10[%dma_wait3A_1198] : memref<3072xf32, #tpu.memory_space<vmem>> -> memref<384xf32, #tpu.memory_space<vmem>>
      %dma_wait3A_1200 = tpu.memref_slice %arg12[%mul3A_957] : memref<6144xf32, #tpu.memory_space<vmem_shared>> -> memref<384xf32, #tpu.memory_space<vmem_shared>>
      tpu.wait_dma2 semaphore(%run_scoped3A : memref<!tpu.dma_semaphore, #tpu.memory_space<semaphore_mem>>) src(%dma_wait3A_1200 : memref<384xf32, #tpu.memory_space<vmem_shared>>) dst(%dma_wait3A_1199 : memref<384xf32, #tpu.memory_space<vmem>>)
      tpu.yield
    }) : () -> ()
    %mul3A_958 = arith.constant 8 : i32
    %mul3A_959 = arith.muli %select_n3A, %mul3A_958 : i32
    %add3A_960 = arith.constant 4 : i32
    %add3A_961 = arith.addi %mul3A_959, %add3A_960 : i32
    %mul3A_962 = arith.constant 384 : i32
    %mul3A_963 = arith.muli %add3A_961, %mul3A_962 : i32
    "tpu.region"() ({
      %run_scoped3A = tpu.sem_alloc : memref<!tpu.dma_semaphore, #tpu.memory_space<semaphore_mem>>
      %dma_start3A_1190 = arith.constant 1536 : i32
      %dma_start3A_1191 = tpu.memref_slice %arg10[%dma_start3A_1190] : memref<3072xf32, #tpu.memory_space<vmem>> -> memref<384xf32, #tpu.memory_space<vmem>>
      %dma_start3A_1192 = tpu.memref_slice %arg12[%mul3A_963] : memref<6144xf32, #tpu.memory_space<vmem_shared>> -> memref<384xf32, #tpu.memory_space<vmem_shared>>
      %dma_start3A_1193 = arith.constant 1536 : i32
      %dma_start3A_1194 = tpu.memref_slice %arg10[%dma_start3A_1193] : memref<3072xf32, #tpu.memory_space<vmem>> -> memref<384xf32, #tpu.memory_space<vmem>>
      %dma_start3A_1195 = tpu.memref_slice %arg12[%mul3A_963] : memref<6144xf32, #tpu.memory_space<vmem_shared>> -> memref<384xf32, #tpu.memory_space<vmem_shared>>
      tpu.enqueue_dma source(%dma_start3A_1195 : memref<384xf32, #tpu.memory_space<vmem_shared>>) target(%dma_start3A_1194 : memref<384xf32, #tpu.memory_space<vmem>>) target_semaphore(%run_scoped3A : memref<!tpu.dma_semaphore, #tpu.memory_space<semaphore_mem>>)
      %dma_wait3A = arith.constant 1536 : i32
      %dma_wait3A_1196 = tpu.memref_slice %arg10[%dma_wait3A] : memref<3072xf32, #tpu.memory_space<vmem>> -> memref<384xf32, #tpu.memory_space<vmem>>
      %dma_wait3A_1197 = tpu.memref_slice %arg12[%mul3A_963] : memref<6144xf32, #tpu.memory_space<vmem_shared>> -> memref<384xf32, #tpu.memory_space<vmem_shared>>
      %dma_wait3A_1198 = arith.constant 1536 : i32
      %dma_wait3A_1199 = tpu.memref_slice %arg10[%dma_wait3A_1198] : memref<3072xf32, #tpu.memory_space<vmem>> -> memref<384xf32, #tpu.memory_space<vmem>>
      %dma_wait3A_1200 = tpu.memref_slice %arg12[%mul3A_963] : memref<6144xf32, #tpu.memory_space<vmem_shared>> -> memref<384xf32, #tpu.memory_space<vmem_shared>>
      tpu.wait_dma2 semaphore(%run_scoped3A : memref<!tpu.dma_semaphore, #tpu.memory_space<semaphore_mem>>) src(%dma_wait3A_1200 : memref<384xf32, #tpu.memory_space<vmem_shared>>) dst(%dma_wait3A_1199 : memref<384xf32, #tpu.memory_space<vmem>>)
      tpu.yield
    }) : () -> ()
    %mul3A_964 = arith.constant 8 : i32
    %mul3A_965 = arith.muli %select_n3A, %mul3A_964 : i32
    %add3A_966 = arith.constant 5 : i32
    %add3A_967 = arith.addi %mul3A_965, %add3A_966 : i32
    %mul3A_968 = arith.constant 384 : i32
    %mul3A_969 = arith.muli %add3A_967, %mul3A_968 : i32
    "tpu.region"() ({
      %run_scoped3A = tpu.sem_alloc : memref<!tpu.dma_semaphore, #tpu.memory_space<semaphore_mem>>
      %dma_start3A_1190 = arith.constant 1920 : i32
      %dma_start3A_1191 = tpu.memref_slice %arg10[%dma_start3A_1190] : memref<3072xf32, #tpu.memory_space<vmem>> -> memref<384xf32, #tpu.memory_space<vmem>>
      %dma_start3A_1192 = tpu.memref_slice %arg12[%mul3A_969] : memref<6144xf32, #tpu.memory_space<vmem_shared>> -> memref<384xf32, #tpu.memory_space<vmem_shared>>
      %dma_start3A_1193 = arith.constant 1920 : i32
      %dma_start3A_1194 = tpu.memref_slice %arg10[%dma_start3A_1193] : memref<3072xf32, #tpu.memory_space<vmem>> -> memref<384xf32, #tpu.memory_space<vmem>>
      %dma_start3A_1195 = tpu.memref_slice %arg12[%mul3A_969] : memref<6144xf32, #tpu.memory_space<vmem_shared>> -> memref<384xf32, #tpu.memory_space<vmem_shared>>
      tpu.enqueue_dma source(%dma_start3A_1195 : memref<384xf32, #tpu.memory_space<vmem_shared>>) target(%dma_start3A_1194 : memref<384xf32, #tpu.memory_space<vmem>>) target_semaphore(%run_scoped3A : memref<!tpu.dma_semaphore, #tpu.memory_space<semaphore_mem>>)
      %dma_wait3A = arith.constant 1920 : i32
      %dma_wait3A_1196 = tpu.memref_slice %arg10[%dma_wait3A] : memref<3072xf32, #tpu.memory_space<vmem>> -> memref<384xf32, #tpu.memory_space<vmem>>
      %dma_wait3A_1197 = tpu.memref_slice %arg12[%mul3A_969] : memref<6144xf32, #tpu.memory_space<vmem_shared>> -> memref<384xf32, #tpu.memory_space<vmem_shared>>
      %dma_wait3A_1198 = arith.constant 1920 : i32
      %dma_wait3A_1199 = tpu.memref_slice %arg10[%dma_wait3A_1198] : memref<3072xf32, #tpu.memory_space<vmem>> -> memref<384xf32, #tpu.memory_space<vmem>>
      %dma_wait3A_1200 = tpu.memref_slice %arg12[%mul3A_969] : memref<6144xf32, #tpu.memory_space<vmem_shared>> -> memref<384xf32, #tpu.memory_space<vmem_shared>>
      tpu.wait_dma2 semaphore(%run_scoped3A : memref<!tpu.dma_semaphore, #tpu.memory_space<semaphore_mem>>) src(%dma_wait3A_1200 : memref<384xf32, #tpu.memory_space<vmem_shared>>) dst(%dma_wait3A_1199 : memref<384xf32, #tpu.memory_space<vmem>>)
      tpu.yield
    }) : () -> ()
    %mul3A_970 = arith.constant 8 : i32
    %mul3A_971 = arith.muli %select_n3A, %mul3A_970 : i32
    %add3A_972 = arith.constant 6 : i32
    %add3A_973 = arith.addi %mul3A_971, %add3A_972 : i32
    %mul3A_974 = arith.constant 384 : i32
    %mul3A_975 = arith.muli %add3A_973, %mul3A_974 : i32
    "tpu.region"() ({
      %run_scoped3A = tpu.sem_alloc : memref<!tpu.dma_semaphore, #tpu.memory_space<semaphore_mem>>
      %dma_start3A_1190 = arith.constant 2304 : i32
      %dma_start3A_1191 = tpu.memref_slice %arg10[%dma_start3A_1190] : memref<3072xf32, #tpu.memory_space<vmem>> -> memref<384xf32, #tpu.memory_space<vmem>>
      %dma_start3A_1192 = tpu.memref_slice %arg12[%mul3A_975] : memref<6144xf32, #tpu.memory_space<vmem_shared>> -> memref<384xf32, #tpu.memory_space<vmem_shared>>
      %dma_start3A_1193 = arith.constant 2304 : i32
      %dma_start3A_1194 = tpu.memref_slice %arg10[%dma_start3A_1193] : memref<3072xf32, #tpu.memory_space<vmem>> -> memref<384xf32, #tpu.memory_space<vmem>>
      %dma_start3A_1195 = tpu.memref_slice %arg12[%mul3A_975] : memref<6144xf32, #tpu.memory_space<vmem_shared>> -> memref<384xf32, #tpu.memory_space<vmem_shared>>
      tpu.enqueue_dma source(%dma_start3A_1195 : memref<384xf32, #tpu.memory_space<vmem_shared>>) target(%dma_start3A_1194 : memref<384xf32, #tpu.memory_space<vmem>>) target_semaphore(%run_scoped3A : memref<!tpu.dma_semaphore, #tpu.memory_space<semaphore_mem>>)
      %dma_wait3A = arith.constant 2304 : i32
      %dma_wait3A_1196 = tpu.memref_slice %arg10[%dma_wait3A] : memref<3072xf32, #tpu.memory_space<vmem>> -> memref<384xf32, #tpu.memory_space<vmem>>
      %dma_wait3A_1197 = tpu.memref_slice %arg12[%mul3A_975] : memref<6144xf32, #tpu.memory_space<vmem_shared>> -> memref<384xf32, #tpu.memory_space<vmem_shared>>
      %dma_wait3A_1198 = arith.constant 2304 : i32
      %dma_wait3A_1199 = tpu.memref_slice %arg10[%dma_wait3A_1198] : memref<3072xf32, #tpu.memory_space<vmem>> -> memref<384xf32, #tpu.memory_space<vmem>>
      %dma_wait3A_1200 = tpu.memref_slice %arg12[%mul3A_975] : memref<6144xf32, #tpu.memory_space<vmem_shared>> -> memref<384xf32, #tpu.memory_space<vmem_shared>>
      tpu.wait_dma2 semaphore(%run_scoped3A : memref<!tpu.dma_semaphore, #tpu.memory_space<semaphore_mem>>) src(%dma_wait3A_1200 : memref<384xf32, #tpu.memory_space<vmem_shared>>) dst(%dma_wait3A_1199 : memref<384xf32, #tpu.memory_space<vmem>>)
      tpu.yield
    }) : () -> ()
    %mul3A_976 = arith.constant 8 : i32
    %mul3A_977 = arith.muli %select_n3A, %mul3A_976 : i32
    %add3A_978 = arith.constant 7 : i32
    %add3A_979 = arith.addi %mul3A_977, %add3A_978 : i32
    %mul3A_980 = arith.constant 384 : i32
    %mul3A_981 = arith.muli %add3A_979, %mul3A_980 : i32
    "tpu.region"() ({
      %run_scoped3A = tpu.sem_alloc : memref<!tpu.dma_semaphore, #tpu.memory_space<semaphore_mem>>
      %dma_start3A_1190 = arith.constant 2688 : i32
      %dma_start3A_1191 = tpu.memref_slice %arg10[%dma_start3A_1190] : memref<3072xf32, #tpu.memory_space<vmem>> -> memref<384xf32, #tpu.memory_space<vmem>>
      %dma_start3A_1192 = tpu.memref_slice %arg12[%mul3A_981] : memref<6144xf32, #tpu.memory_space<vmem_shared>> -> memref<384xf32, #tpu.memory_space<vmem_shared>>
      %dma_start3A_1193 = arith.constant 2688 : i32
      %dma_start3A_1194 = tpu.memref_slice %arg10[%dma_start3A_1193] : memref<3072xf32, #tpu.memory_space<vmem>> -> memref<384xf32, #tpu.memory_space<vmem>>
      %dma_start3A_1195 = tpu.memref_slice %arg12[%mul3A_981] : memref<6144xf32, #tpu.memory_space<vmem_shared>> -> memref<384xf32, #tpu.memory_space<vmem_shared>>
      tpu.enqueue_dma source(%dma_start3A_1195 : memref<384xf32, #tpu.memory_space<vmem_shared>>) target(%dma_start3A_1194 : memref<384xf32, #tpu.memory_space<vmem>>) target_semaphore(%run_scoped3A : memref<!tpu.dma_semaphore, #tpu.memory_space<semaphore_mem>>)
      %dma_wait3A = arith.constant 2688 : i32
      %dma_wait3A_1196 = tpu.memref_slice %arg10[%dma_wait3A] : memref<3072xf32, #tpu.memory_space<vmem>> -> memref<384xf32, #tpu.memory_space<vmem>>
      %dma_wait3A_1197 = tpu.memref_slice %arg12[%mul3A_981] : memref<6144xf32, #tpu.memory_space<vmem_shared>> -> memref<384xf32, #tpu.memory_space<vmem_shared>>
      %dma_wait3A_1198 = arith.constant 2688 : i32
      %dma_wait3A_1199 = tpu.memref_slice %arg10[%dma_wait3A_1198] : memref<3072xf32, #tpu.memory_space<vmem>> -> memref<384xf32, #tpu.memory_space<vmem>>
      %dma_wait3A_1200 = tpu.memref_slice %arg12[%mul3A_981] : memref<6144xf32, #tpu.memory_space<vmem_shared>> -> memref<384xf32, #tpu.memory_space<vmem_shared>>
      tpu.wait_dma2 semaphore(%run_scoped3A : memref<!tpu.dma_semaphore, #tpu.memory_space<semaphore_mem>>) src(%dma_wait3A_1200 : memref<384xf32, #tpu.memory_space<vmem_shared>>) dst(%dma_wait3A_1199 : memref<384xf32, #tpu.memory_space<vmem>>)
      tpu.yield
    }) : () -> ()
    %mul3A_982 = arith.constant 3 : i32
    %mul3A_983 = arith.muli %select_n3A_933, %mul3A_982 : i32
    %mul3A_984 = arith.constant 16 : i32
    %mul3A_985 = arith.muli %mul3A_983, %mul3A_984 : i32
    %add3A_986 = arith.constant 0 : i32
    %add3A_987 = arith.addi %add3A_986, %mul3A_985 : i32
    %add3A_988 = arith.constant 0 : i32
    %add3A_989 = arith.addi %add3A_987, %add3A_988 : i32
    %get3A = arith.index_cast %add3A_989 : i32 to index
    %get3A_990 = tpu.vector_load %arg10[%get3A] {strides = array<i32>} : memref<3072xf32, #tpu.memory_space<vmem>>, vector<16xf32>,
    %get3A_991 = vector.shape_cast %get3A_990 : vector<16xf32> to vector<16xf32>
    %add3A_992 = arith.addf %broadcast_in_dim3A_50, %get3A_991 : vector<16xf32>
    %add3A_993 = arith.constant 16 : i32
    %add3A_994 = arith.addi %add3A_987, %add3A_993 : i32
    %get3A_995 = arith.index_cast %add3A_994 : i32 to index
    %get3A_996 = tpu.vector_load %arg10[%get3A_995] {strides = array<i32>} : memref<3072xf32, #tpu.memory_space<vmem>>, vector<16xf32>,
    %get3A_997 = vector.shape_cast %get3A_996 : vector<16xf32> to vector<16xf32>
    %add3A_998 = arith.addf %broadcast_in_dim3A_50, %get3A_997 : vector<16xf32>
    %add3A_999 = arith.constant 32 : i32
    %add3A_1000 = arith.addi %add3A_987, %add3A_999 : i32
    %get3A_1001 = arith.index_cast %add3A_1000 : i32 to index
    %get3A_1002 = tpu.vector_load %arg10[%get3A_1001] {strides = array<i32>} : memref<3072xf32, #tpu.memory_space<vmem>>, vector<16xf32>,
    %get3A_1003 = vector.shape_cast %get3A_1002 : vector<16xf32> to vector<16xf32>
    %add3A_1004 = arith.addf %broadcast_in_dim3A_50, %get3A_1003 : vector<16xf32>
    %mul3A_1005 = arith.constant 3 : i32
    %mul3A_1006 = arith.muli %select_n3A_933, %mul3A_1005 : i32
    %mul3A_1007 = arith.constant 16 : i32
    %mul3A_1008 = arith.muli %mul3A_1006, %mul3A_1007 : i32
    %add3A_1009 = arith.constant 384 : i32
    %add3A_1010 = arith.addi %add3A_1009, %mul3A_1008 : i32
    %add3A_1011 = arith.constant 0 : i32
    %add3A_1012 = arith.addi %add3A_1010, %add3A_1011 : i32
    %get3A_1013 = arith.index_cast %add3A_1012 : i32 to index
    %get3A_1014 = tpu.vector_load %arg10[%get3A_1013] {strides = array<i32>} : memref<3072xf32, #tpu.memory_space<vmem>>, vector<16xf32>,
    %get3A_1015 = vector.shape_cast %get3A_1014 : vector<16xf32> to vector<16xf32>
    %add3A_1016 = arith.addf %add3A_992, %get3A_1015 : vector<16xf32>
    %add3A_1017 = arith.constant 16 : i32
    %add3A_1018 = arith.addi %add3A_1010, %add3A_1017 : i32
    %get3A_1019 = arith.index_cast %add3A_1018 : i32 to index
    %get3A_1020 = tpu.vector_load %arg10[%get3A_1019] {strides = array<i32>} : memref<3072xf32, #tpu.memory_space<vmem>>, vector<16xf32>,
    %get3A_1021 = vector.shape_cast %get3A_1020 : vector<16xf32> to vector<16xf32>
    %add3A_1022 = arith.addf %add3A_998, %get3A_1021 : vector<16xf32>
    %add3A_1023 = arith.constant 32 : i32
    %add3A_1024 = arith.addi %add3A_1010, %add3A_1023 : i32
    %get3A_1025 = arith.index_cast %add3A_1024 : i32 to index
    %get3A_1026 = tpu.vector_load %arg10[%get3A_1025] {strides = array<i32>} : memref<3072xf32, #tpu.memory_space<vmem>>, vector<16xf32>,
    %get3A_1027 = vector.shape_cast %get3A_1026 : vector<16xf32> to vector<16xf32>
    %add3A_1028 = arith.addf %add3A_1004, %get3A_1027 : vector<16xf32>
    %mul3A_1029 = arith.constant 3 : i32
    %mul3A_1030 = arith.muli %select_n3A_933, %mul3A_1029 : i32
    %mul3A_1031 = arith.constant 16 : i32
    %mul3A_1032 = arith.muli %mul3A_1030, %mul3A_1031 : i32
    %add3A_1033 = arith.constant 768 : i32
    %add3A_1034 = arith.addi %add3A_1033, %mul3A_1032 : i32
    %add3A_1035 = arith.constant 0 : i32
    %add3A_1036 = arith.addi %add3A_1034, %add3A_1035 : i32
    %get3A_1037 = arith.index_cast %add3A_1036 : i32 to index
    %get3A_1038 = tpu.vector_load %arg10[%get3A_1037] {strides = array<i32>} : memref<3072xf32, #tpu.memory_space<vmem>>, vector<16xf32>,
    %get3A_1039 = vector.shape_cast %get3A_1038 : vector<16xf32> to vector<16xf32>
    %add3A_1040 = arith.addf %add3A_1016, %get3A_1039 : vector<16xf32>
    %add3A_1041 = arith.constant 16 : i32
    %add3A_1042 = arith.addi %add3A_1034, %add3A_1041 : i32
    %get3A_1043 = arith.index_cast %add3A_1042 : i32 to index
    %get3A_1044 = tpu.vector_load %arg10[%get3A_1043] {strides = array<i32>} : memref<3072xf32, #tpu.memory_space<vmem>>, vector<16xf32>,
    %get3A_1045 = vector.shape_cast %get3A_1044 : vector<16xf32> to vector<16xf32>
    %add3A_1046 = arith.addf %add3A_1022, %get3A_1045 : vector<16xf32>
    %add3A_1047 = arith.constant 32 : i32
    %add3A_1048 = arith.addi %add3A_1034, %add3A_1047 : i32
    %get3A_1049 = arith.index_cast %add3A_1048 : i32 to index
    %get3A_1050 = tpu.vector_load %arg10[%get3A_1049] {strides = array<i32>} : memref<3072xf32, #tpu.memory_space<vmem>>, vector<16xf32>,
    %get3A_1051 = vector.shape_cast %get3A_1050 : vector<16xf32> to vector<16xf32>
    %add3A_1052 = arith.addf %add3A_1028, %get3A_1051 : vector<16xf32>
    %mul3A_1053 = arith.constant 3 : i32
    %mul3A_1054 = arith.muli %select_n3A_933, %mul3A_1053 : i32
    %mul3A_1055 = arith.constant 16 : i32
    %mul3A_1056 = arith.muli %mul3A_1054, %mul3A_1055 : i32
    %add3A_1057 = arith.constant 1152 : i32
    %add3A_1058 = arith.addi %add3A_1057, %mul3A_1056 : i32
    %add3A_1059 = arith.constant 0 : i32
    %add3A_1060 = arith.addi %add3A_1058, %add3A_1059 : i32
    %get3A_1061 = arith.index_cast %add3A_1060 : i32 to index
    %get3A_1062 = tpu.vector_load %arg10[%get3A_1061] {strides = array<i32>} : memref<3072xf32, #tpu.memory_space<vmem>>, vector<16xf32>,
    %get3A_1063 = vector.shape_cast %get3A_1062 : vector<16xf32> to vector<16xf32>
    %add3A_1064 = arith.addf %add3A_1040, %get3A_1063 : vector<16xf32>
    %add3A_1065 = arith.constant 16 : i32
    %add3A_1066 = arith.addi %add3A_1058, %add3A_1065 : i32
    %get3A_1067 = arith.index_cast %add3A_1066 : i32 to index
    %get3A_1068 = tpu.vector_load %arg10[%get3A_1067] {strides = array<i32>} : memref<3072xf32, #tpu.memory_space<vmem>>, vector<16xf32>,
    %get3A_1069 = vector.shape_cast %get3A_1068 : vector<16xf32> to vector<16xf32>
    %add3A_1070 = arith.addf %add3A_1046, %get3A_1069 : vector<16xf32>
    %add3A_1071 = arith.constant 32 : i32
    %add3A_1072 = arith.addi %add3A_1058, %add3A_1071 : i32
    %get3A_1073 = arith.index_cast %add3A_1072 : i32 to index
    %get3A_1074 = tpu.vector_load %arg10[%get3A_1073] {strides = array<i32>} : memref<3072xf32, #tpu.memory_space<vmem>>, vector<16xf32>,
    %get3A_1075 = vector.shape_cast %get3A_1074 : vector<16xf32> to vector<16xf32>
    %add3A_1076 = arith.addf %add3A_1052, %get3A_1075 : vector<16xf32>
    %mul3A_1077 = arith.constant 3 : i32
    %mul3A_1078 = arith.muli %select_n3A_933, %mul3A_1077 : i32
    %mul3A_1079 = arith.constant 16 : i32
    %mul3A_1080 = arith.muli %mul3A_1078, %mul3A_1079 : i32
    %add3A_1081 = arith.constant 1536 : i32
    %add3A_1082 = arith.addi %add3A_1081, %mul3A_1080 : i32
    %add3A_1083 = arith.constant 0 : i32
    %add3A_1084 = arith.addi %add3A_1082, %add3A_1083 : i32
    %get3A_1085 = arith.index_cast %add3A_1084 : i32 to index
    %get3A_1086 = tpu.vector_load %arg10[%get3A_1085] {strides = array<i32>} : memref<3072xf32, #tpu.memory_space<vmem>>, vector<16xf32>,
    %get3A_1087 = vector.shape_cast %get3A_1086 : vector<16xf32> to vector<16xf32>
    %add3A_1088 = arith.addf %add3A_1064, %get3A_1087 : vector<16xf32>
    %add3A_1089 = arith.constant 16 : i32
    %add3A_1090 = arith.addi %add3A_1082, %add3A_1089 : i32
    %get3A_1091 = arith.index_cast %add3A_1090 : i32 to index
    %get3A_1092 = tpu.vector_load %arg10[%get3A_1091] {strides = array<i32>} : memref<3072xf32, #tpu.memory_space<vmem>>, vector<16xf32>,
    %get3A_1093 = vector.shape_cast %get3A_1092 : vector<16xf32> to vector<16xf32>
    %add3A_1094 = arith.addf %add3A_1070, %get3A_1093 : vector<16xf32>
    %add3A_1095 = arith.constant 32 : i32
    %add3A_1096 = arith.addi %add3A_1082, %add3A_1095 : i32
    %get3A_1097 = arith.index_cast %add3A_1096 : i32 to index
    %get3A_1098 = tpu.vector_load %arg10[%get3A_1097] {strides = array<i32>} : memref<3072xf32, #tpu.memory_space<vmem>>, vector<16xf32>,
    %get3A_1099 = vector.shape_cast %get3A_1098 : vector<16xf32> to vector<16xf32>
    %add3A_1100 = arith.addf %add3A_1076, %get3A_1099 : vector<16xf32>
    %mul3A_1101 = arith.constant 3 : i32
    %mul3A_1102 = arith.muli %select_n3A_933, %mul3A_1101 : i32
    %mul3A_1103 = arith.constant 16 : i32
    %mul3A_1104 = arith.muli %mul3A_1102, %mul3A_1103 : i32
    %add3A_1105 = arith.constant 1920 : i32
    %add3A_1106 = arith.addi %add3A_1105, %mul3A_1104 : i32
    %add3A_1107 = arith.constant 0 : i32
    %add3A_1108 = arith.addi %add3A_1106, %add3A_1107 : i32
    %get3A_1109 = arith.index_cast %add3A_1108 : i32 to index
    %get3A_1110 = tpu.vector_load %arg10[%get3A_1109] {strides = array<i32>} : memref<3072xf32, #tpu.memory_space<vmem>>, vector<16xf32>,
    %get3A_1111 = vector.shape_cast %get3A_1110 : vector<16xf32> to vector<16xf32>
    %add3A_1112 = arith.addf %add3A_1088, %get3A_1111 : vector<16xf32>
    %add3A_1113 = arith.constant 16 : i32
    %add3A_1114 = arith.addi %add3A_1106, %add3A_1113 : i32
    %get3A_1115 = arith.index_cast %add3A_1114 : i32 to index
    %get3A_1116 = tpu.vector_load %arg10[%get3A_1115] {strides = array<i32>} : memref<3072xf32, #tpu.memory_space<vmem>>, vector<16xf32>,
    %get3A_1117 = vector.shape_cast %get3A_1116 : vector<16xf32> to vector<16xf32>
    %add3A_1118 = arith.addf %add3A_1094, %get3A_1117 : vector<16xf32>
    %add3A_1119 = arith.constant 32 : i32
    %add3A_1120 = arith.addi %add3A_1106, %add3A_1119 : i32
    %get3A_1121 = arith.index_cast %add3A_1120 : i32 to index
    %get3A_1122 = tpu.vector_load %arg10[%get3A_1121] {strides = array<i32>} : memref<3072xf32, #tpu.memory_space<vmem>>, vector<16xf32>,
    %get3A_1123 = vector.shape_cast %get3A_1122 : vector<16xf32> to vector<16xf32>
    %add3A_1124 = arith.addf %add3A_1100, %get3A_1123 : vector<16xf32>
    %mul3A_1125 = arith.constant 3 : i32
    %mul3A_1126 = arith.muli %select_n3A_933, %mul3A_1125 : i32
    %mul3A_1127 = arith.constant 16 : i32
    %mul3A_1128 = arith.muli %mul3A_1126, %mul3A_1127 : i32
    %add3A_1129 = arith.constant 2304 : i32
    %add3A_1130 = arith.addi %add3A_1129, %mul3A_1128 : i32
    %add3A_1131 = arith.constant 0 : i32
    %add3A_1132 = arith.addi %add3A_1130, %add3A_1131 : i32
    %get3A_1133 = arith.index_cast %add3A_1132 : i32 to index
    %get3A_1134 = tpu.vector_load %arg10[%get3A_1133] {strides = array<i32>} : memref<3072xf32, #tpu.memory_space<vmem>>, vector<16xf32>,
    %get3A_1135 = vector.shape_cast %get3A_1134 : vector<16xf32> to vector<16xf32>
    %add3A_1136 = arith.addf %add3A_1112, %get3A_1135 : vector<16xf32>
    %add3A_1137 = arith.constant 16 : i32
    %add3A_1138 = arith.addi %add3A_1130, %add3A_1137 : i32
    %get3A_1139 = arith.index_cast %add3A_1138 : i32 to index
    %get3A_1140 = tpu.vector_load %arg10[%get3A_1139] {strides = array<i32>} : memref<3072xf32, #tpu.memory_space<vmem>>, vector<16xf32>,
    %get3A_1141 = vector.shape_cast %get3A_1140 : vector<16xf32> to vector<16xf32>
    %add3A_1142 = arith.addf %add3A_1118, %get3A_1141 : vector<16xf32>
    %add3A_1143 = arith.constant 32 : i32
    %add3A_1144 = arith.addi %add3A_1130, %add3A_1143 : i32
    %get3A_1145 = arith.index_cast %add3A_1144 : i32 to index
    %get3A_1146 = tpu.vector_load %arg10[%get3A_1145] {strides = array<i32>} : memref<3072xf32, #tpu.memory_space<vmem>>, vector<16xf32>,
    %get3A_1147 = vector.shape_cast %get3A_1146 : vector<16xf32> to vector<16xf32>
    %add3A_1148 = arith.addf %add3A_1124, %get3A_1147 : vector<16xf32>
    %mul3A_1149 = arith.constant 3 : i32
    %mul3A_1150 = arith.muli %select_n3A_933, %mul3A_1149 : i32
    %mul3A_1151 = arith.constant 16 : i32
    %mul3A_1152 = arith.muli %mul3A_1150, %mul3A_1151 : i32
    %add3A_1153 = arith.constant 2688 : i32
    %add3A_1154 = arith.addi %add3A_1153, %mul3A_1152 : i32
    %add3A_1155 = arith.constant 0 : i32
    %add3A_1156 = arith.addi %add3A_1154, %add3A_1155 : i32
    %get3A_1157 = arith.index_cast %add3A_1156 : i32 to index
    %get3A_1158 = tpu.vector_load %arg10[%get3A_1157] {strides = array<i32>} : memref<3072xf32, #tpu.memory_space<vmem>>, vector<16xf32>,
    %get3A_1159 = vector.shape_cast %get3A_1158 : vector<16xf32> to vector<16xf32>
    %add3A_1160 = arith.addf %add3A_1136, %get3A_1159 : vector<16xf32>
    %add3A_1161 = arith.constant 16 : i32
    %add3A_1162 = arith.addi %add3A_1154, %add3A_1161 : i32
    %get3A_1163 = arith.index_cast %add3A_1162 : i32 to index
    %get3A_1164 = tpu.vector_load %arg10[%get3A_1163] {strides = array<i32>} : memref<3072xf32, #tpu.memory_space<vmem>>, vector<16xf32>,
    %get3A_1165 = vector.shape_cast %get3A_1164 : vector<16xf32> to vector<16xf32>
    %add3A_1166 = arith.addf %add3A_1142, %get3A_1165 : vector<16xf32>
    %add3A_1167 = arith.constant 32 : i32
    %add3A_1168 = arith.addi %add3A_1154, %add3A_1167 : i32
    %get3A_1169 = arith.index_cast %add3A_1168 : i32 to index
    %get3A_1170 = tpu.vector_load %arg10[%get3A_1169] {strides = array<i32>} : memref<3072xf32, #tpu.memory_space<vmem>>, vector<16xf32>,
    %get3A_1171 = vector.shape_cast %get3A_1170 : vector<16xf32> to vector<16xf32>
    %add3A_1172 = arith.addf %add3A_1148, %get3A_1171 : vector<16xf32>
    %broadcast_in_dim3A_1173 = arith.constant 1.000000e+00 : f32
    %broadcast_in_dim3A_1174 = vector.broadcast %broadcast_in_dim3A_1173 : f32 to vector<16xf32>
    %div3A_1175 = arith.divf %add3A_1166, %add3A_1160 : vector<16xf32>
    %mul3A_1176 = arith.constant 2.000000e+00 : f32
    %mul3A_1177 = vector.broadcast %mul3A_1176 : f32 to vector<16xf32>
    %mul3A_1178 = arith.mulf %mul3A_1177, %div3A_1175 : vector<16xf32>
    %add3A_1179 = arith.addf %mul3A_1178, %broadcast_in_dim3A_1174 : vector<16xf32>
    %add3A_1180 = arith.constant 2.000000e+00 : f32
    %add3A_1181 = vector.broadcast %add3A_1180 : f32 to vector<16xf32>
    %add3A_1182 = arith.addf %add3A_1172, %add3A_1181 : vector<16xf32>
    %div3A_1183 = arith.divf %add3A_1179, %add3A_1182 : vector<16xf32>
    %sub3A_1184 = arith.subf %broadcast_in_dim3A_1174, %div3A_1183 : vector<16xf32>
    %swap3A_1185 = arith.constant 0 : index
    %swap3A_1186 = tpu.vector_load %arg11[%swap3A_1185] {strides = array<i32>} : memref<16xf32, #tpu.memory_space<vmem>>, vector<16xf32>,
    %swap3A_1187 = vector.shape_cast %swap3A_1186 : vector<16xf32> to vector<16xf32>
    %swap3A_1188 = vector.shape_cast %sub3A_1184 : vector<16xf32> to vector<16xf32>
    tpu.vector_store %arg11[%swap3A_1185], %swap3A_1188 {strides = array<i32>} : memref<16xf32, #tpu.memory_space<vmem>>, vector<16xf32>,
    %add3A_1189 = arith.addi %mul3A_32, %select_n3A_933 : i32
    "tpu.region"() ({
      %run_scoped3A = tpu.sem_alloc : memref<!tpu.dma_semaphore, #tpu.memory_space<semaphore_mem>>
      %dma_start3A_1190 = arith.constant 0 : i32
      %dma_start3A_1191 = tpu.memref_slice %arg4[%add3A_1189, %dma_start3A_1190] : memref<32x16xf32, #tpu.memory_space<hbm>> -> memref<1x16xf32, #tpu.memory_space<hbm>>
      %dma_start3A_1192 = tpu.memref_squeeze %dma_start3A_1191 : memref<1x16xf32, #tpu.memory_space<hbm>> -> memref<16xf32, #tpu.memory_space<hbm>>
      %dma_start3A_1193 = arith.constant 0 : i32
      %dma_start3A_1194 = tpu.memref_slice %arg4[%add3A_1189, %dma_start3A_1193] : memref<32x16xf32, #tpu.memory_space<hbm>> -> memref<1x16xf32, #tpu.memory_space<hbm>>
      %dma_start3A_1195 = tpu.memref_squeeze %dma_start3A_1194 : memref<1x16xf32, #tpu.memory_space<hbm>> -> memref<16xf32, #tpu.memory_space<hbm>>
      tpu.enqueue_dma source(%arg11 : memref<16xf32, #tpu.memory_space<vmem>>) target(%dma_start3A_1195 : memref<16xf32, #tpu.memory_space<hbm>>) target_semaphore(%run_scoped3A : memref<!tpu.dma_semaphore, #tpu.memory_space<semaphore_mem>>)
      %dma_wait3A = arith.constant 0 : i32
      %dma_wait3A_1196 = tpu.memref_slice %arg4[%add3A_1189, %dma_wait3A] : memref<32x16xf32, #tpu.memory_space<hbm>> -> memref<1x16xf32, #tpu.memory_space<hbm>>
      %dma_wait3A_1197 = tpu.memref_squeeze %dma_wait3A_1196 : memref<1x16xf32, #tpu.memory_space<hbm>> -> memref<16xf32, #tpu.memory_space<hbm>>
      %dma_wait3A_1198 = arith.constant 0 : i32
      %dma_wait3A_1199 = tpu.memref_slice %arg4[%add3A_1189, %dma_wait3A_1198] : memref<32x16xf32, #tpu.memory_space<hbm>> -> memref<1x16xf32, #tpu.memory_space<hbm>>
      %dma_wait3A_1200 = tpu.memref_squeeze %dma_wait3A_1199 : memref<1x16xf32, #tpu.memory_space<hbm>> -> memref<16xf32, #tpu.memory_space<hbm>>
      tpu.wait_dma2 semaphore(%run_scoped3A : memref<!tpu.dma_semaphore, #tpu.memory_space<semaphore_mem>>) src(%arg11 : memref<16xf32, #tpu.memory_space<vmem>>) dst(%dma_wait3A_1200 : memref<16xf32, #tpu.memory_space<hbm>>)
      tpu.yield
    }) : () -> ()
    return
  }
}

</mosaic_0001>

<sc_bundles>
// kernel: kernel.3.cloned.1.call-start
scs
__scs_entry_jumppad:
0x0: {  	(pc) =	sbr.rel $0x88, $3  }
0x1: {  	(tag) =	ssettag $0x0;
	lr =	simm.s32 $0x1  }
0x2: {  	[smem:$0x3F9F] =	sst lr;
	_ =	strace $0xD0000000  }
0x3: {  	_ = 	snop  }
0x4: {  	_ = 	snop  }
0x5: {  	_ = 	snop  }
0x6: {  	_ = 	snop  }
0x7: {  	_ = 	snop  }
__scs_overlays_trampoline_lowered:
0x8: {  	[smem:$0x3FAE] =	sst s0  }
0x9: {  	[smem:$0x3FAF] =	sst s1  }
0xa: {  	[smem:$0x3FB0] =	sst s2  }
0xb: {  	[smem:$0x3FB1] =	sst s3  }
0xc: {  	[smem:$0x3FB2] =	sst s4  }
0xd: {  	[smem:$0x3FB3] =	sst s5  }
0xe: {  	[smem:$0x3FB4] =	sst s6  }
0xf: {  	[smem:$0x3FB5] =	sst s7  }
0x10: {  	[smem:$0x3FB6] =	sst s8  }
0x11: {  	[smem:$0x3FB7] =	sst s9;
	s0 =	simm.s32 @!p0 $0x0  }
0x12: {  	s1 =	sld [smem:$0x3F9D];
	s0 =	simm.s32 @p0 $0x1  }
0x13: {  	[smem:$0x3FB8] =	sst s0;
	s0 =	simm.s32 @!p1 $0x0  }
0x14: {  	s2 =	sld [smem:$0x3F9C];
	s0 =	simm.s32 @p1 $0x1  }
0x15: {  	[smem:$0x3FB9] =	sst s0;
	s0 =	simm.s32 @!p2 $0x0  }
0x16: {  	s3 =	sld [smem:$0x3FDB];
	s0 =	simm.s32 @p2 $0x1  }
0x17: {  	s4 =	simm.s32 $0x1BF5;
	[smem:$0x3FBB] =	sst s0  }
0x18: {  	s0 =	sld [smem:$0x3F9E];
	_ =	swait.ge [sflag:s4], $0x0  }
0x19: {  	s7 =	sld [smem:$0x3F9F]  }
0x1a: {  	s8 =	sadd.s32 $0xFFFFE003, lr  }
0x1b: {  	s9 =	sadd.s32 $0xFFFFFEF7, lr;
	s5 =	simm.s32 $0xFFFFFFFF;
	p2 =	slt.u32 s8, $0xFFFFF086  }
0x1c: {  	p1 =	slt.u32 s9, $0xF7A;
	s5 =	simm.s32 @!p2 $0x0  }
0x1d: {  	s5 =	simm.s32 @p1 $0x1;
	p0 =	seq.s32 s7, s2  }
0x1e: {  	s7 =	smul.u32 @!p0 $0xF7A, s2;
	p2 =	seq.s32 @!p0 s5, $0x0  }
0x1f: {  	s9 =	smul.u32 $0xF7A, s1;
	s8 =	simm.s32 @!p0 $0x1BF5;
	p2 =	por !p2, p0  }
0x20: {  	[sflag:s8] =	ssyncset.s32 @!p0 $0xFFFFF086;
	s6 =	sadd.s32 @!p0 s3, s7;
	s7 =	simm.s32 @!p0 $0x108  }
0x21: {  	s3 =	sadd.s32 s3, s9;
	s6 =	sadd.s32 @!p0 $0x88, s6;
	s7 =	simm.s32 @p2 $0x1082  }
0x22: {  	[simem:s7], [sflag:s8] =	dma.local @!p0 [hbm:s6], $0xF7A  }
0x23: {  	s9 =	sor.u32 $0xD0000000, s2;
	s6 =	simm.s32 $0x108;
	_ =	swait.ge @!p0 [sflag:s8], $0x0  }
0x24: {  	s3 =	sadd.s32 $0x88, s3;
	s6 =	simm.s32 @!p1 $0x1082;
	[sflag:s4] =	ssyncset.s32 $0xFFFFF086  }
0x25: {  	[simem:s6], [sflag:s4] =	dma.local [hbm:s3], $0xF7A  }
0x26: {  	[smem:$0x3F9F] =	sst s1;
	(tag) =	ssettag s2;
	_ =	strace s9  }
0x27: {  	s1 =	sld [smem:$0x3FAF]  }
0x28: {  	s2 =	sld [smem:$0x3FB0]  }
0x29: {  	s4 =	sld [smem:$0x3FB2]  }
0x2a: {  	p0 =	seq.s32 s5, $0x0;
	s5 =	sld [smem:$0x3FB3]  }
0x2b: {  	s6 =	sld [smem:$0x3FB4]  }
0x2c: {  	s7 =	sld [smem:$0x3FB5]  }
0x2d: {  	s3 =	simm.s32 $0x108;
	s8 =	sld [smem:$0x3FB6]  }
0x2e: {  	s3 =	simm.s32 @!p0 $0x1082;
	s9 =	sld [smem:$0x3FB7]  }
0x2f: {  	lr =	sadd.s32 s0, s3;
	s0 =	sld [smem:$0x3FAE]  }
0x30: {  	s3 =	sld [smem:$0x3FB1]  }
0x31: {  	[smem:$0x3FBA] =	sst s10  }
0x32: {  	s10 =	sld [smem:$0x3FB8];
	_ =	sdelay $0x3  }
0x33: {  	p0 =	seq.s32 s10, $0x1;
	s10 =	sld [smem:$0x3FBA];
	_ =	sdelay $0x3  }
0x34: {  	[smem:$0x3FBA] =	sst s10  }
0x35: {  	s10 =	sld [smem:$0x3FB9];
	_ =	sdelay $0x3  }
0x36: {  	p1 =	seq.s32 s10, $0x1;
	s10 =	sld [smem:$0x3FBA];
	_ =	sdelay $0x3  }
0x37: {  	[smem:$0x3FBA] =	sst s10  }
0x38: {  	s10 =	sld [smem:$0x3FBB]  }
0x39: {  	_ = 	snop;
	(pc) =	sbr.ind lr, $3  }
0x3a: {  	_ = 	snop  }
0x3b: {  	_ = 	snop  }
0x3c: {  	p2 =	seq.s32 s10, $0x1;
	s10 =	sld [smem:$0x3FBA]  }
0x3d: {  	_ =	shalt  }
0x3e: {  	_ =	shalt  }
0x3f: {  	_ =	shalt  }
0x40: {  	_ =	shalt  }
0x41: {  	_ =	shalt  }
0x42: {  	_ =	shalt  }
0x43: {  	_ =	shalt  }
0x44: {  	_ =	shalt  }
0x45: {  	_ =	shalt  }
0x46: {  	_ =	shalt  }
0x47: {  	_ =	shalt  }
0x48: {  	_ =	shalt  }
0x49: {  	_ =	shalt  }
0x4a: {  	_ =	shalt  }
0x4b: {  	_ =	shalt  }
0x4c: {  	_ =	shalt  }
0x4d: {  	_ =	shalt  }
0x4e: {  	_ =	shalt  }
0x4f: {  	_ =	shalt  }
0x50: {  	_ =	shalt  }
0x51: {  	_ =	shalt  }
0x52: {  	_ =	shalt  }
0x53: {  	_ =	shalt  }
0x54: {  	_ =	shalt  }
0x55: {  	_ =	shalt  }
0x56: {  	_ =	shalt  }
0x57: {  	_ =	shalt  }
0x58: {  	_ =	shalt  }
0x59: {  	_ =	shalt  }
0x5a: {  	_ =	shalt  }
0x5b: {  	_ =	shalt  }
0x5c: {  	_ =	shalt  }
0x5d: {  	_ =	shalt  }
0x5e: {  	_ =	shalt  }
0x5f: {  	_ =	shalt  }
0x60: {  	_ =	shalt  }
0x61: {  	_ =	shalt  }
0x62: {  	_ =	shalt  }
0x63: {  	_ =	shalt  }
0x64: {  	_ =	shalt  }
0x65: {  	_ =	shalt  }
0x66: {  	_ =	shalt  }
0x67: {  	_ =	shalt  }
0x68: {  	_ =	shalt  }
0x69: {  	_ =	shalt  }
0x6a: {  	_ =	shalt  }
0x6b: {  	_ =	shalt  }
0x6c: {  	_ =	shalt  }
0x6d: {  	_ =	shalt  }
0x6e: {  	_ =	shalt  }
0x6f: {  	_ =	shalt  }
0x70: {  	_ =	shalt  }
0x71: {  	_ =	shalt  }
0x72: {  	_ =	shalt  }
0x73: {  	_ =	shalt  }
0x74: {  	_ =	shalt  }
0x75: {  	_ =	shalt  }
0x76: {  	_ =	shalt  }
0x77: {  	_ =	shalt  }
0x78: {  	_ =	shalt  }
0x79: {  	_ =	shalt  }
0x7a: {  	_ =	shalt  }
0x7b: {  	_ =	shalt  }
0x7c: {  	_ =	shalt  }
0x7d: {  	_ =	shalt  }
0x7e: {  	_ =	shalt  }
0x7f: {  	_ =	shalt  }
0x80: {  	_ =	shalt  }
0x81: {  	_ =	shalt  }
0x82: {  	_ =	shalt  }
0x83: {  	_ =	shalt  }
0x84: {  	_ =	shalt  }
0x85: {  	_ =	shalt  }
0x86: {  	_ =	shalt  }
0x87: {  	_ =	shalt  }
.Lfunc_end0:
.L_simem_size_0:
called_computation_lowered:
.L_overlay_start_0:
0x88: {  	s2 =	sld [smem:$0x3FD9]  }
0x89: {  	s3 =	sld [smem:$0x3FFE];
	_ =	sdelay $0x1  }
0x8a: {  	s1 =	srdreg.scid  }
0x8b: {  	s0 =	sand.u32 $0x1, s1  }
0x8c: {  	s17 =	sshll.u32 s0, $0xA;
	s2 =	sadd.s32 s3, s2  }
0x8d: {  	s2 =	sadd.s32 s2, s17  }
0x8e: {  	[smem:$0x3FC6] =	sst s2  }
0x8f: {  	_ = 	snop  }
0x90: {  	s2 =	sld [smem:$0x3FC9]  }
0x91: {  	s18 =	sld [smem:$0x3FC8];
	(tm) =	ssettm $0x1  }
0x92: {  	s4 =	sld [smem:$0x3FFB];
	_ =	sdelay $0x3  }
0x93: {  	_ =	strace s4  }
0x94: {  	s4 =	sld [smem:$0x3FFC];
	_ =	sdelay $0x3  }
0x95: {  	_ =	strace s4  }
0x96: {  	s4 =	sld [smem:$0x3FFD];
	_ =	sdelay $0x3  }
0x97: {  	_ =	strace s4  }
0x98: {  	_ =	strace $0x8FFFFFFF  }
0x99: {  	s19 =	sld [smem:$0x3FDB];
	_ =	sdelay $0x1  }
0x9a: {  	s5 =	simm.s32 $_scs_section_size  }
0x9b: {  	s6 =	simm.s32 $_size__tile_overlayer_lowered;
	s7 =	simm.s32 $_tile_overlayer_lowered  }
0x9c: {  	s22 =	simm.s32 $0x1BFF;
	s21 =	sshll.u32 s7, $0x1;
	s4 =	sadd.s32 s5, s19  }
0x9d: {  	s8 =	simm.s32 $0x0;
	s20 =	sshll.u32 s6, $0x1;
	s6 =	sadd.s32 s21, s4  }
0x9e: {  	[timem:s8], [sflag:s22] =	dma.local [hbm:s6], s20  }
0x9f: {  	_ =	swait.ge [sflag:s22], s20  }
0xa0: {  	s5 =	ssub.s32 $0x0, s20;
	[sflag:s22] =	ssyncset.done $0x0  }
0xa1: {  	[sflag:s22] =	ssyncadd.s32 s5;
	_ =	sdelay $0x1  }
0xa2: {  	s23 =	simm.s32 $0x1B8B  }
0xa3: {  	_ =	swait.ge [sflag:s23], $0x1  }
0xa4: {  	[sflag:s23] =	ssyncset.done $0x0  }
0xa5: {  	s25 =	simm.s32 $0x1B8E;
	s24 =	sld [smem:$0x3FFE];
	[sflag:s23] =	ssyncadd.s32 $0xFFFFFFFF  }
0xa6: {  	s26 =	simm.s32 $execute0_lowered;
	[smem:$0x3FD2] =	sst s25  }
0xa7: {  	s6 =	sshll.u32 s26, $0x1;
	_ =	strace $0x80000046;
	[dreg:$0x1] =	wrdreg $0xFFFFFFFF  }
0xa8: {  	s28 =	simm.s32 $_size_execute0_lowered;
	s4 =	sadd.s32 s4, s6;
	[dreg:$0x0] =	wrdreg $0x0  }
0xa9: {  	s6 =	sshll.u32 s28, $0x1;
	[dreg:$0x2] =	wrdreg s4  }
0xaa: {  	[dreg:$0x3] =	wrdreg s6  }
0xab: {  	[dreg:$0x4] =	wrdreg $0xC0  }
0xac: {  	_ =	task [dreg:s8], $0x5FFFF  }
0xad: {  	[dreg:$0x1] =	wrdreg $0xFFFFFFFF  }
0xae: {  	[dreg:$0x0] =	wrdreg $0x60  }
0xaf: {  	[dreg:$0x2] =	wrdreg s2  }
0xb0: {  	[dreg:$0x3] =	wrdreg s18  }
0xb1: {  	[dreg:$0x4] =	wrdreg s24  }
0xb2: {  	[dreg:$0x5] =	wrdreg $0x10E000  }
0xb3: {  	[dreg:$0x6] =	wrdreg $0x9  }
0xb4: {  	_ =	task.clear_ibuf [dreg:s8], $0x7FFFF;
	_ =	strace $0x90000046  }
0xb5: {  	s29 =	simm.s32 $0x9;
	_ =	strace $0x80000048  }
0xb6: {  	_ =	swait.ge [sflag:s29], $0x1  }
0xb7: {  	[sflag:s29] =	ssyncadd.s32 $0xFFFFFFFF  }
0xb8: {  	_ =	strace $0x90000048  }
0xb9: {  	_ =	sfence  }
0xba: {  	s30 =	sld [smem:$0x0];
	_ =	sdelay $0x2  }
0xbb: {  	s31 =	sshll.u32 s1, $0xD;
	s1 =	sshrl.u32 s1, $0x2  }
0xbc: {  	s3 =	sand.u32 $0x4000, s31;
	s1 =	sadd.s32 s1, s30  }
0xbd: {  	s0 =	sor.u32 s3, s0;
	s1 =	sshll.u32 s1, $0x11  }
0xbe: {  	s0 =	sor.u32 s1, s0  }
0xbf: {  	s0 =	sadd.s32 $0x8F2B, s0  }
0xc0: {  	[sflag:s0] =	ssyncadd.remote.s32 $0x1  }
0xc1: {  	_ =	sfence.sel $0xFFFF  }
0xc2: {  	[dreg:$0x0] =	wrdreg $0xFFFFFFFF;
	(pc) =	sbr.abs _section_cstart, $3  }
0xc3: {  	[dreg:$0x1] =	wrdreg $0xFFFFFFFF  }
0xc4: {  	_ =	task.clear_ibuf [dreg:s8], $0x2FFFF;
	_ =	strace $0x9FFFFFFF  }
0xc5: {  	(tm) =	ssettm $0x7FFFFFFF  }
tec
execute0_lowered:
.L_overlay_start_1:
0x0: {  	(tag) =	ssettag $0x1  }
0x1: {  	s1 =	rddreg [dreg:$0x0]  }
0x2: {  	s2 =	rddreg [dreg:$0x1]  }
0x3: {  	s0 =	rddreg [dreg:$0x2]  }
0x4: {  	s3 =	rddreg [dreg:$0x3];
	s5 =	srdreg.scid  }
0x5: {  	s4 =	simm.s32 $0x0;
	s10 =	stileid.u32;
	s31 =	simm.s32 $0x4000  }
0x6: {  	s30 =	simm.s32 $0x3;
	s5 =	sand.u32 $0x1, s5;
	[smem:$0x7FF] =	sst s4  }
0x7: {  	s7 =	sand.u32 $0x8, s10;
	s8 =	sand.u32 $0x7, s10;
	s23 =	sshrl.u32 s10, $0x3  }
0x8: {  	s10 =	smul.u32 $0x600, s10;
	s6 =	sshll.u32 s5, $0x4;
	s5 =	ssub.s32 $0x2, s5  }
0x9: {  	_ =	strace $0x80000047;
	s6 =	sor.u32 s7, s6;
	s7 =	smul.u32 $0x3000, s23  }
0xa: {  	s22 =	sshrl.u32 s5, $0x1;
	s26 =	sshrl.u32 s10, $0x2;
	s10 =	smul.u32 $0x30, s8  }
0xb: {  	s6 =	sor.u32 s8, s6;
	s5 =	ssub.s32 s5, s22;
	s13 =	sadd.s32 s26, s3  }
0xc: {  	s8 =	simm.s32 $0x0;
	s9 =	sshll.u32 s6, $0xF;
	s25 =	sshll.u32 s6, $0x12  }
0xd: {  	s7 =	sshrl.u32 s7, $0x2;
	[dreg:$0x9] =	wrdreg s13;
	s15 =	sadd.s32 $0x180, s10  }
0xe: {  	s16 =	sand.u32 $0x70, s10;
	s17 =	sadd.s32 $0x300, s10;
	s19 =	sadd.s32 $0x480, s10  }
0xf: {  	s21 =	sadd.s32 $0x780, s10;
	s23 =	sadd.s32 $0x900, s10;
	s6 =	sshll.u32 s6, $0x4  }
0x10: {  	v0 =	vimm.s32 $0xEFCDAB89;
	s11 =	sadd.s32 s1, s9;
	s24 =	sadd.s32 s2, s9;
	s9 =	sor.u32 $0x800, s9  }
0x11: {  	v1 =	vimm.s32 $0x67452301;
	v2 =	vimm.s32 $0xDCFE98BA;
	s13 =	sadd.s32 s7, s3;
	s18 =	sand.u32 $0x780, s17;
	s20 =	sand.u32 $0x780, s19  }
0x12: {  	v3 =	vimm.s32 $0x54761032;
	v4 =	vimm.s32 $0xBA98FEDC;
	s22 =	sand.u32 $0xF80, s21;
	s7 =	simm.s32 $0x5;
	[dreg:$0x5] =	wrdreg s11  }
0x13: {  	v5 =	vimm.s32 $0x32107654;
	v6 =	vimm.s32 $0xFEDCBA98;
	v7 =	vimm.s32 $0x76543210;
	[dreg:$0x6] =	wrdreg s24;
	s12 =	sadd.s32 s1, s9;
	s9 =	sadd.s32 s2, s9  }
0x14: {  	v0 =	vunpack.c.l.s4.s8 v0;
	v1 =	vunpack.c.l.s4.s8 v1;
	v2 =	vunpack.c.l.s4.s8 v2;
	s11 =	sor.u32 $0xC000, s25;
	s3 =	sadd.s32 $0x180, s13;
	s14 =	sadd.s32 $0x300, s13  }
0x15: {  	v3 =	vunpack.c.l.s4.s8 v3;
	v4 =	vunpack.c.l.s4.s8 v4;
	v5 =	vunpack.c.l.s4.s8 v5;
	s19 =	sor.u32 s16, s22;
	s24 =	sand.u32 $0xB80, s23;
	s22 =	sadd.s32 $0x480, s13  }
0x16: {  	v6 =	vunpack.c.l.s4.s8 v6;
	v0 =	vunpack.c.0.s8.s32 v0;
	v1 =	vunpack.c.0.s8.s32 v1;
	s23 =	sadd.s32 s0, s6;
	s28 =	sadd.s32 $0x900, s13;
	[dreg:$0x7] =	wrdreg s12  }
0x17: {  	v7 =	vunpack.c.l.s4.s8 v7;
	v2 =	vunpack.c.0.s8.s32 v2;
	v3 =	vunpack.c.0.s8.s32 v3;
	s29 =	sadd.s32 $0xA80, s13;
	s0 =	simm.s32 $0xC000;
	[dreg:$0x8] =	wrdreg s9  }
0x18: {  	v4 =	vunpack.c.0.s8.s32 v4;
	v5 =	vunpack.c.0.s8.s32 v5;
	v0 =	vcombine.low v1, v0;
	s6 =	simm.s32 $0x4;
	s9 =	sor.u32 $0x8000, s25;
	[dreg:$0xa] =	wrdreg s3  }
0x19: {  	v58 =	vunpack.c.0.s8.s32 v6;
	v2 =	vcombine.low v3, v2;
	[dreg:$0xb] =	wrdreg s14;
	s3 =	sand.u32 $0x380, s15;
	s25 =	sadd.s32 $0xA80, s10  }
.Ltmp0:
0x1a: {  	v60 =	vunpack.c.0.s8.s32 v7;
	v59 =	vcombine.low v5, v4;
	v0 =	vand.u32 $0xF, v0;
	s3 =	sor.u32 s16, s3;
	s26 =	sand.u32 $0xF80, s25;
	(pc) =	sbr.rel .LBB2_1-.Ltmp0, $4  }
0x1b: {  	v61 =	vand.u32 $0xF, v58;
	v62 =	vand.u32 $0xF, v2;
	[tilespmem:$0x1FFC0] =	vst v0;
	s25 =	smax.u32 s5, $0x1;
	s5 =	simm.s32 $0x2;
	[dreg:$0xc] =	wrdreg s3  }
0x1c: {  	v63 =	vand.u32 $0xF, v59;
	[tilespmem:$0x1FFD0] =	vst v62;
	v0 =	vcombine.low v61, v60;
	s3 =	sor.u32 s16, s18;
	s21 =	sor.u32 s16, s26;
	s26 =	sadd.s32 $0x780, s13  }
0x1d: {  	[tilespmem:$0x1FFE0] =	vst v63;
	[dreg:$0xd] =	wrdreg s3;
	s3 =	sor.u32 s16, s20;
	s20 =	sor.u32 s16, s24  }
0x1e: {  	[tilespmem:$0x1FFF0] =	vst v0;
	s24 =	sadd.s32 $0x600, s13;
	[dreg:$0xe] =	wrdreg s3;
	s3 =	simm.s32 $0x1  }
.LBB2_8:
0x1f: {  	v32 =	vld [tilespmem:$0x1FFC0];
	_ =	sdelay $0x4  }
0x20: {  	v0 =	vperm.xlane v22, v32  }
0x21: {  	v1 =	vperm.xlane v24, v32;
	v3 =	vperm.xlane v23, v32  }
0x22: {  	v6 =	vmov v23;
	v4 =	vperm.xlane v25, v32;
	v23 =	vld [tilespmem:$0x1FFD0];
	v50 =	vperm.xlane v55, v32  }
0x23: {  	v8 =	vperm.xlane v54, v32;
	v20 =	vperm.xlane v56, v32  }
0x24: {  	v34 =	vperm.xlane v62, v32;
	v0 =	vadd.f32 v0, v22;
	v1 =	vadd.f32 v1, v24  }
0x25: {  	v3 =	vadd.f32 v3, v6;
	v4 =	vadd.f32 v4, v25;
	v22 =	vperm.xlane v51, v32  }
0x26: {  	v36 =	vperm.xlane v60, v32;
	v6 =	vadd.f32 v50, v55;
	v8 =	vadd.f32 v8, v54  }
0x27: {  	v35 =	vadd.f32 v22, v51;
	v51 =	vperm.xlane v57, v32;
	v5 =	vperm.xlane v0, v23  }
0x28: {  	v33 =	vadd.f32 v20, v56;
	v7 =	vperm.xlane v1, v23;
	v52 =	vperm.xlane v3, v23  }
0x29: {  	v24 =	vld [tilespmem:$0x1FFE0];
	v53 =	vperm.xlane v4, v23;
	v54 =	vperm.xlane v6, v23;
	v0 =	vadd.f32 v5, v0  }
0x2a: {  	v55 =	vperm.xlane v8, v23;
	v1 =	vadd.f32 v7, v1;
	v3 =	vadd.f32 v52, v3  }
0x2b: {  	v11 =	vperm.xlane v33, v23;
	v4 =	vadd.f32 v53, v4;
	v5 =	vadd.f32 v54, v6  }
0x2c: {  	v7 =	vadd.f32 v55, v8;
	v53 =	vperm.xlane v49, v32;
	v55 =	vperm.xlane v2, v32  }
0x2d: {  	v54 =	vadd.f32 v51, v57;
	v57 =	vperm.xlane v38, v32;
	v51 =	vperm.xlane v59, v32  }
0x2e: {  	v9 =	vperm.xlane v0, v24;
	v10 =	vperm.xlane v1, v24  }
0x2f: {  	v8 =	vadd.f32 v34, v62;
	v12 =	vperm.xlane v3, v24;
	v13 =	vperm.xlane v4, v24  }
0x30: {  	v25 =	vld [tilespmem:$0x1FFF0];
	v15 =	vperm.xlane v5, v24;
	v16 =	vperm.xlane v7, v24;
	v56 =	vadd.f32 v53, v49  }
0x31: {  	v37 =	vperm.xlane v8, v23;
	v2 =	vadd.f32 v55, v2;
	v0 =	vadd.f32 v9, v0  }
0x32: {  	v53 =	vperm.xlane v26, v32;
	v1 =	vadd.f32 v10, v1;
	v3 =	vadd.f32 v12, v3  }
0x33: {  	v55 =	vperm.xlane v63, v32;
	v4 =	vadd.f32 v13, v4;
	v5 =	vadd.f32 v15, v5  }
0x34: {  	v6 =	vadd.f32 v16, v7;
	v12 =	vperm.xlane v31, v32;
	v13 =	vperm.xlane v35, v23  }
0x35: {  	v7 =	vadd.f32 v11, v33;
	v14 =	vperm.xlane v0, v25;
	v10 =	vperm.xlane v1, v25  }
0x36: {  	v8 =	vadd.f32 v37, v8;
	v17 =	vperm.xlane v3, v25;
	v18 =	vperm.xlane v4, v25  }
0x37: {  	v19 =	vperm.xlane v5, v25;
	v12 =	vadd.f32 v12, v31;
	v9 =	vadd.f32 v13, v35  }
0x38: {  	v21 =	vperm.xlane v6, v25;
	v0 =	vadd.f32 v14, v0;
	v1 =	vadd.f32 v10, v1  }
0x39: {  	v15 =	vperm.xlane v7, v24;
	v3 =	vadd.f32 v17, v3;
	v4 =	vadd.f32 v18, v4  }
0x3a: {  	v42 =	vperm.xlane v8, v24;
	v5 =	vadd.f32 v19, v5;
	v6 =	vadd.f32 v21, v6  }
0x3b: {  	v10 =	vadd.f32 v36, v60;
	v14 =	vperm.xlane v58, v32;
	v40 =	vperm.xlane v12, v23  }
0x3c: {  	v16 =	vperm.xlane v9, v24;
	v7 =	vadd.f32 v15, v7;
	v17 =	vperm.xlane v54, v23  }
0x3d: {  	v8 =	vadd.f32 v42, v8;
	v18 =	vperm.xlane v56, v23;
	v19 =	vperm.xlane v29, v32  }
0x3e: {  	v60 =	vperm.xlane v2, v23;
	v39 =	vperm.xlane v10, v23;
	v14 =	vadd.f32 v14, v58  }
0x3f: {  	v11 =	vadd.f32 v40, v12;
	v9 =	vadd.f32 v16, v9;
	v44 =	vperm.xlane v7, v25  }
0x40: {  	v47 =	vperm.xlane v8, v25;
	v58 =	vperm.xlane v30, v32;
	v15 =	vadd.f32 v18, v56  }
0x41: {  	v19 =	vadd.f32 v19, v29;
	v2 =	vadd.f32 v60, v2;
	v41 =	vperm.xlane v14, v23  }
0x42: {  	v10 =	vadd.f32 v39, v10;
	v45 =	vperm.xlane v11, v24;
	v16 =	vperm.xlane v9, v25  }
0x43: {  	v7 =	vadd.f32 v44, v7;
	v8 =	vadd.f32 v47, v8;
	v21 =	vperm.xlane v15, v24  }
0x44: {  	v31 =	vperm.xlane v2, v24;
	v13 =	vadd.f32 v41, v14;
	v11 =	vadd.f32 v45, v11  }
0x45: {  	v43 =	vperm.xlane v10, v24;
	v9 =	vadd.f32 v16, v9;
	v16 =	vadd.f32 v57, v38  }
0x46: {  	v14 =	vadd.f32 v58, v30;
	v30 =	vperm.xlane v19, v23;
	v15 =	vadd.f32 v21, v15  }
0x47: {  	v2 =	vadd.f32 v31, v2;
	v57 =	vadd.f32 v53, v26;
	v46 =	vperm.xlane v13, v24  }
0x48: {  	v10 =	vadd.f32 v43, v10;
	v50 =	vperm.xlane v11, v25;
	v62 =	vperm.xlane v16, v23  }
0x49: {  	v29 =	vperm.xlane v14, v23;
	v18 =	vadd.f32 v30, v19;
	v21 =	vperm.xlane v15, v25  }
0x4a: {  	v39 =	vperm.xlane v2, v25;
	v12 =	vadd.f32 v46, v13;
	v11 =	vadd.f32 v50, v11  }
0x4b: {  	v43 =	vperm.xlane v28, v32;
	v13 =	vadd.f32 v17, v54;
	v16 =	vadd.f32 v62, v16  }
0x4c: {  	v48 =	vperm.xlane v10, v25;
	v14 =	vadd.f32 v29, v14;
	v40 =	vadd.f32 v21, v15  }
0x4d: {  	v36 =	vperm.xlane v18, v24;
	v2 =	vadd.f32 v39, v2;
	v47 =	vadd.f32 v43, v28  }
0x4e: {  	[tilespmem:$0x10000] =	vst v0;
	v46 =	vperm.xlane v61, v32;
	v15 =	vadd.f32 v51, v59;
	v59 =	vadd.f32 v55, v63  }
0x4f: {  	[tilespmem:$0x10010] =	vst v1;
	v10 =	vadd.f32 v48, v10;
	v52 =	vperm.xlane v12, v25;
	v20 =	vperm.xlane v13, v24  }
0x50: {  	[tilespmem:$0x10020] =	vst v3;
	v33 =	vperm.xlane v16, v24;
	v35 =	vperm.xlane v14, v24;
	v17 =	vadd.f32 v36, v18  }
0x51: {  	[tilespmem:$0x10030] =	vst v4;
	v48 =	vperm.xlane v27, v32;
	v50 =	vadd.f32 v46, v61;
	v58 =	vperm.xlane v15, v23  }
0x52: {  	[tilespmem:$0x10040] =	vst v5;
	v61 =	vperm.xlane v57, v23;
	v12 =	vadd.f32 v52, v12;
	v13 =	vadd.f32 v20, v13  }
0x53: {  	[tilespmem:$0x10050] =	vst v6;
	v63 =	vperm.xlane v59, v23;
	v16 =	vadd.f32 v33, v16;
	v38 =	vadd.f32 v35, v14  }
0x54: {  	v52 =	vperm.xlane v47, v23;
	v54 =	vperm.xlane v50, v23;
	[tilespmem:$0x10090] =	vst v10;
	v10 =	vadd.f32 v58, v15  }
0x55: {  	[tilespmem:$0x10080] =	vst v8;
	v8 =	vadd.f32 v61, v57;
	v21 =	vadd.f32 v63, v59;
	v34 =	vperm.xlane v13, v25  }
0x56: {  	[tilespmem:$0x10070] =	vst v9;
	v45 =	vperm.xlane v17, v25;
	v5 =	vadd.f32 v52, v47;
	v9 =	vadd.f32 v54, v50  }
0x57: {  	[tilespmem:$0x10060] =	vst v7;
	v41 =	vperm.xlane v16, v25;
	v37 =	vadd.f32 v34, v13;
	v13 =	vadd.f32 v48, v27  }
0x58: {  	[tilespmem:$0x100A0] =	vst v11;
	v42 =	vperm.xlane v38, v25;
	v49 =	vadd.f32 v45, v17;
	v60 =	vperm.xlane v5, v24  }
0x59: {  	[tilespmem:$0x100D0] =	vst v40;
	v44 =	vadd.f32 v41, v16;
	v62 =	vperm.xlane v9, v24;
	v56 =	vperm.xlane v13, v23  }
0x5a: {  	[tilespmem:$0x100E0] =	vst v2;
	v20 =	vperm.xlane v10, v24;
	v3 =	vadd.f32 v42, v38;
	v17 =	vadd.f32 v60, v5  }
0x5b: {  	[tilespmem:$0x100B0] =	vst v12;
	v27 =	vperm.xlane v21, v24;
	v19 =	vadd.f32 v62, v9;
	v7 =	vadd.f32 v56, v13  }
0x5c: {  	[tilespmem:$0x10110] =	vst v49;
	v23 =	vperm.xlane v8, v24;
	v9 =	vadd.f32 v20, v10;
	v22 =	vperm.xlane v17, v25  }
0x5d: {  	[tilespmem:$0x100C0] =	vst v37;
	v31 =	vadd.f32 v27, v21;
	v26 =	vperm.xlane v19, v25;
	v18 =	vperm.xlane v7, v24  }
0x5e: {  	[tilespmem:$0x100F0] =	vst v44;
	v29 =	vadd.f32 v23, v8;
	v30 =	vperm.xlane v9, v25;
	v0 =	vadd.f32 v22, v17  }
0x5f: {  	[tilespmem:$0x10100] =	vst v3;
	v35 =	vperm.xlane v31, v25;
	v1 =	vadd.f32 v26, v19;
	v5 =	vadd.f32 v18, v7  }
0x60: {  	v33 =	vperm.xlane v29, v25;
	v34 =	vadd.f32 v30, v9;
	[tilespmem:$0x10120] =	vst v0  }
0x61: {  	v37 =	vadd.f32 v35, v31;
	[tilespmem:$0x10130] =	vst v1;
	v28 =	vperm.xlane v5, v25  }
0x62: {  	v36 =	vadd.f32 v33, v29;
	[tilespmem:$0x10150] =	vst v34  }
0x63: {  	[tilespmem:$0x10170] =	vst v37;
	v32 =	vadd.f32 v28, v5  }
0x64: {  	[tilespmem:$0x10160] =	vst v36  }
0x65: {  	s12 =	rddreg [dreg:$0x9];
	s14 =	simm.s32 $0x10000;
	[tilespmem:$0x10140] =	vst v32  }
0x66: {  	[spmem:s12] =	stream.linear.scatter [tilespmem:s14], [sflag:$0x5], $0x180, $0x38;
	[tilespmem:$0x10F80] =	vst v63  }
0x67: {  	_ =	swait.ge [sflag:s7], $0x180  }
0x68: {  	[sflag:s7] =	ssyncset.done $0x0  }
0x69: {  	[sflag:s7] =	ssyncadd.s32 $0xFFFFFE80  }
0x6a: {  	s14 =	simm.s32 $0x10180;
	[bflag:$0x0] =	sbarrier.arrive $0xFFFF  }
0x6b: {  	[tilespmem:s14], [sflag:$0x5] =	stream.linear.gather [spmem:s13], $0x180, $0x38;
	[tilespmem:$0x10F80] =	vst v63  }
0x6c: {  	_ =	swait.ge [sflag:s7], $0x180  }
0x6d: {  	[sflag:s7] =	ssyncset.done $0x0  }
0x6e: {  	s16 =	simm.s32 $0x10300;
	s15 =	rddreg [dreg:$0xa];
	[sflag:s7] =	ssyncadd.s32 $0xFFFFFE80  }
0x6f: {  	[tilespmem:s16], [sflag:$0x5] =	stream.linear.gather [spmem:s15], $0x180, $0x38;
	[tilespmem:$0x10F80] =	vst v63  }
0x70: {  	_ =	swait.ge [sflag:s7], $0x180  }
0x71: {  	[sflag:s7] =	ssyncset.done $0x0  }
0x72: {  	s18 =	simm.s32 $0x10480;
	s17 =	rddreg [dreg:$0xb];
	[sflag:s7] =	ssyncadd.s32 $0xFFFFFE80  }
0x73: {  	[tilespmem:s18], [sflag:$0x5] =	stream.linear.gather [spmem:s17], $0x180, $0x38;
	[tilespmem:$0x10F80] =	vst v63  }
0x74: {  	_ =	swait.ge [sflag:s7], $0x180  }
0x75: {  	[sflag:s7] =	ssyncset.done $0x0  }
0x76: {  	s15 =	simm.s32 $0x10600;
	[sflag:s7] =	ssyncadd.s32 $0xFFFFFE80  }
0x77: {  	[tilespmem:s15], [sflag:$0x5] =	stream.linear.gather [spmem:s22], $0x180, $0x38;
	[tilespmem:$0x10F80] =	vst v63  }
0x78: {  	_ =	swait.ge [sflag:s7], $0x180  }
0x79: {  	[sflag:s7] =	ssyncset.done $0x0  }
0x7a: {  	s16 =	simm.s32 $0x10780;
	[sflag:s7] =	ssyncadd.s32 $0xFFFFFE80  }
0x7b: {  	[tilespmem:s16], [sflag:$0x5] =	stream.linear.gather [spmem:s24], $0x180, $0x38;
	[tilespmem:$0x10F80] =	vst v63  }
0x7c: {  	_ =	swait.ge [sflag:s7], $0x180  }
0x7d: {  	[sflag:s7] =	ssyncset.done $0x0  }
0x7e: {  	s17 =	simm.s32 $0x10900;
	[sflag:s7] =	ssyncadd.s32 $0xFFFFFE80  }
0x7f: {  	[tilespmem:s17], [sflag:$0x5] =	stream.linear.gather [spmem:s26], $0x180, $0x38;
	[tilespmem:$0x10F80] =	vst v63  }
0x80: {  	_ =	swait.ge [sflag:s7], $0x180  }
0x81: {  	[sflag:s7] =	ssyncset.done $0x0  }
0x82: {  	s18 =	simm.s32 $0x10A80;
	[sflag:s7] =	ssyncadd.s32 $0xFFFFFE80  }
0x83: {  	[tilespmem:s18], [sflag:$0x5] =	stream.linear.gather [spmem:s28], $0x180, $0x38;
	[tilespmem:$0x10F80] =	vst v63  }
0x84: {  	_ =	swait.ge [sflag:s7], $0x180  }
0x85: {  	[sflag:s7] =	ssyncset.done $0x0  }
0x86: {  	s14 =	simm.s32 $0x10C00;
	[sflag:s7] =	ssyncadd.s32 $0xFFFFFE80  }
0x87: {  	[tilespmem:s14], [sflag:$0x5] =	stream.linear.gather [spmem:s29], $0x180, $0x38;
	[tilespmem:$0x10F80] =	vst v63  }
0x88: {  	_ =	swait.ge [sflag:s7], $0x180  }
0x89: {  	[sflag:s7] =	ssyncset.done $0x0  }
0x8a: {  	[sflag:s7] =	ssyncadd.s32 $0xFFFFFE80  }
0x8b: {  	v38 =	vld [tilespmem:s10+$0x10180]  }
0x8c: {  	v39 =	vld [tilespmem:s10+$0x10190]  }
0x8d: {  	s15 =	rddreg [dreg:$0xc];
	v40 =	vld [tilespmem:s10+$0x101A0]  }
0x8e: {  	v41 =	vld [tilespmem:s15+$0x10180]  }
0x8f: {  	v42 =	vld [tilespmem:s10+$0x10310]  }
0x90: {  	s16 =	rddreg [dreg:$0xd];
	v43 =	vld [tilespmem:s10+$0x10320]  }
0x91: {  	v44 =	vld [tilespmem:s16+$0x10180]  }
0x92: {  	s17 =	rddreg [dreg:$0xe];
	v45 =	vld [tilespmem:s10+$0x10490];
	v0 =	vadd.f32 $0.0e+00, v38  }
0x93: {  	v46 =	vld [tilespmem:s17+$0x10180]  }
0x94: {  	v47 =	vld [tilespmem:s10+$0x104A0];
	v0 =	vadd.f32 v41, v0  }
0x95: {  	v48 =	vld [tilespmem:s10+$0x10780]  }
0x96: {  	v49 =	vld [tilespmem:s10+$0x10620];
	v2 =	vadd.f32 $0.0e+00, v40;
	v0 =	vadd.f32 v44, v0  }
0x97: {  	v50 =	vld [tilespmem:s19+$0x10180]  }
0x98: {  	v51 =	vld [tilespmem:s10+$0x107A0];
	v2 =	vadd.f32 v43, v2;
	v0 =	vadd.f32 v46, v0  }
0x99: {  	v52 =	vld [tilespmem:s20+$0x10180]  }
0x9a: {  	v53 =	vld [tilespmem:s10+$0x10920];
	v2 =	vadd.f32 v47, v2;
	v0 =	vadd.f32 v48, v0  }
0x9b: {  	v54 =	vld [tilespmem:s21+$0x10180];
	v1 =	vadd.f32 $0.0e+00, v39  }
0x9c: {  	v55 =	vld [tilespmem:s10+$0x10610];
	v2 =	vadd.f32 v49, v2;
	v0 =	vadd.f32 v50, v0  }
0x9d: {  	v56 =	vld [tilespmem:s10+$0x10AA0];
	v1 =	vadd.f32 v42, v1  }
0x9e: {  	v57 =	vld [tilespmem:s10+$0x10790];
	v2 =	vadd.f32 v51, v2;
	v0 =	vadd.f32 v52, v0  }
0x9f: {  	v58 =	vld [tilespmem:s10+$0x10C20];
	v1 =	vadd.f32 v45, v1  }
0xa0: {  	v2 =	vadd.f32 v53, v2;
	v0 =	vadd.f32 v54, v0  }
0xa1: {  	v59 =	vld [tilespmem:s10+$0x10910]  }
0xa2: {  	v1 =	vadd.f32 v55, v1;
	v2 =	vadd.f32 v56, v2;
	(erf) = vrcp.f32 v0  }
0xa3: {  	v60 =	vld [tilespmem:s10+$0x10A90]  }
0xa4: {  	v1 =	vadd.f32 v57, v1;
	v2 =	vadd.f32 v58, v2  }
0xa5: {  	v61 =	vld [tilespmem:s10+$0x10C10]  }
0xa6: {  	v1 =	vadd.f32 v59, v1;
	v2 =	vadd.f32 $2.000000000e+00, v2;
	_ =	sdelay $0x1  }
0xa7: {  	v0 =	vadd.f32 v60, v1;
	(erf) = vrcp.f32 v2;
	_ =	sdelay $0x1  }
0xa8: {  	v0 =	vadd.f32 v61, v0  }
0xa9: {  	v62 =	vpop (erf)  }
0xaa: {  	v0 =	vmul.f32 v62, v0;
	_ =	sdelay $0x1  }
0xab: {  	v0 =	vadd.f32 v0, v0;
	_ =	sdelay $0x1  }
0xac: {  	v0 =	vadd.f32 $1.000000000e+00, v0  }
0xad: {  	v63 =	vpop (erf)  }
0xae: {  	v0 =	vmul.f32 v63, v0;
	_ =	sdelay $0x1  }
0xaf: {  	s8 =	sadd.s32 $0x1, s8;
	v0 =	vsub.f32 $1.000000000e+00, v0  }
0xb0: {  	p0 =	sne.s32 s8, s25  }
.Ltmp1:
0xb1: {  	s18 =	simm.s32 $0x10D80;
	[tilespmem:$0x10D80] =	vst v0;
	(pc) =	sbr.rel @!p0 .LBB2_9-.Ltmp1, $4  }
0xb2: {  	[hbm4b:s23+s4] =	stream.linear.scatter [tilespmem:s18], [sflag:$0x5], $0x80, $0x38;
	[tilespmem:$0x10F80] =	vst v63  }
0xb3: {  	_ =	swait.ge [sflag:s7], $0x80  }
0xb4: {  	[sflag:s7] =	ssyncset.done $0x0  }
0xb5: {  	[sflag:s7] =	ssyncadd.s32 $0xFFFFFF80  }
.LBB2_1:
0xb6: {  	s12 =	rddreg [dreg:$0x5]  }
0xb7: {  	v0 =	vimm.f32 $0.0e+00;
	[tilespmem:s4], [sflag:$0x1] =	stream.linear.gather [hbm4b:s12+s4], $0x4000, $0x38;
	[tilespmem:$0x10F80] =	vst v63  }
0xb8: {  	v63 =	vimm.f32 $0.0e+00;
	[tilespmem:$0x1FF70] =	vst v0;
	v0 =	vimm.f32 $0.0e+00  }
0xb9: {  	s16 =	rddreg [dreg:$0x6];
	s14 =	simm.s32 $0x8000;
	v2 =	vimm.f32 $0.0e+00;
	v58 =	vimm.f32 $0.0e+00;
	v62 =	vimm.f32 $0.0e+00;
	[tilespmem:$0x1FF80] =	vst v0  }
0xba: {  	v18 =	vimm.f32 $0.0e+00;
	v19 =	vimm.f32 $0.0e+00;
	v0 =	vimm.f32 $0.0e+00;
	[tilespmem:s14], [sflag:$0x3] =	stream.linear.gather [hbm4b:s16+s4], $0x4000, $0x38;
	[tilespmem:$0x10F80] =	vst v63  }
0xbb: {  	v61 =	vimm.f32 $0.0e+00;
	v49 =	vimm.f32 $0.0e+00;
	[tilespmem:$0x1FF90] =	vst v0;
	v0 =	vimm.f32 $0.0e+00  }
0xbc: {  	s17 =	rddreg [dreg:$0x7];
	v17 =	vimm.f32 $0.0e+00;
	v39 =	vimm.f32 $0.0e+00;
	v20 =	vimm.f32 $0.0e+00;
	[tilespmem:$0x1FFA0] =	vst v0  }
0xbd: {  	v21 =	vimm.f32 $0.0e+00;
	v59 =	vimm.f32 $0.0e+00;
	v0 =	vimm.f32 $0.0e+00;
	[tilespmem:s31], [sflag:$0x2] =	stream.linear.gather [hbm4b:s17+s4], $0x4000, $0x38;
	[tilespmem:$0x10F80] =	vst v63  }
0xbe: {  	s18 =	rddreg [dreg:$0x8];
	v38 =	vimm.f32 $0.0e+00;
	v57 =	vimm.f32 $0.0e+00;
	v60 =	vimm.f32 $0.0e+00;
	s12 =	simm.s32 $0x0;
	[tilespmem:$0x1FFB0] =	vst v0  }
0xbf: {  	v56 =	vimm.f32 $0.0e+00;
	v23 =	vimm.f32 $0.0e+00;
	v22 =	vimm.f32 $0.0e+00;
	[tilespmem:s0], [sflag:$0x4] =	stream.linear.gather [hbm4b:s18+s4], $0x4000, $0x38;
	[tilespmem:$0x10F80] =	vst v63  }
.LBB2_2:
0xc0: {  	_ =	swait.ge [sflag:s3], $0x4000  }
0xc1: {  	[sflag:s3] =	ssyncset.done $0x0  }
0xc2: {  	[sflag:s3] =	ssyncadd.s32 $0xFFFFC000  }
0xc3: {  	_ =	swait.ge [sflag:s30], $0x4000  }
0xc4: {  	[sflag:s30] =	ssyncset.done $0x0  }
0xc5: {  	s15 =	simm.s32 $0x0;
	[sflag:s30] =	ssyncadd.s32 $0xFFFFC000  }
0xc6: {  	v0 =	vld [tilespmem:s15+$0x70]  }
0xc7: {  	v1 =	vld [tilespmem:s15+$0xF0]  }
0xc8: {  	v3 =	vld [tilespmem:s15+$0x170]  }
0xc9: {  	v4 =	vld [tilespmem:s15+$0x1F0]  }
0xca: {  	v5 =	vld [tilespmem:s15+$0x270]  }
0xcb: {  	v6 =	vld [tilespmem:s15+$0x2F0]  }
0xcc: {  	v7 =	vld [tilespmem:s15+$0x370];
	v0 =	vmul.f32 $1.442695020e+00, v0  }
0xcd: {  	v9 =	vld [tilespmem:s15+$0x2E0];
	v1 =	vmul.f32 $1.442695020e+00, v1;
	v3 =	vmul.f32 $1.442695020e+00, v3  }
0xce: {  	v8 =	vld [tilespmem:s15+$0x60];
	v4 =	vmul.f32 $1.442695020e+00, v4;
	(erf) = vpow2.f32 v0  }
0xcf: {  	v5 =	vmul.f32 $1.442695020e+00, v5;
	v0 =	vld [tilespmem:s15+$0xE0];
	(erf) = vpow2.f32 v1  }
0xd0: {  	v6 =	vmul.f32 $1.442695020e+00, v6;
	v1 =	vld [tilespmem:s15+$0x160];
	(erf) = vpow2.f32 v3  }
0xd1: {  	v7 =	vmul.f32 $1.442695020e+00, v7;
	v3 =	vld [tilespmem:s15+$0x1E0];
	(erf) = vpow2.f32 v4  }
0xd2: {  	v9 =	vmul.f32 $1.442695020e+00, v9;
	v4 =	vld [tilespmem:s15+$0x260];
	(erf) = vpow2.f32 v5  }
0xd3: {  	v5 =	vmul.f32 $1.442695020e+00, v8;
	v8 =	vld [tilespmem:s15+$0xD0];
	(erf) = vpow2.f32 v6  }
0xd4: {  	v6 =	vld [tilespmem:s15+$0x360];
	v0 =	vmul.f32 $1.442695020e+00, v0;
	(erf) = vpow2.f32 v7  }
0xd5: {  	v7 =	vld [tilespmem:s15+$0x50];
	v1 =	vmul.f32 $1.442695020e+00, v1;
	(erf) = vpow2.f32 v5  }
0xd6: {  	v3 =	vmul.f32 $1.442695020e+00, v3;
	(erf) = vpow2.f32 v0;
	v0 =	vld [tilespmem:s15+$0x150]  }
0xd7: {  	v4 =	vmul.f32 $1.442695020e+00, v4;
	v5 =	vpop (erf);
	(erf) = vpow2.f32 v1;
	v1 =	vld [tilespmem:s15+$0x1D0]  }
0xd8: {  	v8 =	vmul.f32 $1.442695020e+00, v8;
	v33 =	vpop (erf);
	(erf) = vpow2.f32 v3  }
0xd9: {  	v3 =	vld [tilespmem:s15+$0x250];
	v6 =	vmul.f32 $1.442695020e+00, v6;
	v32 =	vpop (erf);
	(erf) = vpow2.f32 v4  }
0xda: {  	v4 =	vld [tilespmem:s15+$0x2D0];
	v7 =	vmul.f32 $1.442695020e+00, v7;
	v41 =	vpop (erf);
	(erf) = vpow2.f32 v9  }
0xdb: {  	v9 =	vld [tilespmem:s15+$0x350];
	v29 =	vpop (erf);
	(erf) = vpow2.f32 v6;
	v0 =	vmul.f32 $1.442695020e+00, v0  }
0xdc: {  	v6 =	vld [tilespmem:s15+$0x40];
	(erf) = vpow2.f32 v7;
	v25 =	vpop (erf);
	v1 =	vmul.f32 $1.442695020e+00, v1  }
0xdd: {  	v7 =	vld [tilespmem:s15+$0xC0];
	(erf) = vpow2.f32 v8;
	v24 =	vpop (erf)  }
0xde: {  	v8 =	vld [tilespmem:s15+$0x140];
	v11 =	vmul.f32 $1.442695020e+00, v3;
	v10 =	vpop (erf);
	(erf) = vpow2.f32 v0  }
0xdf: {  	v12 =	vld [tilespmem:s15+$0x240];
	v4 =	vmul.f32 $1.442695020e+00, v4;
	v3 =	vpop (erf);
	(erf) = vpow2.f32 v1  }
0xe0: {  	v0 =	vld [tilespmem:s15+$0x1C0];
	v9 =	vmul.f32 $1.442695020e+00, v9;
	v1 =	vpop (erf);
	(erf) = vpow2.f32 v11  }
0xe1: {  	v6 =	vmul.f32 $1.442695020e+00, v6;
	v11 =	vld [tilespmem:s15+$0x0];
	v42 =	vpop (erf);
	(erf) = vpow2.f32 v4  }
0xe2: {  	v4 =	vld [tilespmem:s15+$0x2C0];
	v7 =	vmul.f32 $1.442695020e+00, v7;
	v45 =	vpop (erf);
	(erf) = vpow2.f32 v9  }
0xe3: {  	v8 =	vmul.f32 $1.442695020e+00, v8;
	v9 =	vld [tilespmem:s15+$0x10];
	(erf) = vpow2.f32 v6  }
0xe4: {  	v27 =	vpop (erf);
	(erf) = vpow2.f32 v7;
	v7 =	vmul.f32 $1.442695020e+00, v12;
	v12 =	vld [tilespmem:s15+$0x20]  }
0xe5: {  	v13 =	vld [tilespmem:s15+$0x80];
	v0 =	vmul.f32 $1.442695020e+00, v0;
	v26 =	vpop (erf)  }
0xe6: {  	v14 =	vpop (erf);
	(erf) = vpow2.f32 v8;
	v8 =	vld [tilespmem:s15+$0x90];
	v11 =	vmul.f32 $1.442695020e+00, v11  }
0xe7: {  	v6 =	vpop (erf);
	(erf) = vpow2.f32 v0;
	v0 =	vld [tilespmem:s15+$0x30];
	v15 =	vmul.f32 $1.442695020e+00, v4  }
0xe8: {  	v4 =	vpop (erf);
	(erf) = vpow2.f32 v7;
	v9 =	vmul.f32 $1.442695020e+00, v9  }
0xe9: {  	v7 =	vld [tilespmem:s15+$0xA0];
	(erf) = vpow2.f32 v11;
	v43 =	vpop (erf);
	v12 =	vmul.f32 $1.442695020e+00, v12  }
0xea: {  	v16 =	vld [tilespmem:s15+$0x340];
	v11 =	vmul.f32 $1.442695020e+00, v13;
	v46 =	vpop (erf);
	(erf) = vpow2.f32 v15  }
0xeb: {  	v13 =	vld [tilespmem:s15+$0xB0];
	(erf) = vpow2.f32 v9;
	v31 =	vpop (erf);
	v8 =	vmul.f32 $1.442695020e+00, v8  }
0xec: {  	v15 =	vld [tilespmem:s15+$0x3C0];
	(erf) = vpow2.f32 v11;
	v30 =	vpop (erf);
	v0 =	vmul.f32 $1.442695020e+00, v0  }
0xed: {  	v28 =	vld [tilespmem:s15+$0x130];
	(erf) = vpow2.f32 v12;
	v12 =	vpop (erf)  }
0xee: {  	v35 =	vld [tilespmem:s15+$0x8000];
	v7 =	vmul.f32 $1.442695020e+00, v7;
	(erf) = vpow2.f32 v8;
	v11 =	vpop (erf)  }
0xef: {  	v16 =	vmul.f32 $1.442695020e+00, v16;
	v8 =	vld [tilespmem:s15+$0x1B0];
	(erf) = vpow2.f32 v0;
	v9 =	vpop (erf)  }
0xf0: {  	v36 =	vld [tilespmem:s15+$0x8010];
	v13 =	vmul.f32 $1.442695020e+00, v13;
	(erf) = vpow2.f32 v7;
	v0 =	vpop (erf)  }
0xf1: {  	v7 =	vmul.f32 $1.442695020e+00, v15;
	v15 =	vld [tilespmem:s15+$0x120];
	(erf) = vpow2.f32 v16;
	v48 =	vpop (erf)  }
0xf2: {  	v16 =	vmul.f32 $1.442695020e+00, v28;
	v28 =	vld [tilespmem:s15+$0x8020];
	(erf) = vpow2.f32 v13;
	v37 =	vpop (erf)  }
0xf3: {  	v19 =	vadd.f32 v35, v19;
	v13 =	vld [tilespmem:s15+$0x100];
	v40 =	vmul.f32 v37, v35;
	v34 =	vpop (erf);
	(erf) = vpow2.f32 v7  }
0xf4: {  	v44 =	vld [tilespmem:s15+$0x8030];
	v7 =	vmul.f32 $1.442695020e+00, v8;
	v8 =	vpop (erf);
	(erf) = vpow2.f32 v16;
	v16 =	vadd.f32 v37, v22  }
0xf5: {  	v47 =	vld [tilespmem:s15+$0x110];
	v19 =	vadd.f32 v36, v19;
	v21 =	vadd.f32 v40, v21;
	v22 =	vmul.f32 v8, v36;
	v37 =	vpop (erf)  }
0xf6: {  	v35 =	vld [tilespmem:s15+$0x8040];
	v15 =	vmul.f32 $1.442695020e+00, v15;
	(erf) = vpow2.f32 v7;
	v54 =	vpop (erf);
	v8 =	vadd.f32 v8, v16  }
0xf7: {  	v51 =	vld [tilespmem:s15+$0x1A0];
	v19 =	vadd.f32 v28, v19;
	v16 =	vadd.f32 v22, v21;
	v21 =	vmul.f32 v54, v28;
	v50 =	vpop (erf)  }
0xf8: {  	v13 =	vmul.f32 $1.442695020e+00, v13;
	(erf) = vpow2.f32 v15;
	v22 =	vld [tilespmem:s15+$0x8050];
	v55 =	vpop (erf);
	v15 =	vadd.f32 v54, v8  }
0xf9: {  	v52 =	vld [tilespmem:s15+$0x190];
	v23 =	vadd.f32 v37, v23;
	v16 =	vadd.f32 v21, v16;
	v21 =	vmul.f32 v55, v44  }
0xfa: {  	v40 =	vld [tilespmem:s15+$0x8060];
	v19 =	vadd.f32 v44, v19;
	(erf) = vpow2.f32 v13;
	v13 =	vadd.f32 v55, v15  }
0xfb: {  	v7 =	vld [tilespmem:s15+$0x3F0];
	v23 =	vadd.f32 v50, v23;
	v15 =	vadd.f32 v21, v16;
	v16 =	vmul.f32 v12, v35  }
0xfc: {  	v44 =	vld [tilespmem:s15+$0x8070];
	v19 =	vadd.f32 v35, v19;
	v12 =	vadd.f32 v12, v13  }
0xfd: {  	v8 =	vld [tilespmem:s15+$0x3E0];
	v21 =	vmul.f32 $1.442695020e+00, v47;
	v13 =	vadd.f32 v16, v15;
	v15 =	vmul.f32 v14, v22  }
0xfe: {  	v55 =	vld [tilespmem:s15+$0x8110];
	v47 =	vpop (erf);
	v19 =	vadd.f32 v22, v19;
	v12 =	vadd.f32 v14, v12  }
0xff: {  	v36 =	vpop (erf);
	v16 =	vld [tilespmem:s15+$0x8080];
	(erf) = vpow2.f32 v21;
	v14 =	vmul.f32 v10, v40;
	v13 =	vadd.f32 v15, v13  }
0x100: {  	v21 =	vadd.f32 v47, v23;
	v23 =	vld [tilespmem:s15+$0x8090];
	v12 =	vadd.f32 v10, v12  }
0x101: {  	v35 =	vpop (erf);
	v22 =	vadd.f32 v40, v19;
	v15 =	vld [tilespmem:s15+$0x8100];
	v13 =	vadd.f32 v14, v13;
	v14 =	vmul.f32 v5, v44  }
0x102: {  	v54 =	vadd.f32 v35, v21;
	v21 =	vld [tilespmem:$0x1FFB0];
	v5 =	vadd.f32 v5, v12  }
0x103: {  	v28 =	vpop (erf);
	v12 =	vadd.f32 v14, v13;
	v13 =	vld [tilespmem:s15+$0x180];
	v14 =	vadd.f32 v44, v22  }
0x104: {  	v53 =	vpop (erf);
	v37 =	vmul.f32 v37, v16;
	v44 =	vld [tilespmem:s15+$0x8120];
	[tilespmem:$0x1FEB0] =	vst v5  }
0x105: {  	v10 =	vpop (erf);
	v16 =	vadd.f32 v16, v18;
	v5 =	vld [tilespmem:s15+$0x80A0];
	[tilespmem:$0x1FEC0] =	vst v12;
	v12 =	vmul.f32 $1.442695020e+00, v51  }
0x106: {  	v40 =	vpop (erf);
	v20 =	vadd.f32 v37, v20;
	v37 =	vmul.f32 v50, v23;
	v50 =	vmul.f32 $1.442695020e+00, v52;
	v52 =	vld [tilespmem:s15+$0x80B0]  }
0x107: {  	v22 =	vld [tilespmem:$0x1FF80];
	v16 =	vadd.f32 v23, v16;
	[tilespmem:$0x1FED0] =	vst v14;
	v51 =	vadd.f32 v11, v54;
	v14 =	vpop (erf);
	(erf) = vpow2.f32 v12  }
0x108: {  	v20 =	vadd.f32 v37, v20;
	v12 =	vld [tilespmem:s15+$0x8130];
	v18 =	vmul.f32 v14, v15;
	v54 =	vpop (erf);
	(erf) = vpow2.f32 v50  }
0x109: {  	v14 =	vadd.f32 v14, v56;
	v56 =	vld [tilespmem:s15+$0x80C0];
	v13 =	vmul.f32 $1.442695020e+00, v13;
	v23 =	vmul.f32 v54, v55  }
0x10a: {  	v50 =	vld [tilespmem:s15+$0x80F0];
	v37 =	vmul.f32 v47, v5;
	v5 =	vadd.f32 v5, v16;
	v18 =	vadd.f32 v18, v39  }
0x10b: {  	v16 =	vld [tilespmem:s15+$0x80D0];
	v35 =	vmul.f32 v35, v52;
	v14 =	vadd.f32 v54, v14;
	v39 =	vadd.f32 v6, v51  }
0x10c: {  	v51 =	vld [tilespmem:s15+$0x8140];
	(erf) = vpow2.f32 v13;
	v20 =	vadd.f32 v37, v20;
	v5 =	vadd.f32 v52, v5  }
0x10d: {  	v13 =	vld [tilespmem:s15+$0x8160];
	v18 =	vadd.f32 v23, v18;
	v23 =	vmul.f32 v40, v44;
	v14 =	vadd.f32 v40, v14  }
0x10e: {  	v37 =	vadd.f32 v3, v39;
	v39 =	vld [tilespmem:s15+$0x8150];
	v54 =	vmul.f32 v53, v12;
	v20 =	vadd.f32 v35, v20  }
0x10f: {  	v11 =	vmul.f32 v11, v56;
	v18 =	vadd.f32 v23, v18;
	v23 =	vld [tilespmem:s15+$0x80E0];
	v14 =	vadd.f32 v53, v14  }
0x110: {  	v47 =	vld [tilespmem:s15+$0x3D0];
	v5 =	vadd.f32 v56, v5;
	v19 =	vadd.f32 v33, v37;
	v6 =	vmul.f32 v6, v16  }
0x111: {  	v52 =	vld [tilespmem:s15+$0x230];
	v40 =	vmul.f32 v9, v51;
	v18 =	vadd.f32 v54, v18;
	v9 =	vadd.f32 v9, v14  }
0x112: {  	v53 =	vld [tilespmem:s15+$0x8170];
	v11 =	vadd.f32 v11, v20;
	v5 =	vadd.f32 v16, v5;
	v16 =	vmul.f32 v1, v13  }
0x113: {  	v37 =	vld [tilespmem:s15+$0x220];
	v14 =	vadd.f32 v40, v18;
	v18 =	vmul.f32 v4, v39;
	v4 =	vadd.f32 v4, v9  }
0x114: {  	v56 =	vld [tilespmem:s15+$0x8190];
	v6 =	vadd.f32 v6, v11;
	v3 =	vmul.f32 v3, v23;
	v5 =	vadd.f32 v23, v5  }
0x115: {  	[tilespmem:$0x1FEE0] =	vst v19;
	v19 =	vmul.f32 $1.442695020e+00, v47;
	v11 =	vld [tilespmem:s15+$0x8180];
	v9 =	vadd.f32 v18, v14;
	v1 =	vadd.f32 v1, v4  }
0x116: {  	v40 =	vld [tilespmem:s15+$0x210];
	v3 =	vadd.f32 v3, v6;
	v6 =	vmul.f32 v33, v50;
	v5 =	vadd.f32 v50, v5  }
0x117: {  	v47 =	vld [tilespmem:s15+$0x82F0];
	v18 =	vmul.f32 v32, v53;
	v9 =	vadd.f32 v16, v9;
	v1 =	vadd.f32 v32, v1  }
0x118: {  	v54 =	vpop (erf);
	v35 =	vmul.f32 $1.442695020e+00, v37;
	v37 =	vld [tilespmem:s15+$0x280];
	v3 =	vadd.f32 v6, v3;
	v6 =	vmul.f32 $1.442695020e+00, v52  }
0x119: {  	v4 =	vpop (erf);
	[tilespmem:$0x1FF10] =	vst v1;
	v1 =	vld [tilespmem:s15+$0x200];
	v9 =	vadd.f32 v18, v9  }
0x11a: {  	v23 =	vld [tilespmem:$0x1FFA0];
	v16 =	vmul.f32 $1.442695020e+00, v7;
	[tilespmem:$0x1FF00] =	vst v5;
	v5 =	vpop (erf);
	(erf) = vpow2.f32 v6;
	v6 =	vadd.f32 v15, v62  }
0x11b: {  	v33 =	vmul.f32 $1.442695020e+00, v40;
	v15 =	vld [tilespmem:s15+$0x81A0];
	[tilespmem:$0x1FF20] =	vst v9;
	v9 =	vmul.f32 v5, v11;
	v5 =	vadd.f32 v5, v60  }
0x11c: {  	v14 =	vld [tilespmem:s15+$0x2B0];
	v40 =	vmul.f32 v4, v56;
	v11 =	vadd.f32 v11, v58;
	v6 =	vadd.f32 v55, v6  }
0x11d: {  	v18 =	vmul.f32 $1.442695020e+00, v8;
	v9 =	vadd.f32 v9, v17;
	v4 =	vadd.f32 v4, v5;
	v5 =	vld [tilespmem:s15+$0x81B0]  }
0x11e: {  	v8 =	vld [tilespmem:s15+$0x2A0];
	(erf) = vpow2.f32 v35;
	v1 =	vmul.f32 $1.442695020e+00, v1;
	v6 =	vadd.f32 v44, v6  }
0x11f: {  	(erf) = vpow2.f32 v33;
	v17 =	vld [tilespmem:s15+$0x3B0];
	v7 =	vadd.f32 v40, v9;
	v9 =	vadd.f32 v56, v11  }
0x120: {  	v52 =	vmul.f32 v54, v15;
	v4 =	vadd.f32 v54, v4;
	(erf) = vpow2.f32 v1;
	v1 =	vld [tilespmem:s15+$0x81C0]  }
0x121: {  	v11 =	vld [tilespmem:s15+$0x290];
	v56 =	vmul.f32 $1.442695020e+00, v37;
	v6 =	vadd.f32 v12, v6;
	v9 =	vadd.f32 v15, v9  }
0x122: {  	v7 =	vadd.f32 v52, v7;
	v4 =	vadd.f32 v10, v4;
	v12 =	vmul.f32 v10, v5;
	v10 =	vld [tilespmem:s15+$0x81D0]  }
0x123: {  	v5 =	vadd.f32 v5, v9;
	v9 =	vld [tilespmem:s15+$0x81E0]  }
0x124: {  	(erf) = vpow2.f32 v56;
	v7 =	vadd.f32 v12, v7;
	v12 =	vld [tilespmem:s15+$0x310]  }
0x125: {  	[tilespmem:$0x1FEF0] =	vst v3;
	v3 =	vld [tilespmem:s15+$0x330];
	v50 =	vmul.f32 $1.442695020e+00, v17;
	v17 =	vmul.f32 v0, v1;
	v0 =	vadd.f32 v0, v4  }
0x126: {  	v58 =	vld [tilespmem:s15+$0x81F0];
	v6 =	vadd.f32 v51, v6;
	v11 =	vmul.f32 $1.442695020e+00, v11;
	v1 =	vadd.f32 v1, v5  }
0x127: {  	v60 =	vld [tilespmem:s15+$0x8200];
	v7 =	vadd.f32 v17, v7;
	v17 =	vmul.f32 v43, v10;
	v0 =	vadd.f32 v43, v0  }
0x128: {  	v55 =	vld [tilespmem:s15+$0x320];
	v6 =	vadd.f32 v39, v6;
	v1 =	vadd.f32 v10, v1;
	v10 =	vmul.f32 v42, v9  }
0x129: {  	v33 =	vld [tilespmem:s15+$0x8210];
	v39 =	vmul.f32 $1.442695020e+00, v12;
	v7 =	vadd.f32 v17, v7;
	v12 =	vadd.f32 v42, v0  }
0x12a: {  	v44 =	vld [tilespmem:s15+$0x8360];
	(erf) = vpow2.f32 v11;
	v6 =	vadd.f32 v13, v6  }
0x12b: {  	v40 =	vld [tilespmem:$0x1FF90];
	v4 =	vmul.f32 $1.442695020e+00, v8;
	v7 =	vadd.f32 v10, v7;
	v10 =	vadd.f32 v41, v12  }
0x12c: {  	v62 =	vpop (erf);
	v5 =	vld [tilespmem:s15+$0x300];
	v6 =	vadd.f32 v53, v6;
	v1 =	vadd.f32 v9, v1;
	v9 =	vmul.f32 v41, v58  }
0x12d: {  	v14 =	vmul.f32 $1.442695020e+00, v14;
	v15 =	vld [tilespmem:s15+$0x3A0];
	v32 =	vpop (erf);
	(erf) = vpow2.f32 v4  }
0x12e: {  	v3 =	vmul.f32 $1.442695020e+00, v3;
	v2 =	vadd.f32 v60, v2;
	v35 =	vpop (erf);
	[tilespmem:$0x1FF30] =	vst v6;
	v6 =	vld [tilespmem:s15+$0x8220];
	v7 =	vadd.f32 v9, v7  }
0x12f: {  	v8 =	vld [tilespmem:s15+$0x390];
	(erf) = vpow2.f32 v14;
	v1 =	vadd.f32 v58, v1;
	[tilespmem:$0x1FF40] =	vst v10;
	v10 =	vpop (erf)  }
0x130: {  	v2 =	vadd.f32 v33, v2;
	[tilespmem:$0x1FF50] =	vst v7;
	(erf) = vpow2.f32 v3;
	v3 =	vld [tilespmem:s15+$0x8230];
	v7 =	vmul.f32 v10, v60  }
0x131: {  	v11 =	vmul.f32 $1.442695020e+00, v55;
	v4 =	vld [tilespmem:s15+$0x380];
	[tilespmem:$0x1FF60] =	vst v1;
	v1 =	vmul.f32 $1.442695020e+00, v5;
	v9 =	vadd.f32 v10, v57  }
0x132: {  	v5 =	vpop (erf);
	v10 =	vmul.f32 v35, v33;
	(erf) = vpow2.f32 v50;
	v50 =	vld [tilespmem:s15+$0x8240];
	v7 =	vadd.f32 v7, v49  }
0x133: {  	v43 =	vld [tilespmem:s15+$0x83E0];
	v2 =	vadd.f32 v6, v2;
	v38 =	vadd.f32 v5, v38;
	v55 =	vpop (erf);
	(erf) = vpow2.f32 v11  }
0x134: {  	v11 =	vld [tilespmem:s15+$0x8250];
	v9 =	vadd.f32 v35, v9;
	v7 =	vadd.f32 v10, v7;
	v10 =	vmul.f32 v32, v6  }
0x135: {  	v53 =	vld [tilespmem:s15+$0x82E0];
	v38 =	vadd.f32 v55, v38;
	v2 =	vadd.f32 v3, v2  }
0x136: {  	v56 =	vpop (erf);
	v9 =	vadd.f32 v32, v9;
	v6 =	vld [tilespmem:s15+$0x8260];
	v7 =	vadd.f32 v10, v7;
	v10 =	vmul.f32 v62, v3  }
0x137: {  	v0 =	vld [tilespmem:s15+$0x8270];
	(erf) = vpow2.f32 v1;
	v38 =	vadd.f32 v56, v38;
	v2 =	vadd.f32 v50, v2  }
0x138: {  	v42 =	vld [tilespmem:s15+$0x8370];
	v58 =	vpop (erf);
	v1 =	vadd.f32 v62, v9;
	v9 =	vmul.f32 v48, v50;
	v7 =	vadd.f32 v10, v7  }
0x139: {  	v41 =	vld [tilespmem:s15+$0x83F0];
	v3 =	vadd.f32 v58, v38;
	v2 =	vadd.f32 v11, v2  }
0x13a: {  	v15 =	vmul.f32 $1.442695020e+00, v15;
	v10 =	vadd.f32 v48, v1;
	v1 =	vld [tilespmem:s15+$0x82D0];
	v7 =	vadd.f32 v9, v7  }
0x13b: {  	v8 =	vmul.f32 $1.442695020e+00, v8;
	v4 =	vmul.f32 $1.442695020e+00, v4;
	v62 =	vadd.f32 v6, v2;
	v2 =	vld [tilespmem:$0x1FF70]  }
0x13c: {  	(erf) = vpow2.f32 v39;
	v52 =	vmul.f32 v46, v11;
	v11 =	vld [tilespmem:s15+$0x82A0];
	v3 =	vadd.f32 v34, v3  }
0x13d: {  	v20 =	vmovc v61;
	v60 =	vmul.f32 v29, v0;
	(erf) = vpow2.f32 v15;
	v9 =	vld [tilespmem:s15+$0x8280];
	v15 =	vadd.f32 v46, v10  }
0x13e: {  	v54 =	vmul.f32 v45, v6;
	v46 =	vld [tilespmem:s15+$0x8300];
	v57 =	vadd.f32 v31, v3;
	v38 =	vadd.f32 v52, v7;
	v7 =	vpop (erf)  }
0x13f: {  	v33 =	vmov v59;
	v10 =	vld [tilespmem:s15+$0x8290];
	v3 =	vadd.f32 v45, v15;
	(erf) = vpow2.f32 v8;
	v48 =	vpop (erf)  }
0x140: {  	s14 =	simm.s32 $0x1000;
	v45 =	vld [tilespmem:s15+$0x8310];
	v15 =	vadd.f32 v27, v57;
	v38 =	vadd.f32 v54, v38;
	(erf) = vpow2.f32 v4;
	[tilespmem:$0x1FF70] =	vst v2;
	v8 =	vpop (erf)  }
.LBB2_3:
0x141: {  	v2 =	vadd.f32 v29, v3;
	_ =	sdelay $0x1  }
0x142: {  	[tilespmem:$0x1FE60] =	vst v2;
	v2 =	vadd.f32 v60, v38  }
0x143: {  	v0 =	vadd.f32 v0, v62  }
0x144: {  	[tilespmem:$0x1FE70] =	vst v2;
	v2 =	vmul.f32 v5, v9  }
0x145: {  	[tilespmem:$0x1FE80] =	vst v0;
	v0 =	vld [tilespmem:s15+$0x82B0];
	v6 =	vadd.f32 v9, v22;
	v5 =	vadd.f32 v25, v15  }
0x146: {  	v3 =	vld [tilespmem:s15+$0x8320];
	v4 =	vpop (erf);
	v9 =	vmul.f32 v55, v10;
	v2 =	vadd.f32 v2, v23  }
0x147: {  	v49 =	vld [tilespmem:s15+$0x82C0];
	v6 =	vadd.f32 v10, v6;
	[tilespmem:$0x1FE90] =	vst v5;
	v5 =	vmul.f32 v4, v46  }
0x148: {  	v15 =	vld [tilespmem:s15+$0x8330];
	v29 =	vpop (erf);
	v4 =	vadd.f32 v4, v21;
	v2 =	vadd.f32 v9, v2;
	v9 =	vmul.f32 v56, v11  }
0x149: {  	v50 =	vmul.f32 v29, v45;
	v6 =	vadd.f32 v11, v6;
	v5 =	vadd.f32 v5, v20  }
0x14a: {  	v10 =	vld [tilespmem:s15+$0x8340];
	v4 =	vadd.f32 v29, v4;
	v2 =	vadd.f32 v9, v2;
	v9 =	vmul.f32 v58, v0  }
0x14b: {  	v62 =	vld [tilespmem:s15+$0x8350];
	v29 =	vmul.f32 v8, v3;
	v5 =	vadd.f32 v50, v5;
	v0 =	vadd.f32 v0, v6  }
0x14c: {  	v11 =	vld [tilespmem:s15+$0x83D0];
	v4 =	vadd.f32 v8, v4;
	v6 =	vmul.f32 v34, v49;
	v2 =	vadd.f32 v9, v2  }
0x14d: {  	v8 =	vmul.f32 v7, v15;
	v5 =	vadd.f32 v29, v5;
	v29 =	vld [tilespmem:s15+$0x83C0];
	v0 =	vadd.f32 v49, v0  }
0x14e: {  	v9 =	vld [tilespmem:s15+$0x83B0];
	v4 =	vadd.f32 v7, v4;
	v2 =	vadd.f32 v6, v2;
	v6 =	vmul.f32 v31, v1  }
0x14f: {  	s16 =	sshra.s32 s14, $0x2;
	v7 =	vmul.f32 v36, v10;
	v5 =	vadd.f32 v8, v5;
	v8 =	vld [tilespmem:s15+$0x83A0];
	v0 =	vadd.f32 v1, v0  }
0x150: {  	v4 =	vadd.f32 v36, v4;
	v1 =	vmul.f32 v27, v53;
	v27 =	vld [tilespmem:s16+$0x170];
	v2 =	vadd.f32 v6, v2  }
0x151: {  	v5 =	vadd.f32 v7, v5;
	v7 =	vmul.f32 v30, v62;
	v6 =	vld [tilespmem:s15+$0x8380];
	v0 =	vadd.f32 v53, v0  }
0x152: {  	v4 =	vadd.f32 v30, v4;
	v1 =	vadd.f32 v1, v2;
	v2 =	vmul.f32 v25, v47;
	v25 =	vld [tilespmem:s15+$0x8390];
	s15 =	smov.u32 s16  }
0x153: {  	v51 =	vpop (erf);
	v5 =	vadd.f32 v7, v5;
	v0 =	vadd.f32 v47, v0;
	v30 =	vld [tilespmem:s15+$0x1F0]  }
0x154: {  	v52 =	vpop (erf);
	v7 =	vmul.f32 v26, v44;
	v4 =	vadd.f32 v26, v4;
	v26 =	vld [tilespmem:s15+$0x270];
	v1 =	vadd.f32 v2, v1  }
0x155: {  	v39 =	vpop (erf);
	(erf) = vpow2.f32 v19;
	[tilespmem:$0x1FF80] =	vst v0;
	v0 =	vld [tilespmem:s15+$0x2F0]  }
0x156: {  	v5 =	vadd.f32 v7, v5;
	v7 =	vmul.f32 v24, v42;
	[tilespmem:$0x1FFA0] =	vst v1;
	v1 =	vadd.f32 v24, v4;
	v4 =	vld [tilespmem:$0x1FF70]  }
0x157: {  	(erf) = vpow2.f32 v18;
	v2 =	vld [tilespmem:s15+$0x370]  }
0x158: {  	(erf) = vpow2.f32 v16;
	v58 =	vld [tilespmem:s15+$0x360];
	[tilespmem:$0x1FFB0] =	vst v1;
	v1 =	vadd.f32 v7, v5  }
0x159: {  	v54 =	vld [tilespmem:s16+$0x70];
	v27 =	vmul.f32 $1.442695020e+00, v27;
	v24 =	vmul.f32 v52, v25;
	v5 =	vadd.f32 v39, v33  }
0x15a: {  	v31 =	vld [tilespmem:s16+$0xF0];
	v30 =	vmul.f32 $1.442695020e+00, v30;
	[tilespmem:$0x1FE20] =	vst v1;
	v1 =	vmul.f32 v39, v6;
	v6 =	vadd.f32 v6, v63  }
0x15b: {  	v56 =	vld [tilespmem:s15+$0x60];
	v26 =	vmul.f32 $1.442695020e+00, v26;
	v0 =	vmul.f32 $1.442695020e+00, v0;
	v4 =	vadd.f32 v46, v4  }
0x15c: {  	v57 =	vld [tilespmem:s15+$0xE0];
	v2 =	vmul.f32 $1.442695020e+00, v2;
	v1 =	vadd.f32 v1, v40;
	v6 =	vadd.f32 v25, v6  }
0x15d: {  	v35 =	vld [tilespmem:s15+$0x160];
	v5 =	vadd.f32 v52, v5;
	v46 =	vmul.f32 $1.442695020e+00, v58;
	v4 =	vadd.f32 v45, v4  }
0x15e: {  	v60 =	vld [tilespmem:s15+$0x250];
	v1 =	vadd.f32 v24, v1;
	v24 =	vmul.f32 v51, v8;
	v6 =	vadd.f32 v8, v6  }
0x15f: {  	v59 =	vld [tilespmem:s15+$0x150];
	v25 =	vmul.f32 $1.442695020e+00, v54;
	v3 =	vadd.f32 v3, v4;
	v4 =	vadd.f32 v51, v5  }
0x160: {  	v8 =	vmul.f32 v48, v9;
	v5 =	vld [tilespmem:s15+$0x1E0];
	v1 =	vadd.f32 v24, v1;
	v6 =	vadd.f32 v9, v6  }
0x161: {  	v24 =	vmul.f32 $1.442695020e+00, v31;
	v31 =	vld [tilespmem:s15+$0x260];
	v3 =	vadd.f32 v15, v3;
	v4 =	vadd.f32 v48, v4  }
0x162: {  	v61 =	vld [tilespmem:s15+$0xC0];
	v1 =	vadd.f32 v8, v1;
	v8 =	vmul.f32 v28, v29;
	v6 =	vadd.f32 v29, v6  }
0x163: {  	v9 =	vpop (erf);
	v15 =	vld [tilespmem:s15+$0x2E0];
	v48 =	vmul.f32 $1.442695020e+00, v60;
	v3 =	vadd.f32 v10, v3;
	v4 =	vadd.f32 v28, v4  }
0x164: {  	v29 =	vld [tilespmem:s15+$0x50];
	v28 =	vpop (erf);
	v1 =	vadd.f32 v8, v1;
	v8 =	vmul.f32 v9, v11;
	v6 =	vadd.f32 v11, v6  }
0x165: {  	v7 =	vld [tilespmem:s15+$0x3F0];
	v11 =	vpop (erf);
	v5 =	vmul.f32 $1.442695020e+00, v5;
	(erf) = vpow2.f32 v25;
	v3 =	vadd.f32 v62, v3  }
0x166: {  	v10 =	vld [tilespmem:s15+$0x3E0];
	v4 =	vadd.f32 v9, v4;
	v31 =	vmul.f32 $1.442695020e+00, v31;
	(erf) = vpow2.f32 v24  }
0x167: {  	v9 =	vld [tilespmem:s15+$0xD0];
	v1 =	vadd.f32 v8, v1;
	v8 =	vmul.f32 v28, v43;
	v6 =	vadd.f32 v43, v6  }
0x168: {  	v62 =	vld [tilespmem:s15+$0x1C0];
	v15 =	vmul.f32 $1.442695020e+00, v15;
	(erf) = vpow2.f32 v27;
	v3 =	vadd.f32 v44, v3  }
0x169: {  	v4 =	vadd.f32 v28, v4;
	v28 =	vld [tilespmem:s15+$0x1D0];
	v47 =	vmul.f32 $1.442695020e+00, v29;
	(erf) = vpow2.f32 v30  }
0x16a: {  	v29 =	vld [tilespmem:s15+$0x140];
	v1 =	vadd.f32 v8, v1;
	v8 =	vmul.f32 v11, v41;
	(erf) = vpow2.f32 v26  }
0x16b: {  	v30 =	vld [tilespmem:s15+$0x230];
	v10 =	vmul.f32 $1.442695020e+00, v10;
	v3 =	vadd.f32 v42, v3;
	(erf) = vpow2.f32 v0  }
0x16c: {  	v26 =	vld [tilespmem:s15+$0x2B0];
	v38 =	vadd.f32 v8, v1;
	v1 =	vadd.f32 v41, v6;
	v6 =	vmul.f32 $1.442695020e+00, v7  }
0x16d: {  	v0 =	vld [tilespmem:s15+$0x330];
	v7 =	vmul.f32 $1.442695020e+00, v35;
	[tilespmem:$0x1FE40] =	vst v10;
	v9 =	vmul.f32 $1.442695020e+00, v9  }
0x16e: {  	v8 =	vld [tilespmem:s15+$0x3D0];
	v10 =	vmul.f32 $1.442695020e+00, v59;
	v54 =	vmul.f32 $1.442695020e+00, v62;
	[tilespmem:$0x1FF70] =	vst v3  }
0x16f: {  	(erf) = vpow2.f32 v2;
	v3 =	vadd.f32 v11, v4;
	v4 =	vmul.f32 $1.442695020e+00, v56;
	[tilespmem:$0x1FE10] =	vst v1;
	v1 =	vld [tilespmem:s15+$0x350]  }
0x170: {  	v63 =	vld [tilespmem:s15+$0x2C0];
	[tilespmem:$0x1FE50] =	vst v6;
	v6 =	vmul.f32 $1.442695020e+00, v57;
	v45 =	vmul.f32 $1.442695020e+00, v28  }
0x171: {  	v11 =	vld [tilespmem:s15+$0x40];
	v51 =	vmul.f32 $1.442695020e+00, v29;
	v55 =	vmul.f32 $1.442695020e+00, v30  }
0x172: {  	v28 =	vld [tilespmem:s15+$0x240];
	(erf) = vpow2.f32 v4;
	v43 =	vmul.f32 $1.442695020e+00, v26  }
0x173: {  	v27 =	vld [tilespmem:s15+$0x1B0];
	(erf) = vpow2.f32 v6;
	v41 =	vmul.f32 $1.442695020e+00, v0  }
0x174: {  	v42 =	vmul.f32 $1.442695020e+00, v8;
	v49 =	vmul.f32 $1.442695020e+00, v1;
	v1 =	vld [tilespmem:s15+$0x340]  }
0x175: {  	v29 =	vld [tilespmem:s15+$0x30];
	v8 =	vmul.f32 $1.442695020e+00, v61;
	v61 =	vmul.f32 $1.442695020e+00, v63  }
0x176: {  	v30 =	vld [tilespmem:s15+$0x10];
	v2 =	vpop (erf);
	(erf) = vpow2.f32 v7;
	v50 =	vmul.f32 $1.442695020e+00, v11  }
0x177: {  	[tilespmem:$0x1FE30] =	vst v3;
	v3 =	vld [tilespmem:s15+$0x2D0];
	v58 =	vpop (erf);
	(erf) = vpow2.f32 v5;
	v57 =	vmul.f32 $1.442695020e+00, v28  }
0x178: {  	v7 =	vld [tilespmem:s15+$0x120];
	v56 =	vpop (erf);
	v28 =	vmul.f32 $1.442695020e+00, v27;
	(erf) = vpow2.f32 v31  }
0x179: {  	v4 =	vld [tilespmem:s15+$0x20];
	v44 =	vpop (erf);
	(erf) = vpow2.f32 v15;
	v34 =	vmul.f32 $1.442695020e+00, v1  }
0x17a: {  	v6 =	vld [tilespmem:s15+$0xA0];
	v1 =	vmul.f32 $1.442695020e+00, v29;
	v29 =	vpop (erf);
	(erf) = vpow2.f32 v46  }
0x17b: {  	v0 =	vld [tilespmem:s15+$0x220];
	v30 =	vmul.f32 $1.442695020e+00, v30;
	(erf) = vpow2.f32 v47;
	v35 =	vpop (erf)  }
0x17c: {  	v5 =	vld [tilespmem:s15+$0x1A0];
	v3 =	vmul.f32 $1.442695020e+00, v3;
	(erf) = vpow2.f32 v9;
	v33 =	vpop (erf)  }
0x17d: {  	v27 =	vld [tilespmem:s15+$0x3A0];
	v15 =	vmul.f32 $1.442695020e+00, v7;
	v7 =	vpop (erf);
	(erf) = vpow2.f32 v10  }
0x17e: {  	v26 =	vld [tilespmem:s15+$0x2A0];
	v4 =	vmul.f32 $1.442695020e+00, v4;
	v63 =	vpop (erf);
	(erf) = vpow2.f32 v45  }
0x17f: {  	v37 =	vmul.f32 $1.442695020e+00, v6;
	v6 =	vld [tilespmem:s15+$0x320];
	v62 =	vpop (erf);
	(erf) = vpow2.f32 v48  }
0x180: {  	v59 =	vmul.f32 $1.442695020e+00, v0;
	v10 =	vld [tilespmem:s15+$0x0];
	v47 =	vpop (erf);
	(erf) = vpow2.f32 v3  }
0x181: {  	v9 =	vmul.f32 $1.442695020e+00, v5;
	v5 =	vld [tilespmem:s15+$0x90];
	v45 =	vpop (erf);
	(erf) = vpow2.f32 v49  }
0x182: {  	v0 =	vld [tilespmem:s15+$0x110];
	v46 =	vmul.f32 $1.442695020e+00, v27;
	(erf) = vpow2.f32 v50;
	v27 =	vpop (erf)  }
0x183: {  	v32 =	vld [tilespmem:s15+$0x80];
	v53 =	vmul.f32 $1.442695020e+00, v26;
	(erf) = vpow2.f32 v8;
	v26 =	vpop (erf)  }
0x184: {  	v31 =	vld [tilespmem:s15+$0x210];
	v48 =	vmul.f32 $1.442695020e+00, v6;
	v19 =	vpop (erf);
	(erf) = vpow2.f32 v51  }
0x185: {  	v25 =	vld [tilespmem:s15+$0xB0];
	v10 =	vmul.f32 $1.442695020e+00, v10;
	v6 =	vpop (erf);
	(erf) = vpow2.f32 v54  }
0x186: {  	v11 =	vld [tilespmem:s15+$0x3C0];
	v39 =	vmul.f32 $1.442695020e+00, v5;
	v5 =	vpop (erf);
	(erf) = vpow2.f32 v57  }
0x187: {  	v24 =	vld [tilespmem:s15+$0x130];
	v40 =	vmul.f32 $1.442695020e+00, v0;
	(erf) = vpow2.f32 v10;
	v60 =	vpop (erf)  }
0x188: {  	v8 =	vld [tilespmem:s15+$0x290];
	v10 =	vmul.f32 $1.442695020e+00, v32;
	v49 =	vpop (erf);
	(erf) = vpow2.f32 v61  }
0x189: {  	v0 =	vmul.f32 $1.442695020e+00, v31;
	v54 =	vld [tilespmem:s15+$0x100];
	(erf) = vpow2.f32 v30;
	v31 =	vpop (erf)  }
0x18a: {  	v52 =	vmul.f32 $1.442695020e+00, v25;
	v57 =	vld [tilespmem:s15+$0x180];
	(erf) = vpow2.f32 v10;
	v30 =	vpop (erf)  }
0x18b: {  	v13 =	vld [tilespmem:s15+$0x300];
	v36 =	vmul.f32 $1.442695020e+00, v11;
	(erf) = vpow2.f32 v4;
	v14 =	vpop (erf)  }
0x18c: {  	v11 =	vmul.f32 $1.442695020e+00, v24;
	v24 =	vld [tilespmem:s15+$0x3B0];
	(erf) = vpow2.f32 v39;
	v10 =	vpop (erf)  }
0x18d: {  	v18 =	vld [tilespmem:s15+$0x380];
	v61 =	vmul.f32 $1.442695020e+00, v8;
	(erf) = vpow2.f32 v1;
	v8 =	vpop (erf)  }
0x18e: {  	v17 =	vmul.f32 $1.442695020e+00, v54;
	(erf) = vpow2.f32 v37;
	v1 =	vpop (erf)  }
0x18f: {  	v22 =	vld [tilespmem:s15+$0x200];
	v39 =	vmul.f32 $1.442695020e+00, v57;
	v54 =	vpop (erf);
	(erf) = vpow2.f32 v34  }
0x190: {  	v3 =	vld [tilespmem:s15+$0x190];
	v57 =	vmul.f32 $1.442695020e+00, v13;
	v13 =	vpop (erf);
	(erf) = vpow2.f32 v52  }
0x191: {  	v16 =	vld [tilespmem:s15+$0x8000];
	v12 =	vmul.f32 $1.442695020e+00, v24;
	v34 =	vpop (erf);
	(erf) = vpow2.f32 v36  }
0x192: {  	v52 =	vmul.f32 $1.442695020e+00, v18;
	v18 =	vpop (erf);
	(erf) = vpow2.f32 v11;
	v11 =	vld [tilespmem:$0x1FEB0]  }
0x193: {  	[tilespmem:$0x1FEA0] =	vst v12;
	v12 =	vld [tilespmem:s15+$0x280]  }
0x194: {  	v50 =	vld [tilespmem:s15+$0x310]  }
0x195: {  	v21 =	vmul.f32 $1.442695020e+00, v3;
	v3 =	vld [tilespmem:s15+$0x390]  }
0x196: {  	v20 =	vld [tilespmem:s15+$0x8010]  }
0x197: {  	v4 =	vmul.f32 $1.442695020e+00, v22;
	v22 =	vmul.f32 v13, v16;
	v11 =	vadd.f32 v13, v11;
	v13 =	vld [tilespmem:$0x1FEC0];
	_ =	sdelay $0x1  }
0x198: {  	v24 =	vld [tilespmem:$0x1FED0];
	v51 =	vmul.f32 $1.442695020e+00, v50  }
0x199: {  	v50 =	vmul.f32 $1.442695020e+00, v3;
	v3 =	vmul.f32 $1.442695020e+00, v12;
	v12 =	vld [tilespmem:s15+$0x8020];
	_ =	sdelay $0x1  }
0x19a: {  	v25 =	vld [tilespmem:$0x1FEE0];
	v13 =	vadd.f32 v22, v13;
	v22 =	vmul.f32 v18, v20  }
0x19b: {  	v37 =	vld [tilespmem:s15+$0x8030];
	v23 =	vpop (erf)  }
0x19c: {  	v16 =	vadd.f32 v16, v24;
	v32 =	vpop (erf);
	v11 =	vadd.f32 v18, v11  }
0x19d: {  	v24 =	vld [tilespmem:s15+$0x8040];
	v18 =	vmul.f32 v32, v12;
	v13 =	vadd.f32 v22, v13  }
0x19e: {  	v16 =	vadd.f32 v20, v16;
	v11 =	vadd.f32 v32, v11;
	v22 =	vpop (erf)  }
0x19f: {  	v36 =	vadd.f32 v23, v25;
	(erf) = vpow2.f32 v28;
	v20 =	vld [tilespmem:s15+$0x8050];
	v13 =	vadd.f32 v18, v13;
	v25 =	vpop (erf)  }
0x1a0: {  	(erf) = vpow2.f32 v15;
	v15 =	vmul.f32 v25, v37;
	v11 =	vadd.f32 v25, v11  }
0x1a1: {  	v12 =	vadd.f32 v12, v16;
	v16 =	vld [tilespmem:s15+$0x8060];
	v28 =	vadd.f32 v22, v36  }
0x1a2: {  	v18 =	vpop (erf);
	v13 =	vadd.f32 v15, v13;
	v15 =	vmul.f32 v14, v24;
	v11 =	vadd.f32 v14, v11  }
0x1a3: {  	(erf) = vpow2.f32 v17;
	v25 =	vld [tilespmem:s15+$0x8070];
	v28 =	vadd.f32 v18, v28;
	v36 =	vpop (erf)  }
0x1a4: {  	v17 =	vpop (erf);
	v14 =	vmul.f32 v19, v20;
	v13 =	vadd.f32 v15, v13;
	v11 =	vadd.f32 v19, v11  }
0x1a5: {  	v12 =	vadd.f32 v37, v12;
	v37 =	vadd.f32 v17, v28  }
0x1a6: {  	v13 =	vadd.f32 v14, v13;
	v14 =	vmul.f32 v7, v16;
	v7 =	vadd.f32 v7, v11  }
0x1a7: {  	v12 =	vadd.f32 v24, v12;
	v24 =	vld [tilespmem:s15+$0x8080];
	v32 =	vadd.f32 v10, v37  }
0x1a8: {  	v37 =	vadd.f32 v14, v13;
	v13 =	vmul.f32 v2, v25;
	v2 =	vadd.f32 v2, v7;
	_ =	sdelay $0x1  }
0x1a9: {  	[tilespmem:$0x1FEB0] =	vst v2;
	v2 =	vadd.f32 v13, v37  }
0x1aa: {  	v19 =	vld [tilespmem:s15+$0x8100]  }
0x1ab: {  	v32 =	vadd.f32 v6, v32;
	[tilespmem:$0x1FEC0] =	vst v2;
	v2 =	vmul.f32 v23, v24;
	v23 =	vld [tilespmem:$0x1FEF0]  }
0x1ac: {  	(erf) = vpow2.f32 v40;
	v28 =	vpop (erf);
	v37 =	vld [tilespmem:$0x1FF10]  }
0x1ad: {  	v15 =	vpop (erf);
	v32 =	vadd.f32 v63, v32  }
0x1ae: {  	v12 =	vadd.f32 v20, v12;
	v20 =	vld [tilespmem:s15+$0x8090];
	(erf) = vpow2.f32 v9;
	v9 =	vpop (erf)  }
0x1af: {  	(erf) = vpow2.f32 v21;
	v14 =	vld [tilespmem:s15+$0x8110];
	v21 =	vpop (erf);
	v13 =	vadd.f32 v58, v32  }
0x1b0: {  	v12 =	vadd.f32 v16, v12;
	v11 =	vpop (erf);
	v2 =	vadd.f32 v2, v23;
	v23 =	vld [tilespmem:$0x1FF00]  }
0x1b1: {  	[tilespmem:$0x1FEE0] =	vst v13;
	v13 =	vmul.f32 v11, v19;
	v11 =	vadd.f32 v11, v37;
	v37 =	vld [tilespmem:$0x1FF20]  }
0x1b2: {  	v12 =	vadd.f32 v25, v12;
	v16 =	vld [tilespmem:s15+$0x80A0]  }
0x1b3: {  	v7 =	vld [tilespmem:s15+$0x8120]  }
0x1b4: {  	v40 =	vmov v38;
	[tilespmem:$0x1FED0] =	vst v12;
	v12 =	vld [tilespmem:s15+$0x80B0]  }
0x1b5: {  	v22 =	vmul.f32 v22, v20;
	(erf) = vpow2.f32 v39;
	v25 =	vpop (erf);
	v38 =	vadd.f32 v24, v23;
	v24 =	vld [tilespmem:s15+$0x8130]  }
0x1b6: {  	v32 =	vld [tilespmem:s15+$0x80C0];
	v11 =	vadd.f32 v25, v11;
	v13 =	vadd.f32 v13, v37;
	v37 =	vmul.f32 v25, v14  }
0x1b7: {  	v18 =	vmul.f32 v18, v16;
	v2 =	vadd.f32 v22, v2;
	v22 =	vld [tilespmem:s15+$0x8140];
	v38 =	vadd.f32 v20, v38  }
0x1b8: {  	v11 =	vadd.f32 v21, v11;
	v25 =	vmul.f32 v21, v7;
	v13 =	vadd.f32 v37, v13  }
0x1b9: {  	v2 =	vadd.f32 v18, v2;
	v18 =	vld [tilespmem:s15+$0x8150];
	v16 =	vadd.f32 v16, v38;
	v38 =	vmul.f32 v17, v12  }
0x1ba: {  	v39 =	vld [tilespmem:s15+$0x80D0];
	v11 =	vadd.f32 v15, v11;
	v13 =	vadd.f32 v25, v13;
	v21 =	vmul.f32 v15, v24  }
0x1bb: {  	v10 =	vmul.f32 v10, v32;
	v2 =	vadd.f32 v38, v2;
	v12 =	vadd.f32 v12, v16;
	v16 =	vld [tilespmem:s15+$0x8160]  }
0x1bc: {  	v37 =	vld [tilespmem:s15+$0x80E0];
	v15 =	vmul.f32 v8, v22;
	v8 =	vadd.f32 v8, v11;
	v13 =	vadd.f32 v21, v13  }
0x1bd: {  	v2 =	vadd.f32 v10, v2;
	v10 =	vadd.f32 v32, v12;
	v12 =	vld [tilespmem:s15+$0x8170]  }
0x1be: {  	v11 =	vadd.f32 v15, v13;
	v13 =	vmul.f32 v5, v18;
	v5 =	vadd.f32 v5, v8  }
0x1bf: {  	v6 =	vmul.f32 v6, v39;
	v25 =	vld [tilespmem:s15+$0x80F0]  }
0x1c0: {  	v8 =	vadd.f32 v13, v11;
	v11 =	vmul.f32 v62, v16;
	v5 =	vadd.f32 v62, v5  }
0x1c1: {  	v2 =	vadd.f32 v6, v2;
	v6 =	vadd.f32 v39, v10;
	v10 =	vmul.f32 v63, v37  }
0x1c2: {  	v15 =	vld [tilespmem:s15+$0x8180];
	v8 =	vadd.f32 v11, v8;
	v11 =	vmul.f32 v56, v12;
	v5 =	vadd.f32 v56, v5;
	_ =	sdelay $0x1  }
0x1c3: {  	v23 =	vpop (erf);
	v2 =	vadd.f32 v10, v2;
	v10 =	vmul.f32 v58, v25;
	[tilespmem:$0x1FF10] =	vst v5;
	v5 =	vadd.f32 v11, v8;
	v11 =	vld [tilespmem:$0x1FF50]  }
0x1c4: {  	v20 =	vpop (erf)  }
0x1c5: {  	v17 =	vpop (erf);
	v13 =	vld [tilespmem:s15+$0x8190];
	v6 =	vadd.f32 v37, v6;
	v2 =	vadd.f32 v10, v2  }
0x1c6: {  	v8 =	vld [tilespmem:$0x1FF40];
	[tilespmem:$0x1FF20] =	vst v5;
	v5 =	vmul.f32 v17, v15  }
0x1c7: {  	[tilespmem:$0x1FEF0] =	vst v2;
	v2 =	vadd.f32 v25, v6;
	v6 =	vld [tilespmem:$0x1FF30]  }
0x1c8: {  	v5 =	vadd.f32 v5, v11;
	v11 =	vld [tilespmem:$0x1FF60];
	_ =	sdelay $0x1  }
0x1c9: {  	[tilespmem:$0x1FF00] =	vst v2;
	v2 =	vld [tilespmem:s15+$0x81A0];
	_ =	sdelay $0x1  }
0x1ca: {  	(erf) = vpow2.f32 v55;
	v10 =	vld [tilespmem:s15+$0x81B0];
	v8 =	vadd.f32 v17, v8;
	v6 =	vadd.f32 v19, v6  }
0x1cb: {  	(erf) = vpow2.f32 v59;
	v21 =	vld [tilespmem:$0x1FFB0];
	v11 =	vadd.f32 v15, v11;
	v15 =	vmul.f32 v20, v13  }
0x1cc: {  	(erf) = vpow2.f32 v0;
	v8 =	vadd.f32 v20, v8;
	v6 =	vadd.f32 v14, v6;
	v14 =	vld [tilespmem:s15+$0x81C0]  }
0x1cd: {  	v63 =	vld [tilespmem:$0x1FE10];
	v0 =	vadd.f32 v15, v5;
	v5 =	vadd.f32 v13, v11;
	v11 =	vmul.f32 v23, v2  }
0x1ce: {  	(erf) = vpow2.f32 v4;
	v6 =	vadd.f32 v7, v6;
	v7 =	vadd.f32 v23, v8;
	v8 =	vld [tilespmem:s15+$0x81D0]  }
0x1cf: {  	v19 =	vmovc v42;
	v42 =	vld [tilespmem:s15+$0x8370];
	v0 =	vadd.f32 v11, v0;
	v2 =	vadd.f32 v2, v5;
	v11 =	vmul.f32 v9, v10  }
0x1d0: {  	(erf) = vpow2.f32 v3;
	v5 =	vadd.f32 v24, v6;
	v6 =	vadd.f32 v9, v7;
	v7 =	vld [tilespmem:s15+$0x81E0]  }
0x1d1: {  	v20 =	vld [tilespmem:$0x1FE20];
	v3 =	vmul.f32 v1, v14;
	v0 =	vadd.f32 v11, v0;
	v2 =	vadd.f32 v10, v2  }
0x1d2: {  	v1 =	vadd.f32 v1, v6;
	v6 =	vld [tilespmem:s15+$0x81F0]  }
0x1d3: {  	v23 =	vld [tilespmem:$0x1FFA0];
	v0 =	vadd.f32 v3, v0;
	v2 =	vadd.f32 v14, v2;
	v3 =	vmul.f32 v60, v8  }
0x1d4: {  	v24 =	vmov v33;
	v33 =	vld [tilespmem:$0x1FE30]  }
0x1d5: {  	v9 =	vld [tilespmem:s15+$0x8200];
	v3 =	vadd.f32 v3, v0;
	v2 =	vadd.f32 v8, v2;
	v8 =	vmul.f32 v47, v7  }
0x1d6: {  	v4 =	vpop (erf);
	(erf) = vpow2.f32 v61;
	v5 =	vadd.f32 v22, v5;
	v22 =	vld [tilespmem:$0x1FF80]  }
0x1d7: {  	v11 =	vld [tilespmem:s15+$0x8210];
	v3 =	vadd.f32 v8, v3;
	v2 =	vadd.f32 v7, v2;
	v7 =	vmul.f32 v44, v6  }
0x1d8: {  	v10 =	vpop (erf);
	(erf) = vpow2.f32 v53;
	v53 =	vld [tilespmem:s15+$0x82E0];
	v5 =	vadd.f32 v18, v5  }
0x1d9: {  	v13 =	vpop (erf);
	(erf) = vpow2.f32 v43;
	v43 =	vld [tilespmem:s15+$0x83E0];
	v1 =	vadd.f32 v60, v1;
	v3 =	vadd.f32 v7, v3  }
0x1da: {  	v15 =	vadd.f32 v16, v5;
	v8 =	vld [tilespmem:s15+$0x8220]  }
0x1db: {  	v1 =	vadd.f32 v47, v1;
	[tilespmem:$0x1FF50] =	vst v3;
	v3 =	vld [tilespmem:$0x1FE60]  }
0x1dc: {  	v12 =	vadd.f32 v12, v15;
	v2 =	vadd.f32 v6, v2;
	v6 =	vld [tilespmem:$0x1FE70]  }
0x1dd: {  	v1 =	vadd.f32 v44, v1;
	v7 =	vld [tilespmem:$0x1FE80]  }
0x1de: {  	v14 =	vpop (erf);
	[tilespmem:$0x1FF30] =	vst v12;
	v12 =	vld [tilespmem:$0x1FE90]  }
0x1df: {  	v18 =	vld [tilespmem:$0x1FE40];
	[tilespmem:$0x1FF40] =	vst v1;
	v1 =	vmul.f32 v14, v9  }
0x1e0: {  	v3 =	vadd.f32 v14, v3;
	v14 =	vld [tilespmem:$0x1FEA0]  }
0x1e1: {  	[tilespmem:$0x1FF60] =	vst v2;
	v2 =	vld [tilespmem:s15+$0x8230];
	v1 =	vadd.f32 v1, v6;
	v6 =	vmul.f32 v13, v11  }
0x1e2: {  	v0 =	vld [tilespmem:s15+$0x8270];
	v5 =	vpop (erf);
	v7 =	vadd.f32 v9, v7  }
0x1e3: {  	v9 =	vld [tilespmem:s15+$0x8240];
	v12 =	vadd.f32 v5, v12;
	v1 =	vadd.f32 v6, v1;
	v6 =	vmul.f32 v10, v8  }
0x1e4: {  	(erf) = vpow2.f32 v41;
	v55 =	vpop (erf);
	v7 =	vadd.f32 v11, v7;
	v11 =	vld [tilespmem:s15+$0x8250];
	v3 =	vadd.f32 v13, v3  }
0x1e5: {  	v16 =	vld [tilespmem:$0x1FE50];
	v12 =	vadd.f32 v55, v12;
	v1 =	vadd.f32 v6, v1;
	(erf) = vpow2.f32 v14  }
0x1e6: {  	v56 =	vpop (erf);
	v6 =	vmul.f32 v4, v2;
	v13 =	vld [tilespmem:s15+$0x8260];
	v3 =	vadd.f32 v10, v3;
	(erf) = vpow2.f32 v48  }
0x1e7: {  	v47 =	vld [tilespmem:s15+$0x82F0];
	v60 =	vmul.f32 v29, v0;
	v10 =	vadd.f32 v8, v7;
	v8 =	vadd.f32 v56, v12  }
0x1e8: {  	v41 =	vld [tilespmem:s15+$0x83F0];
	v58 =	vpop (erf);
	v1 =	vadd.f32 v6, v1;
	v3 =	vadd.f32 v4, v3;
	v4 =	vmul.f32 v54, v9  }
0x1e9: {  	v44 =	vld [tilespmem:s15+$0x8360];
	v2 =	vadd.f32 v2, v10;
	v6 =	vadd.f32 v58, v8;
	v8 =	vmul.f32 v49, v11  }
0x1ea: {  	p0 =	sne.s32 s14, $0xF000;
	v10 =	vld [tilespmem:s15+$0x8290];
	(erf) = vpow2.f32 v57;
	v3 =	vadd.f32 v54, v3;
	v4 =	vadd.f32 v4, v1  }
.Ltmp2:
0x1eb: {  	v12 =	vmul.f32 v45, v13;
	v1 =	vld [tilespmem:s15+$0x82D0];
	v2 =	vadd.f32 v9, v2;
	v6 =	vadd.f32 v34, v6;
	(pc) =	sbr.rel @p0 .LBB2_3-.Ltmp2, $4  }
0x1ec: {  	v25 =	vmovc v35;
	(erf) = vpow2.f32 v51;
	v9 =	vld [tilespmem:s15+$0x8280];
	v3 =	vadd.f32 v49, v3;
	v4 =	vadd.f32 v8, v4  }
0x1ed: {  	v7 =	vpop (erf);
	(erf) = vpow2.f32 v46;
	v46 =	vld [tilespmem:s15+$0x8300];
	v2 =	vadd.f32 v11, v2;
	v6 =	vadd.f32 v31, v6  }
0x1ee: {  	v11 =	vld [tilespmem:s15+$0x82A0];
	v3 =	vadd.f32 v45, v3;
	v38 =	vadd.f32 v12, v4;
	v48 =	vpop (erf);
	(erf) = vpow2.f32 v50  }
0x1ef: {  	s14 =	sadd.s32 $0x1000, s14;
	v45 =	vld [tilespmem:s15+$0x8310];
	v62 =	vadd.f32 v13, v2;
	v15 =	vadd.f32 v27, v6;
	v8 =	vpop (erf);
	(erf) = vpow2.f32 v52  }
0x1f0: {  	v50 =	vld [tilespmem:s15+$0x8320]  }
0x1f1: {  	v12 =	vld [tilespmem:s15+$0x82B0]  }
0x1f2: {  	v37 =	vld [tilespmem:s15+$0x8330];
	(erf) = vpow2.f32 v19  }
0x1f3: {  	v13 =	vld [tilespmem:s15+$0x82C0];
	(erf) = vpow2.f32 v18  }
0x1f4: {  	v4 =	vld [tilespmem:s15+$0x8340];
	(erf) = vpow2.f32 v16  }
0x1f5: {  	v54 =	vld [tilespmem:s15+$0x8350]  }
0x1f6: {  	v35 =	vld [tilespmem:s15+$0x83D0];
	v14 =	vpop (erf)  }
0x1f7: {  	v32 =	vld [tilespmem:s15+$0x83C0];
	s14 =	sshll.u32 s12, $0xF;
	p0 =	seq.s32 s12, $0x7;
	v16 =	vpop (erf)  }
0x1f8: {  	v6 =	vld [tilespmem:s15+$0x83B0];
	s16 =	sadd.s32 @!p0 s14, s9;
	v39 =	vpop (erf)  }
0x1f9: {  	v57 =	vld [tilespmem:s15+$0x83A0];
	s16 =	sshrl.u32 @!p0 s16, $0x3;
	v59 =	vpop (erf)  }
0x1fa: {  	v61 =	vld [tilespmem:s15+$0x8380];
	s18 =	simm.s32 @!p0 $0x0;
	s17 =	sadd.s32 @!p0 s1, s16;
	v17 =	vpop (erf)  }
0x1fb: {  	v51 =	vld [tilespmem:s15+$0x8390];
	v38 =	vadd.f32 v60, v38;
	v5 =	vmul.f32 v5, v9;
	[tilespmem:s18], [sflag:$0x1] =	stream.linear.gather @!p0 [hbm4b:s17+s18], $0x4000, $0x38;
	v2 =	vpop (erf)  }
0x1fc: {  	v60 =	vadd.f32 v0, v62;
	v62 =	vadd.f32 v9, v22;
	s15 =	sadd.s32 @!p0 s2, s16;
	s16 =	simm.s32 @!p0 $0x8000;
	v52 =	vpop (erf)  }
0x1fd: {  	v18 =	vmul.f32 v55, v10;
	v5 =	vadd.f32 v5, v23;
	[tilespmem:s16], [sflag:$0x3] =	stream.linear.gather @!p0 [hbm4b:s15+s18], $0x4000, $0x38;
	v49 =	vpop (erf);
	[tilespmem:$0x10F80] =	vst v63  }
0x1fe: {  	v9 =	vadd.f32 v10, v62;
	v0 =	vmul.f32 v14, v46;
	_ =	swait.ge [sflag:s5], $0x4000  }
0x1ff: {  	v14 =	vadd.f32 v14, v21;
	v5 =	vadd.f32 v18, v5;
	v21 =	vmul.f32 v58, v12;
	[sflag:s5] =	ssyncset.done $0x0  }
0x200: {  	v9 =	vadd.f32 v11, v9;
	v22 =	vmul.f32 v7, v37;
	v23 =	vmul.f32 v34, v13;
	[sflag:s5] =	ssyncadd.s32 $0xFFFFC000  }
0x201: {  	v34 =	vmul.f32 v31, v1;
	v0 =	vadd.f32 v0, v20;
	v19 =	vmul.f32 v16, v45;
	_ =	swait.ge [sflag:s6], $0x4000  }
0x202: {  	v20 =	vmul.f32 v56, v11;
	v14 =	vadd.f32 v16, v14;
	v56 =	vadd.f32 v25, v15;
	[sflag:s6] =	ssyncset.done $0x0  }
0x203: {  	v16 =	vmul.f32 v8, v50;
	s15 =	simm.s32 $0x0;
	v9 =	vadd.f32 v12, v9;
	v0 =	vadd.f32 v19, v0;
	[sflag:s6] =	ssyncadd.s32 $0xFFFFC000  }
0x204: {  	v62 =	vmul.f32 v30, v54;
	v5 =	vadd.f32 v20, v5;
	v8 =	vadd.f32 v8, v14;
	v14 =	vld [tilespmem:s15+$0x4070]  }
0x205: {  	v18 =	vmul.f32 v26, v44;
	v9 =	vadd.f32 v13, v9;
	v0 =	vadd.f32 v16, v0;
	v12 =	vld [tilespmem:s15+$0x40F0]  }
0x206: {  	v20 =	vmul.f32 v25, v47;
	v5 =	vadd.f32 v21, v5;
	v7 =	vadd.f32 v7, v8;
	v19 =	vld [tilespmem:s15+$0x41F0]  }
0x207: {  	v8 =	vmul.f32 v36, v4;
	v1 =	vadd.f32 v1, v9;
	v0 =	vadd.f32 v22, v0;
	v16 =	vld [tilespmem:s15+$0x4170]  }
0x208: {  	v13 =	vmul.f32 v27, v53;
	v5 =	vadd.f32 v23, v5;
	v7 =	vadd.f32 v36, v7  }
0x209: {  	v21 =	vmul.f32 v24, v42;
	v1 =	vadd.f32 v53, v1;
	v0 =	vadd.f32 v8, v0;
	v8 =	vld [tilespmem:s15+$0x4270]  }
0x20a: {  	v5 =	vadd.f32 v34, v5;
	v7 =	vadd.f32 v30, v7;
	v34 =	vld [tilespmem:s15+$0x42F0];
	v14 =	vmul.f32 $1.442695020e+00, v14  }
0x20b: {  	v0 =	vadd.f32 v62, v0;
	v12 =	vmul.f32 $1.442695020e+00, v12;
	v15 =	vmul.f32 $1.442695020e+00, v19;
	v19 =	vld [tilespmem:s15+$0x4370]  }
0x20c: {  	v5 =	vadd.f32 v13, v5;
	v55 =	vld [tilespmem:s15+$0x4060];
	v36 =	vmul.f32 $1.442695020e+00, v16;
	(erf) = vpow2.f32 v14  }
0x20d: {  	v1 =	vadd.f32 v47, v1;
	v58 =	vld [tilespmem:s15+$0x40E0];
	v0 =	vadd.f32 v18, v0;
	(erf) = vpow2.f32 v12  }
0x20e: {  	v62 =	vld [tilespmem:s15+$0x4160];
	v5 =	vadd.f32 v20, v5;
	v8 =	vmul.f32 $1.442695020e+00, v8;
	(erf) = vpow2.f32 v36  }
0x20f: {  	v18 =	vld [tilespmem:s15+$0x4260];
	v0 =	vadd.f32 v21, v0;
	v10 =	vmul.f32 $1.442695020e+00, v34;
	(erf) = vpow2.f32 v15  }
0x210: {  	v7 =	vadd.f32 v26, v7;
	v26 =	vld [tilespmem:s15+$0x42D0];
	[tilespmem:$0x1FCF0] =	vst v5;
	v19 =	vmul.f32 $1.442695020e+00, v19;
	(erf) = vpow2.f32 v8  }
0x211: {  	[tilespmem:$0x1FD20] =	vst v0;
	v0 =	vld [tilespmem:s15+$0x40D0];
	v5 =	vmul.f32 $1.442695020e+00, v55;
	(erf) = vpow2.f32 v10  }
0x212: {  	[tilespmem:$0x1FD00] =	vst v1;
	v34 =	vld [tilespmem:s15+$0x42E0];
	v1 =	vmul.f32 $1.442695020e+00, v58;
	v8 =	vmov v24;
	(erf) = vpow2.f32 v19  }
0x213: {  	v22 =	vmul.f32 v48, v6;
	v24 =	vld [tilespmem:s15+$0x41E0];
	v7 =	vadd.f32 v8, v7;
	(erf) = vpow2.f32 v5  }
0x214: {  	v13 =	vmul.f32 v28, v32;
	(erf) = vpow2.f32 v1;
	v1 =	vld [tilespmem:$0x1FF70]  }
0x215: {  	v16 =	vmul.f32 v39, v57;
	v23 =	vmul.f32 $1.442695020e+00, v62;
	[tilespmem:$0x1FD10] =	vst v7;
	v7 =	vld [tilespmem:s15+$0x4050]  }
0x216: {  	v18 =	vmul.f32 $1.442695020e+00, v18;
	v26 =	vmul.f32 $1.442695020e+00, v26;
	v19 =	vld [tilespmem:s15+$0x4360]  }
0x217: {  	v14 =	vmul.f32 v17, v61;
	v12 =	vmul.f32 v59, v51  }
0x218: {  	v62 =	vld [tilespmem:s15+$0x4240];
	v0 =	vmul.f32 $1.442695020e+00, v0;
	v5 =	vmul.f32 $1.442695020e+00, v24  }
0x219: {  	v20 =	vmul.f32 $1.442695020e+00, v34;
	v24 =	vld [tilespmem:s15+$0x4150];
	(erf) = vpow2.f32 v23;
	v36 =	vadd.f32 v46, v1;
	v1 =	vpop (erf)  }
0x21a: {  	v53 =	vld [tilespmem:s15+$0x41D0];
	v17 =	vadd.f32 v17, v33;
	(erf) = vpow2.f32 v5;
	v7 =	vmul.f32 $1.442695020e+00, v7;
	v33 =	vpop (erf)  }
0x21b: {  	v5 =	vadd.f32 v14, v40;
	v14 =	vld [tilespmem:s15+$0x4250];
	v19 =	vmul.f32 $1.442695020e+00, v19;
	(erf) = vpow2.f32 v18;
	v31 =	vpop (erf)  }
0x21c: {  	v3 =	vadd.f32 v29, v3;
	v30 =	vld [tilespmem:s15+$0x4140];
	v15 =	vmul.f32 v2, v35;
	(erf) = vpow2.f32 v20;
	v46 =	vpop (erf)  }
0x21d: {  	v9 =	vmul.f32 $1.442695020e+00, v62;
	v18 =	vadd.f32 v61, v63;
	v61 =	vld [tilespmem:s15+$0x4350];
	(erf) = vpow2.f32 v19;
	v29 =	vpop (erf)  }
0x21e: {  	v27 =	vld [tilespmem:s15+$0x40C0];
	v24 =	vmul.f32 $1.442695020e+00, v24;
	(erf) = vpow2.f32 v7;
	v7 =	vpop (erf)  }
0x21f: {  	v23 =	vmul.f32 $1.442695020e+00, v53;
	v19 =	vld [tilespmem:s15+$0x4040];
	(erf) = vpow2.f32 v0;
	v0 =	vpop (erf)  }
0x220: {  	v17 =	vadd.f32 v59, v17;
	v10 =	vld [tilespmem:s15+$0x4020];
	v14 =	vmul.f32 $1.442695020e+00, v14;
	(erf) = vpow2.f32 v24;
	v58 =	vpop (erf)  }
0x221: {  	v63 =	vmul.f32 $1.442695020e+00, v30;
	v12 =	vadd.f32 v12, v5;
	[tilespmem:$0x1FD30] =	vst v0;
	(erf) = vpow2.f32 v23;
	v0 =	vpop (erf)  }
0x222: {  	v18 =	vadd.f32 v51, v18;
	v21 =	vmul.f32 $1.442695020e+00, v61;
	v24 =	vld [tilespmem:s15+$0x41C0];
	v51 =	vpop (erf);
	(erf) = vpow2.f32 v14  }
0x223: {  	v17 =	vadd.f32 v39, v17;
	v30 =	vld [tilespmem:s15+$0x4010];
	v47 =	vpop (erf);
	(erf) = vpow2.f32 v26;
	v26 =	vmul.f32 $1.442695020e+00, v27  }
0x224: {  	v55 =	vadd.f32 v45, v36;
	v12 =	vadd.f32 v16, v12;
	v16 =	vld [tilespmem:s15+$0x4000];
	v14 =	vmul.f32 $1.442695020e+00, v19  }
0x225: {  	v39 =	vmul.f32 $1.442695020e+00, v10;
	v18 =	vadd.f32 v57, v18;
	v19 =	vld [tilespmem:s15+$0x42C0];
	v45 =	vpop (erf);
	(erf) = vpow2.f32 v21  }
0x226: {  	v20 =	vadd.f32 v50, v55;
	v12 =	vadd.f32 v22, v12;
	(erf) = vpow2.f32 v14;
	v27 =	vpop (erf)  }
0x227: {  	v14 =	vadd.f32 v48, v17;
	v17 =	vmul.f32 $1.442695020e+00, v24;
	v24 =	vld [tilespmem:s15+$0x4080];
	(erf) = vpow2.f32 v26;
	v26 =	vpop (erf)  }
0x228: {  	v36 =	vmul.f32 $1.442695020e+00, v30;
	v6 =	vadd.f32 v6, v18;
	v18 =	vld [tilespmem:s15+$0x4090];
	(erf) = vpow2.f32 v63;
	v34 =	vpop (erf)  }
0x229: {  	v20 =	vadd.f32 v37, v20;
	v16 =	vmul.f32 $1.442695020e+00, v16;
	v55 =	vpop (erf);
	(erf) = vpow2.f32 v17;
	v17 =	vld [tilespmem:s15+$0x4030]  }
0x22a: {  	v12 =	vadd.f32 v13, v12;
	v19 =	vmul.f32 $1.442695020e+00, v19;
	v37 =	vpop (erf);
	(erf) = vpow2.f32 v9  }
0x22b: {  	v11 =	vld [tilespmem:s15+$0x40A0];
	v6 =	vadd.f32 v32, v6;
	v4 =	vadd.f32 v4, v20;
	(erf) = vpow2.f32 v16  }
0x22c: {  	v13 =	vld [tilespmem:s15+$0x4340];
	v14 =	vadd.f32 v28, v14;
	v50 =	vpop (erf);
	v16 =	vmul.f32 $1.442695020e+00, v24;
	(erf) = vpow2.f32 v19  }
0x22d: {  	v4 =	vadd.f32 v54, v4;
	v18 =	vmul.f32 $1.442695020e+00, v18;
	v48 =	vpop (erf);
	v19 =	vld [tilespmem:s15+$0x40B0];
	(erf) = vpow2.f32 v36  }
0x22e: {  	v40 =	vld [tilespmem:s15+$0x43C0];
	v14 =	vadd.f32 v2, v14;
	v32 =	vpop (erf);
	(erf) = vpow2.f32 v16;
	v2 =	vmul.f32 $1.442695020e+00, v17  }
0x22f: {  	v4 =	vadd.f32 v44, v4;
	v30 =	vpop (erf);
	v16 =	vld [tilespmem:s15+$0x4130];
	(erf) = vpow2.f32 v39  }
0x230: {  	v12 =	vadd.f32 v15, v12;
	v15 =	vmul.f32 $1.442695020e+00, v11;
	v17 =	vpop (erf);
	(erf) = vpow2.f32 v18  }
0x231: {  	v13 =	vmul.f32 $1.442695020e+00, v13;
	v63 =	vadd.f32 v42, v4;
	v4 =	vld [tilespmem:$0x1FEB0];
	v28 =	vpop (erf);
	(erf) = vpow2.f32 v2  }
0x232: {  	v19 =	vmul.f32 $1.442695020e+00, v19;
	v2 =	vpop (erf);
	(erf) = vpow2.f32 v15  }
0x233: {  	v15 =	vmul.f32 $1.442695020e+00, v40;
	v53 =	vpop (erf);
	(erf) = vpow2.f32 v13  }
0x234: {  	v57 =	vld [tilespmem:s15+$0xC000];
	v13 =	vmul.f32 $1.442695020e+00, v16;
	v44 =	vpop (erf);
	(erf) = vpow2.f32 v19  }
0x235: {  	v10 =	vpop (erf);
	(erf) = vpow2.f32 v15  }
0x236: {  	(erf) = vpow2.f32 v13;
	v13 =	vadd.f32 v10, v4;
	v4 =	vld [tilespmem:$0x1FEC0];
	_ =	sdelay $0x1  }
0x237: {  	v18 =	vld [tilespmem:s15+$0x41B0]  }
0x238: {  	v24 =	vmul.f32 v10, v57  }
0x239: {  	v25 =	vmul.f32 v52, v43;
	v59 =	vld [tilespmem:s15+$0xC010]  }
0x23a: {  	v11 =	vadd.f32 v24, v4;
	v4 =	vld [tilespmem:$0x1FED0]  }
0x23b: {  	v16 =	vld [tilespmem:s15+$0xC020]  }
0x23c: {  	v6 =	vadd.f32 v35, v6;
	v15 =	vmul.f32 $1.442695020e+00, v18;
	v35 =	vpop (erf)  }
0x23d: {  	v12 =	vadd.f32 v25, v12;
	v14 =	vadd.f32 v52, v14;
	v18 =	vld [tilespmem:s15+$0xC030];
	v25 =	vpop (erf)  }
0x23e: {  	v9 =	vld [tilespmem:s15+$0x4120];
	v19 =	vadd.f32 v43, v6;
	(erf) = vpow2.f32 v15;
	v39 =	vpop (erf);
	v24 =	vmul.f32 v25, v59  }
0x23f: {  	v52 =	vld [tilespmem:s15+$0xC040];
	v13 =	vadd.f32 v25, v13;
	v54 =	vpop (erf);
	v25 =	vmul.f32 v49, v41;
	v20 =	vadd.f32 v57, v4  }
0x240: {  	v15 =	vld [tilespmem:s15+$0x4110];
	v42 =	vpop (erf);
	v23 =	vadd.f32 v24, v11;
	v24 =	vmul.f32 v54, v16;
	v4 =	vadd.f32 v49, v14  }
0x241: {  	v13 =	vadd.f32 v54, v13;
	v57 =	vld [tilespmem:s15+$0xC050];
	v20 =	vadd.f32 v59, v20;
	v59 =	vpop (erf)  }
0x242: {  	v23 =	vadd.f32 v24, v23;
	[tilespmem:$0x1FD40] =	vst v4;
	v4 =	vadd.f32 v25, v12;
	v24 =	vmul.f32 v59, v18  }
0x243: {  	v61 =	vld [tilespmem:s15+$0xC060];
	v21 =	vmul.f32 $1.442695020e+00, v9;
	v13 =	vadd.f32 v59, v13;
	v16 =	vadd.f32 v16, v20  }
0x244: {  	v9 =	vmul.f32 v17, v52;
	v6 =	vld [tilespmem:s15+$0x4100];
	[tilespmem:$0x1FD50] =	vst v4;
	v4 =	vadd.f32 v41, v19;
	v62 =	vadd.f32 v24, v23  }
0x245: {  	v14 =	vmul.f32 $1.442695020e+00, v15;
	v15 =	vadd.f32 v18, v16;
	v16 =	vld [tilespmem:s15+$0xC070]  }
0x246: {  	v13 =	vadd.f32 v17, v13;
	v10 =	vmul.f32 v34, v57;
	[tilespmem:$0x1FD60] =	vst v4;
	v4 =	vld [tilespmem:$0x1FEE0];
	v17 =	vadd.f32 v9, v62;
	_ =	sdelay $0x1  }
0x247: {  	v12 =	vadd.f32 v52, v15;
	v15 =	vadd.f32 v10, v17;
	v17 =	vmul.f32 v58, v61;
	_ =	sdelay $0x1  }
0x248: {  	v12 =	vadd.f32 v57, v12;
	v17 =	vadd.f32 v17, v15;
	v19 =	vmul.f32 v1, v16  }
0x249: {  	v6 =	vmul.f32 $1.442695020e+00, v6;
	v59 =	vadd.f32 v39, v4  }
0x24a: {  	(erf) = vpow2.f32 v21;
	v12 =	vadd.f32 v61, v12;
	v4 =	vadd.f32 v19, v17  }
0x24b: {  	(erf) = vpow2.f32 v6;
	v18 =	vpop (erf)  }
0x24c: {  	v36 =	vpop (erf);
	(erf) = vpow2.f32 v14;
	v14 =	vld [tilespmem:s15+$0xC080];
	[tilespmem:$0x1FD80] =	vst v4;
	v4 =	vadd.f32 v16, v12  }
0x24d: {  	v13 =	vadd.f32 v34, v13  }
0x24e: {  	[tilespmem:$0x1FD90] =	vst v4;
	v4 =	vld [tilespmem:$0x1FEF0]  }
0x24f: {  	v13 =	vadd.f32 v58, v13;
	_ =	sdelay $0x1  }
0x250: {  	v1 =	vadd.f32 v1, v13;
	v13 =	vmul.f32 v39, v14;
	_ =	sdelay $0x1  }
0x251: {  	v13 =	vadd.f32 v13, v4;
	v4 =	vld [tilespmem:$0x1FF00]  }
0x252: {  	v11 =	vld [tilespmem:s15+$0xC090];
	_ =	sdelay $0x1  }
0x253: {  	[tilespmem:$0x1FD70] =	vst v1;
	v1 =	vld [tilespmem:s15+$0xC0A0];
	v61 =	vadd.f32 v42, v59  }
0x254: {  	v40 =	vld [tilespmem:s15+$0xC100];
	v23 =	vpop (erf)  }
0x255: {  	v34 =	vpop (erf);
	v39 =	vadd.f32 v18, v61;
	v14 =	vadd.f32 v14, v4;
	v4 =	vld [tilespmem:$0x1FF10]  }
0x256: {  	v54 =	vld [tilespmem:s15+$0xC110];
	v49 =	vpop (erf);
	v42 =	vmul.f32 v42, v11  }
0x257: {  	v57 =	vld [tilespmem:s15+$0xC0B0];
	v15 =	vpop (erf);
	v39 =	vadd.f32 v23, v39  }
0x258: {  	v17 =	vld [tilespmem:s15+$0x41A0];
	v20 =	vpop (erf);
	v18 =	vmul.f32 v18, v1;
	v13 =	vadd.f32 v42, v13  }
0x259: {  	v16 =	vld [tilespmem:s15+$0xC120];
	v12 =	vpop (erf);
	v39 =	vadd.f32 v28, v39  }
0x25a: {  	v62 =	vmul.f32 v12, v40;
	v13 =	vadd.f32 v18, v13;
	v18 =	vld [tilespmem:s15+$0xC0C0];
	v12 =	vadd.f32 v12, v4  }
0x25b: {  	v58 =	vld [tilespmem:s15+$0x4190];
	v9 =	vpop (erf);
	v61 =	vadd.f32 v55, v39  }
0x25c: {  	v39 =	vld [tilespmem:s15+$0xC0E0];
	v14 =	vadd.f32 v11, v14;
	v12 =	vadd.f32 v9, v12  }
0x25d: {  	v23 =	vmul.f32 v23, v57;
	v17 =	vmul.f32 $1.442695020e+00, v17;
	v4 =	vld [tilespmem:$0x1FF20]  }
0x25e: {  	v22 =	vmul.f32 v20, v16;
	v1 =	vadd.f32 v1, v14;
	v12 =	vadd.f32 v20, v12;
	v20 =	vld [tilespmem:s15+$0xC0D0]  }
0x25f: {  	v59 =	vld [tilespmem:s15+$0x4180];
	v13 =	vadd.f32 v23, v13;
	v28 =	vmul.f32 v28, v18  }
0x260: {  	v10 =	vmul.f32 v9, v54;
	(erf) = vpow2.f32 v17;
	v14 =	vld [tilespmem:s15+$0xC140];
	v1 =	vadd.f32 v57, v1  }
0x261: {  	v41 =	vld [tilespmem:s15+$0xC130];
	v23 =	vadd.f32 v0, v61;
	v13 =	vadd.f32 v28, v13;
	v9 =	vmul.f32 $1.442695020e+00, v58  }
0x262: {  	v0 =	vmul.f32 v0, v39;
	v28 =	vld [tilespmem:s15+$0xC0F0];
	v1 =	vadd.f32 v18, v1;
	v52 =	vadd.f32 v62, v4  }
0x263: {  	v43 =	vld [tilespmem:s15+$0x43F0];
	(erf) = vpow2.f32 v9;
	v12 =	vadd.f32 v49, v12;
	v18 =	vmul.f32 v55, v20  }
0x264: {  	v4 =	vadd.f32 v33, v23;
	v11 =	vadd.f32 v10, v52;
	v10 =	vmul.f32 $1.442695020e+00, v59;
	v55 =	vld [tilespmem:s15+$0x4230]  }
0x265: {  	v57 =	vld [tilespmem:s15+$0xC150];
	v62 =	vmul.f32 v2, v14;
	v2 =	vadd.f32 v2, v12;
	v13 =	vadd.f32 v18, v13  }
0x266: {  	[tilespmem:$0x1FDA0] =	vst v4;
	v4 =	vld [tilespmem:$0x1FF30];
	v17 =	vadd.f32 v22, v11;
	v11 =	vmul.f32 v49, v41;
	(erf) = vpow2.f32 v10  }
0x267: {  	v49 =	vld [tilespmem:s15+$0xC160];
	v2 =	vadd.f32 v37, v2;
	v0 =	vadd.f32 v0, v13;
	v13 =	vmul.f32 v33, v28  }
0x268: {  	v21 =	vld [tilespmem:s15+$0x4210];
	v17 =	vadd.f32 v11, v17  }
0x269: {  	v12 =	vld [tilespmem:s15+$0xC170];
	v2 =	vadd.f32 v51, v2;
	v0 =	vadd.f32 v13, v0;
	v13 =	vmul.f32 $1.442695020e+00, v55  }
0x26a: {  	v9 =	vmul.f32 v37, v57;
	v1 =	vadd.f32 v20, v1;
	v11 =	vld [tilespmem:s15+$0xC180];
	v17 =	vadd.f32 v62, v17  }
0x26b: {  	v2 =	vadd.f32 v31, v2;
	(erf) = vpow2.f32 v13;
	v13 =	vadd.f32 v40, v4;
	v4 =	vld [tilespmem:$0x1FF40]  }
0x26c: {  	v42 =	vld [tilespmem:s15+$0x43D0];
	v18 =	vmul.f32 v51, v49;
	v17 =	vadd.f32 v9, v17  }
0x26d: {  	v23 =	vld [tilespmem:s15+$0xC190];
	v1 =	vadd.f32 v39, v1;
	v39 =	vpop (erf)  }
0x26e: {  	v52 =	vld [tilespmem:s15+$0x43E0];
	v22 =	vpop (erf);
	v17 =	vadd.f32 v18, v17;
	[tilespmem:$0x1FDB0] =	vst v0;
	v0 =	vmul.f32 v31, v12  }
0x26f: {  	v10 =	vld [tilespmem:s15+$0x4220];
	[tilespmem:$0x1FDD0] =	vst v2;
	v2 =	vpop (erf)  }
0x270: {  	v0 =	vadd.f32 v0, v17;
	v17 =	vmul.f32 v2, v11;
	v2 =	vadd.f32 v2, v4;
	v4 =	vld [tilespmem:$0x1FF50]  }
0x271: {  	v37 =	vld [tilespmem:s15+$0x42B0]  }
0x272: {  	[tilespmem:$0x1FDE0] =	vst v0;
	v0 =	vld [tilespmem:s15+$0x4200]  }
0x273: {  	v1 =	vadd.f32 v28, v1;
	v62 =	vld [tilespmem:s15+$0xC1A0]  }
0x274: {  	v28 =	vmul.f32 $1.442695020e+00, v10;
	v31 =	vmul.f32 $1.442695020e+00, v21;
	v21 =	vld [tilespmem:s15+$0xC1B0];
	v13 =	vadd.f32 v54, v13  }
0x275: {  	v2 =	vadd.f32 v22, v2;
	v17 =	vadd.f32 v17, v4;
	v4 =	vld [tilespmem:$0x1FF60]  }
0x276: {  	v33 =	vld [tilespmem:s15+$0x4290];
	v20 =	vmul.f32 v22, v23;
	(erf) = vpow2.f32 v28  }
0x277: {  	v9 =	vld [tilespmem:s15+$0x43B0];
	v13 =	vadd.f32 v16, v13;
	v0 =	vmul.f32 $1.442695020e+00, v0;
	v2 =	vadd.f32 v39, v2  }
0x278: {  	(erf) = vpow2.f32 v31;
	v16 =	vmul.f32 v39, v62;
	v22 =	vld [tilespmem:s15+$0x42A0]  }
0x279: {  	v13 =	vadd.f32 v41, v13;
	(erf) = vpow2.f32 v0;
	v0 =	vld [tilespmem:s15+$0xC1C0];
	v2 =	vadd.f32 v15, v2  }
0x27a: {  	v61 =	vmul.f32 v15, v21;
	v15 =	vld [tilespmem:s15+$0xC1D0];
	v17 =	vadd.f32 v20, v17;
	v10 =	vadd.f32 v11, v4  }
0x27b: {  	v13 =	vadd.f32 v14, v13;
	v11 =	vld [tilespmem:s15+$0x4280]  }
0x27c: {  	v37 =	vmul.f32 $1.442695020e+00, v37;
	v16 =	vadd.f32 v16, v17;
	v17 =	vld [tilespmem:s15+$0x4320];
	v23 =	vadd.f32 v23, v10  }
0x27d: {  	v59 =	vld [tilespmem:s15+$0x43A0];
	v28 =	vmul.f32 $1.442695020e+00, v42;
	v39 =	vmul.f32 $1.442695020e+00, v9;
	v13 =	vadd.f32 v57, v13  }
0x27e: {  	[tilespmem:$0x1FDC0] =	vst v1;
	v1 =	vld [tilespmem:s15+$0x4330];
	v9 =	vmul.f32 $1.442695020e+00, v33;
	v51 =	vmul.f32 $1.442695020e+00, v22;
	v40 =	vadd.f32 v62, v23  }
0x27f: {  	v13 =	vadd.f32 v49, v13;
	v16 =	vadd.f32 v61, v16;
	v14 =	vmul.f32 v53, v0;
	v10 =	vld [tilespmem:s15+$0xC1E0]  }
0x280: {  	v42 =	vld [tilespmem:s15+$0xC3F0];
	v2 =	vadd.f32 v53, v2;
	v58 =	vmul.f32 $1.442695020e+00, v11;
	v40 =	vadd.f32 v21, v40  }
0x281: {  	v14 =	vadd.f32 v14, v16;
	v16 =	vld [tilespmem:s15+$0xC1F0];
	v20 =	vmul.f32 $1.442695020e+00, v17;
	v17 =	vmul.f32 v50, v15  }
0x282: {  	v4 =	vmul.f32 $1.442695020e+00, v43;
	v62 =	vld [tilespmem:s15+$0x4310];
	(erf) = vpow2.f32 v58;
	v0 =	vadd.f32 v0, v40  }
0x283: {  	v22 =	vld [tilespmem:s15+$0xC200];
	v2 =	vadd.f32 v50, v2;
	v14 =	vadd.f32 v17, v14;
	(erf) = vpow2.f32 v9  }
0x284: {  	v11 =	vld [tilespmem:s15+$0x4390];
	(erf) = vpow2.f32 v51;
	v51 =	vpop (erf);
	v0 =	vadd.f32 v15, v0;
	v15 =	vmul.f32 v47, v10  }
0x285: {  	v54 =	vmul.f32 $1.442695020e+00, v59;
	v1 =	vmul.f32 $1.442695020e+00, v1;
	v33 =	vld [tilespmem:s15+$0xC210];
	v17 =	vadd.f32 v47, v2;
	v23 =	vpop (erf)  }
0x286: {  	v41 =	vld [tilespmem:s15+$0xC370];
	[tilespmem:$0x1FDF0] =	vst v4;
	v4 =	vmul.f32 $1.442695020e+00, v52;
	v47 =	vpop (erf);
	v14 =	vadd.f32 v15, v14;
	v15 =	vmul.f32 v46, v16  }
0x287: {  	v5 =	vadd.f32 v46, v17;
	v55 =	vmul.f32 $1.442695020e+00, v62;
	v62 =	vadd.f32 v12, v13;
	v12 =	vld [tilespmem:s15+$0xC220];
	v13 =	vpop (erf)  }
0x288: {  	v21 =	vld [tilespmem:s15+$0x4300];
	(erf) = vpow2.f32 v37;
	v31 =	vadd.f32 v15, v14;
	v14 =	vmul.f32 v13, v22  }
0x289: {  	v9 =	vmul.f32 $1.442695020e+00, v11;
	(erf) = vpow2.f32 v1;
	v1 =	vld [tilespmem:s15+$0xC230];
	v0 =	vadd.f32 v10, v0  }
0x28a: {  	v43 =	vld [tilespmem:s15+$0xC2A0];
	v3 =	vadd.f32 v13, v3;
	v15 =	vmul.f32 v47, v33;
	v14 =	vadd.f32 v14, v38  }
0x28b: {  	(erf) = vpow2.f32 v39;
	v10 =	vld [tilespmem:s15+$0xC240];
	v58 =	vadd.f32 v16, v0;
	v16 =	vadd.f32 v22, v60;
	v13 =	vpop (erf)  }
0x28c: {  	v50 =	vld [tilespmem:s15+$0x4380];
	v11 =	vadd.f32 v13, v56;
	v14 =	vadd.f32 v15, v14;
	v15 =	vmul.f32 v23, v12  }
0x28d: {  	v2 =	vld [tilespmem:s15+$0xC270];
	v0 =	vmul.f32 $1.442695020e+00, v21;
	v3 =	vadd.f32 v47, v3;
	v16 =	vadd.f32 v33, v16;
	v40 =	vpop (erf)  }
0x28e: {  	v52 =	vld [tilespmem:s15+$0xC2F0];
	v22 =	vmul.f32 v51, v1;
	v21 =	vadd.f32 v40, v11;
	v15 =	vadd.f32 v15, v14  }
0x28f: {  	(erf) = vpow2.f32 v20;
	v20 =	vld [tilespmem:s15+$0xC250];
	v3 =	vadd.f32 v23, v3;
	v53 =	vpop (erf);
	v12 =	vadd.f32 v12, v16  }
0x290: {  	v46 =	vld [tilespmem:s15+$0xC360];
	v23 =	vmul.f32 v44, v10;
	v37 =	vadd.f32 v53, v21;
	v15 =	vadd.f32 v22, v15  }
0x291: {  	v50 =	vmul.f32 $1.442695020e+00, v50;
	v16 =	vld [tilespmem:s15+$0xC260];
	v3 =	vadd.f32 v51, v3;
	v1 =	vadd.f32 v1, v12;
	v14 =	vpop (erf)  }
0x292: {  	v49 =	vmul.f32 v29, v2;
	v47 =	vld [tilespmem:s15+$0xC3E0];
	v33 =	vadd.f32 v14, v37;
	v15 =	vadd.f32 v23, v15  }
0x293: {  	(erf) = vpow2.f32 v0;
	v0 =	vld [tilespmem:s15+$0xC2E0];
	v3 =	vadd.f32 v44, v3;
	v38 =	vadd.f32 v10, v1  }
0x294: {  	(erf) = vpow2.f32 v55;
	v12 =	vld [tilespmem:s15+$0xC2D0];
	v55 =	vmul.f32 v48, v20;
	v57 =	vadd.f32 v35, v33  }
0x295: {  	(erf) = vpow2.f32 v54;
	v1 =	vld [tilespmem:s15+$0xC300];
	v3 =	vadd.f32 v48, v3;
	v38 =	vadd.f32 v20, v38  }
0x296: {  	v37 =	vld [tilespmem:s15+$0xC280];
	v60 =	vmul.f32 v45, v16;
	v59 =	vadd.f32 v55, v15;
	v61 =	vadd.f32 v32, v57;
	v15 =	vpop (erf)  }
0x297: {  	v48 =	vld [tilespmem:s15+$0xC290];
	v39 =	vadd.f32 v45, v3;
	v38 =	vadd.f32 v16, v38;
	(erf) = vpow2.f32 v9;
	v44 =	vpop (erf)  }
0x298: {  	s16 =	simm.s32 $0x1000;
	[tilespmem:$0x1FE00] =	vst v4;
	v3 =	vld [tilespmem:s15+$0xC310];
	v45 =	vadd.f32 v60, v59;
	(erf) = vpow2.f32 v50;
	v50 =	vadd.f32 v27, v61;
	v16 =	vpop (erf)  }
.LBB2_5:
0x299: {  	_ = 	snop  }
0x29a: {  	v4 =	vadd.f32 v29, v39;
	_ =	sdelay $0x1  }
0x29b: {  	[tilespmem:$0x1FCA0] =	vst v4;
	v4 =	vadd.f32 v49, v45;
	_ =	sdelay $0x1  }
0x29c: {  	[tilespmem:$0x1FCB0] =	vst v4;
	v4 =	vadd.f32 v7, v50;
	_ =	sdelay $0x1  }
0x29d: {  	[tilespmem:$0x1FCD0] =	vst v4;
	v4 =	vld [tilespmem:$0x1FCF0];
	_ =	sdelay $0x2  }
0x29e: {  	v13 =	vmul.f32 v13, v37;
	_ =	sdelay $0x1  }
0x29f: {  	v8 =	vadd.f32 v13, v4;
	v4 =	vld [tilespmem:$0x1FD00];
	_ =	sdelay $0x3  }
0x2a0: {  	v23 =	vld [tilespmem:s15+$0xC2C0]  }
0x2a1: {  	v2 =	vadd.f32 v2, v38;
	v10 =	vadd.f32 v37, v4;
	v4 =	vld [tilespmem:$0x1FD10]  }
0x2a2: {  	v55 =	vld [tilespmem:s15+$0xC340]  }
0x2a3: {  	[tilespmem:$0x1FCC0] =	vst v2;
	v2 =	vld [tilespmem:s15+$0xC2B0];
	v13 =	vmul.f32 v40, v48  }
0x2a4: {  	v59 =	vld [tilespmem:s15+$0xC350]  }
0x2a5: {  	v61 =	vld [tilespmem:s15+$0xC3C0];
	v20 =	vpop (erf);
	v8 =	vadd.f32 v13, v8  }
0x2a6: {  	v13 =	vmul.f32 v53, v43;
	v10 =	vadd.f32 v48, v10;
	v9 =	vadd.f32 v20, v4;
	v4 =	vld [tilespmem:$0x1FD20]  }
0x2a7: {  	v6 =	vld [tilespmem:$0x1FE00]  }
0x2a8: {  	s17 =	sshra.s32 s16, $0x2;
	v29 =	vld [tilespmem:s15+$0xC320];
	v8 =	vadd.f32 v13, v8;
	v13 =	vmul.f32 v14, v2;
	v10 =	vadd.f32 v43, v10  }
0x2a9: {  	v45 =	vld [tilespmem:s17+$0x40F0];
	v21 =	vmul.f32 v20, v1;
	v50 =	vmul.f32 v27, v0;
	v1 =	vadd.f32 v1, v63  }
0x2aa: {  	v22 =	vpop (erf);
	v37 =	vld [tilespmem:s15+$0xC330];
	v8 =	vadd.f32 v13, v8;
	v20 =	vmul.f32 v35, v23;
	v2 =	vadd.f32 v2, v10  }
0x2ab: {  	v27 =	vld [tilespmem:s17+$0x4170];
	v54 =	vmul.f32 v22, v3;
	v9 =	vadd.f32 v22, v9;
	v11 =	vadd.f32 v21, v4  }
0x2ac: {  	v14 =	vld [tilespmem:s15+$0xC3D0];
	v8 =	vadd.f32 v20, v8;
	v2 =	vadd.f32 v23, v2;
	v23 =	vmul.f32 v32, v12  }
0x2ad: {  	v57 =	vmul.f32 v16, v29;
	v13 =	vld [tilespmem:s15+$0xC3B0];
	v9 =	vadd.f32 v16, v9;
	v11 =	vadd.f32 v54, v11  }
0x2ae: {  	v56 =	vpop (erf);
	v22 =	vld [tilespmem:s17+$0x4070];
	v8 =	vadd.f32 v23, v8;
	v2 =	vadd.f32 v12, v2  }
0x2af: {  	v60 =	vpop (erf);
	v16 =	vmul.f32 v15, v37;
	v12 =	vld [tilespmem:s15+$0xC380];
	v9 =	vadd.f32 v15, v9;
	v11 =	vadd.f32 v57, v11  }
0x2b0: {  	v21 =	vpop (erf);
	v4 =	vld [tilespmem:$0x1FD30];
	(erf) = vpow2.f32 v28;
	v15 =	vmul.f32 v36, v55;
	v0 =	vadd.f32 v0, v2  }
0x2b1: {  	(erf) = vpow2.f32 v6;
	v6 =	vld [tilespmem:$0x1FD50];
	v9 =	vadd.f32 v36, v9;
	v11 =	vadd.f32 v16, v11  }
0x2b2: {  	v8 =	vadd.f32 v50, v8;
	v2 =	vmul.f32 v7, v52;
	v7 =	vld [tilespmem:s15+$0xC390];
	v0 =	vadd.f32 v52, v0  }
0x2b3: {  	v9 =	vadd.f32 v30, v9;
	v16 =	vld [tilespmem:s15+$0xC3A0];
	s15 =	smov.u32 s17;
	v11 =	vadd.f32 v15, v11;
	v15 =	vmul.f32 v30, v59  }
0x2b4: {  	v1 =	vadd.f32 v3, v1;
	v2 =	vadd.f32 v2, v8;
	[tilespmem:$0x1FD00] =	vst v0;
	v0 =	vld [tilespmem:s15+$0x42F0]  }
0x2b5: {  	[tilespmem:$0x1FC80] =	vst v5;
	v9 =	vadd.f32 v26, v9;
	v5 =	vld [tilespmem:s15+$0x4370];
	v11 =	vadd.f32 v15, v11;
	v15 =	vmul.f32 v26, v46  }
0x2b6: {  	v1 =	vadd.f32 v29, v1;
	v29 =	vld [tilespmem:s15+$0x41E0]  }
0x2b7: {  	[tilespmem:$0x1FCF0] =	vst v2;
	v2 =	vadd.f32 v4, v9;
	v11 =	vadd.f32 v15, v11;
	v15 =	vmul.f32 v4, v41;
	v4 =	vld [tilespmem:$0x1FD40]  }
0x2b8: {  	v1 =	vadd.f32 v37, v1;
	v51 =	vld [tilespmem:s15+$0x4260]  }
0x2b9: {  	v52 =	vld [tilespmem:s15+$0x42E0];
	[tilespmem:$0x1FD10] =	vst v2;
	v2 =	vadd.f32 v15, v11  }
0x2ba: {  	v1 =	vadd.f32 v55, v1;
	v55 =	vld [tilespmem:s15+$0x4050]  }
0x2bb: {  	v57 =	vld [tilespmem:s15+$0x41D0];
	[tilespmem:$0x1FD20] =	vst v2;
	v2 =	vmul.f32 v21, v12  }
0x2bc: {  	v63 =	vld [tilespmem:s15+$0x4140];
	v4 =	vadd.f32 v21, v4  }
0x2bd: {  	v1 =	vadd.f32 v59, v1;
	v2 =	vadd.f32 v2, v6;
	v6 =	vld [tilespmem:$0x1FD60]  }
0x2be: {  	v3 =	vadd.f32 v60, v4;
	v4 =	vld [tilespmem:$0x1FDF0]  }
0x2bf: {  	v27 =	vmul.f32 $1.442695020e+00, v27;
	v1 =	vadd.f32 v46, v1;
	v30 =	vld [tilespmem:s15+$0x41F0]  }
0x2c0: {  	v59 =	vld [tilespmem:s15+$0x4250];
	v0 =	vmul.f32 $1.442695020e+00, v0;
	v29 =	vmul.f32 $1.442695020e+00, v29  }
0x2c1: {  	v1 =	vadd.f32 v41, v1;
	v26 =	vld [tilespmem:s15+$0x4270];
	v32 =	vmul.f32 $1.442695020e+00, v51;
	v43 =	vmul.f32 $1.442695020e+00, v52  }
0x2c2: {  	[tilespmem:$0x1FC90] =	vst v31;
	v31 =	vld [tilespmem:s15+$0x4060];
	v37 =	vmul.f32 $1.442695020e+00, v55;
	v10 =	vmul.f32 $1.442695020e+00, v57;
	v6 =	vadd.f32 v12, v6  }
0x2c3: {  	v53 =	vld [tilespmem:s15+$0x4360];
	v3 =	vadd.f32 v56, v3;
	v12 =	vmul.f32 v60, v7;
	(erf) = vpow2.f32 v4  }
0x2c4: {  	v57 =	vmul.f32 $1.442695020e+00, v63;
	v30 =	vmul.f32 $1.442695020e+00, v30;
	v60 =	vld [tilespmem:s15+$0x4040];
	v4 =	vadd.f32 v7, v6  }
0x2c5: {  	v9 =	vld [tilespmem:s15+$0x41C0];
	v3 =	vadd.f32 v44, v3;
	v2 =	vadd.f32 v12, v2;
	v6 =	vmul.f32 v56, v16  }
0x2c6: {  	v40 =	vmul.f32 $1.442695020e+00, v59;
	v26 =	vmul.f32 $1.442695020e+00, v26;
	v12 =	vld [tilespmem:s15+$0x4160];
	v4 =	vadd.f32 v16, v4  }
0x2c7: {  	v33 =	vld [tilespmem:s15+$0x40E0];
	v7 =	vmul.f32 $1.442695020e+00, v22;
	v3 =	vadd.f32 v34, v3;
	v2 =	vadd.f32 v6, v2  }
0x2c8: {  	v56 =	vld [tilespmem:s15+$0x4150];
	v6 =	vmul.f32 v44, v13;
	v16 =	vmul.f32 $1.442695020e+00, v45;
	v4 =	vadd.f32 v13, v4;
	v13 =	vpop (erf)  }
0x2c9: {  	v54 =	vld [tilespmem:s15+$0x43E0];
	v44 =	vmul.f32 $1.442695020e+00, v53;
	v23 =	vmul.f32 $1.442695020e+00, v60;
	v3 =	vadd.f32 v13, v3  }
0x2ca: {  	v15 =	vld [tilespmem:s15+$0x43F0];
	v2 =	vadd.f32 v6, v2;
	v6 =	vmul.f32 v34, v61;
	v24 =	vpop (erf);
	v4 =	vadd.f32 v61, v4  }
0x2cb: {  	v11 =	vld [tilespmem:s15+$0x4240];
	v60 =	vmul.f32 $1.442695020e+00, v9;
	v12 =	vmul.f32 $1.442695020e+00, v12;
	v3 =	vadd.f32 v24, v3  }
0x2cc: {  	v2 =	vadd.f32 v6, v2;
	v6 =	vmul.f32 v13, v14;
	v13 =	vld [tilespmem:s15+$0x40D0];
	v4 =	vadd.f32 v14, v4;
	v14 =	vpop (erf)  }
0x2cd: {  	[tilespmem:$0x1FC70] =	vst v1;
	v38 =	vmul.f32 $1.442695020e+00, v56;
	v1 =	vadd.f32 v14, v3;
	v3 =	vmul.f32 $1.442695020e+00, v5;
	v5 =	vld [tilespmem:s15+$0x4350]  }
0x2ce: {  	v61 =	vld [tilespmem:s15+$0x40C0];
	v2 =	vadd.f32 v6, v2;
	v6 =	vmul.f32 v24, v47;
	(erf) = vpow2.f32 v7  }
0x2cf: {  	v7 =	vld [tilespmem:s15+$0x40B0];
	v24 =	vmul.f32 v14, v42;
	v14 =	vmul.f32 $1.442695020e+00, v33  }
0x2d0: {  	(erf) = vpow2.f32 v16;
	v25 =	vadd.f32 v47, v4;
	v4 =	vmul.f32 $1.442695020e+00, v15;
	v15 =	vld [tilespmem:s15+$0x43D0]  }
0x2d1: {  	v2 =	vadd.f32 v6, v2;
	(erf) = vpow2.f32 v27;
	v27 =	vld [tilespmem:s15+$0x41B0];
	v13 =	vmul.f32 $1.442695020e+00, v13  }
0x2d2: {  	[tilespmem:$0x1FD40] =	vst v1;
	(erf) = vpow2.f32 v30;
	v22 =	vmul.f32 $1.442695020e+00, v5;
	v5 =	vld [tilespmem:s15+$0x43C0]  }
0x2d3: {  	v1 =	vld [tilespmem:s15+$0x42D0];
	v2 =	vadd.f32 v24, v2;
	[tilespmem:$0x1FDF0] =	vst v4;
	v4 =	vmul.f32 $1.442695020e+00, v54;
	v54 =	vmul.f32 $1.442695020e+00, v61  }
0x2d4: {  	v30 =	vld [tilespmem:s15+$0x4230];
	v61 =	vmul.f32 $1.442695020e+00, v11;
	(erf) = vpow2.f32 v26  }
0x2d5: {  	(erf) = vpow2.f32 v0;
	v51 =	vmul.f32 $1.442695020e+00, v7;
	v0 =	vld [tilespmem:s15+$0x4330];
	[tilespmem:$0x1FD50] =	vst v2;
	v2 =	vadd.f32 v42, v25  }
0x2d6: {  	(erf) = vpow2.f32 v3;
	v3 =	vld [tilespmem:s15+$0x43B0];
	v42 =	vmul.f32 $1.442695020e+00, v15  }
0x2d7: {  	[tilespmem:$0x1FD60] =	vst v2;
	v2 =	vmul.f32 $1.442695020e+00, v31;
	v36 =	vmul.f32 $1.442695020e+00, v5;
	v5 =	vld [tilespmem:s15+$0x42B0]  }
0x2d8: {  	v34 =	vmul.f32 $1.442695020e+00, v27;
	v27 =	vld [tilespmem:s15+$0x42A0];
	v21 =	vmul.f32 $1.442695020e+00, v1  }
0x2d9: {  	v1 =	vld [tilespmem:s15+$0x4340];
	v55 =	vmul.f32 $1.442695020e+00, v30;
	(erf) = vpow2.f32 v2  }
0x2da: {  	v15 =	vld [tilespmem:s15+$0x4030];
	v41 =	vmul.f32 $1.442695020e+00, v0;
	(erf) = vpow2.f32 v14  }
0x2db: {  	v16 =	vld [tilespmem:s15+$0x4130];
	v3 =	vmul.f32 $1.442695020e+00, v3;
	v2 =	vpop (erf);
	(erf) = vpow2.f32 v12  }
0x2dc: {  	v14 =	vld [tilespmem:s15+$0x40A0];
	v45 =	vmul.f32 $1.442695020e+00, v5;
	v5 =	vmov v58;
	v58 =	vpop (erf);
	(erf) = vpow2.f32 v29  }
0x2dd: {  	v12 =	vld [tilespmem:s15+$0x4120];
	v53 =	vmul.f32 $1.442695020e+00, v27;
	v56 =	vpop (erf);
	(erf) = vpow2.f32 v32  }
0x2de: {  	v26 =	vld [tilespmem:s15+$0x41A0];
	v35 =	vmul.f32 $1.442695020e+00, v1;
	v46 =	vpop (erf);
	(erf) = vpow2.f32 v43  }
0x2df: {  	v7 =	vld [tilespmem:s15+$0x4020];
	v1 =	vmul.f32 $1.442695020e+00, v15;
	v29 =	vpop (erf);
	(erf) = vpow2.f32 v44  }
0x2e0: {  	v0 =	vld [tilespmem:s15+$0x4220];
	v15 =	vmul.f32 $1.442695020e+00, v16;
	(erf) = vpow2.f32 v37;
	v33 =	vpop (erf)  }
0x2e1: {  	[tilespmem:$0x1FE00] =	vst v4;
	v18 =	vmul.f32 $1.442695020e+00, v14;
	v14 =	vld [tilespmem:s15+$0x4320];
	(erf) = vpow2.f32 v13;
	v4 =	vpop (erf)  }
0x2e2: {  	v16 =	vmul.f32 $1.442695020e+00, v12;
	v12 =	vld [tilespmem:s15+$0x43A0];
	v39 =	vpop (erf);
	(erf) = vpow2.f32 v38  }
0x2e3: {  	v13 =	vmul.f32 $1.442695020e+00, v26;
	v26 =	vld [tilespmem:s15+$0x4090];
	v63 =	vpop (erf);
	(erf) = vpow2.f32 v10  }
0x2e4: {  	v30 =	vld [tilespmem:s15+$0x4010];
	[tilespmem:$0x1FCE0] =	vst v3;
	v3 =	vmul.f32 $1.442695020e+00, v7;
	v7 =	vmov v62;
	v62 =	vpop (erf);
	(erf) = vpow2.f32 v40  }
0x2e5: {  	v59 =	vmul.f32 $1.442695020e+00, v0;
	v38 =	vld [tilespmem:s15+$0x4000];
	v52 =	vpop (erf);
	(erf) = vpow2.f32 v21  }
0x2e6: {  	v20 =	vld [tilespmem:s15+$0x42C0];
	v47 =	vmul.f32 $1.442695020e+00, v14;
	v43 =	vpop (erf);
	(erf) = vpow2.f32 v22  }
0x2e7: {  	v14 =	vld [tilespmem:s15+$0x4190];
	v44 =	vmul.f32 $1.442695020e+00, v12;
	(erf) = vpow2.f32 v23;
	v27 =	vpop (erf)  }
0x2e8: {  	v9 =	vld [tilespmem:s15+$0x4080];
	v19 =	vmul.f32 $1.442695020e+00, v26;
	(erf) = vpow2.f32 v54;
	v26 =	vpop (erf)  }
0x2e9: {  	v0 =	vld [tilespmem:s15+$0x4110];
	v12 =	vmul.f32 $1.442695020e+00, v30;
	v21 =	vpop (erf);
	(erf) = vpow2.f32 v57  }
0x2ea: {  	v30 =	vld [tilespmem:s15+$0x4210];
	v32 =	vmul.f32 $1.442695020e+00, v38;
	v38 =	vpop (erf);
	(erf) = vpow2.f32 v60  }
0x2eb: {  	v17 =	vmul.f32 $1.442695020e+00, v20;
	v11 =	vld [tilespmem:s15+$0x4310];
	v37 =	vpop (erf);
	(erf) = vpow2.f32 v61  }
0x2ec: {  	v22 =	vmul.f32 $1.442695020e+00, v14;
	v14 =	vld [tilespmem:s15+$0x4390];
	(erf) = vpow2.f32 v32;
	v60 =	vpop (erf)  }
0x2ed: {  	[tilespmem:$0x1FD30] =	vst v4;
	v4 =	vmul.f32 $1.442695020e+00, v9;
	v40 =	vld [tilespmem:s15+$0x4180];
	v48 =	vpop (erf);
	(erf) = vpow2.f32 v17  }
0x2ee: {  	v20 =	vmul.f32 $1.442695020e+00, v0;
	v10 =	vld [tilespmem:s15+$0x4290];
	(erf) = vpow2.f32 v12;
	v32 =	vpop (erf)  }
0x2ef: {  	v0 =	vmul.f32 $1.442695020e+00, v30;
	v54 =	vld [tilespmem:s15+$0x4100];
	(erf) = vpow2.f32 v4;
	v30 =	vpop (erf)  }
0x2f0: {  	v50 =	vmul.f32 $1.442695020e+00, v11;
	(erf) = vpow2.f32 v3;
	v8 =	vpop (erf)  }
0x2f1: {  	v49 =	vmul.f32 $1.442695020e+00, v14;
	(erf) = vpow2.f32 v19;
	v14 =	vpop (erf)  }
0x2f2: {  	v11 =	vld [tilespmem:s15+$0x4380];
	v19 =	vmul.f32 $1.442695020e+00, v40;
	(erf) = vpow2.f32 v1;
	v40 =	vpop (erf)  }
0x2f3: {  	v61 =	vmul.f32 $1.442695020e+00, v10;
	(erf) = vpow2.f32 v18;
	v1 =	vpop (erf)  }
0x2f4: {  	v9 =	vld [tilespmem:s15+$0xC000];
	v10 =	vmul.f32 $1.442695020e+00, v54;
	v54 =	vpop (erf);
	(erf) = vpow2.f32 v35  }
0x2f5: {  	v23 =	vld [tilespmem:s15+$0x4300];
	v18 =	vpop (erf);
	(erf) = vpow2.f32 v51  }
0x2f6: {  	v57 =	vld [tilespmem:s15+$0x4280];
	v35 =	vpop (erf);
	(erf) = vpow2.f32 v36  }
0x2f7: {  	v51 =	vmul.f32 $1.442695020e+00, v11;
	v11 =	vpop (erf);
	(erf) = vpow2.f32 v15;
	v15 =	vld [tilespmem:$0x1FD70];
	_ =	sdelay $0x1  }
0x2f8: {  	v17 =	vld [tilespmem:s15+$0x4200];
	_ =	sdelay $0x1  }
0x2f9: {  	v4 =	vld [tilespmem:s15+$0xC010];
	v3 =	vmul.f32 $1.442695020e+00, v57  }
0x2fa: {  	v57 =	vmul.f32 $1.442695020e+00, v23;
	v23 =	vmul.f32 v18, v9;
	v15 =	vadd.f32 v18, v15;
	v18 =	vld [tilespmem:$0x1FD80]  }
0x2fb: {  	v28 =	vld [tilespmem:$0x1FDA0]  }
0x2fc: {  	v12 =	vmul.f32 $1.442695020e+00, v17;
	v17 =	vld [tilespmem:s15+$0xC020]  }
0x2fd: {  	v25 =	vld [tilespmem:$0x1FD90]  }
0x2fe: {  	v6 =	vld [tilespmem:s15+$0xC030];
	v31 =	vmul.f32 v11, v4  }
0x2ff: {  	v24 =	vpop (erf);
	v18 =	vadd.f32 v23, v18  }
0x300: {  	v36 =	vadd.f32 v24, v28;
	v28 =	vpop (erf)  }
0x301: {  	v11 =	vadd.f32 v11, v15;
	v23 =	vpop (erf);
	v15 =	vadd.f32 v31, v18;
	v18 =	vmul.f32 v28, v17  }
0x302: {  	v9 =	vadd.f32 v9, v25;
	v25 =	vld [tilespmem:s15+$0xC040];
	(erf) = vpow2.f32 v34;
	v36 =	vadd.f32 v23, v36;
	v31 =	vpop (erf)  }
0x303: {  	v11 =	vadd.f32 v28, v11;
	(erf) = vpow2.f32 v16;
	v16 =	vmul.f32 v31, v6  }
0x304: {  	v4 =	vadd.f32 v4, v9;
	v9 =	vld [tilespmem:s15+$0xC050]  }
0x305: {  	v15 =	vadd.f32 v18, v15;
	v18 =	vpop (erf);
	(erf) = vpow2.f32 v10;
	v10 =	vadd.f32 v31, v11  }
0x306: {  	v4 =	vadd.f32 v17, v4;
	v17 =	vld [tilespmem:s15+$0xC060];
	v28 =	vadd.f32 v18, v36;
	v36 =	vpop (erf)  }
0x307: {  	v11 =	vadd.f32 v16, v15;
	v31 =	vmul.f32 v8, v25;
	v16 =	vpop (erf);
	v8 =	vadd.f32 v8, v10  }
0x308: {  	v4 =	vadd.f32 v6, v4;
	v6 =	vld [tilespmem:s15+$0xC070];
	v28 =	vadd.f32 v16, v28  }
0x309: {  	v10 =	vadd.f32 v31, v11;
	v11 =	vmul.f32 v21, v9;
	v8 =	vadd.f32 v21, v8  }
0x30a: {  	v4 =	vadd.f32 v25, v4;
	v25 =	vadd.f32 v14, v28  }
0x30b: {  	v10 =	vadd.f32 v11, v10;
	v11 =	vmul.f32 v39, v17;
	v8 =	vadd.f32 v39, v8  }
0x30c: {  	v4 =	vadd.f32 v9, v4;
	(erf) = vpow2.f32 v20;
	v25 =	vadd.f32 v38, v25  }
0x30d: {  	v20 =	vld [tilespmem:s15+$0xC080];
	v31 =	vadd.f32 v11, v10;
	v39 =	vmul.f32 v2, v6;
	v2 =	vadd.f32 v2, v8  }
0x30e: {  	v4 =	vadd.f32 v17, v4;
	v21 =	vld [tilespmem:s15+$0xC100];
	v25 =	vadd.f32 v63, v25  }
0x30f: {  	[tilespmem:$0x1FD70] =	vst v2;
	v2 =	vadd.f32 v39, v31;
	v39 =	vld [tilespmem:$0x1FDB0]  }
0x310: {  	v34 =	vpop (erf);
	v4 =	vadd.f32 v6, v4;
	v6 =	vadd.f32 v58, v25;
	v25 =	vld [tilespmem:$0x1FDD0]  }
0x311: {  	v9 =	vld [tilespmem:s15+$0xC090];
	v15 =	vpop (erf)  }
0x312: {  	(erf) = vpow2.f32 v13;
	v17 =	vld [tilespmem:s15+$0xC0A0];
	v13 =	vpop (erf);
	[tilespmem:$0x1FD80] =	vst v2;
	v2 =	vmul.f32 v24, v20  }
0x313: {  	(erf) = vpow2.f32 v22;
	v22 =	vld [tilespmem:s15+$0xC110];
	v28 =	vpop (erf)  }
0x314: {  	v10 =	vpop (erf);
	v2 =	vadd.f32 v2, v39;
	v39 =	vld [tilespmem:$0x1FDC0]  }
0x315: {  	[tilespmem:$0x1FDA0] =	vst v6;
	v6 =	vmul.f32 v10, v21;
	v10 =	vadd.f32 v10, v25;
	v25 =	vld [tilespmem:$0x1FDE0]  }
0x316: {  	[tilespmem:$0x1FD90] =	vst v4;
	v4 =	vld [tilespmem:s15+$0xC0B0]  }
0x317: {  	v8 =	vld [tilespmem:s15+$0xC120];
	v31 =	vmul.f32 v23, v9  }
0x318: {  	(erf) = vpow2.f32 v19;
	v24 =	vld [tilespmem:s15+$0xC0C0]  }
0x319: {  	v23 =	vpop (erf);
	v2 =	vadd.f32 v31, v2;
	v11 =	vadd.f32 v20, v39;
	v20 =	vld [tilespmem:s15+$0xC130];
	v39 =	vmul.f32 v18, v17  }
0x31a: {  	v31 =	vld [tilespmem:s15+$0xC0D0];
	v10 =	vadd.f32 v23, v10;
	v6 =	vadd.f32 v6, v25;
	v25 =	vmul.f32 v23, v22  }
0x31b: {  	v18 =	vld [tilespmem:s15+$0xC140];
	v9 =	vadd.f32 v9, v11;
	v2 =	vadd.f32 v39, v2;
	v39 =	vmul.f32 v16, v4  }
0x31c: {  	v10 =	vadd.f32 v28, v10;
	v23 =	vmul.f32 v28, v8;
	v6 =	vadd.f32 v25, v6;
	v25 =	vld [tilespmem:s15+$0xC0E0]  }
0x31d: {  	v16 =	vld [tilespmem:s15+$0xC150];
	v9 =	vadd.f32 v17, v9;
	v2 =	vadd.f32 v39, v2;
	v39 =	vmul.f32 v14, v24  }
0x31e: {  	v28 =	vld [tilespmem:s15+$0xC0F0];
	v10 =	vadd.f32 v15, v10;
	v6 =	vadd.f32 v23, v6;
	v23 =	vmul.f32 v15, v20  }
0x31f: {  	v11 =	vld [tilespmem:s15+$0xC160];
	v38 =	vmul.f32 v38, v31;
	v4 =	vadd.f32 v4, v9;
	v2 =	vadd.f32 v39, v2  }
0x320: {  	v10 =	vadd.f32 v40, v10;
	v15 =	vmul.f32 v40, v18;
	v6 =	vadd.f32 v23, v6  }
0x321: {  	v4 =	vadd.f32 v24, v4;
	v2 =	vadd.f32 v38, v2;
	v40 =	vmul.f32 v63, v25  }
0x322: {  	v39 =	vld [tilespmem:s15+$0xC170];
	v10 =	vadd.f32 v37, v10;
	v6 =	vadd.f32 v15, v6;
	v15 =	vmul.f32 v37, v16  }
0x323: {  	v58 =	vmul.f32 v58, v28;
	v4 =	vadd.f32 v31, v4;
	v2 =	vadd.f32 v40, v2  }
0x324: {  	v10 =	vadd.f32 v62, v10;
	v6 =	vadd.f32 v15, v6;
	v15 =	vmul.f32 v62, v11  }
0x325: {  	v4 =	vadd.f32 v25, v4;
	v2 =	vadd.f32 v58, v2  }
0x326: {  	v6 =	vadd.f32 v15, v6  }
0x327: {  	v15 =	vmul.f32 v56, v39;
	[tilespmem:$0x1FDB0] =	vst v2;
	v2 =	vadd.f32 v28, v4;
	v4 =	vadd.f32 v56, v10  }
0x328: {  	v24 =	vld [tilespmem:s15+$0xC180]  }
0x329: {  	[tilespmem:$0x1FDD0] =	vst v4;
	v4 =	vadd.f32 v15, v6;
	v6 =	vadd.f32 v21, v7;
	v21 =	vld [tilespmem:$0x1FC80];
	_ =	sdelay $0x1  }
0x32a: {  	v19 =	vpop (erf)  }
0x32b: {  	v17 =	vpop (erf)  }
0x32c: {  	v14 =	vpop (erf);
	v25 =	vld [tilespmem:s15+$0xC190]  }
0x32d: {  	[tilespmem:$0x1FDE0] =	vst v4;
	v4 =	vmul.f32 v14, v24;
	v9 =	vadd.f32 v14, v21;
	v14 =	vld [tilespmem:$0x1FC90];
	_ =	sdelay $0x1  }
0x32e: {  	[tilespmem:$0x1FDC0] =	vst v2;
	v2 =	vld [tilespmem:s15+$0xC1A0]  }
0x32f: {  	(erf) = vpow2.f32 v55  }
0x330: {  	(erf) = vpow2.f32 v59;
	v7 =	vmov v33;
	v33 =	vld [tilespmem:s15+$0xC1B0]  }
0x331: {  	v15 =	vmul.f32 v17, v25;
	v4 =	vadd.f32 v4, v14;
	v14 =	vadd.f32 v24, v5  }
0x332: {  	(erf) = vpow2.f32 v0;
	v6 =	vadd.f32 v22, v6;
	v9 =	vadd.f32 v17, v9;
	v17 =	vld [tilespmem:s15+$0xC1C0]  }
0x333: {  	v0 =	vadd.f32 v15, v4;
	v4 =	vadd.f32 v25, v14;
	v14 =	vmul.f32 v19, v2  }
0x334: {  	v37 =	vld [tilespmem:s15+$0xC1D0];
	v6 =	vadd.f32 v8, v6;
	v8 =	vadd.f32 v19, v9  }
0x335: {  	(erf) = vpow2.f32 v12;
	v5 =	vmul.f32 v13, v33;
	v0 =	vadd.f32 v14, v0  }
0x336: {  	v12 =	vld [tilespmem:s15+$0xC1E0];
	(erf) = vpow2.f32 v3;
	v8 =	vadd.f32 v13, v8  }
0x337: {  	v3 =	vmul.f32 v1, v17;
	v2 =	vadd.f32 v2, v4;
	v0 =	vadd.f32 v5, v0  }
0x338: {  	v6 =	vadd.f32 v20, v6;
	v1 =	vadd.f32 v1, v8;
	v8 =	vld [tilespmem:s15+$0xC1F0]  }
0x339: {  	v2 =	vadd.f32 v33, v2;
	v0 =	vadd.f32 v3, v0;
	v3 =	vmul.f32 v60, v37  }
0x33a: {  	v59 =	vld [tilespmem:$0x1FCD0];
	v6 =	vadd.f32 v18, v6  }
0x33b: {  	v63 =	vld [tilespmem:$0x1FC70];
	v40 =	vmul.f32 v52, v12;
	v2 =	vadd.f32 v17, v2;
	v0 =	vadd.f32 v3, v0  }
0x33c: {  	v38 =	vld [tilespmem:s15+$0xC200];
	v6 =	vadd.f32 v16, v6;
	v4 =	vpop (erf);
	(erf) = vpow2.f32 v61  }
0x33d: {  	v28 =	vmovc v42;
	v56 =	vld [tilespmem:s15+$0xC240];
	v42 =	vmul.f32 v46, v8;
	v3 =	vadd.f32 v37, v2;
	v0 =	vadd.f32 v40, v0  }
0x33e: {  	v15 =	vld [tilespmem:s15+$0xC210];
	v6 =	vadd.f32 v11, v6;
	v1 =	vadd.f32 v60, v1  }
0x33f: {  	v3 =	vadd.f32 v12, v3;
	v31 =	vadd.f32 v42, v0;
	v0 =	vld [tilespmem:$0x1FCA0]  }
0x340: {  	v62 =	vadd.f32 v39, v6;
	v6 =	vld [tilespmem:$0x1FCB0];
	v14 =	vpop (erf);
	(erf) = vpow2.f32 v53  }
0x341: {  	v1 =	vadd.f32 v52, v1;
	v16 =	vpop (erf);
	v58 =	vadd.f32 v8, v3;
	v8 =	vld [tilespmem:$0x1FCC0]  }
0x342: {  	(erf) = vpow2.f32 v45;
	v45 =	vld [tilespmem:s15+$0xC220];
	v12 =	vpop (erf)  }
0x343: {  	v5 =	vadd.f32 v46, v1;
	v1 =	vmul.f32 v12, v38;
	v3 =	vld [tilespmem:s15+$0xC230]  }
0x344: {  	v13 =	vpop (erf);
	v0 =	vadd.f32 v12, v0;
	v12 =	vld [tilespmem:$0x1FCE0]  }
0x345: {  	v52 =	vld [tilespmem:s15+$0xC2F0];
	v10 =	vadd.f32 v13, v59;
	v1 =	vadd.f32 v1, v6;
	v6 =	vmul.f32 v16, v15  }
0x346: {  	v17 =	vld [tilespmem:s15+$0xC260];
	v40 =	vpop (erf);
	v8 =	vadd.f32 v38, v8  }
0x347: {  	v46 =	vld [tilespmem:s15+$0xC360];
	v10 =	vadd.f32 v40, v10;
	v1 =	vadd.f32 v6, v1;
	v6 =	vmul.f32 v14, v45  }
0x348: {  	(erf) = vpow2.f32 v41;
	v0 =	vadd.f32 v16, v0;
	v8 =	vadd.f32 v15, v8;
	v16 =	vld [tilespmem:s15+$0xC250]  }
0x349: {  	v2 =	vld [tilespmem:s15+$0xC270];
	v53 =	vpop (erf);
	v1 =	vadd.f32 v6, v1;
	v6 =	vmul.f32 v4, v3;
	(erf) = vpow2.f32 v12  }
0x34a: {  	v37 =	vld [tilespmem:s15+$0xC280];
	v10 =	vadd.f32 v53, v10;
	v8 =	vadd.f32 v45, v8;
	(erf) = vpow2.f32 v47  }
0x34b: {  	v41 =	vld [tilespmem:s15+$0xC370];
	v1 =	vadd.f32 v6, v1;
	v6 =	vmul.f32 v54, v56;
	v12 =	vadd.f32 v14, v0;
	v14 =	vpop (erf)  }
0x34c: {  	v42 =	vld [tilespmem:s15+$0xC3F0];
	v3 =	vadd.f32 v3, v8;
	v8 =	vadd.f32 v14, v10  }
0x34d: {  	v1 =	vadd.f32 v6, v1;
	v0 =	vld [tilespmem:s15+$0xC2E0];
	v4 =	vadd.f32 v4, v12;
	v6 =	vmul.f32 v48, v16  }
0x34e: {  	p1 =	sne.s32 s16, $0xF000;
	v60 =	vmul.f32 v43, v17;
	v47 =	vld [tilespmem:s15+$0xC3E0];
	v3 =	vadd.f32 v56, v3;
	v8 =	vadd.f32 v35, v8  }
.Ltmp3:
0x34f: {  	(erf) = vpow2.f32 v57;
	v12 =	vld [tilespmem:s15+$0xC2D0];
	v4 =	vadd.f32 v54, v4;
	v6 =	vadd.f32 v6, v1;
	(pc) =	sbr.rel @p1 .LBB2_5-.Ltmp3, $4  }
0x350: {  	(erf) = vpow2.f32 v50;
	v1 =	vld [tilespmem:s15+$0xC300];
	v61 =	vadd.f32 v16, v3;
	v8 =	vadd.f32 v32, v8  }
0x351: {  	v15 =	vpop (erf);
	(erf) = vpow2.f32 v44;
	v3 =	vld [tilespmem:s15+$0xC310];
	v4 =	vadd.f32 v48, v4;
	v45 =	vadd.f32 v60, v6  }
0x352: {  	v48 =	vld [tilespmem:s15+$0xC290];
	v38 =	vadd.f32 v17, v61;
	v50 =	vadd.f32 v27, v8;
	v44 =	vpop (erf);
	(erf) = vpow2.f32 v49  }
0x353: {  	s16 =	sadd.s32 $0x1000, s16;
	v39 =	vadd.f32 v43, v4;
	v43 =	vld [tilespmem:s15+$0xC2A0];
	v49 =	vmul.f32 v29, v2;
	v16 =	vpop (erf);
	(erf) = vpow2.f32 v51  }
0x354: {  	_ = 	snop  }
0x355: {  	v19 =	vld [tilespmem:$0x1FCF0]  }
0x356: {  	v33 =	vld [tilespmem:$0x1FD00]  }
0x357: {  	v57 =	vadd.f32 v29, v39;
	v39 =	vmul.f32 v40, v48;
	v40 =	vld [tilespmem:$0x1FD10];
	_ =	sdelay $0x1  }
0x358: {  	v4 =	vmul.f32 v13, v37;
	v9 =	vld [tilespmem:s15+$0xC2B0]  }
0x359: {  	v2 =	vadd.f32 v2, v38;
	v49 =	vadd.f32 v49, v45;
	v45 =	vld [tilespmem:$0x1FD20]  }
0x35a: {  	v6 =	vld [tilespmem:s15+$0xC320];
	v38 =	vadd.f32 v7, v50;
	v8 =	vpop (erf);
	v4 =	vadd.f32 v4, v19  }
0x35b: {  	v10 =	vmul.f32 v8, v1;
	v11 =	vadd.f32 v37, v33;
	v19 =	vld [tilespmem:s15+$0xC2C0];
	v8 =	vadd.f32 v8, v40  }
0x35c: {  	v50 =	vmul.f32 v53, v43;
	v18 =	vpop (erf);
	v1 =	vadd.f32 v1, v63;
	v4 =	vadd.f32 v39, v4  }
0x35d: {  	v17 =	vld [tilespmem:s15+$0xC330];
	v59 =	vmul.f32 v14, v9;
	v11 =	vadd.f32 v48, v11;
	v8 =	vadd.f32 v18, v8  }
0x35e: {  	v21 =	vld [tilespmem:s15+$0xC340];
	v20 =	vmul.f32 v18, v3;
	v10 =	vadd.f32 v10, v45;
	v4 =	vadd.f32 v50, v4  }
0x35f: {  	v53 =	vmul.f32 v16, v6;
	v11 =	vadd.f32 v43, v11;
	v8 =	vadd.f32 v16, v8  }
0x360: {  	v10 =	vadd.f32 v20, v10;
	v4 =	vadd.f32 v59, v4;
	v16 =	vmul.f32 v35, v19  }
0x361: {  	v32 =	vmul.f32 v32, v12;
	v13 =	vld [tilespmem:$0x1FD40];
	v9 =	vadd.f32 v9, v11;
	v8 =	vadd.f32 v15, v8  }
0x362: {  	v61 =	vmul.f32 v15, v17;
	v20 =	vld [tilespmem:s15+$0xC350];
	v10 =	vadd.f32 v53, v10;
	v4 =	vadd.f32 v16, v4  }
0x363: {  	v18 =	vmul.f32 v36, v21;
	v9 =	vadd.f32 v19, v9;
	v8 =	vadd.f32 v36, v8;
	v36 =	vld [tilespmem:s15+$0xC380]  }
0x364: {  	v1 =	vadd.f32 v3, v1;
	v4 =	vadd.f32 v32, v4;
	v32 =	vld [tilespmem:$0x1FD60]  }
0x365: {  	v14 =	vpop (erf);
	v40 =	vld [tilespmem:s15+$0xC390];
	v10 =	vadd.f32 v61, v10;
	v9 =	vadd.f32 v12, v9  }
0x366: {  	v37 =	vmul.f32 v26, v46;
	v39 =	vmul.f32 v7, v52;
	v43 =	vpop (erf);
	v1 =	vadd.f32 v6, v1;
	v19 =	vld [tilespmem:$0x1FD50]  }
0x367: {  	v50 =	vpop (erf);
	v35 =	vmul.f32 v27, v0;
	v10 =	vadd.f32 v18, v10;
	v18 =	vld [tilespmem:$0x1FE00];
	v0 =	vadd.f32 v0, v9  }
0x368: {  	v60 =	vmovc v5;
	v53 =	vld [tilespmem:s15+$0xC3A0];
	v5 =	vadd.f32 v50, v13;
	v1 =	vadd.f32 v17, v1;
	v33 =	vmul.f32 v30, v20  }
0x369: {  	v29 =	vadd.f32 v52, v0;
	v0 =	vmul.f32 v50, v36;
	v7 =	vadd.f32 v36, v32;
	v36 =	vld [tilespmem:$0x1FDF0]  }
0x36a: {  	(erf) = vpow2.f32 v28;
	v45 =	vld [tilespmem:$0x1FD30];
	v3 =	vadd.f32 v43, v5;
	v1 =	vadd.f32 v21, v1  }
0x36b: {  	v59 =	vld [tilespmem:s15+$0xC3B0];
	v10 =	vadd.f32 v33, v10;
	v33 =	vmul.f32 v43, v40;
	v4 =	vadd.f32 v35, v4  }
0x36c: {  	v8 =	vadd.f32 v30, v8;
	(erf) = vpow2.f32 v18;
	v0 =	vadd.f32 v0, v19  }
0x36d: {  	v35 =	vld [tilespmem:s15+$0xC3C0];
	v10 =	vadd.f32 v37, v10;
	v30 =	vadd.f32 v39, v4;
	v39 =	vmul.f32 v14, v53  }
0x36e: {  	v37 =	vadd.f32 v40, v7;
	v0 =	vadd.f32 v33, v0;
	(erf) = vpow2.f32 v36  }
0x36f: {  	v48 =	vmul.f32 v45, v41;
	v3 =	vadd.f32 v14, v3;
	v8 =	vadd.f32 v26, v8;
	v40 =	vld [tilespmem:s15+$0xC3D0]  }
0x370: {  	v43 =	vmul.f32 v44, v59;
	v5 =	vadd.f32 v53, v37;
	v0 =	vadd.f32 v39, v0  }
0x371: {  	v3 =	vadd.f32 v44, v3;
	v28 =	vadd.f32 v45, v8  }
0x372: {  	v45 =	vmul.f32 v34, v35;
	v4 =	vadd.f32 v59, v5;
	v0 =	vadd.f32 v43, v0  }
0x373: {  	v25 =	vld [tilespmem:$0x1FDA0];
	v3 =	vadd.f32 v34, v3;
	v61 =	vadd.f32 v48, v10;
	v48 =	vpop (erf)  }
0x374: {  	v22 =	vld [tilespmem:$0x1FD70];
	v50 =	vmul.f32 v48, v40;
	v4 =	vadd.f32 v35, v4;
	v0 =	vadd.f32 v45, v0  }
0x375: {  	v24 =	vld [tilespmem:$0x1FD80];
	v1 =	vadd.f32 v20, v1;
	v3 =	vadd.f32 v48, v3;
	v52 =	vpop (erf)  }
.Ltmp4:
0x376: {  	v55 =	vld [tilespmem:$0x1FDB0];
	v53 =	vmul.f32 v52, v47;
	v4 =	vadd.f32 v40, v4;
	v0 =	vadd.f32 v50, v0;
	(pc) =	sbr.rel @p0 .LBB2_8-.Ltmp4, $4  }
0x377: {  	v23 =	vld [tilespmem:$0x1FD90];
	v1 =	vadd.f32 v46, v1;
	v3 =	vadd.f32 v52, v3;
	v59 =	vpop (erf)  }
0x378: {  	v54 =	vld [tilespmem:$0x1FDC0];
	v4 =	vadd.f32 v47, v4;
	v0 =	vadd.f32 v53, v0;
	v63 =	vmul.f32 v59, v42  }
0x379: {  	v56 =	vld [tilespmem:$0x1FDD0];
	v27 =	vadd.f32 v41, v1;
	v59 =	vadd.f32 v59, v3  }
0x37a: {  	v51 =	vld [tilespmem:$0x1FDE0];
	v26 =	vadd.f32 v63, v0;
	v63 =	vadd.f32 v42, v4  }
0x37b: {  	[tilespmem:$0x1FFA0] =	vst v30  }
0x37c: {  	[tilespmem:$0x1FF80] =	vst v29;
	s14 =	sadd.s32 s14, s11  }
.Ltmp5:
0x37d: {  	[tilespmem:$0x1FFB0] =	vst v28;
	s14 =	sshrl.u32 s14, $0x3;
	(pc) =	sbr.rel .LBB2_2-.Ltmp5, $4  }
0x37e: {  	[tilespmem:$0x1FF70] =	vst v27;
	s15 =	sadd.s32 s1, s14  }
0x37f: {  	[tilespmem:s31], [sflag:$0x2] =	stream.linear.gather [hbm4b:s15+s4], $0x4000, $0x38;
	[tilespmem:$0x10F80] =	vst v63  }
0x380: {  	s12 =	sadd.s32 $0x1, s12;
	v17 =	vmov v31;
	v20 =	vmov v55;
	[tilespmem:$0x1FF90] =	vst v26;
	s14 =	sadd.s32 s2, s14  }
0x381: {  	v21 =	vmovc v24;
	v19 =	vmovc v23;
	v23 =	vmov v25;
	v18 =	vmov v54;
	v39 =	vmov v51;
	[tilespmem:s0], [sflag:$0x4] =	stream.linear.gather [hbm4b:s14+s4], $0x4000, $0x38;
	[tilespmem:$0x10F80] =	vst v63  }
.LBB2_9:
0x382: {  	_ =	sfence.sel $0x180000  }
0x383: {  	[bflag:$0x0] =	sbarrier.arrive $0xFFFF  }
0x384: {  	_ =	strace $0x90000047  }
0x385: {  	s0 =	stileid.u32;
	[bflag:$0x2] =	sbarrier.arrive $0xFFFF  }
0x386: {  	p0 =	sne.s32 s0, $0x0;
	s0 =	rddreg [dreg:$0x4]  }
0x387: {  	s0 =	sadd.s32 @!p0 $0x100000, s0  }
0x388: {  	[sflag:s0] =	ssyncadd.tile.s32 @!p0 $0x1;
	_ =	shalt  }
.Lfunc_end2:
_tile_overlayer_lowered:
.L_overlay_start_2:
0x389: {  	(tag) =	ssettag $0x2  }
0x38a: {  	s0 =	rddreg [dreg:$0x0];
	s2 =	stileid.u32  }
0x38b: {  	s1 =	rddreg [dreg:$0x1];
	p0 =	sne.s32 s2, $0x0  }
0x38c: {  	s3 =	rddreg [dreg:$0x2];
	[bflag:$0x3] =	sbarrier.arrive $0xFFFF;
	s2 =	simm.s32 @!p0 $0x1C05  }
0x38d: {  	[timem:s3], [sflag:s2] =	dma.local @!p0 [hbm:s0], s1  }
0x38e: {  	s0 =	simm.s32 @!p0 $0x5  }
0x38f: {  	_ =	swait.ge @!p0 [sflag:s0], s1  }
0x390: {  	s1 =	ssub.s32 @!p0 $0x0, s1;
	[sflag:s0] =	ssyncset.done @!p0 $0x0  }
0x391: {  	[sflag:s0] =	ssyncadd.s32 @!p0 s1  }
0x392: {  	[bflag:$0x3] =	sbarrier.arrive $0xFFFF  }
0x393: {  	_ =	shalt  }

</sc_bundles>
